<compile_context>
chip_gen: v7x
topology: tpu7x:2x2x1
jax: 0.10.2.dev20260603
libtpu: 0.0.44.dev20260713+nightly
codegen_flags: <defaults>
</compile_context>

<pallas_src>
import jax
import jax.numpy as jnp
from jax import lax
from jax.experimental import pallas as pl
from jax.experimental.pallas import tpu as pltpu
from jax.experimental.pallas import tpu_sc as plsc

NN = 10000
NP = 10240
EE = 320000
CH = 128
NCHUNK = EE // CH
NC = 2
NS = 16
NW = NC * NS
RPS = NP // NS
RWB = 128
MAXT = 80
CPAD = NW * MAXT



def _sc_mesh():
    return plsc.VectorSubcoreMesh(core_axis_name="c", subcore_axis_name="s",
                                  num_cores=NC, num_subcores=NS)


def _init_acc(s, zer_hbm, wbuf, acc):
    base = s * RPS
    pltpu.sync_copy(zer_hbm, wbuf)
    for k in range(RPS // RWB):
        pltpu.sync_copy(wbuf, acc.at[pl.ds(base + k * RWB, RWB)])
    return base


def _writeback(c, base, wbuf, acc, out_hbm):
    row0 = c * NP + base
    for k in range(RPS // RWB):
        pltpu.sync_copy(acc.at[pl.ds(base + k * RWB, RWB)], wbuf)
        pltpu.sync_copy(wbuf, out_hbm.at[pl.ds(row0 + k * RWB, RWB)])


def _degree_body(dst_hbm, ones_hbm, zer_hbm, out_hbm, idbuf, obuf, wbuf, acc,
                 dsem):
    c = lax.axis_index("c")
    s = lax.axis_index("s")
    w = c * NS + s
    base = _init_acc(s, zer_hbm, wbuf, acc)
    pltpu.sync_copy(ones_hbm, obuf)
    pltpu.sync_copy(dst_hbm.at[pl.ds(w * MAXT, MAXT)], idbuf)
    plsc.subcore_barrier()

    def body(t, carry):
        pltpu.async_copy(obuf, acc.at[idbuf.at[t]], dsem, add=True)

        @pl.when(t >= 8)
        def _():
            pltpu.make_async_copy(obuf, acc.at[idbuf.at[0]], dsem).wait()

        return carry

    lax.fori_loop(0, MAXT, body, 0)
    for _ in range(8):
        pltpu.make_async_copy(obuf, acc.at[idbuf.at[0]], dsem).wait()
    plsc.subcore_barrier()
    _writeback(c, base, wbuf, acc, out_hbm)


def _sc_degree(dsts, ones128, zeros128):
    return pl.kernel(
        _degree_body,
        out_type=jax.ShapeDtypeStruct((2 * NP, 128), jnp.float32),
        mesh=_sc_mesh(),
        scratch_types=[
            pltpu.VMEM((MAXT, CH), jnp.int32),
            pltpu.VMEM((CH, 128), jnp.float32),
            pltpu.VMEM((RWB, 128), jnp.float32),
            pltpu.VMEM_SHARED((NP, 128), jnp.float32),
            pltpu.SemaphoreType.DMA,
        ],
    )(dsts, ones128, zeros128)


def _prop_body(e_hbm, tab_hbm, zer_hbm, out_hbm, i0, i1, g0, g1, acc, m0, m1):
    c = lax.axis_index("c")
    s = lax.axis_index("s")
    w = c * NS + s
    base = _init_acc(s, zer_hbm, g0, acc)
    plsc.subcore_barrier()

    pltpu.sync_copy(e_hbm.at[w], i0)
    pltpu.async_copy(tab_hbm.at[i0.at[0]], g0, m0)
    ring = ((i0, g0, m0, i1, g1, m1), (i1, g1, m1, i0, g0, m0))

    def body(r, carry):
        for b, (ib, gb, mb, io, go, mo) in enumerate(ring):
            t = 2 * r + b
            jn = w + NW * (t + 1)

            @pl.when(jn < NCHUNK)
            def _nxt():
                pltpu.sync_copy(e_hbm.at[jn], io)
                pltpu.async_copy(tab_hbm.at[io.at[0]], go, mo)

            j = w + NW * t

            @pl.when(j < NCHUNK)
            def _cur():
                pltpu.make_async_copy(tab_hbm.at[ib.at[0]], gb, mb).wait()
                pltpu.sync_copy(gb, acc.at[ib.at[1]], add=True)

        return carry

    lax.fori_loop(0, MAXT // 2, body, 0)
    plsc.subcore_barrier()
    _writeback(c, base, g0, acc, out_hbm)


def _sc_prop(echunks, table, zeros128):
    return pl.kernel(
        _prop_body,
        out_type=jax.ShapeDtypeStruct((2 * NP, 128), jnp.float32),
        mesh=_sc_mesh(),
        scratch_types=[
            pltpu.VMEM((2, CH), jnp.int32),
            pltpu.VMEM((2, CH), jnp.int32),
            pltpu.VMEM((CH, 128), jnp.float32),
            pltpu.VMEM((CH, 128), jnp.float32),
            pltpu.VMEM_SHARED((NP, 128), jnp.float32),
            pltpu.SemaphoreType.DMA,
            pltpu.SemaphoreType.DMA,
        ],
    )(echunks, table, zeros128)



RB = 2048
GRID = NP // RB


def _blk(d=128):
    return pl.BlockSpec((RB, d), lambda i: (i, 0))


def _blkb(d=128):
    return pl.BlockSpec((RB, d), lambda i: (i + GRID, 0))


def _dinv(dega, degb):
    return lax.rsqrt(dega[:, 0:1] + degb[:, 0:1] + 1.0)


def _b_body(x, w1, dega, degb, h0p):
    h0p[...] = jnp.dot(x[...], w1[...],
                       preferred_element_type=jnp.float32) * _dinv(dega[...], degb[...])


def _tc_b(xpad, W1, deg2):
    return pl.pallas_call(
        _b_body,
        grid=(GRID,),
        in_specs=[_blk(), pl.BlockSpec((128, 128), lambda i: (0, 0)),
                  _blk(), _blkb()],
        out_specs=_blk(),
        out_shape=jax.ShapeDtypeStruct((NP, 128), jnp.float32),
    )(xpad, W1, deg2, deg2)


def _d_body(s0a, s0b, h0p, dega, degb, w2, b1, x1, h1p):
    di = _dinv(dega[...], degb[...])
    xx = jnp.maximum((s0a[...] + s0b[...] + h0p[...]) * di + b1[...], 0.0)
    x1[...] = xx
    h1p[...] = jnp.dot(xx, w2[...], preferred_element_type=jnp.float32) * di


def _tc_d(s0, h0p, deg2, W2, b1r):
    return pl.pallas_call(
        _d_body,
        grid=(GRID,),
        in_specs=[_blk(), _blkb(), _blk(), _blk(), _blkb(),
                  pl.BlockSpec((128, 128), lambda i: (0, 0)),
                  pl.BlockSpec((1, 128), lambda i: (0, 0))],
        out_specs=[_blk(), _blk()],
        out_shape=[jax.ShapeDtypeStruct((NP, 128), jnp.float32),
                   jax.ShapeDtypeStruct((NP, 128), jnp.float32)],
    )(s0, s0, h0p, deg2, deg2, W2, b1r)


def _sig(v):
    return jax.nn.sigmoid(v)


def _f_body(s1a, s1b, h1p, x1r, dega, degb, b2, wihf, whhf, bf, wihb, whhb,
            bb, waf, wab, xjkp):
    di = _dinv(dega[...], degb[...])
    x1 = x1r[...]
    x2 = jnp.maximum((s1a[...] + s1b[...] + h1p[...]) * di + b2[...], 0.0)

    def mm(a, b):
        return jnp.dot(a, b, preferred_element_type=jnp.float32)

    g = mm(x1, wihf[...]) + bf[...]
    cf0 = _sig(g[:, 0:128]) * jnp.tanh(g[:, 256:384])
    hf0 = _sig(g[:, 384:512]) * jnp.tanh(cf0)
    g = mm(x2, wihf[...]) + mm(hf0, whhf[...]) + bf[...]
    cf1 = _sig(g[:, 128:256]) * cf0 + _sig(g[:, 0:128]) * jnp.tanh(g[:, 256:384])
    hf1 = _sig(g[:, 384:512]) * jnp.tanh(cf1)
    g = mm(x2, wihb[...]) + bb[...]
    cb1 = _sig(g[:, 0:128]) * jnp.tanh(g[:, 256:384])
    hb1 = _sig(g[:, 384:512]) * jnp.tanh(cb1)
    g = mm(x1, wihb[...]) + mm(hb1, whhb[...]) + bb[...]
    cb0 = _sig(g[:, 128:256]) * cb1 + _sig(g[:, 0:128]) * jnp.tanh(g[:, 256:384])
    hb0 = _sig(g[:, 384:512]) * jnp.tanh(cb0)
    sc0 = (jnp.sum(hf0 * waf[...], axis=1, keepdims=True)
           + jnp.sum(hb0 * wab[...], axis=1, keepdims=True))
    sc1 = (jnp.sum(hf1 * waf[...], axis=1, keepdims=True)
           + jnp.sum(hb1 * wab[...], axis=1, keepdims=True))
    m = jnp.maximum(sc0, sc1)
    e0 = jnp.exp(sc0 - m)
    e1 = jnp.exp(sc1 - m)
    inv = 1.0 / (e0 + e1)
    xjkp[...] = (e0 * inv * x1 + e1 * inv * x2) * di


def _tc_f(s1, h1p, x1, deg2, b2r, wihf, whhf, bfr, wihb, whhb, bbr, wafr,
          wabr):
    wgt = pl.BlockSpec((128, 512), lambda i: (0, 0))
    vec = pl.BlockSpec((1, 512), lambda i: (0, 0))
    row = pl.BlockSpec((1, 128), lambda i: (0, 0))
    return pl.pallas_call(
        _f_body,
        grid=(GRID,),
        in_specs=[_blk(), _blkb(), _blk(), _blk(), _blk(), _blkb(), row,
                  wgt, wgt, vec, wgt, wgt, vec, row, row],
        out_specs=_blk(),
        out_shape=jax.ShapeDtypeStruct((NP, 128), jnp.float32),
    )(s1, s1, h1p, x1, deg2, deg2, b2r, wihf, whhf, bfr, wihb, whhb, bbr,
      wafr, wabr)


def _h_body(s2a, s2b, xjkp, dega, degb, w3, b3, out):
    di = _dinv(dega[...], degb[...])
    xp = (s2a[...] + s2b[...] + xjkp[...]) * di
    lo = jnp.dot(xp, w3[...], preferred_element_type=jnp.float32) + b3[...]
    m = jnp.max(lo, axis=1, keepdims=True)
    e = jnp.exp(lo - m)
    out[...] = lo - m - jnp.log(jnp.sum(e, axis=1, keepdims=True))


def _tc_h(s2, xjkp, deg2, W3, b3r):
    return pl.pallas_call(
        _h_body,
        grid=(GRID,),
        in_specs=[_blk(), _blkb(), _blk(), _blk(), _blkb(),
                  pl.BlockSpec((128, 40), lambda i: (0, 0)),
                  pl.BlockSpec((1, 40), lambda i: (0, 0))],
        out_specs=pl.BlockSpec((RB, 40), lambda i: (i, 0)),
        out_shape=jax.ShapeDtypeStruct((NP, 40), jnp.float32),
    )(s2, s2, xjkp, deg2, deg2, W3, b3r)



def kernel(x, edge_index, W1, b1, W2, b2, W_ih_f, W_hh_f, b_ih_f, b_hh_f,
           W_ih_b, W_hh_b, b_ih_b, b_hh_b, W_att, b_att, W3, b3):
    ei = edge_index.astype(jnp.int32)
    npad = CPAD * CH - EE

    def chunkify(v):
        return (v.reshape(CPAD, CH).reshape(MAXT, NW, CH)
                .transpose(1, 0, 2).reshape(CPAD, CH))

    srcs = chunkify(jnp.concatenate([ei[0], jnp.zeros((npad,), jnp.int32)]))
    pad_dst = NN + (jnp.arange(npad, dtype=jnp.int32) % (NP - NN))
    dsts = chunkify(jnp.concatenate([ei[1], pad_dst]))
    echunks = ei.reshape(2, NCHUNK, CH).transpose(1, 0, 2)
    ones128 = jnp.ones((CH, 128), jnp.float32)
    zeros128 = jnp.zeros((RWB, 128), jnp.float32)

    deg2 = _sc_degree(dsts, ones128, zeros128)
    xpad = jnp.concatenate([x, jnp.zeros((NP - NN, 128), jnp.float32)])

    h0p = _tc_b(xpad, W1, deg2)
    s0 = _sc_prop(echunks, h0p, zeros128)
    x1, h1p = _tc_d(s0, h0p, deg2, W2, b1.reshape(1, 128))
    s1 = _sc_prop(echunks, h1p, zeros128)
    xjkp = _tc_f(
        s1, h1p, x1, deg2, b2.reshape(1, 128),
        W_ih_f.T, W_hh_f.T, (b_ih_f + b_hh_f).reshape(1, 512),
        W_ih_b.T, W_hh_b.T, (b_ih_b + b_hh_b).reshape(1, 512),
        W_att[:128, 0].reshape(1, 128), W_att[128:, 0].reshape(1, 128))
    s2 = _sc_prop(echunks, xjkp, zeros128)
    return _tc_h(s2, xjkp, deg2, W3, b3.reshape(1, 40))[:NN]

# --- scband reference (transcript-rebuilt; emitter-appended) ---
"""Pipeline reference for scband-gcn-jknet2-27152783245354 (READ-ONLY COPY).

The authoritative reference and input builder live on the scoring server;
editing this copy changes nothing except your own understanding.
"""

import jax, jax.numpy as jnp
import numpy as np

N = 10000
E = 320000
NFEAT = 128
NHID = 128
NCLASS = 40
H = (2 * NHID) // 2  # LSTM hidden size in PyG JumpingKnowledge lstm mode


def setup_inputs(seed: int = 0):
    key = jax.random.key(seed)
    ks = jax.random.split(key, 20)
    s = 0.1
    inp = {}
    inp['x'] = jax.random.normal(ks[0], (N, NFEAT), dtype=jnp.float32)
    inp['edge_index'] = jax.random.randint(ks[1], (2, E), 0, N)
    inp['W1'] = jax.random.normal(ks[2], (NFEAT, NHID), dtype=jnp.float32) * s
    inp['b1'] = jnp.zeros((NHID,), dtype=jnp.float32)
    inp['W2'] = jax.random.normal(ks[3], (NHID, NHID), dtype=jnp.float32) * s
    inp['b2'] = jnp.zeros((NHID,), dtype=jnp.float32)
    inp['W_ih_f'] = jax.random.normal(ks[4], (4 * H, NHID), dtype=jnp.float32) * s
    inp['W_hh_f'] = jax.random.normal(ks[5], (4 * H, H), dtype=jnp.float32) * s
    inp['b_ih_f'] = jnp.zeros((4 * H,), dtype=jnp.float32)
    inp['b_hh_f'] = jnp.zeros((4 * H,), dtype=jnp.float32)
    inp['W_ih_b'] = jax.random.normal(ks[6], (4 * H, NHID), dtype=jnp.float32) * s
    inp['W_hh_b'] = jax.random.normal(ks[7], (4 * H, H), dtype=jnp.float32) * s
    inp['b_ih_b'] = jnp.zeros((4 * H,), dtype=jnp.float32)
    inp['b_hh_b'] = jnp.zeros((4 * H,), dtype=jnp.float32)
    inp['W_att'] = jax.random.normal(ks[8], (2 * H, 1), dtype=jnp.float32) * s
    inp['b_att'] = jnp.zeros((1,), dtype=jnp.float32)
    inp['W3'] = jax.random.normal(ks[9], (NHID, NCLASS), dtype=jnp.float32) * s
    inp['b3'] = jnp.zeros((NCLASS,), dtype=jnp.float32)
    return inp


def gcn_norm(edge_index, num_nodes):
    # add self loops + symmetric normalization, as in PyG GCNConv / APPNP
    loop = jnp.arange(num_nodes, dtype=edge_index.dtype)
    src = jnp.concatenate([edge_index[0], loop])
    dst = jnp.concatenate([edge_index[1], loop])
    w = jnp.ones(src.shape[0], dtype=jnp.float32)
    deg = jnp.zeros((num_nodes,), dtype=jnp.float32).at[dst].add(w)
    dinv = jnp.where(deg > 0, 1.0 / jnp.sqrt(deg), 0.0)
    norm = dinv[src] * dinv[dst]
    return src, dst, norm


def propagate(h, src, dst, norm, num_nodes):
    msg = h[src] * norm[:, None]
    return jnp.zeros((num_nodes, h.shape[1]), dtype=h.dtype).at[dst].add(msg)


def lstm_cell(xt, h, c, W_ih, W_hh, b_ih, b_hh):
    gates = xt @ W_ih.T + b_ih + h @ W_hh.T + b_hh
    i, f, g, o = jnp.split(gates, 4, axis=-1)
    i = jax.nn.sigmoid(i)
    f = jax.nn.sigmoid(f)
    g = jnp.tanh(g)
    o = jax.nn.sigmoid(o)
    c2 = f * c + i * g
    return o * jnp.tanh(c2), c2


def reference(x, edge_index, W1, b1, W2, b2, W_ih_f, W_hh_f, b_ih_f, b_hh_f, W_ih_b, W_hh_b, b_ih_b, b_hh_b, W_att, b_att, W3, b3):
    src, dst, norm = gcn_norm(edge_index, N)
    # conv1 + relu (dropout is identity in eval mode)
    x1 = jax.nn.relu(propagate(x @ W1, src, dst, norm, N) + b1)
    # conv2 + relu
    x2 = jax.nn.relu(propagate(x1 @ W2, src, dst, norm, N) + b2)
    # JumpingKnowledge (lstm mode): BiLSTM over the layer axis + attention
    xs = jnp.stack([x1, x2], axis=1)  # [N, 2, C]
    h = jnp.zeros((N, H), dtype=jnp.float32)
    c = jnp.zeros((N, H), dtype=jnp.float32)
    outs_f = []
    for t in range(2):
        h, c = lstm_cell(xs[:, t], h, c, W_ih_f, W_hh_f, b_ih_f, b_hh_f)
        outs_f.append(h)
    h = jnp.zeros((N, H), dtype=jnp.float32)
    c = jnp.zeros((N, H), dtype=jnp.float32)
    outs_b = [None, None]
    for t in (1, 0):
        h, c = lstm_cell(xs[:, t], h, c, W_ih_b, W_hh_b, b_ih_b, b_hh_b)
        outs_b[t] = h
    alpha = jnp.stack([jnp.concatenate([outs_f[t], outs_b[t]], axis=-1) for t in range(2)], axis=1)  # [N, 2, 2H]
    score = (alpha @ W_att + b_att)[..., 0]  # [N, 2]
    a = jax.nn.softmax(score, axis=-1)
    xjk = (xs * a[:, :, None]).sum(axis=1)  # [N, C]
    # APPNP(K=1, alpha=0): one gcn-normalized propagation
    xp = propagate(xjk, src, dst, norm, N)
    out = xp @ W3 + b3
    return jax.nn.log_softmax(out, axis=1)

if __name__ == "__main__":
    import jax
    _d = setup_inputs()
    print(jax.jit(kernel)(*tuple(_d.values())))

</pallas_src>

<mosaic_0001>
#map = affine_map<(d0, d1) -> (0, 0, 0)>
#map1 = affine_map<(d0, d1) -> (0, 0)>
module attributes {stable_mosaic.version = 14 : i64} {
  func.func @_prop_body(%arg0: i32, %arg1: i32, %arg2: memref<2500x2x128xi32, #tpu.memory_space<hbm>>, %arg3: memref<10240x128xf32, #tpu.memory_space<hbm>>, %arg4: memref<128x128xf32, #tpu.memory_space<hbm>>, %arg5: memref<20480x128xf32, #tpu.memory_space<hbm>>, %arg6: memref<2x128xi32, #tpu.memory_space<vmem>>, %arg7: memref<2x128xi32, #tpu.memory_space<vmem>>, %arg8: memref<128x128xf32, #tpu.memory_space<vmem>>, %arg9: memref<128x128xf32, #tpu.memory_space<vmem>>, %arg10: memref<10240x128xf32, #tpu.memory_space<vmem_shared>>, %arg11: memref<!tpu.dma_semaphore, #tpu.memory_space<semaphore_mem>>, %arg12: memref<!tpu.dma_semaphore, #tpu.memory_space<semaphore_mem>>) attributes {dimension_semantics = [#tpu.dimension_semantics<core_parallel>, #tpu.dimension_semantics<subcore_parallel>], iteration_bounds = array<i64: 2, 16>, scalar_prefetch = 0 : i64, scratch_operands = 7 : i64, tpu.core_type = #tpu.core_type<sc_vector_subcore>, window_params = [{transform_indices = #map}, {transform_indices = #map1}, {transform_indices = #map1}, {transform_indices = #map1}]} {
    %mul3A = arith.constant 16 : i32
    %mul3A_0 = arith.muli %arg0, %mul3A : i32
    %add3A = arith.addi %mul3A_0, %arg1 : i32
    %mul3A_1 = arith.constant 640 : i32
    %mul3A_2 = arith.muli %arg1, %mul3A_1 : i32
    "tpu.region"() ({
      %run_scoped3A = tpu.sem_alloc : memref<!tpu.dma_semaphore, #tpu.memory_space<semaphore_mem>>
      tpu.enqueue_dma source(%arg4 : memref<128x128xf32, #tpu.memory_space<hbm>>) target(%arg8 : memref<128x128xf32, #tpu.memory_space<vmem>>) target_semaphore(%run_scoped3A : memref<!tpu.dma_semaphore, #tpu.memory_space<semaphore_mem>>)
      tpu.wait_dma2 semaphore(%run_scoped3A : memref<!tpu.dma_semaphore, #tpu.memory_space<semaphore_mem>>) src(%arg4 : memref<128x128xf32, #tpu.memory_space<hbm>>) dst(%arg8 : memref<128x128xf32, #tpu.memory_space<vmem>>)
      tpu.yield
    }) : () -> ()
    %add3A_3 = arith.constant 0 : i32
    %add3A_4 = arith.addi %mul3A_2, %add3A_3 : i32
    "tpu.region"() ({
      %run_scoped3A = tpu.sem_alloc : memref<!tpu.dma_semaphore, #tpu.memory_space<semaphore_mem>>
      %dma_start3A_48 = arith.constant 0 : i32
      %dma_start3A_49 = tpu.memref_slice %arg10[%add3A_4, %dma_start3A_48] : memref<10240x128xf32, #tpu.memory_space<vmem_shared>> -> memref<128x128xf32, #tpu.memory_space<vmem_shared>>
      %dma_start3A_50 = arith.constant 0 : i32
      %dma_start3A_51 = tpu.memref_slice %arg10[%add3A_4, %dma_start3A_50] : memref<10240x128xf32, #tpu.memory_space<vmem_shared>> -> memref<128x128xf32, #tpu.memory_space<vmem_shared>>
      tpu.enqueue_dma source(%arg8 : memref<128x128xf32, #tpu.memory_space<vmem>>) target(%dma_start3A_51 : memref<128x128xf32, #tpu.memory_space<vmem_shared>>) target_semaphore(%run_scoped3A : memref<!tpu.dma_semaphore, #tpu.memory_space<semaphore_mem>>)
      %dma_wait3A = arith.constant 0 : i32
      %dma_wait3A_52 = tpu.memref_slice %arg10[%add3A_4, %dma_wait3A] : memref<10240x128xf32, #tpu.memory_space<vmem_shared>> -> memref<128x128xf32, #tpu.memory_space<vmem_shared>>
      %dma_wait3A_53 = arith.constant 0 : i32
      %dma_wait3A_54 = tpu.memref_slice %arg10[%add3A_4, %dma_wait3A_53] : memref<10240x128xf32, #tpu.memory_space<vmem_shared>> -> memref<128x128xf32, #tpu.memory_space<vmem_shared>>
      tpu.wait_dma2 semaphore(%run_scoped3A : memref<!tpu.dma_semaphore, #tpu.memory_space<semaphore_mem>>) src(%arg8 : memref<128x128xf32, #tpu.memory_space<vmem>>) dst(%dma_wait3A_54 : memref<128x128xf32, #tpu.memory_space<vmem_shared>>)
      tpu.yield
    }) : () -> ()
    %add3A_5 = arith.constant 128 : i32
    %add3A_6 = arith.addi %mul3A_2, %add3A_5 : i32
    "tpu.region"() ({
      %run_scoped3A = tpu.sem_alloc : memref<!tpu.dma_semaphore, #tpu.memory_space<semaphore_mem>>
      %dma_start3A_48 = arith.constant 0 : i32
      %dma_start3A_49 = tpu.memref_slice %arg10[%add3A_6, %dma_start3A_48] : memref<10240x128xf32, #tpu.memory_space<vmem_shared>> -> memref<128x128xf32, #tpu.memory_space<vmem_shared>>
      %dma_start3A_50 = arith.constant 0 : i32
      %dma_start3A_51 = tpu.memref_slice %arg10[%add3A_6, %dma_start3A_50] : memref<10240x128xf32, #tpu.memory_space<vmem_shared>> -> memref<128x128xf32, #tpu.memory_space<vmem_shared>>
      tpu.enqueue_dma source(%arg8 : memref<128x128xf32, #tpu.memory_space<vmem>>) target(%dma_start3A_51 : memref<128x128xf32, #tpu.memory_space<vmem_shared>>) target_semaphore(%run_scoped3A : memref<!tpu.dma_semaphore, #tpu.memory_space<semaphore_mem>>)
      %dma_wait3A = arith.constant 0 : i32
      %dma_wait3A_52 = tpu.memref_slice %arg10[%add3A_6, %dma_wait3A] : memref<10240x128xf32, #tpu.memory_space<vmem_shared>> -> memref<128x128xf32, #tpu.memory_space<vmem_shared>>
      %dma_wait3A_53 = arith.constant 0 : i32
      %dma_wait3A_54 = tpu.memref_slice %arg10[%add3A_6, %dma_wait3A_53] : memref<10240x128xf32, #tpu.memory_space<vmem_shared>> -> memref<128x128xf32, #tpu.memory_space<vmem_shared>>
      tpu.wait_dma2 semaphore(%run_scoped3A : memref<!tpu.dma_semaphore, #tpu.memory_space<semaphore_mem>>) src(%arg8 : memref<128x128xf32, #tpu.memory_space<vmem>>) dst(%dma_wait3A_54 : memref<128x128xf32, #tpu.memory_space<vmem_shared>>)
      tpu.yield
    }) : () -> ()
    %add3A_7 = arith.constant 256 : i32
    %add3A_8 = arith.addi %mul3A_2, %add3A_7 : i32
    "tpu.region"() ({
      %run_scoped3A = tpu.sem_alloc : memref<!tpu.dma_semaphore, #tpu.memory_space<semaphore_mem>>
      %dma_start3A_48 = arith.constant 0 : i32
      %dma_start3A_49 = tpu.memref_slice %arg10[%add3A_8, %dma_start3A_48] : memref<10240x128xf32, #tpu.memory_space<vmem_shared>> -> memref<128x128xf32, #tpu.memory_space<vmem_shared>>
      %dma_start3A_50 = arith.constant 0 : i32
      %dma_start3A_51 = tpu.memref_slice %arg10[%add3A_8, %dma_start3A_50] : memref<10240x128xf32, #tpu.memory_space<vmem_shared>> -> memref<128x128xf32, #tpu.memory_space<vmem_shared>>
      tpu.enqueue_dma source(%arg8 : memref<128x128xf32, #tpu.memory_space<vmem>>) target(%dma_start3A_51 : memref<128x128xf32, #tpu.memory_space<vmem_shared>>) target_semaphore(%run_scoped3A : memref<!tpu.dma_semaphore, #tpu.memory_space<semaphore_mem>>)
      %dma_wait3A = arith.constant 0 : i32
      %dma_wait3A_52 = tpu.memref_slice %arg10[%add3A_8, %dma_wait3A] : memref<10240x128xf32, #tpu.memory_space<vmem_shared>> -> memref<128x128xf32, #tpu.memory_space<vmem_shared>>
      %dma_wait3A_53 = arith.constant 0 : i32
      %dma_wait3A_54 = tpu.memref_slice %arg10[%add3A_8, %dma_wait3A_53] : memref<10240x128xf32, #tpu.memory_space<vmem_shared>> -> memref<128x128xf32, #tpu.memory_space<vmem_shared>>
      tpu.wait_dma2 semaphore(%run_scoped3A : memref<!tpu.dma_semaphore, #tpu.memory_space<semaphore_mem>>) src(%arg8 : memref<128x128xf32, #tpu.memory_space<vmem>>) dst(%dma_wait3A_54 : memref<128x128xf32, #tpu.memory_space<vmem_shared>>)
      tpu.yield
    }) : () -> ()
    %add3A_9 = arith.constant 384 : i32
    %add3A_10 = arith.addi %mul3A_2, %add3A_9 : i32
    "tpu.region"() ({
      %run_scoped3A = tpu.sem_alloc : memref<!tpu.dma_semaphore, #tpu.memory_space<semaphore_mem>>
      %dma_start3A_48 = arith.constant 0 : i32
      %dma_start3A_49 = tpu.memref_slice %arg10[%add3A_10, %dma_start3A_48] : memref<10240x128xf32, #tpu.memory_space<vmem_shared>> -> memref<128x128xf32, #tpu.memory_space<vmem_shared>>
      %dma_start3A_50 = arith.constant 0 : i32
      %dma_start3A_51 = tpu.memref_slice %arg10[%add3A_10, %dma_start3A_50] : memref<10240x128xf32, #tpu.memory_space<vmem_shared>> -> memref<128x128xf32, #tpu.memory_space<vmem_shared>>
      tpu.enqueue_dma source(%arg8 : memref<128x128xf32, #tpu.memory_space<vmem>>) target(%dma_start3A_51 : memref<128x128xf32, #tpu.memory_space<vmem_shared>>) target_semaphore(%run_scoped3A : memref<!tpu.dma_semaphore, #tpu.memory_space<semaphore_mem>>)
      %dma_wait3A = arith.constant 0 : i32
      %dma_wait3A_52 = tpu.memref_slice %arg10[%add3A_10, %dma_wait3A] : memref<10240x128xf32, #tpu.memory_space<vmem_shared>> -> memref<128x128xf32, #tpu.memory_space<vmem_shared>>
      %dma_wait3A_53 = arith.constant 0 : i32
      %dma_wait3A_54 = tpu.memref_slice %arg10[%add3A_10, %dma_wait3A_53] : memref<10240x128xf32, #tpu.memory_space<vmem_shared>> -> memref<128x128xf32, #tpu.memory_space<vmem_shared>>
      tpu.wait_dma2 semaphore(%run_scoped3A : memref<!tpu.dma_semaphore, #tpu.memory_space<semaphore_mem>>) src(%arg8 : memref<128x128xf32, #tpu.memory_space<vmem>>) dst(%dma_wait3A_54 : memref<128x128xf32, #tpu.memory_space<vmem_shared>>)
      tpu.yield
    }) : () -> ()
    %add3A_11 = arith.constant 512 : i32
    %add3A_12 = arith.addi %mul3A_2, %add3A_11 : i32
    "tpu.region"() ({
      %run_scoped3A = tpu.sem_alloc : memref<!tpu.dma_semaphore, #tpu.memory_space<semaphore_mem>>
      %dma_start3A_48 = arith.constant 0 : i32
      %dma_start3A_49 = tpu.memref_slice %arg10[%add3A_12, %dma_start3A_48] : memref<10240x128xf32, #tpu.memory_space<vmem_shared>> -> memref<128x128xf32, #tpu.memory_space<vmem_shared>>
      %dma_start3A_50 = arith.constant 0 : i32
      %dma_start3A_51 = tpu.memref_slice %arg10[%add3A_12, %dma_start3A_50] : memref<10240x128xf32, #tpu.memory_space<vmem_shared>> -> memref<128x128xf32, #tpu.memory_space<vmem_shared>>
      tpu.enqueue_dma source(%arg8 : memref<128x128xf32, #tpu.memory_space<vmem>>) target(%dma_start3A_51 : memref<128x128xf32, #tpu.memory_space<vmem_shared>>) target_semaphore(%run_scoped3A : memref<!tpu.dma_semaphore, #tpu.memory_space<semaphore_mem>>)
      %dma_wait3A = arith.constant 0 : i32
      %dma_wait3A_52 = tpu.memref_slice %arg10[%add3A_12, %dma_wait3A] : memref<10240x128xf32, #tpu.memory_space<vmem_shared>> -> memref<128x128xf32, #tpu.memory_space<vmem_shared>>
      %dma_wait3A_53 = arith.constant 0 : i32
      %dma_wait3A_54 = tpu.memref_slice %arg10[%add3A_12, %dma_wait3A_53] : memref<10240x128xf32, #tpu.memory_space<vmem_shared>> -> memref<128x128xf32, #tpu.memory_space<vmem_shared>>
      tpu.wait_dma2 semaphore(%run_scoped3A : memref<!tpu.dma_semaphore, #tpu.memory_space<semaphore_mem>>) src(%arg8 : memref<128x128xf32, #tpu.memory_space<vmem>>) dst(%dma_wait3A_54 : memref<128x128xf32, #tpu.memory_space<vmem_shared>>)
      tpu.yield
    }) : () -> ()
    %barrier3A = arith.constant 0 : index
    tpu.barrier barrier_id(%barrier3A)
    "tpu.region"() ({
      %run_scoped3A = tpu.sem_alloc : memref<!tpu.dma_semaphore, #tpu.memory_space<semaphore_mem>>
      %dma_start3A_48 = arith.constant 0 : i32
      %dma_start3A_49 = arith.constant 0 : i32
      %dma_start3A_50 = tpu.memref_slice %arg2[%add3A, %dma_start3A_48, %dma_start3A_49] : memref<2500x2x128xi32, #tpu.memory_space<hbm>> -> memref<1x2x128xi32, #tpu.memory_space<hbm>>
      %dma_start3A_51 = tpu.memref_squeeze %dma_start3A_50 : memref<1x2x128xi32, #tpu.memory_space<hbm>> -> memref<2x128xi32, #tpu.memory_space<hbm>>
      %dma_start3A_52 = arith.constant 0 : i32
      %dma_start3A_53 = arith.constant 0 : i32
      %dma_start3A_54 = tpu.memref_slice %arg2[%add3A, %dma_start3A_52, %dma_start3A_53] : memref<2500x2x128xi32, #tpu.memory_space<hbm>> -> memref<1x2x128xi32, #tpu.memory_space<hbm>>
      %dma_start3A_55 = tpu.memref_squeeze %dma_start3A_54 : memref<1x2x128xi32, #tpu.memory_space<hbm>> -> memref<2x128xi32, #tpu.memory_space<hbm>>
      tpu.enqueue_dma source(%dma_start3A_55 : memref<2x128xi32, #tpu.memory_space<hbm>>) target(%arg6 : memref<2x128xi32, #tpu.memory_space<vmem>>) target_semaphore(%run_scoped3A : memref<!tpu.dma_semaphore, #tpu.memory_space<semaphore_mem>>)
      %dma_wait3A = arith.constant 0 : i32
      %dma_wait3A_56 = arith.constant 0 : i32
      %dma_wait3A_57 = tpu.memref_slice %arg2[%add3A, %dma_wait3A, %dma_wait3A_56] : memref<2500x2x128xi32, #tpu.memory_space<hbm>> -> memref<1x2x128xi32, #tpu.memory_space<hbm>>
      %dma_wait3A_58 = tpu.memref_squeeze %dma_wait3A_57 : memref<1x2x128xi32, #tpu.memory_space<hbm>> -> memref<2x128xi32, #tpu.memory_space<hbm>>
      %dma_wait3A_59 = arith.constant 0 : i32
      %dma_wait3A_60 = arith.constant 0 : i32
      %dma_wait3A_61 = tpu.memref_slice %arg2[%add3A, %dma_wait3A_59, %dma_wait3A_60] : memref<2500x2x128xi32, #tpu.memory_space<hbm>> -> memref<1x2x128xi32, #tpu.memory_space<hbm>>
      %dma_wait3A_62 = tpu.memref_squeeze %dma_wait3A_61 : memref<1x2x128xi32, #tpu.memory_space<hbm>> -> memref<2x128xi32, #tpu.memory_space<hbm>>
      tpu.wait_dma2 semaphore(%run_scoped3A : memref<!tpu.dma_semaphore, #tpu.memory_space<semaphore_mem>>) src(%dma_wait3A_62 : memref<2x128xi32, #tpu.memory_space<hbm>>) dst(%arg6 : memref<2x128xi32, #tpu.memory_space<vmem>>)
      tpu.yield
    }) : () -> ()
    %dma_start3A = arith.constant 0 : i32
    %dma_start3A_13 = arith.constant 0 : i32
    %dma_start3A_14 = tpu.memref_slice %arg6[%dma_start3A, %dma_start3A_13] : memref<2x128xi32, #tpu.memory_space<vmem>> -> memref<1x128xi32, #tpu.memory_space<vmem>>
    %dma_start3A_15 = tpu.memref_squeeze %dma_start3A_14 : memref<1x128xi32, #tpu.memory_space<vmem>> -> memref<128xi32, #tpu.memory_space<vmem>>
    %dma_start3A_16 = arith.constant 0 : i32
    %dma_start3A_17 = arith.constant 0 : i32
    %dma_start3A_18 = tpu.memref_slice %arg3[%dma_start3A_16, %dma_start3A_17] : memref<10240x128xf32, #tpu.memory_space<hbm>> -> memref<10240x128xf32, #tpu.memory_space<hbm>>
    tpu.enqueue_indirect_dma source(%dma_start3A_18 : memref<10240x128xf32, #tpu.memory_space<hbm>>) target(%arg8 : memref<128x128xf32, #tpu.memory_space<vmem>>) offsets(%dma_start3A_15 : memref<128xi32, #tpu.memory_space<vmem>>) semaphore(%arg11 : memref<!tpu.dma_semaphore, #tpu.memory_space<semaphore_mem>>)
    %scan3A = arith.constant 0 : i32
    %scan3A_19 = arith.constant 0 : i32
    %scan3A_20 = arith.constant 40 : i32
    %scan3A_21 = arith.addi %scan3A_19, %scan3A_20 : i32
    %scan3A_22 = arith.constant 1 : i32
    scf.for %scan3A_48 = %scan3A_19 to %scan3A_21 step %scan3A_22  : i32 {
      %mul3A_49 = arith.constant 2 : i32
      %mul3A_50 = arith.muli %mul3A_49, %scan3A_48 : i32
      %add3A_51 = arith.constant 0 : i32
      %add3A_52 = arith.addi %mul3A_50, %add3A_51 : i32
      %add3A_53 = arith.constant 1 : i32
      %add3A_54 = arith.addi %add3A_52, %add3A_53 : i32
      %mul3A_55 = arith.constant 32 : i32
      %mul3A_56 = arith.muli %mul3A_55, %add3A_54 : i32
      %add3A_57 = arith.addi %add3A, %mul3A_56 : i32
      %lt3A = arith.constant 2500 : i32
      %lt3A_58 = arith.cmpi slt, %add3A_57, %lt3A : i32
      %convert_element_type3A = arith.extui %lt3A_58 : i1 to i32
      %cond3A = arith.constant 0 : i32
      %cond3A_59 = arith.cmpi ne, %convert_element_type3A, %cond3A : i32
      scf.if %cond3A_59 {
        "tpu.region"() ({
          %run_scoped3A = tpu.sem_alloc : memref<!tpu.dma_semaphore, #tpu.memory_space<semaphore_mem>>
          %dma_start3A_97 = arith.constant 0 : i32
          %dma_start3A_98 = arith.constant 0 : i32
          %dma_start3A_99 = tpu.memref_slice %arg2[%add3A_57, %dma_start3A_97, %dma_start3A_98] : memref<2500x2x128xi32, #tpu.memory_space<hbm>> -> memref<1x2x128xi32, #tpu.memory_space<hbm>>
          %dma_start3A_100 = tpu.memref_squeeze %dma_start3A_99 : memref<1x2x128xi32, #tpu.memory_space<hbm>> -> memref<2x128xi32, #tpu.memory_space<hbm>>
          %dma_start3A_101 = arith.constant 0 : i32
          %dma_start3A_102 = arith.constant 0 : i32
          %dma_start3A_103 = tpu.memref_slice %arg2[%add3A_57, %dma_start3A_101, %dma_start3A_102] : memref<2500x2x128xi32, #tpu.memory_space<hbm>> -> memref<1x2x128xi32, #tpu.memory_space<hbm>>
          %dma_start3A_104 = tpu.memref_squeeze %dma_start3A_103 : memref<1x2x128xi32, #tpu.memory_space<hbm>> -> memref<2x128xi32, #tpu.memory_space<hbm>>
          tpu.enqueue_dma source(%dma_start3A_104 : memref<2x128xi32, #tpu.memory_space<hbm>>) target(%arg7 : memref<2x128xi32, #tpu.memory_space<vmem>>) target_semaphore(%run_scoped3A : memref<!tpu.dma_semaphore, #tpu.memory_space<semaphore_mem>>)
          %dma_wait3A = arith.constant 0 : i32
          %dma_wait3A_105 = arith.constant 0 : i32
          %dma_wait3A_106 = tpu.memref_slice %arg2[%add3A_57, %dma_wait3A, %dma_wait3A_105] : memref<2500x2x128xi32, #tpu.memory_space<hbm>> -> memref<1x2x128xi32, #tpu.memory_space<hbm>>
          %dma_wait3A_107 = tpu.memref_squeeze %dma_wait3A_106 : memref<1x2x128xi32, #tpu.memory_space<hbm>> -> memref<2x128xi32, #tpu.memory_space<hbm>>
          %dma_wait3A_108 = arith.constant 0 : i32
          %dma_wait3A_109 = arith.constant 0 : i32
          %dma_wait3A_110 = tpu.memref_slice %arg2[%add3A_57, %dma_wait3A_108, %dma_wait3A_109] : memref<2500x2x128xi32, #tpu.memory_space<hbm>> -> memref<1x2x128xi32, #tpu.memory_space<hbm>>
          %dma_wait3A_111 = tpu.memref_squeeze %dma_wait3A_110 : memref<1x2x128xi32, #tpu.memory_space<hbm>> -> memref<2x128xi32, #tpu.memory_space<hbm>>
          tpu.wait_dma2 semaphore(%run_scoped3A : memref<!tpu.dma_semaphore, #tpu.memory_space<semaphore_mem>>) src(%dma_wait3A_111 : memref<2x128xi32, #tpu.memory_space<hbm>>) dst(%arg7 : memref<2x128xi32, #tpu.memory_space<vmem>>)
          tpu.yield
        }) : () -> ()
        %dma_start3A_90 = arith.constant 0 : i32
        %dma_start3A_91 = arith.constant 0 : i32
        %dma_start3A_92 = tpu.memref_slice %arg7[%dma_start3A_90, %dma_start3A_91] : memref<2x128xi32, #tpu.memory_space<vmem>> -> memref<1x128xi32, #tpu.memory_space<vmem>>
        %dma_start3A_93 = tpu.memref_squeeze %dma_start3A_92 : memref<1x128xi32, #tpu.memory_space<vmem>> -> memref<128xi32, #tpu.memory_space<vmem>>
        %dma_start3A_94 = arith.constant 0 : i32
        %dma_start3A_95 = arith.constant 0 : i32
        %dma_start3A_96 = tpu.memref_slice %arg3[%dma_start3A_94, %dma_start3A_95] : memref<10240x128xf32, #tpu.memory_space<hbm>> -> memref<10240x128xf32, #tpu.memory_space<hbm>>
        tpu.enqueue_indirect_dma source(%dma_start3A_96 : memref<10240x128xf32, #tpu.memory_space<hbm>>) target(%arg9 : memref<128x128xf32, #tpu.memory_space<vmem>>) offsets(%dma_start3A_93 : memref<128xi32, #tpu.memory_space<vmem>>) semaphore(%arg12 : memref<!tpu.dma_semaphore, #tpu.memory_space<semaphore_mem>>)
      } else {
      }
      %mul3A_60 = arith.constant 32 : i32
      %mul3A_61 = arith.muli %mul3A_60, %add3A_52 : i32
      %add3A_62 = arith.addi %add3A, %mul3A_61 : i32
      %lt3A_63 = arith.constant 2500 : i32
      %lt3A_64 = arith.cmpi slt, %add3A_62, %lt3A_63 : i32
      %convert_element_type3A_65 = arith.extui %lt3A_64 : i1 to i32
      %cond3A_66 = arith.constant 0 : i32
      %cond3A_67 = arith.cmpi ne, %convert_element_type3A_65, %cond3A_66 : i32
      scf.if %cond3A_67 {
        %dma_wait3A = arith.constant 0 : i32
        %dma_wait3A_90 = arith.constant 0 : i32
        %dma_wait3A_91 = tpu.memref_slice %arg6[%dma_wait3A, %dma_wait3A_90] : memref<2x128xi32, #tpu.memory_space<vmem>> -> memref<1x128xi32, #tpu.memory_space<vmem>>
        %dma_wait3A_92 = tpu.memref_squeeze %dma_wait3A_91 : memref<1x128xi32, #tpu.memory_space<vmem>> -> memref<128xi32, #tpu.memory_space<vmem>>
        %dma_wait3A_93 = arith.constant 0 : i32
        %dma_wait3A_94 = arith.constant 0 : i32
        %dma_wait3A_95 = tpu.memref_slice %arg3[%dma_wait3A_93, %dma_wait3A_94] : memref<10240x128xf32, #tpu.memory_space<hbm>> -> memref<10240x128xf32, #tpu.memory_space<hbm>>
        tpu.wait_indirect_dma semaphore(%arg11 : memref<!tpu.dma_semaphore, #tpu.memory_space<semaphore_mem>>) src(%dma_wait3A_95 : memref<10240x128xf32, #tpu.memory_space<hbm>>) dst(%arg8 : memref<128x128xf32, #tpu.memory_space<vmem>>)
        %run_scoped3A = arith.constant 1 : i32
        "tpu.region"() ({
          %run_scoped3A_96 = tpu.sem_alloc : memref<!tpu.dma_semaphore, #tpu.memory_space<semaphore_mem>>
          %dma_start3A_97 = arith.constant 0 : i32
          %dma_start3A_98 = tpu.memref_slice %arg6[%run_scoped3A, %dma_start3A_97] : memref<2x128xi32, #tpu.memory_space<vmem>> -> memref<1x128xi32, #tpu.memory_space<vmem>>
          %dma_start3A_99 = tpu.memref_squeeze %dma_start3A_98 : memref<1x128xi32, #tpu.memory_space<vmem>> -> memref<128xi32, #tpu.memory_space<vmem>>
          %dma_start3A_100 = arith.constant 0 : i32
          %dma_start3A_101 = arith.constant 0 : i32
          %dma_start3A_102 = tpu.memref_slice %arg10[%dma_start3A_100, %dma_start3A_101] : memref<10240x128xf32, #tpu.memory_space<vmem_shared>> -> memref<10240x128xf32, #tpu.memory_space<vmem_shared>>
          tpu.enqueue_indirect_dma source(%arg8 : memref<128x128xf32, #tpu.memory_space<vmem>>) target(%dma_start3A_102 : memref<10240x128xf32, #tpu.memory_space<vmem_shared>>) offsets(%dma_start3A_99 : memref<128xi32, #tpu.memory_space<vmem>>) semaphore(%run_scoped3A_96 : memref<!tpu.dma_semaphore, #tpu.memory_space<semaphore_mem>>) {add = true}
          %dma_wait3A_103 = arith.constant 0 : i32
          %dma_wait3A_104 = tpu.memref_slice %arg6[%run_scoped3A, %dma_wait3A_103] : memref<2x128xi32, #tpu.memory_space<vmem>> -> memref<1x128xi32, #tpu.memory_space<vmem>>
          %dma_wait3A_105 = tpu.memref_squeeze %dma_wait3A_104 : memref<1x128xi32, #tpu.memory_space<vmem>> -> memref<128xi32, #tpu.memory_space<vmem>>
          %dma_wait3A_106 = arith.constant 0 : i32
          %dma_wait3A_107 = arith.constant 0 : i32
          %dma_wait3A_108 = tpu.memref_slice %arg10[%dma_wait3A_106, %dma_wait3A_107] : memref<10240x128xf32, #tpu.memory_space<vmem_shared>> -> memref<10240x128xf32, #tpu.memory_space<vmem_shared>>
          tpu.wait_indirect_dma semaphore(%run_scoped3A_96 : memref<!tpu.dma_semaphore, #tpu.memory_space<semaphore_mem>>) src(%arg8 : memref<128x128xf32, #tpu.memory_space<vmem>>) dst(%dma_wait3A_108 : memref<10240x128xf32, #tpu.memory_space<vmem_shared>>)
          tpu.yield
        }) : () -> ()
      } else {
      }
      %mul3A_68 = arith.constant 2 : i32
      %mul3A_69 = arith.muli %mul3A_68, %scan3A_48 : i32
      %add3A_70 = arith.constant 1 : i32
      %add3A_71 = arith.addi %mul3A_69, %add3A_70 : i32
      %add3A_72 = arith.constant 1 : i32
      %add3A_73 = arith.addi %add3A_71, %add3A_72 : i32
      %mul3A_74 = arith.constant 32 : i32
      %mul3A_75 = arith.muli %mul3A_74, %add3A_73 : i32
      %add3A_76 = arith.addi %add3A, %mul3A_75 : i32
      %lt3A_77 = arith.constant 2500 : i32
      %lt3A_78 = arith.cmpi slt, %add3A_76, %lt3A_77 : i32
      %convert_element_type3A_79 = arith.extui %lt3A_78 : i1 to i32
      %cond3A_80 = arith.constant 0 : i32
      %cond3A_81 = arith.cmpi ne, %convert_element_type3A_79, %cond3A_80 : i32
      scf.if %cond3A_81 {
        "tpu.region"() ({
          %run_scoped3A = tpu.sem_alloc : memref<!tpu.dma_semaphore, #tpu.memory_space<semaphore_mem>>
          %dma_start3A_97 = arith.constant 0 : i32
          %dma_start3A_98 = arith.constant 0 : i32
          %dma_start3A_99 = tpu.memref_slice %arg2[%add3A_76, %dma_start3A_97, %dma_start3A_98] : memref<2500x2x128xi32, #tpu.memory_space<hbm>> -> memref<1x2x128xi32, #tpu.memory_space<hbm>>
          %dma_start3A_100 = tpu.memref_squeeze %dma_start3A_99 : memref<1x2x128xi32, #tpu.memory_space<hbm>> -> memref<2x128xi32, #tpu.memory_space<hbm>>
          %dma_start3A_101 = arith.constant 0 : i32
          %dma_start3A_102 = arith.constant 0 : i32
          %dma_start3A_103 = tpu.memref_slice %arg2[%add3A_76, %dma_start3A_101, %dma_start3A_102] : memref<2500x2x128xi32, #tpu.memory_space<hbm>> -> memref<1x2x128xi32, #tpu.memory_space<hbm>>
          %dma_start3A_104 = tpu.memref_squeeze %dma_start3A_103 : memref<1x2x128xi32, #tpu.memory_space<hbm>> -> memref<2x128xi32, #tpu.memory_space<hbm>>
          tpu.enqueue_dma source(%dma_start3A_104 : memref<2x128xi32, #tpu.memory_space<hbm>>) target(%arg6 : memref<2x128xi32, #tpu.memory_space<vmem>>) target_semaphore(%run_scoped3A : memref<!tpu.dma_semaphore, #tpu.memory_space<semaphore_mem>>)
          %dma_wait3A = arith.constant 0 : i32
          %dma_wait3A_105 = arith.constant 0 : i32
          %dma_wait3A_106 = tpu.memref_slice %arg2[%add3A_76, %dma_wait3A, %dma_wait3A_105] : memref<2500x2x128xi32, #tpu.memory_space<hbm>> -> memref<1x2x128xi32, #tpu.memory_space<hbm>>
          %dma_wait3A_107 = tpu.memref_squeeze %dma_wait3A_106 : memref<1x2x128xi32, #tpu.memory_space<hbm>> -> memref<2x128xi32, #tpu.memory_space<hbm>>
          %dma_wait3A_108 = arith.constant 0 : i32
          %dma_wait3A_109 = arith.constant 0 : i32
          %dma_wait3A_110 = tpu.memref_slice %arg2[%add3A_76, %dma_wait3A_108, %dma_wait3A_109] : memref<2500x2x128xi32, #tpu.memory_space<hbm>> -> memref<1x2x128xi32, #tpu.memory_space<hbm>>
          %dma_wait3A_111 = tpu.memref_squeeze %dma_wait3A_110 : memref<1x2x128xi32, #tpu.memory_space<hbm>> -> memref<2x128xi32, #tpu.memory_space<hbm>>
          tpu.wait_dma2 semaphore(%run_scoped3A : memref<!tpu.dma_semaphore, #tpu.memory_space<semaphore_mem>>) src(%dma_wait3A_111 : memref<2x128xi32, #tpu.memory_space<hbm>>) dst(%arg6 : memref<2x128xi32, #tpu.memory_space<vmem>>)
          tpu.yield
        }) : () -> ()
        %dma_start3A_90 = arith.constant 0 : i32
        %dma_start3A_91 = arith.constant 0 : i32
        %dma_start3A_92 = tpu.memref_slice %arg6[%dma_start3A_90, %dma_start3A_91] : memref<2x128xi32, #tpu.memory_space<vmem>> -> memref<1x128xi32, #tpu.memory_space<vmem>>
        %dma_start3A_93 = tpu.memref_squeeze %dma_start3A_92 : memref<1x128xi32, #tpu.memory_space<vmem>> -> memref<128xi32, #tpu.memory_space<vmem>>
        %dma_start3A_94 = arith.constant 0 : i32
        %dma_start3A_95 = arith.constant 0 : i32
        %dma_start3A_96 = tpu.memref_slice %arg3[%dma_start3A_94, %dma_start3A_95] : memref<10240x128xf32, #tpu.memory_space<hbm>> -> memref<10240x128xf32, #tpu.memory_space<hbm>>
        tpu.enqueue_indirect_dma source(%dma_start3A_96 : memref<10240x128xf32, #tpu.memory_space<hbm>>) target(%arg8 : memref<128x128xf32, #tpu.memory_space<vmem>>) offsets(%dma_start3A_93 : memref<128xi32, #tpu.memory_space<vmem>>) semaphore(%arg11 : memref<!tpu.dma_semaphore, #tpu.memory_space<semaphore_mem>>)
      } else {
      }
      %mul3A_82 = arith.constant 32 : i32
      %mul3A_83 = arith.muli %mul3A_82, %add3A_71 : i32
      %add3A_84 = arith.addi %add3A, %mul3A_83 : i32
      %lt3A_85 = arith.constant 2500 : i32
      %lt3A_86 = arith.cmpi slt, %add3A_84, %lt3A_85 : i32
      %convert_element_type3A_87 = arith.extui %lt3A_86 : i1 to i32
      %cond3A_88 = arith.constant 0 : i32
      %cond3A_89 = arith.cmpi ne, %convert_element_type3A_87, %cond3A_88 : i32
      scf.if %cond3A_89 {
        %dma_wait3A = arith.constant 0 : i32
        %dma_wait3A_90 = arith.constant 0 : i32
        %dma_wait3A_91 = tpu.memref_slice %arg7[%dma_wait3A, %dma_wait3A_90] : memref<2x128xi32, #tpu.memory_space<vmem>> -> memref<1x128xi32, #tpu.memory_space<vmem>>
        %dma_wait3A_92 = tpu.memref_squeeze %dma_wait3A_91 : memref<1x128xi32, #tpu.memory_space<vmem>> -> memref<128xi32, #tpu.memory_space<vmem>>
        %dma_wait3A_93 = arith.constant 0 : i32
        %dma_wait3A_94 = arith.constant 0 : i32
        %dma_wait3A_95 = tpu.memref_slice %arg3[%dma_wait3A_93, %dma_wait3A_94] : memref<10240x128xf32, #tpu.memory_space<hbm>> -> memref<10240x128xf32, #tpu.memory_space<hbm>>
        tpu.wait_indirect_dma semaphore(%arg12 : memref<!tpu.dma_semaphore, #tpu.memory_space<semaphore_mem>>) src(%dma_wait3A_95 : memref<10240x128xf32, #tpu.memory_space<hbm>>) dst(%arg9 : memref<128x128xf32, #tpu.memory_space<vmem>>)
        %run_scoped3A = arith.constant 1 : i32
        "tpu.region"() ({
          %run_scoped3A_96 = tpu.sem_alloc : memref<!tpu.dma_semaphore, #tpu.memory_space<semaphore_mem>>
          %dma_start3A_97 = arith.constant 0 : i32
          %dma_start3A_98 = tpu.memref_slice %arg7[%run_scoped3A, %dma_start3A_97] : memref<2x128xi32, #tpu.memory_space<vmem>> -> memref<1x128xi32, #tpu.memory_space<vmem>>
          %dma_start3A_99 = tpu.memref_squeeze %dma_start3A_98 : memref<1x128xi32, #tpu.memory_space<vmem>> -> memref<128xi32, #tpu.memory_space<vmem>>
          %dma_start3A_100 = arith.constant 0 : i32
          %dma_start3A_101 = arith.constant 0 : i32
          %dma_start3A_102 = tpu.memref_slice %arg10[%dma_start3A_100, %dma_start3A_101] : memref<10240x128xf32, #tpu.memory_space<vmem_shared>> -> memref<10240x128xf32, #tpu.memory_space<vmem_shared>>
          tpu.enqueue_indirect_dma source(%arg9 : memref<128x128xf32, #tpu.memory_space<vmem>>) target(%dma_start3A_102 : memref<10240x128xf32, #tpu.memory_space<vmem_shared>>) offsets(%dma_start3A_99 : memref<128xi32, #tpu.memory_space<vmem>>) semaphore(%run_scoped3A_96 : memref<!tpu.dma_semaphore, #tpu.memory_space<semaphore_mem>>) {add = true}
          %dma_wait3A_103 = arith.constant 0 : i32
          %dma_wait3A_104 = tpu.memref_slice %arg7[%run_scoped3A, %dma_wait3A_103] : memref<2x128xi32, #tpu.memory_space<vmem>> -> memref<1x128xi32, #tpu.memory_space<vmem>>
          %dma_wait3A_105 = tpu.memref_squeeze %dma_wait3A_104 : memref<1x128xi32, #tpu.memory_space<vmem>> -> memref<128xi32, #tpu.memory_space<vmem>>
          %dma_wait3A_106 = arith.constant 0 : i32
          %dma_wait3A_107 = arith.constant 0 : i32
          %dma_wait3A_108 = tpu.memref_slice %arg10[%dma_wait3A_106, %dma_wait3A_107] : memref<10240x128xf32, #tpu.memory_space<vmem_shared>> -> memref<10240x128xf32, #tpu.memory_space<vmem_shared>>
          tpu.wait_indirect_dma semaphore(%run_scoped3A_96 : memref<!tpu.dma_semaphore, #tpu.memory_space<semaphore_mem>>) src(%arg9 : memref<128x128xf32, #tpu.memory_space<vmem>>) dst(%dma_wait3A_108 : memref<10240x128xf32, #tpu.memory_space<vmem_shared>>)
          tpu.yield
        }) : () -> ()
      } else {
      }
    }
    %scan3A_23 = arith.constant 40 : i32
    %barrier3A_24 = arith.constant 0 : index
    tpu.barrier barrier_id(%barrier3A_24)
    %mul3A_25 = arith.constant 10240 : i32
    %mul3A_26 = arith.muli %arg0, %mul3A_25 : i32
    %add3A_27 = arith.addi %mul3A_26, %mul3A_2 : i32
    %add3A_28 = arith.constant 0 : i32
    %add3A_29 = arith.addi %mul3A_2, %add3A_28 : i32
    "tpu.region"() ({
      %run_scoped3A = tpu.sem_alloc : memref<!tpu.dma_semaphore, #tpu.memory_space<semaphore_mem>>
      %dma_start3A_48 = arith.constant 0 : i32
      %dma_start3A_49 = tpu.memref_slice %arg10[%add3A_29, %dma_start3A_48] : memref<10240x128xf32, #tpu.memory_space<vmem_shared>> -> memref<128x128xf32, #tpu.memory_space<vmem_shared>>
      %dma_start3A_50 = arith.constant 0 : i32
      %dma_start3A_51 = tpu.memref_slice %arg10[%add3A_29, %dma_start3A_50] : memref<10240x128xf32, #tpu.memory_space<vmem_shared>> -> memref<128x128xf32, #tpu.memory_space<vmem_shared>>
      tpu.enqueue_dma source(%dma_start3A_51 : memref<128x128xf32, #tpu.memory_space<vmem_shared>>) target(%arg8 : memref<128x128xf32, #tpu.memory_space<vmem>>) target_semaphore(%run_scoped3A : memref<!tpu.dma_semaphore, #tpu.memory_space<semaphore_mem>>)
      %dma_wait3A = arith.constant 0 : i32
      %dma_wait3A_52 = tpu.memref_slice %arg10[%add3A_29, %dma_wait3A] : memref<10240x128xf32, #tpu.memory_space<vmem_shared>> -> memref<128x128xf32, #tpu.memory_space<vmem_shared>>
      %dma_wait3A_53 = arith.constant 0 : i32
      %dma_wait3A_54 = tpu.memref_slice %arg10[%add3A_29, %dma_wait3A_53] : memref<10240x128xf32, #tpu.memory_space<vmem_shared>> -> memref<128x128xf32, #tpu.memory_space<vmem_shared>>
      tpu.wait_dma2 semaphore(%run_scoped3A : memref<!tpu.dma_semaphore, #tpu.memory_space<semaphore_mem>>) src(%dma_wait3A_54 : memref<128x128xf32, #tpu.memory_space<vmem_shared>>) dst(%arg8 : memref<128x128xf32, #tpu.memory_space<vmem>>)
      tpu.yield
    }) : () -> ()
    %add3A_30 = arith.constant 0 : i32
    %add3A_31 = arith.addi %add3A_27, %add3A_30 : i32
    "tpu.region"() ({
      %run_scoped3A = tpu.sem_alloc : memref<!tpu.dma_semaphore, #tpu.memory_space<semaphore_mem>>
      %dma_start3A_48 = arith.constant 0 : i32
      %dma_start3A_49 = tpu.memref_slice %arg5[%add3A_31, %dma_start3A_48] : memref<20480x128xf32, #tpu.memory_space<hbm>> -> memref<128x128xf32, #tpu.memory_space<hbm>>
      %dma_start3A_50 = arith.constant 0 : i32
      %dma_start3A_51 = tpu.memref_slice %arg5[%add3A_31, %dma_start3A_50] : memref<20480x128xf32, #tpu.memory_space<hbm>> -> memref<128x128xf32, #tpu.memory_space<hbm>>
      tpu.enqueue_dma source(%arg8 : memref<128x128xf32, #tpu.memory_space<vmem>>) target(%dma_start3A_51 : memref<128x128xf32, #tpu.memory_space<hbm>>) target_semaphore(%run_scoped3A : memref<!tpu.dma_semaphore, #tpu.memory_space<semaphore_mem>>)
      %dma_wait3A = arith.constant 0 : i32
      %dma_wait3A_52 = tpu.memref_slice %arg5[%add3A_31, %dma_wait3A] : memref<20480x128xf32, #tpu.memory_space<hbm>> -> memref<128x128xf32, #tpu.memory_space<hbm>>
      %dma_wait3A_53 = arith.constant 0 : i32
      %dma_wait3A_54 = tpu.memref_slice %arg5[%add3A_31, %dma_wait3A_53] : memref<20480x128xf32, #tpu.memory_space<hbm>> -> memref<128x128xf32, #tpu.memory_space<hbm>>
      tpu.wait_dma2 semaphore(%run_scoped3A : memref<!tpu.dma_semaphore, #tpu.memory_space<semaphore_mem>>) src(%arg8 : memref<128x128xf32, #tpu.memory_space<vmem>>) dst(%dma_wait3A_54 : memref<128x128xf32, #tpu.memory_space<hbm>>)
      tpu.yield
    }) : () -> ()
    %add3A_32 = arith.constant 128 : i32
    %add3A_33 = arith.addi %mul3A_2, %add3A_32 : i32
    "tpu.region"() ({
      %run_scoped3A = tpu.sem_alloc : memref<!tpu.dma_semaphore, #tpu.memory_space<semaphore_mem>>
      %dma_start3A_48 = arith.constant 0 : i32
      %dma_start3A_49 = tpu.memref_slice %arg10[%add3A_33, %dma_start3A_48] : memref<10240x128xf32, #tpu.memory_space<vmem_shared>> -> memref<128x128xf32, #tpu.memory_space<vmem_shared>>
      %dma_start3A_50 = arith.constant 0 : i32
      %dma_start3A_51 = tpu.memref_slice %arg10[%add3A_33, %dma_start3A_50] : memref<10240x128xf32, #tpu.memory_space<vmem_shared>> -> memref<128x128xf32, #tpu.memory_space<vmem_shared>>
      tpu.enqueue_dma source(%dma_start3A_51 : memref<128x128xf32, #tpu.memory_space<vmem_shared>>) target(%arg8 : memref<128x128xf32, #tpu.memory_space<vmem>>) target_semaphore(%run_scoped3A : memref<!tpu.dma_semaphore, #tpu.memory_space<semaphore_mem>>)
      %dma_wait3A = arith.constant 0 : i32
      %dma_wait3A_52 = tpu.memref_slice %arg10[%add3A_33, %dma_wait3A] : memref<10240x128xf32, #tpu.memory_space<vmem_shared>> -> memref<128x128xf32, #tpu.memory_space<vmem_shared>>
      %dma_wait3A_53 = arith.constant 0 : i32
      %dma_wait3A_54 = tpu.memref_slice %arg10[%add3A_33, %dma_wait3A_53] : memref<10240x128xf32, #tpu.memory_space<vmem_shared>> -> memref<128x128xf32, #tpu.memory_space<vmem_shared>>
      tpu.wait_dma2 semaphore(%run_scoped3A : memref<!tpu.dma_semaphore, #tpu.memory_space<semaphore_mem>>) src(%dma_wait3A_54 : memref<128x128xf32, #tpu.memory_space<vmem_shared>>) dst(%arg8 : memref<128x128xf32, #tpu.memory_space<vmem>>)
      tpu.yield
    }) : () -> ()
    %add3A_34 = arith.constant 128 : i32
    %add3A_35 = arith.addi %add3A_27, %add3A_34 : i32
    "tpu.region"() ({
      %run_scoped3A = tpu.sem_alloc : memref<!tpu.dma_semaphore, #tpu.memory_space<semaphore_mem>>
      %dma_start3A_48 = arith.constant 0 : i32
      %dma_start3A_49 = tpu.memref_slice %arg5[%add3A_35, %dma_start3A_48] : memref<20480x128xf32, #tpu.memory_space<hbm>> -> memref<128x128xf32, #tpu.memory_space<hbm>>
      %dma_start3A_50 = arith.constant 0 : i32
      %dma_start3A_51 = tpu.memref_slice %arg5[%add3A_35, %dma_start3A_50] : memref<20480x128xf32, #tpu.memory_space<hbm>> -> memref<128x128xf32, #tpu.memory_space<hbm>>
      tpu.enqueue_dma source(%arg8 : memref<128x128xf32, #tpu.memory_space<vmem>>) target(%dma_start3A_51 : memref<128x128xf32, #tpu.memory_space<hbm>>) target_semaphore(%run_scoped3A : memref<!tpu.dma_semaphore, #tpu.memory_space<semaphore_mem>>)
      %dma_wait3A = arith.constant 0 : i32
      %dma_wait3A_52 = tpu.memref_slice %arg5[%add3A_35, %dma_wait3A] : memref<20480x128xf32, #tpu.memory_space<hbm>> -> memref<128x128xf32, #tpu.memory_space<hbm>>
      %dma_wait3A_53 = arith.constant 0 : i32
      %dma_wait3A_54 = tpu.memref_slice %arg5[%add3A_35, %dma_wait3A_53] : memref<20480x128xf32, #tpu.memory_space<hbm>> -> memref<128x128xf32, #tpu.memory_space<hbm>>
      tpu.wait_dma2 semaphore(%run_scoped3A : memref<!tpu.dma_semaphore, #tpu.memory_space<semaphore_mem>>) src(%arg8 : memref<128x128xf32, #tpu.memory_space<vmem>>) dst(%dma_wait3A_54 : memref<128x128xf32, #tpu.memory_space<hbm>>)
      tpu.yield
    }) : () -> ()
    %add3A_36 = arith.constant 256 : i32
    %add3A_37 = arith.addi %mul3A_2, %add3A_36 : i32
    "tpu.region"() ({
      %run_scoped3A = tpu.sem_alloc : memref<!tpu.dma_semaphore, #tpu.memory_space<semaphore_mem>>
      %dma_start3A_48 = arith.constant 0 : i32
      %dma_start3A_49 = tpu.memref_slice %arg10[%add3A_37, %dma_start3A_48] : memref<10240x128xf32, #tpu.memory_space<vmem_shared>> -> memref<128x128xf32, #tpu.memory_space<vmem_shared>>
      %dma_start3A_50 = arith.constant 0 : i32
      %dma_start3A_51 = tpu.memref_slice %arg10[%add3A_37, %dma_start3A_50] : memref<10240x128xf32, #tpu.memory_space<vmem_shared>> -> memref<128x128xf32, #tpu.memory_space<vmem_shared>>
      tpu.enqueue_dma source(%dma_start3A_51 : memref<128x128xf32, #tpu.memory_space<vmem_shared>>) target(%arg8 : memref<128x128xf32, #tpu.memory_space<vmem>>) target_semaphore(%run_scoped3A : memref<!tpu.dma_semaphore, #tpu.memory_space<semaphore_mem>>)
      %dma_wait3A = arith.constant 0 : i32
      %dma_wait3A_52 = tpu.memref_slice %arg10[%add3A_37, %dma_wait3A] : memref<10240x128xf32, #tpu.memory_space<vmem_shared>> -> memref<128x128xf32, #tpu.memory_space<vmem_shared>>
      %dma_wait3A_53 = arith.constant 0 : i32
      %dma_wait3A_54 = tpu.memref_slice %arg10[%add3A_37, %dma_wait3A_53] : memref<10240x128xf32, #tpu.memory_space<vmem_shared>> -> memref<128x128xf32, #tpu.memory_space<vmem_shared>>
      tpu.wait_dma2 semaphore(%run_scoped3A : memref<!tpu.dma_semaphore, #tpu.memory_space<semaphore_mem>>) src(%dma_wait3A_54 : memref<128x128xf32, #tpu.memory_space<vmem_shared>>) dst(%arg8 : memref<128x128xf32, #tpu.memory_space<vmem>>)
      tpu.yield
    }) : () -> ()
    %add3A_38 = arith.constant 256 : i32
    %add3A_39 = arith.addi %add3A_27, %add3A_38 : i32
    "tpu.region"() ({
      %run_scoped3A = tpu.sem_alloc : memref<!tpu.dma_semaphore, #tpu.memory_space<semaphore_mem>>
      %dma_start3A_48 = arith.constant 0 : i32
      %dma_start3A_49 = tpu.memref_slice %arg5[%add3A_39, %dma_start3A_48] : memref<20480x128xf32, #tpu.memory_space<hbm>> -> memref<128x128xf32, #tpu.memory_space<hbm>>
      %dma_start3A_50 = arith.constant 0 : i32
      %dma_start3A_51 = tpu.memref_slice %arg5[%add3A_39, %dma_start3A_50] : memref<20480x128xf32, #tpu.memory_space<hbm>> -> memref<128x128xf32, #tpu.memory_space<hbm>>
      tpu.enqueue_dma source(%arg8 : memref<128x128xf32, #tpu.memory_space<vmem>>) target(%dma_start3A_51 : memref<128x128xf32, #tpu.memory_space<hbm>>) target_semaphore(%run_scoped3A : memref<!tpu.dma_semaphore, #tpu.memory_space<semaphore_mem>>)
      %dma_wait3A = arith.constant 0 : i32
      %dma_wait3A_52 = tpu.memref_slice %arg5[%add3A_39, %dma_wait3A] : memref<20480x128xf32, #tpu.memory_space<hbm>> -> memref<128x128xf32, #tpu.memory_space<hbm>>
      %dma_wait3A_53 = arith.constant 0 : i32
      %dma_wait3A_54 = tpu.memref_slice %arg5[%add3A_39, %dma_wait3A_53] : memref<20480x128xf32, #tpu.memory_space<hbm>> -> memref<128x128xf32, #tpu.memory_space<hbm>>
      tpu.wait_dma2 semaphore(%run_scoped3A : memref<!tpu.dma_semaphore, #tpu.memory_space<semaphore_mem>>) src(%arg8 : memref<128x128xf32, #tpu.memory_space<vmem>>) dst(%dma_wait3A_54 : memref<128x128xf32, #tpu.memory_space<hbm>>)
      tpu.yield
    }) : () -> ()
    %add3A_40 = arith.constant 384 : i32
    %add3A_41 = arith.addi %mul3A_2, %add3A_40 : i32
    "tpu.region"() ({
      %run_scoped3A = tpu.sem_alloc : memref<!tpu.dma_semaphore, #tpu.memory_space<semaphore_mem>>
      %dma_start3A_48 = arith.constant 0 : i32
      %dma_start3A_49 = tpu.memref_slice %arg10[%add3A_41, %dma_start3A_48] : memref<10240x128xf32, #tpu.memory_space<vmem_shared>> -> memref<128x128xf32, #tpu.memory_space<vmem_shared>>
      %dma_start3A_50 = arith.constant 0 : i32
      %dma_start3A_51 = tpu.memref_slice %arg10[%add3A_41, %dma_start3A_50] : memref<10240x128xf32, #tpu.memory_space<vmem_shared>> -> memref<128x128xf32, #tpu.memory_space<vmem_shared>>
      tpu.enqueue_dma source(%dma_start3A_51 : memref<128x128xf32, #tpu.memory_space<vmem_shared>>) target(%arg8 : memref<128x128xf32, #tpu.memory_space<vmem>>) target_semaphore(%run_scoped3A : memref<!tpu.dma_semaphore, #tpu.memory_space<semaphore_mem>>)
      %dma_wait3A = arith.constant 0 : i32
      %dma_wait3A_52 = tpu.memref_slice %arg10[%add3A_41, %dma_wait3A] : memref<10240x128xf32, #tpu.memory_space<vmem_shared>> -> memref<128x128xf32, #tpu.memory_space<vmem_shared>>
      %dma_wait3A_53 = arith.constant 0 : i32
      %dma_wait3A_54 = tpu.memref_slice %arg10[%add3A_41, %dma_wait3A_53] : memref<10240x128xf32, #tpu.memory_space<vmem_shared>> -> memref<128x128xf32, #tpu.memory_space<vmem_shared>>
      tpu.wait_dma2 semaphore(%run_scoped3A : memref<!tpu.dma_semaphore, #tpu.memory_space<semaphore_mem>>) src(%dma_wait3A_54 : memref<128x128xf32, #tpu.memory_space<vmem_shared>>) dst(%arg8 : memref<128x128xf32, #tpu.memory_space<vmem>>)
      tpu.yield
    }) : () -> ()
    %add3A_42 = arith.constant 384 : i32
    %add3A_43 = arith.addi %add3A_27, %add3A_42 : i32
    "tpu.region"() ({
      %run_scoped3A = tpu.sem_alloc : memref<!tpu.dma_semaphore, #tpu.memory_space<semaphore_mem>>
      %dma_start3A_48 = arith.constant 0 : i32
      %dma_start3A_49 = tpu.memref_slice %arg5[%add3A_43, %dma_start3A_48] : memref<20480x128xf32, #tpu.memory_space<hbm>> -> memref<128x128xf32, #tpu.memory_space<hbm>>
      %dma_start3A_50 = arith.constant 0 : i32
      %dma_start3A_51 = tpu.memref_slice %arg5[%add3A_43, %dma_start3A_50] : memref<20480x128xf32, #tpu.memory_space<hbm>> -> memref<128x128xf32, #tpu.memory_space<hbm>>
      tpu.enqueue_dma source(%arg8 : memref<128x128xf32, #tpu.memory_space<vmem>>) target(%dma_start3A_51 : memref<128x128xf32, #tpu.memory_space<hbm>>) target_semaphore(%run_scoped3A : memref<!tpu.dma_semaphore, #tpu.memory_space<semaphore_mem>>)
      %dma_wait3A = arith.constant 0 : i32
      %dma_wait3A_52 = tpu.memref_slice %arg5[%add3A_43, %dma_wait3A] : memref<20480x128xf32, #tpu.memory_space<hbm>> -> memref<128x128xf32, #tpu.memory_space<hbm>>
      %dma_wait3A_53 = arith.constant 0 : i32
      %dma_wait3A_54 = tpu.memref_slice %arg5[%add3A_43, %dma_wait3A_53] : memref<20480x128xf32, #tpu.memory_space<hbm>> -> memref<128x128xf32, #tpu.memory_space<hbm>>
      tpu.wait_dma2 semaphore(%run_scoped3A : memref<!tpu.dma_semaphore, #tpu.memory_space<semaphore_mem>>) src(%arg8 : memref<128x128xf32, #tpu.memory_space<vmem>>) dst(%dma_wait3A_54 : memref<128x128xf32, #tpu.memory_space<hbm>>)
      tpu.yield
    }) : () -> ()
    %add3A_44 = arith.constant 512 : i32
    %add3A_45 = arith.addi %mul3A_2, %add3A_44 : i32
    "tpu.region"() ({
      %run_scoped3A = tpu.sem_alloc : memref<!tpu.dma_semaphore, #tpu.memory_space<semaphore_mem>>
      %dma_start3A_48 = arith.constant 0 : i32
      %dma_start3A_49 = tpu.memref_slice %arg10[%add3A_45, %dma_start3A_48] : memref<10240x128xf32, #tpu.memory_space<vmem_shared>> -> memref<128x128xf32, #tpu.memory_space<vmem_shared>>
      %dma_start3A_50 = arith.constant 0 : i32
      %dma_start3A_51 = tpu.memref_slice %arg10[%add3A_45, %dma_start3A_50] : memref<10240x128xf32, #tpu.memory_space<vmem_shared>> -> memref<128x128xf32, #tpu.memory_space<vmem_shared>>
      tpu.enqueue_dma source(%dma_start3A_51 : memref<128x128xf32, #tpu.memory_space<vmem_shared>>) target(%arg8 : memref<128x128xf32, #tpu.memory_space<vmem>>) target_semaphore(%run_scoped3A : memref<!tpu.dma_semaphore, #tpu.memory_space<semaphore_mem>>)
      %dma_wait3A = arith.constant 0 : i32
      %dma_wait3A_52 = tpu.memref_slice %arg10[%add3A_45, %dma_wait3A] : memref<10240x128xf32, #tpu.memory_space<vmem_shared>> -> memref<128x128xf32, #tpu.memory_space<vmem_shared>>
      %dma_wait3A_53 = arith.constant 0 : i32
      %dma_wait3A_54 = tpu.memref_slice %arg10[%add3A_45, %dma_wait3A_53] : memref<10240x128xf32, #tpu.memory_space<vmem_shared>> -> memref<128x128xf32, #tpu.memory_space<vmem_shared>>
      tpu.wait_dma2 semaphore(%run_scoped3A : memref<!tpu.dma_semaphore, #tpu.memory_space<semaphore_mem>>) src(%dma_wait3A_54 : memref<128x128xf32, #tpu.memory_space<vmem_shared>>) dst(%arg8 : memref<128x128xf32, #tpu.memory_space<vmem>>)
      tpu.yield
    }) : () -> ()
    %add3A_46 = arith.constant 512 : i32
    %add3A_47 = arith.addi %add3A_27, %add3A_46 : i32
    "tpu.region"() ({
      %run_scoped3A = tpu.sem_alloc : memref<!tpu.dma_semaphore, #tpu.memory_space<semaphore_mem>>
      %dma_start3A_48 = arith.constant 0 : i32
      %dma_start3A_49 = tpu.memref_slice %arg5[%add3A_47, %dma_start3A_48] : memref<20480x128xf32, #tpu.memory_space<hbm>> -> memref<128x128xf32, #tpu.memory_space<hbm>>
      %dma_start3A_50 = arith.constant 0 : i32
      %dma_start3A_51 = tpu.memref_slice %arg5[%add3A_47, %dma_start3A_50] : memref<20480x128xf32, #tpu.memory_space<hbm>> -> memref<128x128xf32, #tpu.memory_space<hbm>>
      tpu.enqueue_dma source(%arg8 : memref<128x128xf32, #tpu.memory_space<vmem>>) target(%dma_start3A_51 : memref<128x128xf32, #tpu.memory_space<hbm>>) target_semaphore(%run_scoped3A : memref<!tpu.dma_semaphore, #tpu.memory_space<semaphore_mem>>)
      %dma_wait3A = arith.constant 0 : i32
      %dma_wait3A_52 = tpu.memref_slice %arg5[%add3A_47, %dma_wait3A] : memref<20480x128xf32, #tpu.memory_space<hbm>> -> memref<128x128xf32, #tpu.memory_space<hbm>>
      %dma_wait3A_53 = arith.constant 0 : i32
      %dma_wait3A_54 = tpu.memref_slice %arg5[%add3A_47, %dma_wait3A_53] : memref<20480x128xf32, #tpu.memory_space<hbm>> -> memref<128x128xf32, #tpu.memory_space<hbm>>
      tpu.wait_dma2 semaphore(%run_scoped3A : memref<!tpu.dma_semaphore, #tpu.memory_space<semaphore_mem>>) src(%arg8 : memref<128x128xf32, #tpu.memory_space<vmem>>) dst(%dma_wait3A_54 : memref<128x128xf32, #tpu.memory_space<hbm>>)
      tpu.yield
    }) : () -> ()
    return
  }
}

#map = affine_map<(d0, d1) -> (0, 0)>
module attributes {stable_mosaic.version = 14 : i64} {
  func.func @_degree_body(%arg0: i32, %arg1: i32, %arg2: memref<2560x128xi32, #tpu.memory_space<hbm>>, %arg3: memref<128x128xf32, #tpu.memory_space<hbm>>, %arg4: memref<128x128xf32, #tpu.memory_space<hbm>>, %arg5: memref<20480x128xf32, #tpu.memory_space<hbm>>, %arg6: memref<80x128xi32, #tpu.memory_space<vmem>>, %arg7: memref<128x128xf32, #tpu.memory_space<vmem>>, %arg8: memref<128x128xf32, #tpu.memory_space<vmem>>, %arg9: memref<10240x128xf32, #tpu.memory_space<vmem_shared>>, %arg10: memref<!tpu.dma_semaphore, #tpu.memory_space<semaphore_mem>>) attributes {dimension_semantics = [#tpu.dimension_semantics<core_parallel>, #tpu.dimension_semantics<subcore_parallel>], iteration_bounds = array<i64: 2, 16>, scalar_prefetch = 0 : i64, scratch_operands = 5 : i64, tpu.core_type = #tpu.core_type<sc_vector_subcore>, window_params = [{transform_indices = #map}, {transform_indices = #map}, {transform_indices = #map}, {transform_indices = #map}]} {
    %mul3A = arith.constant 16 : i32
    %mul3A_0 = arith.muli %arg0, %mul3A : i32
    %add3A = arith.addi %mul3A_0, %arg1 : i32
    %mul3A_1 = arith.constant 640 : i32
    %mul3A_2 = arith.muli %arg1, %mul3A_1 : i32
    "tpu.region"() ({
      %run_scoped3A = tpu.sem_alloc : memref<!tpu.dma_semaphore, #tpu.memory_space<semaphore_mem>>
      tpu.enqueue_dma source(%arg4 : memref<128x128xf32, #tpu.memory_space<hbm>>) target(%arg8 : memref<128x128xf32, #tpu.memory_space<vmem>>) target_semaphore(%run_scoped3A : memref<!tpu.dma_semaphore, #tpu.memory_space<semaphore_mem>>)
      tpu.wait_dma2 semaphore(%run_scoped3A : memref<!tpu.dma_semaphore, #tpu.memory_space<semaphore_mem>>) src(%arg4 : memref<128x128xf32, #tpu.memory_space<hbm>>) dst(%arg8 : memref<128x128xf32, #tpu.memory_space<vmem>>)
      tpu.yield
    }) : () -> ()
    %add3A_3 = arith.constant 0 : i32
    %add3A_4 = arith.addi %mul3A_2, %add3A_3 : i32
    "tpu.region"() ({
      %run_scoped3A = tpu.sem_alloc : memref<!tpu.dma_semaphore, #tpu.memory_space<semaphore_mem>>
      %dma_start3A = arith.constant 0 : i32
      %dma_start3A_99 = tpu.memref_slice %arg9[%add3A_4, %dma_start3A] : memref<10240x128xf32, #tpu.memory_space<vmem_shared>> -> memref<128x128xf32, #tpu.memory_space<vmem_shared>>
      %dma_start3A_100 = arith.constant 0 : i32
      %dma_start3A_101 = tpu.memref_slice %arg9[%add3A_4, %dma_start3A_100] : memref<10240x128xf32, #tpu.memory_space<vmem_shared>> -> memref<128x128xf32, #tpu.memory_space<vmem_shared>>
      tpu.enqueue_dma source(%arg8 : memref<128x128xf32, #tpu.memory_space<vmem>>) target(%dma_start3A_101 : memref<128x128xf32, #tpu.memory_space<vmem_shared>>) target_semaphore(%run_scoped3A : memref<!tpu.dma_semaphore, #tpu.memory_space<semaphore_mem>>)
      %dma_wait3A_102 = arith.constant 0 : i32
      %dma_wait3A_103 = tpu.memref_slice %arg9[%add3A_4, %dma_wait3A_102] : memref<10240x128xf32, #tpu.memory_space<vmem_shared>> -> memref<128x128xf32, #tpu.memory_space<vmem_shared>>
      %dma_wait3A_104 = arith.constant 0 : i32
      %dma_wait3A_105 = tpu.memref_slice %arg9[%add3A_4, %dma_wait3A_104] : memref<10240x128xf32, #tpu.memory_space<vmem_shared>> -> memref<128x128xf32, #tpu.memory_space<vmem_shared>>
      tpu.wait_dma2 semaphore(%run_scoped3A : memref<!tpu.dma_semaphore, #tpu.memory_space<semaphore_mem>>) src(%arg8 : memref<128x128xf32, #tpu.memory_space<vmem>>) dst(%dma_wait3A_105 : memref<128x128xf32, #tpu.memory_space<vmem_shared>>)
      tpu.yield
    }) : () -> ()
    %add3A_5 = arith.constant 128 : i32
    %add3A_6 = arith.addi %mul3A_2, %add3A_5 : i32
    "tpu.region"() ({
      %run_scoped3A = tpu.sem_alloc : memref<!tpu.dma_semaphore, #tpu.memory_space<semaphore_mem>>
      %dma_start3A = arith.constant 0 : i32
      %dma_start3A_99 = tpu.memref_slice %arg9[%add3A_6, %dma_start3A] : memref<10240x128xf32, #tpu.memory_space<vmem_shared>> -> memref<128x128xf32, #tpu.memory_space<vmem_shared>>
      %dma_start3A_100 = arith.constant 0 : i32
      %dma_start3A_101 = tpu.memref_slice %arg9[%add3A_6, %dma_start3A_100] : memref<10240x128xf32, #tpu.memory_space<vmem_shared>> -> memref<128x128xf32, #tpu.memory_space<vmem_shared>>
      tpu.enqueue_dma source(%arg8 : memref<128x128xf32, #tpu.memory_space<vmem>>) target(%dma_start3A_101 : memref<128x128xf32, #tpu.memory_space<vmem_shared>>) target_semaphore(%run_scoped3A : memref<!tpu.dma_semaphore, #tpu.memory_space<semaphore_mem>>)
      %dma_wait3A_102 = arith.constant 0 : i32
      %dma_wait3A_103 = tpu.memref_slice %arg9[%add3A_6, %dma_wait3A_102] : memref<10240x128xf32, #tpu.memory_space<vmem_shared>> -> memref<128x128xf32, #tpu.memory_space<vmem_shared>>
      %dma_wait3A_104 = arith.constant 0 : i32
      %dma_wait3A_105 = tpu.memref_slice %arg9[%add3A_6, %dma_wait3A_104] : memref<10240x128xf32, #tpu.memory_space<vmem_shared>> -> memref<128x128xf32, #tpu.memory_space<vmem_shared>>
      tpu.wait_dma2 semaphore(%run_scoped3A : memref<!tpu.dma_semaphore, #tpu.memory_space<semaphore_mem>>) src(%arg8 : memref<128x128xf32, #tpu.memory_space<vmem>>) dst(%dma_wait3A_105 : memref<128x128xf32, #tpu.memory_space<vmem_shared>>)
      tpu.yield
    }) : () -> ()
    %add3A_7 = arith.constant 256 : i32
    %add3A_8 = arith.addi %mul3A_2, %add3A_7 : i32
    "tpu.region"() ({
      %run_scoped3A = tpu.sem_alloc : memref<!tpu.dma_semaphore, #tpu.memory_space<semaphore_mem>>
      %dma_start3A = arith.constant 0 : i32
      %dma_start3A_99 = tpu.memref_slice %arg9[%add3A_8, %dma_start3A] : memref<10240x128xf32, #tpu.memory_space<vmem_shared>> -> memref<128x128xf32, #tpu.memory_space<vmem_shared>>
      %dma_start3A_100 = arith.constant 0 : i32
      %dma_start3A_101 = tpu.memref_slice %arg9[%add3A_8, %dma_start3A_100] : memref<10240x128xf32, #tpu.memory_space<vmem_shared>> -> memref<128x128xf32, #tpu.memory_space<vmem_shared>>
      tpu.enqueue_dma source(%arg8 : memref<128x128xf32, #tpu.memory_space<vmem>>) target(%dma_start3A_101 : memref<128x128xf32, #tpu.memory_space<vmem_shared>>) target_semaphore(%run_scoped3A : memref<!tpu.dma_semaphore, #tpu.memory_space<semaphore_mem>>)
      %dma_wait3A_102 = arith.constant 0 : i32
      %dma_wait3A_103 = tpu.memref_slice %arg9[%add3A_8, %dma_wait3A_102] : memref<10240x128xf32, #tpu.memory_space<vmem_shared>> -> memref<128x128xf32, #tpu.memory_space<vmem_shared>>
      %dma_wait3A_104 = arith.constant 0 : i32
      %dma_wait3A_105 = tpu.memref_slice %arg9[%add3A_8, %dma_wait3A_104] : memref<10240x128xf32, #tpu.memory_space<vmem_shared>> -> memref<128x128xf32, #tpu.memory_space<vmem_shared>>
      tpu.wait_dma2 semaphore(%run_scoped3A : memref<!tpu.dma_semaphore, #tpu.memory_space<semaphore_mem>>) src(%arg8 : memref<128x128xf32, #tpu.memory_space<vmem>>) dst(%dma_wait3A_105 : memref<128x128xf32, #tpu.memory_space<vmem_shared>>)
      tpu.yield
    }) : () -> ()
    %add3A_9 = arith.constant 384 : i32
    %add3A_10 = arith.addi %mul3A_2, %add3A_9 : i32
    "tpu.region"() ({
      %run_scoped3A = tpu.sem_alloc : memref<!tpu.dma_semaphore, #tpu.memory_space<semaphore_mem>>
      %dma_start3A = arith.constant 0 : i32
      %dma_start3A_99 = tpu.memref_slice %arg9[%add3A_10, %dma_start3A] : memref<10240x128xf32, #tpu.memory_space<vmem_shared>> -> memref<128x128xf32, #tpu.memory_space<vmem_shared>>
      %dma_start3A_100 = arith.constant 0 : i32
      %dma_start3A_101 = tpu.memref_slice %arg9[%add3A_10, %dma_start3A_100] : memref<10240x128xf32, #tpu.memory_space<vmem_shared>> -> memref<128x128xf32, #tpu.memory_space<vmem_shared>>
      tpu.enqueue_dma source(%arg8 : memref<128x128xf32, #tpu.memory_space<vmem>>) target(%dma_start3A_101 : memref<128x128xf32, #tpu.memory_space<vmem_shared>>) target_semaphore(%run_scoped3A : memref<!tpu.dma_semaphore, #tpu.memory_space<semaphore_mem>>)
      %dma_wait3A_102 = arith.constant 0 : i32
      %dma_wait3A_103 = tpu.memref_slice %arg9[%add3A_10, %dma_wait3A_102] : memref<10240x128xf32, #tpu.memory_space<vmem_shared>> -> memref<128x128xf32, #tpu.memory_space<vmem_shared>>
      %dma_wait3A_104 = arith.constant 0 : i32
      %dma_wait3A_105 = tpu.memref_slice %arg9[%add3A_10, %dma_wait3A_104] : memref<10240x128xf32, #tpu.memory_space<vmem_shared>> -> memref<128x128xf32, #tpu.memory_space<vmem_shared>>
      tpu.wait_dma2 semaphore(%run_scoped3A : memref<!tpu.dma_semaphore, #tpu.memory_space<semaphore_mem>>) src(%arg8 : memref<128x128xf32, #tpu.memory_space<vmem>>) dst(%dma_wait3A_105 : memref<128x128xf32, #tpu.memory_space<vmem_shared>>)
      tpu.yield
    }) : () -> ()
    %add3A_11 = arith.constant 512 : i32
    %add3A_12 = arith.addi %mul3A_2, %add3A_11 : i32
    "tpu.region"() ({
      %run_scoped3A = tpu.sem_alloc : memref<!tpu.dma_semaphore, #tpu.memory_space<semaphore_mem>>
      %dma_start3A = arith.constant 0 : i32
      %dma_start3A_99 = tpu.memref_slice %arg9[%add3A_12, %dma_start3A] : memref<10240x128xf32, #tpu.memory_space<vmem_shared>> -> memref<128x128xf32, #tpu.memory_space<vmem_shared>>
      %dma_start3A_100 = arith.constant 0 : i32
      %dma_start3A_101 = tpu.memref_slice %arg9[%add3A_12, %dma_start3A_100] : memref<10240x128xf32, #tpu.memory_space<vmem_shared>> -> memref<128x128xf32, #tpu.memory_space<vmem_shared>>
      tpu.enqueue_dma source(%arg8 : memref<128x128xf32, #tpu.memory_space<vmem>>) target(%dma_start3A_101 : memref<128x128xf32, #tpu.memory_space<vmem_shared>>) target_semaphore(%run_scoped3A : memref<!tpu.dma_semaphore, #tpu.memory_space<semaphore_mem>>)
      %dma_wait3A_102 = arith.constant 0 : i32
      %dma_wait3A_103 = tpu.memref_slice %arg9[%add3A_12, %dma_wait3A_102] : memref<10240x128xf32, #tpu.memory_space<vmem_shared>> -> memref<128x128xf32, #tpu.memory_space<vmem_shared>>
      %dma_wait3A_104 = arith.constant 0 : i32
      %dma_wait3A_105 = tpu.memref_slice %arg9[%add3A_12, %dma_wait3A_104] : memref<10240x128xf32, #tpu.memory_space<vmem_shared>> -> memref<128x128xf32, #tpu.memory_space<vmem_shared>>
      tpu.wait_dma2 semaphore(%run_scoped3A : memref<!tpu.dma_semaphore, #tpu.memory_space<semaphore_mem>>) src(%arg8 : memref<128x128xf32, #tpu.memory_space<vmem>>) dst(%dma_wait3A_105 : memref<128x128xf32, #tpu.memory_space<vmem_shared>>)
      tpu.yield
    }) : () -> ()
    "tpu.region"() ({
      %run_scoped3A = tpu.sem_alloc : memref<!tpu.dma_semaphore, #tpu.memory_space<semaphore_mem>>
      tpu.enqueue_dma source(%arg3 : memref<128x128xf32, #tpu.memory_space<hbm>>) target(%arg7 : memref<128x128xf32, #tpu.memory_space<vmem>>) target_semaphore(%run_scoped3A : memref<!tpu.dma_semaphore, #tpu.memory_space<semaphore_mem>>)
      tpu.wait_dma2 semaphore(%run_scoped3A : memref<!tpu.dma_semaphore, #tpu.memory_space<semaphore_mem>>) src(%arg3 : memref<128x128xf32, #tpu.memory_space<hbm>>) dst(%arg7 : memref<128x128xf32, #tpu.memory_space<vmem>>)
      tpu.yield
    }) : () -> ()
    %mul3A_13 = arith.constant 80 : i32
    %mul3A_14 = arith.muli %add3A, %mul3A_13 : i32
    "tpu.region"() ({
      %run_scoped3A = tpu.sem_alloc : memref<!tpu.dma_semaphore, #tpu.memory_space<semaphore_mem>>
      %dma_start3A = arith.constant 0 : i32
      %dma_start3A_99 = tpu.memref_slice %arg2[%mul3A_14, %dma_start3A] : memref<2560x128xi32, #tpu.memory_space<hbm>> -> memref<80x128xi32, #tpu.memory_space<hbm>>
      %dma_start3A_100 = arith.constant 0 : i32
      %dma_start3A_101 = tpu.memref_slice %arg2[%mul3A_14, %dma_start3A_100] : memref<2560x128xi32, #tpu.memory_space<hbm>> -> memref<80x128xi32, #tpu.memory_space<hbm>>
      tpu.enqueue_dma source(%dma_start3A_101 : memref<80x128xi32, #tpu.memory_space<hbm>>) target(%arg6 : memref<80x128xi32, #tpu.memory_space<vmem>>) target_semaphore(%run_scoped3A : memref<!tpu.dma_semaphore, #tpu.memory_space<semaphore_mem>>)
      %dma_wait3A_102 = arith.constant 0 : i32
      %dma_wait3A_103 = tpu.memref_slice %arg2[%mul3A_14, %dma_wait3A_102] : memref<2560x128xi32, #tpu.memory_space<hbm>> -> memref<80x128xi32, #tpu.memory_space<hbm>>
      %dma_wait3A_104 = arith.constant 0 : i32
      %dma_wait3A_105 = tpu.memref_slice %arg2[%mul3A_14, %dma_wait3A_104] : memref<2560x128xi32, #tpu.memory_space<hbm>> -> memref<80x128xi32, #tpu.memory_space<hbm>>
      tpu.wait_dma2 semaphore(%run_scoped3A : memref<!tpu.dma_semaphore, #tpu.memory_space<semaphore_mem>>) src(%dma_wait3A_105 : memref<80x128xi32, #tpu.memory_space<hbm>>) dst(%arg6 : memref<80x128xi32, #tpu.memory_space<vmem>>)
      tpu.yield
    }) : () -> ()
    %barrier3A = arith.constant 0 : index
    tpu.barrier barrier_id(%barrier3A)
    %scan3A = arith.constant 0 : i32
    %scan3A_15 = arith.constant 0 : i32
    %scan3A_16 = arith.constant 80 : i32
    %scan3A_17 = arith.addi %scan3A_15, %scan3A_16 : i32
    %scan3A_18 = arith.constant 1 : i32
    scf.for %scan3A_99 = %scan3A_15 to %scan3A_17 step %scan3A_18  : i32 {
      %dma_start3A = arith.constant 0 : i32
      %dma_start3A_100 = tpu.memref_slice %arg6[%scan3A_99, %dma_start3A] : memref<80x128xi32, #tpu.memory_space<vmem>> -> memref<1x128xi32, #tpu.memory_space<vmem>>
      %dma_start3A_101 = tpu.memref_squeeze %dma_start3A_100 : memref<1x128xi32, #tpu.memory_space<vmem>> -> memref<128xi32, #tpu.memory_space<vmem>>
      %dma_start3A_102 = arith.constant 0 : i32
      %dma_start3A_103 = arith.constant 0 : i32
      %dma_start3A_104 = tpu.memref_slice %arg9[%dma_start3A_102, %dma_start3A_103] : memref<10240x128xf32, #tpu.memory_space<vmem_shared>> -> memref<10240x128xf32, #tpu.memory_space<vmem_shared>>
      tpu.enqueue_indirect_dma source(%arg7 : memref<128x128xf32, #tpu.memory_space<vmem>>) target(%dma_start3A_104 : memref<10240x128xf32, #tpu.memory_space<vmem_shared>>) offsets(%dma_start3A_101 : memref<128xi32, #tpu.memory_space<vmem>>) semaphore(%arg10 : memref<!tpu.dma_semaphore, #tpu.memory_space<semaphore_mem>>) {add = true}
      %ge3A = arith.constant 8 : i32
      %ge3A_105 = arith.cmpi sge, %scan3A_99, %ge3A : i32
      %convert_element_type3A = arith.extui %ge3A_105 : i1 to i32
      %cond3A = arith.constant 0 : i32
      %cond3A_106 = arith.cmpi ne, %convert_element_type3A, %cond3A : i32
      scf.if %cond3A_106 {
        %dma_wait3A_107 = arith.constant 0 : i32
        %dma_wait3A_108 = arith.constant 0 : i32
        %dma_wait3A_109 = tpu.memref_slice %arg6[%dma_wait3A_107, %dma_wait3A_108] : memref<80x128xi32, #tpu.memory_space<vmem>> -> memref<1x128xi32, #tpu.memory_space<vmem>>
        %dma_wait3A_110 = tpu.memref_squeeze %dma_wait3A_109 : memref<1x128xi32, #tpu.memory_space<vmem>> -> memref<128xi32, #tpu.memory_space<vmem>>
        %dma_wait3A_111 = arith.constant 0 : i32
        %dma_wait3A_112 = arith.constant 0 : i32
        %dma_wait3A_113 = tpu.memref_slice %arg9[%dma_wait3A_111, %dma_wait3A_112] : memref<10240x128xf32, #tpu.memory_space<vmem_shared>> -> memref<10240x128xf32, #tpu.memory_space<vmem_shared>>
        tpu.wait_indirect_dma semaphore(%arg10 : memref<!tpu.dma_semaphore, #tpu.memory_space<semaphore_mem>>) src(%arg7 : memref<128x128xf32, #tpu.memory_space<vmem>>) dst(%dma_wait3A_113 : memref<10240x128xf32, #tpu.memory_space<vmem_shared>>)
      } else {
      }
    }
    %scan3A_19 = arith.constant 80 : i32
    %dma_wait3A = arith.constant 0 : i32
    %dma_wait3A_20 = arith.constant 0 : i32
    %dma_wait3A_21 = tpu.memref_slice %arg6[%dma_wait3A, %dma_wait3A_20] : memref<80x128xi32, #tpu.memory_space<vmem>> -> memref<1x128xi32, #tpu.memory_space<vmem>>
    %dma_wait3A_22 = tpu.memref_squeeze %dma_wait3A_21 : memref<1x128xi32, #tpu.memory_space<vmem>> -> memref<128xi32, #tpu.memory_space<vmem>>
    %dma_wait3A_23 = arith.constant 0 : i32
    %dma_wait3A_24 = arith.constant 0 : i32
    %dma_wait3A_25 = tpu.memref_slice %arg9[%dma_wait3A_23, %dma_wait3A_24] : memref<10240x128xf32, #tpu.memory_space<vmem_shared>> -> memref<10240x128xf32, #tpu.memory_space<vmem_shared>>
    tpu.wait_indirect_dma semaphore(%arg10 : memref<!tpu.dma_semaphore, #tpu.memory_space<semaphore_mem>>) src(%arg7 : memref<128x128xf32, #tpu.memory_space<vmem>>) dst(%dma_wait3A_25 : memref<10240x128xf32, #tpu.memory_space<vmem_shared>>)
    %dma_wait3A_26 = arith.constant 0 : i32
    %dma_wait3A_27 = arith.constant 0 : i32
    %dma_wait3A_28 = tpu.memref_slice %arg6[%dma_wait3A_26, %dma_wait3A_27] : memref<80x128xi32, #tpu.memory_space<vmem>> -> memref<1x128xi32, #tpu.memory_space<vmem>>
    %dma_wait3A_29 = tpu.memref_squeeze %dma_wait3A_28 : memref<1x128xi32, #tpu.memory_space<vmem>> -> memref<128xi32, #tpu.memory_space<vmem>>
    %dma_wait3A_30 = arith.constant 0 : i32
    %dma_wait3A_31 = arith.constant 0 : i32
    %dma_wait3A_32 = tpu.memref_slice %arg9[%dma_wait3A_30, %dma_wait3A_31] : memref<10240x128xf32, #tpu.memory_space<vmem_shared>> -> memref<10240x128xf32, #tpu.memory_space<vmem_shared>>
    tpu.wait_indirect_dma semaphore(%arg10 : memref<!tpu.dma_semaphore, #tpu.memory_space<semaphore_mem>>) src(%arg7 : memref<128x128xf32, #tpu.memory_space<vmem>>) dst(%dma_wait3A_32 : memref<10240x128xf32, #tpu.memory_space<vmem_shared>>)
    %dma_wait3A_33 = arith.constant 0 : i32
    %dma_wait3A_34 = arith.constant 0 : i32
    %dma_wait3A_35 = tpu.memref_slice %arg6[%dma_wait3A_33, %dma_wait3A_34] : memref<80x128xi32, #tpu.memory_space<vmem>> -> memref<1x128xi32, #tpu.memory_space<vmem>>
    %dma_wait3A_36 = tpu.memref_squeeze %dma_wait3A_35 : memref<1x128xi32, #tpu.memory_space<vmem>> -> memref<128xi32, #tpu.memory_space<vmem>>
    %dma_wait3A_37 = arith.constant 0 : i32
    %dma_wait3A_38 = arith.constant 0 : i32
    %dma_wait3A_39 = tpu.memref_slice %arg9[%dma_wait3A_37, %dma_wait3A_38] : memref<10240x128xf32, #tpu.memory_space<vmem_shared>> -> memref<10240x128xf32, #tpu.memory_space<vmem_shared>>
    tpu.wait_indirect_dma semaphore(%arg10 : memref<!tpu.dma_semaphore, #tpu.memory_space<semaphore_mem>>) src(%arg7 : memref<128x128xf32, #tpu.memory_space<vmem>>) dst(%dma_wait3A_39 : memref<10240x128xf32, #tpu.memory_space<vmem_shared>>)
    %dma_wait3A_40 = arith.constant 0 : i32
    %dma_wait3A_41 = arith.constant 0 : i32
    %dma_wait3A_42 = tpu.memref_slice %arg6[%dma_wait3A_40, %dma_wait3A_41] : memref<80x128xi32, #tpu.memory_space<vmem>> -> memref<1x128xi32, #tpu.memory_space<vmem>>
    %dma_wait3A_43 = tpu.memref_squeeze %dma_wait3A_42 : memref<1x128xi32, #tpu.memory_space<vmem>> -> memref<128xi32, #tpu.memory_space<vmem>>
    %dma_wait3A_44 = arith.constant 0 : i32
    %dma_wait3A_45 = arith.constant 0 : i32
    %dma_wait3A_46 = tpu.memref_slice %arg9[%dma_wait3A_44, %dma_wait3A_45] : memref<10240x128xf32, #tpu.memory_space<vmem_shared>> -> memref<10240x128xf32, #tpu.memory_space<vmem_shared>>
    tpu.wait_indirect_dma semaphore(%arg10 : memref<!tpu.dma_semaphore, #tpu.memory_space<semaphore_mem>>) src(%arg7 : memref<128x128xf32, #tpu.memory_space<vmem>>) dst(%dma_wait3A_46 : memref<10240x128xf32, #tpu.memory_space<vmem_shared>>)
    %dma_wait3A_47 = arith.constant 0 : i32
    %dma_wait3A_48 = arith.constant 0 : i32
    %dma_wait3A_49 = tpu.memref_slice %arg6[%dma_wait3A_47, %dma_wait3A_48] : memref<80x128xi32, #tpu.memory_space<vmem>> -> memref<1x128xi32, #tpu.memory_space<vmem>>
    %dma_wait3A_50 = tpu.memref_squeeze %dma_wait3A_49 : memref<1x128xi32, #tpu.memory_space<vmem>> -> memref<128xi32, #tpu.memory_space<vmem>>
    %dma_wait3A_51 = arith.constant 0 : i32
    %dma_wait3A_52 = arith.constant 0 : i32
    %dma_wait3A_53 = tpu.memref_slice %arg9[%dma_wait3A_51, %dma_wait3A_52] : memref<10240x128xf32, #tpu.memory_space<vmem_shared>> -> memref<10240x128xf32, #tpu.memory_space<vmem_shared>>
    tpu.wait_indirect_dma semaphore(%arg10 : memref<!tpu.dma_semaphore, #tpu.memory_space<semaphore_mem>>) src(%arg7 : memref<128x128xf32, #tpu.memory_space<vmem>>) dst(%dma_wait3A_53 : memref<10240x128xf32, #tpu.memory_space<vmem_shared>>)
    %dma_wait3A_54 = arith.constant 0 : i32
    %dma_wait3A_55 = arith.constant 0 : i32
    %dma_wait3A_56 = tpu.memref_slice %arg6[%dma_wait3A_54, %dma_wait3A_55] : memref<80x128xi32, #tpu.memory_space<vmem>> -> memref<1x128xi32, #tpu.memory_space<vmem>>
    %dma_wait3A_57 = tpu.memref_squeeze %dma_wait3A_56 : memref<1x128xi32, #tpu.memory_space<vmem>> -> memref<128xi32, #tpu.memory_space<vmem>>
    %dma_wait3A_58 = arith.constant 0 : i32
    %dma_wait3A_59 = arith.constant 0 : i32
    %dma_wait3A_60 = tpu.memref_slice %arg9[%dma_wait3A_58, %dma_wait3A_59] : memref<10240x128xf32, #tpu.memory_space<vmem_shared>> -> memref<10240x128xf32, #tpu.memory_space<vmem_shared>>
    tpu.wait_indirect_dma semaphore(%arg10 : memref<!tpu.dma_semaphore, #tpu.memory_space<semaphore_mem>>) src(%arg7 : memref<128x128xf32, #tpu.memory_space<vmem>>) dst(%dma_wait3A_60 : memref<10240x128xf32, #tpu.memory_space<vmem_shared>>)
    %dma_wait3A_61 = arith.constant 0 : i32
    %dma_wait3A_62 = arith.constant 0 : i32
    %dma_wait3A_63 = tpu.memref_slice %arg6[%dma_wait3A_61, %dma_wait3A_62] : memref<80x128xi32, #tpu.memory_space<vmem>> -> memref<1x128xi32, #tpu.memory_space<vmem>>
    %dma_wait3A_64 = tpu.memref_squeeze %dma_wait3A_63 : memref<1x128xi32, #tpu.memory_space<vmem>> -> memref<128xi32, #tpu.memory_space<vmem>>
    %dma_wait3A_65 = arith.constant 0 : i32
    %dma_wait3A_66 = arith.constant 0 : i32
    %dma_wait3A_67 = tpu.memref_slice %arg9[%dma_wait3A_65, %dma_wait3A_66] : memref<10240x128xf32, #tpu.memory_space<vmem_shared>> -> memref<10240x128xf32, #tpu.memory_space<vmem_shared>>
    tpu.wait_indirect_dma semaphore(%arg10 : memref<!tpu.dma_semaphore, #tpu.memory_space<semaphore_mem>>) src(%arg7 : memref<128x128xf32, #tpu.memory_space<vmem>>) dst(%dma_wait3A_67 : memref<10240x128xf32, #tpu.memory_space<vmem_shared>>)
    %dma_wait3A_68 = arith.constant 0 : i32
    %dma_wait3A_69 = arith.constant 0 : i32
    %dma_wait3A_70 = tpu.memref_slice %arg6[%dma_wait3A_68, %dma_wait3A_69] : memref<80x128xi32, #tpu.memory_space<vmem>> -> memref<1x128xi32, #tpu.memory_space<vmem>>
    %dma_wait3A_71 = tpu.memref_squeeze %dma_wait3A_70 : memref<1x128xi32, #tpu.memory_space<vmem>> -> memref<128xi32, #tpu.memory_space<vmem>>
    %dma_wait3A_72 = arith.constant 0 : i32
    %dma_wait3A_73 = arith.constant 0 : i32
    %dma_wait3A_74 = tpu.memref_slice %arg9[%dma_wait3A_72, %dma_wait3A_73] : memref<10240x128xf32, #tpu.memory_space<vmem_shared>> -> memref<10240x128xf32, #tpu.memory_space<vmem_shared>>
    tpu.wait_indirect_dma semaphore(%arg10 : memref<!tpu.dma_semaphore, #tpu.memory_space<semaphore_mem>>) src(%arg7 : memref<128x128xf32, #tpu.memory_space<vmem>>) dst(%dma_wait3A_74 : memref<10240x128xf32, #tpu.memory_space<vmem_shared>>)
    %barrier3A_75 = arith.constant 0 : index
    tpu.barrier barrier_id(%barrier3A_75)
    %mul3A_76 = arith.constant 10240 : i32
    %mul3A_77 = arith.muli %arg0, %mul3A_76 : i32
    %add3A_78 = arith.addi %mul3A_77, %mul3A_2 : i32
    %add3A_79 = arith.constant 0 : i32
    %add3A_80 = arith.addi %mul3A_2, %add3A_79 : i32
    "tpu.region"() ({
      %run_scoped3A = tpu.sem_alloc : memref<!tpu.dma_semaphore, #tpu.memory_space<semaphore_mem>>
      %dma_start3A = arith.constant 0 : i32
      %dma_start3A_99 = tpu.memref_slice %arg9[%add3A_80, %dma_start3A] : memref<10240x128xf32, #tpu.memory_space<vmem_shared>> -> memref<128x128xf32, #tpu.memory_space<vmem_shared>>
      %dma_start3A_100 = arith.constant 0 : i32
      %dma_start3A_101 = tpu.memref_slice %arg9[%add3A_80, %dma_start3A_100] : memref<10240x128xf32, #tpu.memory_space<vmem_shared>> -> memref<128x128xf32, #tpu.memory_space<vmem_shared>>
      tpu.enqueue_dma source(%dma_start3A_101 : memref<128x128xf32, #tpu.memory_space<vmem_shared>>) target(%arg8 : memref<128x128xf32, #tpu.memory_space<vmem>>) target_semaphore(%run_scoped3A : memref<!tpu.dma_semaphore, #tpu.memory_space<semaphore_mem>>)
      %dma_wait3A_102 = arith.constant 0 : i32
      %dma_wait3A_103 = tpu.memref_slice %arg9[%add3A_80, %dma_wait3A_102] : memref<10240x128xf32, #tpu.memory_space<vmem_shared>> -> memref<128x128xf32, #tpu.memory_space<vmem_shared>>
      %dma_wait3A_104 = arith.constant 0 : i32
      %dma_wait3A_105 = tpu.memref_slice %arg9[%add3A_80, %dma_wait3A_104] : memref<10240x128xf32, #tpu.memory_space<vmem_shared>> -> memref<128x128xf32, #tpu.memory_space<vmem_shared>>
      tpu.wait_dma2 semaphore(%run_scoped3A : memref<!tpu.dma_semaphore, #tpu.memory_space<semaphore_mem>>) src(%dma_wait3A_105 : memref<128x128xf32, #tpu.memory_space<vmem_shared>>) dst(%arg8 : memref<128x128xf32, #tpu.memory_space<vmem>>)
      tpu.yield
    }) : () -> ()
    %add3A_81 = arith.constant 0 : i32
    %add3A_82 = arith.addi %add3A_78, %add3A_81 : i32
    "tpu.region"() ({
      %run_scoped3A = tpu.sem_alloc : memref<!tpu.dma_semaphore, #tpu.memory_space<semaphore_mem>>
      %dma_start3A = arith.constant 0 : i32
      %dma_start3A_99 = tpu.memref_slice %arg5[%add3A_82, %dma_start3A] : memref<20480x128xf32, #tpu.memory_space<hbm>> -> memref<128x128xf32, #tpu.memory_space<hbm>>
      %dma_start3A_100 = arith.constant 0 : i32
      %dma_start3A_101 = tpu.memref_slice %arg5[%add3A_82, %dma_start3A_100] : memref<20480x128xf32, #tpu.memory_space<hbm>> -> memref<128x128xf32, #tpu.memory_space<hbm>>
      tpu.enqueue_dma source(%arg8 : memref<128x128xf32, #tpu.memory_space<vmem>>) target(%dma_start3A_101 : memref<128x128xf32, #tpu.memory_space<hbm>>) target_semaphore(%run_scoped3A : memref<!tpu.dma_semaphore, #tpu.memory_space<semaphore_mem>>)
      %dma_wait3A_102 = arith.constant 0 : i32
      %dma_wait3A_103 = tpu.memref_slice %arg5[%add3A_82, %dma_wait3A_102] : memref<20480x128xf32, #tpu.memory_space<hbm>> -> memref<128x128xf32, #tpu.memory_space<hbm>>
      %dma_wait3A_104 = arith.constant 0 : i32
      %dma_wait3A_105 = tpu.memref_slice %arg5[%add3A_82, %dma_wait3A_104] : memref<20480x128xf32, #tpu.memory_space<hbm>> -> memref<128x128xf32, #tpu.memory_space<hbm>>
      tpu.wait_dma2 semaphore(%run_scoped3A : memref<!tpu.dma_semaphore, #tpu.memory_space<semaphore_mem>>) src(%arg8 : memref<128x128xf32, #tpu.memory_space<vmem>>) dst(%dma_wait3A_105 : memref<128x128xf32, #tpu.memory_space<hbm>>)
      tpu.yield
    }) : () -> ()
    %add3A_83 = arith.constant 128 : i32
    %add3A_84 = arith.addi %mul3A_2, %add3A_83 : i32
    "tpu.region"() ({
      %run_scoped3A = tpu.sem_alloc : memref<!tpu.dma_semaphore, #tpu.memory_space<semaphore_mem>>
      %dma_start3A = arith.constant 0 : i32
      %dma_start3A_99 = tpu.memref_slice %arg9[%add3A_84, %dma_start3A] : memref<10240x128xf32, #tpu.memory_space<vmem_shared>> -> memref<128x128xf32, #tpu.memory_space<vmem_shared>>
      %dma_start3A_100 = arith.constant 0 : i32
      %dma_start3A_101 = tpu.memref_slice %arg9[%add3A_84, %dma_start3A_100] : memref<10240x128xf32, #tpu.memory_space<vmem_shared>> -> memref<128x128xf32, #tpu.memory_space<vmem_shared>>
      tpu.enqueue_dma source(%dma_start3A_101 : memref<128x128xf32, #tpu.memory_space<vmem_shared>>) target(%arg8 : memref<128x128xf32, #tpu.memory_space<vmem>>) target_semaphore(%run_scoped3A : memref<!tpu.dma_semaphore, #tpu.memory_space<semaphore_mem>>)
      %dma_wait3A_102 = arith.constant 0 : i32
      %dma_wait3A_103 = tpu.memref_slice %arg9[%add3A_84, %dma_wait3A_102] : memref<10240x128xf32, #tpu.memory_space<vmem_shared>> -> memref<128x128xf32, #tpu.memory_space<vmem_shared>>
      %dma_wait3A_104 = arith.constant 0 : i32
      %dma_wait3A_105 = tpu.memref_slice %arg9[%add3A_84, %dma_wait3A_104] : memref<10240x128xf32, #tpu.memory_space<vmem_shared>> -> memref<128x128xf32, #tpu.memory_space<vmem_shared>>
      tpu.wait_dma2 semaphore(%run_scoped3A : memref<!tpu.dma_semaphore, #tpu.memory_space<semaphore_mem>>) src(%dma_wait3A_105 : memref<128x128xf32, #tpu.memory_space<vmem_shared>>) dst(%arg8 : memref<128x128xf32, #tpu.memory_space<vmem>>)
      tpu.yield
    }) : () -> ()
    %add3A_85 = arith.constant 128 : i32
    %add3A_86 = arith.addi %add3A_78, %add3A_85 : i32
    "tpu.region"() ({
      %run_scoped3A = tpu.sem_alloc : memref<!tpu.dma_semaphore, #tpu.memory_space<semaphore_mem>>
      %dma_start3A = arith.constant 0 : i32
      %dma_start3A_99 = tpu.memref_slice %arg5[%add3A_86, %dma_start3A] : memref<20480x128xf32, #tpu.memory_space<hbm>> -> memref<128x128xf32, #tpu.memory_space<hbm>>
      %dma_start3A_100 = arith.constant 0 : i32
      %dma_start3A_101 = tpu.memref_slice %arg5[%add3A_86, %dma_start3A_100] : memref<20480x128xf32, #tpu.memory_space<hbm>> -> memref<128x128xf32, #tpu.memory_space<hbm>>
      tpu.enqueue_dma source(%arg8 : memref<128x128xf32, #tpu.memory_space<vmem>>) target(%dma_start3A_101 : memref<128x128xf32, #tpu.memory_space<hbm>>) target_semaphore(%run_scoped3A : memref<!tpu.dma_semaphore, #tpu.memory_space<semaphore_mem>>)
      %dma_wait3A_102 = arith.constant 0 : i32
      %dma_wait3A_103 = tpu.memref_slice %arg5[%add3A_86, %dma_wait3A_102] : memref<20480x128xf32, #tpu.memory_space<hbm>> -> memref<128x128xf32, #tpu.memory_space<hbm>>
      %dma_wait3A_104 = arith.constant 0 : i32
      %dma_wait3A_105 = tpu.memref_slice %arg5[%add3A_86, %dma_wait3A_104] : memref<20480x128xf32, #tpu.memory_space<hbm>> -> memref<128x128xf32, #tpu.memory_space<hbm>>
      tpu.wait_dma2 semaphore(%run_scoped3A : memref<!tpu.dma_semaphore, #tpu.memory_space<semaphore_mem>>) src(%arg8 : memref<128x128xf32, #tpu.memory_space<vmem>>) dst(%dma_wait3A_105 : memref<128x128xf32, #tpu.memory_space<hbm>>)
      tpu.yield
    }) : () -> ()
    %add3A_87 = arith.constant 256 : i32
    %add3A_88 = arith.addi %mul3A_2, %add3A_87 : i32
    "tpu.region"() ({
      %run_scoped3A = tpu.sem_alloc : memref<!tpu.dma_semaphore, #tpu.memory_space<semaphore_mem>>
      %dma_start3A = arith.constant 0 : i32
      %dma_start3A_99 = tpu.memref_slice %arg9[%add3A_88, %dma_start3A] : memref<10240x128xf32, #tpu.memory_space<vmem_shared>> -> memref<128x128xf32, #tpu.memory_space<vmem_shared>>
      %dma_start3A_100 = arith.constant 0 : i32
      %dma_start3A_101 = tpu.memref_slice %arg9[%add3A_88, %dma_start3A_100] : memref<10240x128xf32, #tpu.memory_space<vmem_shared>> -> memref<128x128xf32, #tpu.memory_space<vmem_shared>>
      tpu.enqueue_dma source(%dma_start3A_101 : memref<128x128xf32, #tpu.memory_space<vmem_shared>>) target(%arg8 : memref<128x128xf32, #tpu.memory_space<vmem>>) target_semaphore(%run_scoped3A : memref<!tpu.dma_semaphore, #tpu.memory_space<semaphore_mem>>)
      %dma_wait3A_102 = arith.constant 0 : i32
      %dma_wait3A_103 = tpu.memref_slice %arg9[%add3A_88, %dma_wait3A_102] : memref<10240x128xf32, #tpu.memory_space<vmem_shared>> -> memref<128x128xf32, #tpu.memory_space<vmem_shared>>
      %dma_wait3A_104 = arith.constant 0 : i32
      %dma_wait3A_105 = tpu.memref_slice %arg9[%add3A_88, %dma_wait3A_104] : memref<10240x128xf32, #tpu.memory_space<vmem_shared>> -> memref<128x128xf32, #tpu.memory_space<vmem_shared>>
      tpu.wait_dma2 semaphore(%run_scoped3A : memref<!tpu.dma_semaphore, #tpu.memory_space<semaphore_mem>>) src(%dma_wait3A_105 : memref<128x128xf32, #tpu.memory_space<vmem_shared>>) dst(%arg8 : memref<128x128xf32, #tpu.memory_space<vmem>>)
      tpu.yield
    }) : () -> ()
    %add3A_89 = arith.constant 256 : i32
    %add3A_90 = arith.addi %add3A_78, %add3A_89 : i32
    "tpu.region"() ({
      %run_scoped3A = tpu.sem_alloc : memref<!tpu.dma_semaphore, #tpu.memory_space<semaphore_mem>>
      %dma_start3A = arith.constant 0 : i32
      %dma_start3A_99 = tpu.memref_slice %arg5[%add3A_90, %dma_start3A] : memref<20480x128xf32, #tpu.memory_space<hbm>> -> memref<128x128xf32, #tpu.memory_space<hbm>>
      %dma_start3A_100 = arith.constant 0 : i32
      %dma_start3A_101 = tpu.memref_slice %arg5[%add3A_90, %dma_start3A_100] : memref<20480x128xf32, #tpu.memory_space<hbm>> -> memref<128x128xf32, #tpu.memory_space<hbm>>
      tpu.enqueue_dma source(%arg8 : memref<128x128xf32, #tpu.memory_space<vmem>>) target(%dma_start3A_101 : memref<128x128xf32, #tpu.memory_space<hbm>>) target_semaphore(%run_scoped3A : memref<!tpu.dma_semaphore, #tpu.memory_space<semaphore_mem>>)
      %dma_wait3A_102 = arith.constant 0 : i32
      %dma_wait3A_103 = tpu.memref_slice %arg5[%add3A_90, %dma_wait3A_102] : memref<20480x128xf32, #tpu.memory_space<hbm>> -> memref<128x128xf32, #tpu.memory_space<hbm>>
      %dma_wait3A_104 = arith.constant 0 : i32
      %dma_wait3A_105 = tpu.memref_slice %arg5[%add3A_90, %dma_wait3A_104] : memref<20480x128xf32, #tpu.memory_space<hbm>> -> memref<128x128xf32, #tpu.memory_space<hbm>>
      tpu.wait_dma2 semaphore(%run_scoped3A : memref<!tpu.dma_semaphore, #tpu.memory_space<semaphore_mem>>) src(%arg8 : memref<128x128xf32, #tpu.memory_space<vmem>>) dst(%dma_wait3A_105 : memref<128x128xf32, #tpu.memory_space<hbm>>)
      tpu.yield
    }) : () -> ()
    %add3A_91 = arith.constant 384 : i32
    %add3A_92 = arith.addi %mul3A_2, %add3A_91 : i32
    "tpu.region"() ({
      %run_scoped3A = tpu.sem_alloc : memref<!tpu.dma_semaphore, #tpu.memory_space<semaphore_mem>>
      %dma_start3A = arith.constant 0 : i32
      %dma_start3A_99 = tpu.memref_slice %arg9[%add3A_92, %dma_start3A] : memref<10240x128xf32, #tpu.memory_space<vmem_shared>> -> memref<128x128xf32, #tpu.memory_space<vmem_shared>>
      %dma_start3A_100 = arith.constant 0 : i32
      %dma_start3A_101 = tpu.memref_slice %arg9[%add3A_92, %dma_start3A_100] : memref<10240x128xf32, #tpu.memory_space<vmem_shared>> -> memref<128x128xf32, #tpu.memory_space<vmem_shared>>
      tpu.enqueue_dma source(%dma_start3A_101 : memref<128x128xf32, #tpu.memory_space<vmem_shared>>) target(%arg8 : memref<128x128xf32, #tpu.memory_space<vmem>>) target_semaphore(%run_scoped3A : memref<!tpu.dma_semaphore, #tpu.memory_space<semaphore_mem>>)
      %dma_wait3A_102 = arith.constant 0 : i32
      %dma_wait3A_103 = tpu.memref_slice %arg9[%add3A_92, %dma_wait3A_102] : memref<10240x128xf32, #tpu.memory_space<vmem_shared>> -> memref<128x128xf32, #tpu.memory_space<vmem_shared>>
      %dma_wait3A_104 = arith.constant 0 : i32
      %dma_wait3A_105 = tpu.memref_slice %arg9[%add3A_92, %dma_wait3A_104] : memref<10240x128xf32, #tpu.memory_space<vmem_shared>> -> memref<128x128xf32, #tpu.memory_space<vmem_shared>>
      tpu.wait_dma2 semaphore(%run_scoped3A : memref<!tpu.dma_semaphore, #tpu.memory_space<semaphore_mem>>) src(%dma_wait3A_105 : memref<128x128xf32, #tpu.memory_space<vmem_shared>>) dst(%arg8 : memref<128x128xf32, #tpu.memory_space<vmem>>)
      tpu.yield
    }) : () -> ()
    %add3A_93 = arith.constant 384 : i32
    %add3A_94 = arith.addi %add3A_78, %add3A_93 : i32
    "tpu.region"() ({
      %run_scoped3A = tpu.sem_alloc : memref<!tpu.dma_semaphore, #tpu.memory_space<semaphore_mem>>
      %dma_start3A = arith.constant 0 : i32
      %dma_start3A_99 = tpu.memref_slice %arg5[%add3A_94, %dma_start3A] : memref<20480x128xf32, #tpu.memory_space<hbm>> -> memref<128x128xf32, #tpu.memory_space<hbm>>
      %dma_start3A_100 = arith.constant 0 : i32
      %dma_start3A_101 = tpu.memref_slice %arg5[%add3A_94, %dma_start3A_100] : memref<20480x128xf32, #tpu.memory_space<hbm>> -> memref<128x128xf32, #tpu.memory_space<hbm>>
      tpu.enqueue_dma source(%arg8 : memref<128x128xf32, #tpu.memory_space<vmem>>) target(%dma_start3A_101 : memref<128x128xf32, #tpu.memory_space<hbm>>) target_semaphore(%run_scoped3A : memref<!tpu.dma_semaphore, #tpu.memory_space<semaphore_mem>>)
      %dma_wait3A_102 = arith.constant 0 : i32
      %dma_wait3A_103 = tpu.memref_slice %arg5[%add3A_94, %dma_wait3A_102] : memref<20480x128xf32, #tpu.memory_space<hbm>> -> memref<128x128xf32, #tpu.memory_space<hbm>>
      %dma_wait3A_104 = arith.constant 0 : i32
      %dma_wait3A_105 = tpu.memref_slice %arg5[%add3A_94, %dma_wait3A_104] : memref<20480x128xf32, #tpu.memory_space<hbm>> -> memref<128x128xf32, #tpu.memory_space<hbm>>
      tpu.wait_dma2 semaphore(%run_scoped3A : memref<!tpu.dma_semaphore, #tpu.memory_space<semaphore_mem>>) src(%arg8 : memref<128x128xf32, #tpu.memory_space<vmem>>) dst(%dma_wait3A_105 : memref<128x128xf32, #tpu.memory_space<hbm>>)
      tpu.yield
    }) : () -> ()
    %add3A_95 = arith.constant 512 : i32
    %add3A_96 = arith.addi %mul3A_2, %add3A_95 : i32
    "tpu.region"() ({
      %run_scoped3A = tpu.sem_alloc : memref<!tpu.dma_semaphore, #tpu.memory_space<semaphore_mem>>
      %dma_start3A = arith.constant 0 : i32
      %dma_start3A_99 = tpu.memref_slice %arg9[%add3A_96, %dma_start3A] : memref<10240x128xf32, #tpu.memory_space<vmem_shared>> -> memref<128x128xf32, #tpu.memory_space<vmem_shared>>
      %dma_start3A_100 = arith.constant 0 : i32
      %dma_start3A_101 = tpu.memref_slice %arg9[%add3A_96, %dma_start3A_100] : memref<10240x128xf32, #tpu.memory_space<vmem_shared>> -> memref<128x128xf32, #tpu.memory_space<vmem_shared>>
      tpu.enqueue_dma source(%dma_start3A_101 : memref<128x128xf32, #tpu.memory_space<vmem_shared>>) target(%arg8 : memref<128x128xf32, #tpu.memory_space<vmem>>) target_semaphore(%run_scoped3A : memref<!tpu.dma_semaphore, #tpu.memory_space<semaphore_mem>>)
      %dma_wait3A_102 = arith.constant 0 : i32
      %dma_wait3A_103 = tpu.memref_slice %arg9[%add3A_96, %dma_wait3A_102] : memref<10240x128xf32, #tpu.memory_space<vmem_shared>> -> memref<128x128xf32, #tpu.memory_space<vmem_shared>>
      %dma_wait3A_104 = arith.constant 0 : i32
      %dma_wait3A_105 = tpu.memref_slice %arg9[%add3A_96, %dma_wait3A_104] : memref<10240x128xf32, #tpu.memory_space<vmem_shared>> -> memref<128x128xf32, #tpu.memory_space<vmem_shared>>
      tpu.wait_dma2 semaphore(%run_scoped3A : memref<!tpu.dma_semaphore, #tpu.memory_space<semaphore_mem>>) src(%dma_wait3A_105 : memref<128x128xf32, #tpu.memory_space<vmem_shared>>) dst(%arg8 : memref<128x128xf32, #tpu.memory_space<vmem>>)
      tpu.yield
    }) : () -> ()
    %add3A_97 = arith.constant 512 : i32
    %add3A_98 = arith.addi %add3A_78, %add3A_97 : i32
    "tpu.region"() ({
      %run_scoped3A = tpu.sem_alloc : memref<!tpu.dma_semaphore, #tpu.memory_space<semaphore_mem>>
      %dma_start3A = arith.constant 0 : i32
      %dma_start3A_99 = tpu.memref_slice %arg5[%add3A_98, %dma_start3A] : memref<20480x128xf32, #tpu.memory_space<hbm>> -> memref<128x128xf32, #tpu.memory_space<hbm>>
      %dma_start3A_100 = arith.constant 0 : i32
      %dma_start3A_101 = tpu.memref_slice %arg5[%add3A_98, %dma_start3A_100] : memref<20480x128xf32, #tpu.memory_space<hbm>> -> memref<128x128xf32, #tpu.memory_space<hbm>>
      tpu.enqueue_dma source(%arg8 : memref<128x128xf32, #tpu.memory_space<vmem>>) target(%dma_start3A_101 : memref<128x128xf32, #tpu.memory_space<hbm>>) target_semaphore(%run_scoped3A : memref<!tpu.dma_semaphore, #tpu.memory_space<semaphore_mem>>)
      %dma_wait3A_102 = arith.constant 0 : i32
      %dma_wait3A_103 = tpu.memref_slice %arg5[%add3A_98, %dma_wait3A_102] : memref<20480x128xf32, #tpu.memory_space<hbm>> -> memref<128x128xf32, #tpu.memory_space<hbm>>
      %dma_wait3A_104 = arith.constant 0 : i32
      %dma_wait3A_105 = tpu.memref_slice %arg5[%add3A_98, %dma_wait3A_104] : memref<20480x128xf32, #tpu.memory_space<hbm>> -> memref<128x128xf32, #tpu.memory_space<hbm>>
      tpu.wait_dma2 semaphore(%run_scoped3A : memref<!tpu.dma_semaphore, #tpu.memory_space<semaphore_mem>>) src(%arg8 : memref<128x128xf32, #tpu.memory_space<vmem>>) dst(%dma_wait3A_105 : memref<128x128xf32, #tpu.memory_space<hbm>>)
      tpu.yield
    }) : () -> ()
    return
  }
}

#map = affine_map<(d0, d1) -> (0, 0, 0)>
#map1 = affine_map<(d0, d1) -> (0, 0)>
module attributes {stable_mosaic.version = 14 : i64} {
  func.func @_prop_body(%arg0: i32, %arg1: i32, %arg2: memref<2500x2x128xi32, #tpu.memory_space<hbm>>, %arg3: memref<10240x128xf32, #tpu.memory_space<hbm>>, %arg4: memref<128x128xf32, #tpu.memory_space<hbm>>, %arg5: memref<20480x128xf32, #tpu.memory_space<hbm>>, %arg6: memref<2x128xi32, #tpu.memory_space<vmem>>, %arg7: memref<2x128xi32, #tpu.memory_space<vmem>>, %arg8: memref<128x128xf32, #tpu.memory_space<vmem>>, %arg9: memref<128x128xf32, #tpu.memory_space<vmem>>, %arg10: memref<10240x128xf32, #tpu.memory_space<vmem_shared>>, %arg11: memref<!tpu.dma_semaphore, #tpu.memory_space<semaphore_mem>>, %arg12: memref<!tpu.dma_semaphore, #tpu.memory_space<semaphore_mem>>) attributes {dimension_semantics = [#tpu.dimension_semantics<core_parallel>, #tpu.dimension_semantics<subcore_parallel>], iteration_bounds = array<i64: 2, 16>, scalar_prefetch = 0 : i64, scratch_operands = 7 : i64, tpu.core_type = #tpu.core_type<sc_vector_subcore>, window_params = [{transform_indices = #map}, {transform_indices = #map1}, {transform_indices = #map1}, {transform_indices = #map1}]} {
    %mul3A = arith.constant 16 : i32
    %mul3A_0 = arith.muli %arg0, %mul3A : i32
    %add3A = arith.addi %mul3A_0, %arg1 : i32
    %mul3A_1 = arith.constant 640 : i32
    %mul3A_2 = arith.muli %arg1, %mul3A_1 : i32
    "tpu.region"() ({
      %run_scoped3A = tpu.sem_alloc : memref<!tpu.dma_semaphore, #tpu.memory_space<semaphore_mem>>
      tpu.enqueue_dma source(%arg4 : memref<128x128xf32, #tpu.memory_space<hbm>>) target(%arg8 : memref<128x128xf32, #tpu.memory_space<vmem>>) target_semaphore(%run_scoped3A : memref<!tpu.dma_semaphore, #tpu.memory_space<semaphore_mem>>)
      tpu.wait_dma2 semaphore(%run_scoped3A : memref<!tpu.dma_semaphore, #tpu.memory_space<semaphore_mem>>) src(%arg4 : memref<128x128xf32, #tpu.memory_space<hbm>>) dst(%arg8 : memref<128x128xf32, #tpu.memory_space<vmem>>)
      tpu.yield
    }) : () -> ()
    %add3A_3 = arith.constant 0 : i32
    %add3A_4 = arith.addi %mul3A_2, %add3A_3 : i32
    "tpu.region"() ({
      %run_scoped3A = tpu.sem_alloc : memref<!tpu.dma_semaphore, #tpu.memory_space<semaphore_mem>>
      %dma_start3A_48 = arith.constant 0 : i32
      %dma_start3A_49 = tpu.memref_slice %arg10[%add3A_4, %dma_start3A_48] : memref<10240x128xf32, #tpu.memory_space<vmem_shared>> -> memref<128x128xf32, #tpu.memory_space<vmem_shared>>
      %dma_start3A_50 = arith.constant 0 : i32
      %dma_start3A_51 = tpu.memref_slice %arg10[%add3A_4, %dma_start3A_50] : memref<10240x128xf32, #tpu.memory_space<vmem_shared>> -> memref<128x128xf32, #tpu.memory_space<vmem_shared>>
      tpu.enqueue_dma source(%arg8 : memref<128x128xf32, #tpu.memory_space<vmem>>) target(%dma_start3A_51 : memref<128x128xf32, #tpu.memory_space<vmem_shared>>) target_semaphore(%run_scoped3A : memref<!tpu.dma_semaphore, #tpu.memory_space<semaphore_mem>>)
      %dma_wait3A = arith.constant 0 : i32
      %dma_wait3A_52 = tpu.memref_slice %arg10[%add3A_4, %dma_wait3A] : memref<10240x128xf32, #tpu.memory_space<vmem_shared>> -> memref<128x128xf32, #tpu.memory_space<vmem_shared>>
      %dma_wait3A_53 = arith.constant 0 : i32
      %dma_wait3A_54 = tpu.memref_slice %arg10[%add3A_4, %dma_wait3A_53] : memref<10240x128xf32, #tpu.memory_space<vmem_shared>> -> memref<128x128xf32, #tpu.memory_space<vmem_shared>>
      tpu.wait_dma2 semaphore(%run_scoped3A : memref<!tpu.dma_semaphore, #tpu.memory_space<semaphore_mem>>) src(%arg8 : memref<128x128xf32, #tpu.memory_space<vmem>>) dst(%dma_wait3A_54 : memref<128x128xf32, #tpu.memory_space<vmem_shared>>)
      tpu.yield
    }) : () -> ()
    %add3A_5 = arith.constant 128 : i32
    %add3A_6 = arith.addi %mul3A_2, %add3A_5 : i32
    "tpu.region"() ({
      %run_scoped3A = tpu.sem_alloc : memref<!tpu.dma_semaphore, #tpu.memory_space<semaphore_mem>>
      %dma_start3A_48 = arith.constant 0 : i32
      %dma_start3A_49 = tpu.memref_slice %arg10[%add3A_6, %dma_start3A_48] : memref<10240x128xf32, #tpu.memory_space<vmem_shared>> -> memref<128x128xf32, #tpu.memory_space<vmem_shared>>
      %dma_start3A_50 = arith.constant 0 : i32
      %dma_start3A_51 = tpu.memref_slice %arg10[%add3A_6, %dma_start3A_50] : memref<10240x128xf32, #tpu.memory_space<vmem_shared>> -> memref<128x128xf32, #tpu.memory_space<vmem_shared>>
      tpu.enqueue_dma source(%arg8 : memref<128x128xf32, #tpu.memory_space<vmem>>) target(%dma_start3A_51 : memref<128x128xf32, #tpu.memory_space<vmem_shared>>) target_semaphore(%run_scoped3A : memref<!tpu.dma_semaphore, #tpu.memory_space<semaphore_mem>>)
      %dma_wait3A = arith.constant 0 : i32
      %dma_wait3A_52 = tpu.memref_slice %arg10[%add3A_6, %dma_wait3A] : memref<10240x128xf32, #tpu.memory_space<vmem_shared>> -> memref<128x128xf32, #tpu.memory_space<vmem_shared>>
      %dma_wait3A_53 = arith.constant 0 : i32
      %dma_wait3A_54 = tpu.memref_slice %arg10[%add3A_6, %dma_wait3A_53] : memref<10240x128xf32, #tpu.memory_space<vmem_shared>> -> memref<128x128xf32, #tpu.memory_space<vmem_shared>>
      tpu.wait_dma2 semaphore(%run_scoped3A : memref<!tpu.dma_semaphore, #tpu.memory_space<semaphore_mem>>) src(%arg8 : memref<128x128xf32, #tpu.memory_space<vmem>>) dst(%dma_wait3A_54 : memref<128x128xf32, #tpu.memory_space<vmem_shared>>)
      tpu.yield
    }) : () -> ()
    %add3A_7 = arith.constant 256 : i32
    %add3A_8 = arith.addi %mul3A_2, %add3A_7 : i32
    "tpu.region"() ({
      %run_scoped3A = tpu.sem_alloc : memref<!tpu.dma_semaphore, #tpu.memory_space<semaphore_mem>>
      %dma_start3A_48 = arith.constant 0 : i32
      %dma_start3A_49 = tpu.memref_slice %arg10[%add3A_8, %dma_start3A_48] : memref<10240x128xf32, #tpu.memory_space<vmem_shared>> -> memref<128x128xf32, #tpu.memory_space<vmem_shared>>
      %dma_start3A_50 = arith.constant 0 : i32
      %dma_start3A_51 = tpu.memref_slice %arg10[%add3A_8, %dma_start3A_50] : memref<10240x128xf32, #tpu.memory_space<vmem_shared>> -> memref<128x128xf32, #tpu.memory_space<vmem_shared>>
      tpu.enqueue_dma source(%arg8 : memref<128x128xf32, #tpu.memory_space<vmem>>) target(%dma_start3A_51 : memref<128x128xf32, #tpu.memory_space<vmem_shared>>) target_semaphore(%run_scoped3A : memref<!tpu.dma_semaphore, #tpu.memory_space<semaphore_mem>>)
      %dma_wait3A = arith.constant 0 : i32
      %dma_wait3A_52 = tpu.memref_slice %arg10[%add3A_8, %dma_wait3A] : memref<10240x128xf32, #tpu.memory_space<vmem_shared>> -> memref<128x128xf32, #tpu.memory_space<vmem_shared>>
      %dma_wait3A_53 = arith.constant 0 : i32
      %dma_wait3A_54 = tpu.memref_slice %arg10[%add3A_8, %dma_wait3A_53] : memref<10240x128xf32, #tpu.memory_space<vmem_shared>> -> memref<128x128xf32, #tpu.memory_space<vmem_shared>>
      tpu.wait_dma2 semaphore(%run_scoped3A : memref<!tpu.dma_semaphore, #tpu.memory_space<semaphore_mem>>) src(%arg8 : memref<128x128xf32, #tpu.memory_space<vmem>>) dst(%dma_wait3A_54 : memref<128x128xf32, #tpu.memory_space<vmem_shared>>)
      tpu.yield
    }) : () -> ()
    %add3A_9 = arith.constant 384 : i32
    %add3A_10 = arith.addi %mul3A_2, %add3A_9 : i32
    "tpu.region"() ({
      %run_scoped3A = tpu.sem_alloc : memref<!tpu.dma_semaphore, #tpu.memory_space<semaphore_mem>>
      %dma_start3A_48 = arith.constant 0 : i32
      %dma_start3A_49 = tpu.memref_slice %arg10[%add3A_10, %dma_start3A_48] : memref<10240x128xf32, #tpu.memory_space<vmem_shared>> -> memref<128x128xf32, #tpu.memory_space<vmem_shared>>
      %dma_start3A_50 = arith.constant 0 : i32
      %dma_start3A_51 = tpu.memref_slice %arg10[%add3A_10, %dma_start3A_50] : memref<10240x128xf32, #tpu.memory_space<vmem_shared>> -> memref<128x128xf32, #tpu.memory_space<vmem_shared>>
      tpu.enqueue_dma source(%arg8 : memref<128x128xf32, #tpu.memory_space<vmem>>) target(%dma_start3A_51 : memref<128x128xf32, #tpu.memory_space<vmem_shared>>) target_semaphore(%run_scoped3A : memref<!tpu.dma_semaphore, #tpu.memory_space<semaphore_mem>>)
      %dma_wait3A = arith.constant 0 : i32
      %dma_wait3A_52 = tpu.memref_slice %arg10[%add3A_10, %dma_wait3A] : memref<10240x128xf32, #tpu.memory_space<vmem_shared>> -> memref<128x128xf32, #tpu.memory_space<vmem_shared>>
      %dma_wait3A_53 = arith.constant 0 : i32
      %dma_wait3A_54 = tpu.memref_slice %arg10[%add3A_10, %dma_wait3A_53] : memref<10240x128xf32, #tpu.memory_space<vmem_shared>> -> memref<128x128xf32, #tpu.memory_space<vmem_shared>>
      tpu.wait_dma2 semaphore(%run_scoped3A : memref<!tpu.dma_semaphore, #tpu.memory_space<semaphore_mem>>) src(%arg8 : memref<128x128xf32, #tpu.memory_space<vmem>>) dst(%dma_wait3A_54 : memref<128x128xf32, #tpu.memory_space<vmem_shared>>)
      tpu.yield
    }) : () -> ()
    %add3A_11 = arith.constant 512 : i32
    %add3A_12 = arith.addi %mul3A_2, %add3A_11 : i32
    "tpu.region"() ({
      %run_scoped3A = tpu.sem_alloc : memref<!tpu.dma_semaphore, #tpu.memory_space<semaphore_mem>>
      %dma_start3A_48 = arith.constant 0 : i32
      %dma_start3A_49 = tpu.memref_slice %arg10[%add3A_12, %dma_start3A_48] : memref<10240x128xf32, #tpu.memory_space<vmem_shared>> -> memref<128x128xf32, #tpu.memory_space<vmem_shared>>
      %dma_start3A_50 = arith.constant 0 : i32
      %dma_start3A_51 = tpu.memref_slice %arg10[%add3A_12, %dma_start3A_50] : memref<10240x128xf32, #tpu.memory_space<vmem_shared>> -> memref<128x128xf32, #tpu.memory_space<vmem_shared>>
      tpu.enqueue_dma source(%arg8 : memref<128x128xf32, #tpu.memory_space<vmem>>) target(%dma_start3A_51 : memref<128x128xf32, #tpu.memory_space<vmem_shared>>) target_semaphore(%run_scoped3A : memref<!tpu.dma_semaphore, #tpu.memory_space<semaphore_mem>>)
      %dma_wait3A = arith.constant 0 : i32
      %dma_wait3A_52 = tpu.memref_slice %arg10[%add3A_12, %dma_wait3A] : memref<10240x128xf32, #tpu.memory_space<vmem_shared>> -> memref<128x128xf32, #tpu.memory_space<vmem_shared>>
      %dma_wait3A_53 = arith.constant 0 : i32
      %dma_wait3A_54 = tpu.memref_slice %arg10[%add3A_12, %dma_wait3A_53] : memref<10240x128xf32, #tpu.memory_space<vmem_shared>> -> memref<128x128xf32, #tpu.memory_space<vmem_shared>>
      tpu.wait_dma2 semaphore(%run_scoped3A : memref<!tpu.dma_semaphore, #tpu.memory_space<semaphore_mem>>) src(%arg8 : memref<128x128xf32, #tpu.memory_space<vmem>>) dst(%dma_wait3A_54 : memref<128x128xf32, #tpu.memory_space<vmem_shared>>)
      tpu.yield
    }) : () -> ()
    %barrier3A = arith.constant 0 : index
    tpu.barrier barrier_id(%barrier3A)
    "tpu.region"() ({
      %run_scoped3A = tpu.sem_alloc : memref<!tpu.dma_semaphore, #tpu.memory_space<semaphore_mem>>
      %dma_start3A_48 = arith.constant 0 : i32
      %dma_start3A_49 = arith.constant 0 : i32
      %dma_start3A_50 = tpu.memref_slice %arg2[%add3A, %dma_start3A_48, %dma_start3A_49] : memref<2500x2x128xi32, #tpu.memory_space<hbm>> -> memref<1x2x128xi32, #tpu.memory_space<hbm>>
      %dma_start3A_51 = tpu.memref_squeeze %dma_start3A_50 : memref<1x2x128xi32, #tpu.memory_space<hbm>> -> memref<2x128xi32, #tpu.memory_space<hbm>>
      %dma_start3A_52 = arith.constant 0 : i32
      %dma_start3A_53 = arith.constant 0 : i32
      %dma_start3A_54 = tpu.memref_slice %arg2[%add3A, %dma_start3A_52, %dma_start3A_53] : memref<2500x2x128xi32, #tpu.memory_space<hbm>> -> memref<1x2x128xi32, #tpu.memory_space<hbm>>
      %dma_start3A_55 = tpu.memref_squeeze %dma_start3A_54 : memref<1x2x128xi32, #tpu.memory_space<hbm>> -> memref<2x128xi32, #tpu.memory_space<hbm>>
      tpu.enqueue_dma source(%dma_start3A_55 : memref<2x128xi32, #tpu.memory_space<hbm>>) target(%arg6 : memref<2x128xi32, #tpu.memory_space<vmem>>) target_semaphore(%run_scoped3A : memref<!tpu.dma_semaphore, #tpu.memory_space<semaphore_mem>>)
      %dma_wait3A = arith.constant 0 : i32
      %dma_wait3A_56 = arith.constant 0 : i32
      %dma_wait3A_57 = tpu.memref_slice %arg2[%add3A, %dma_wait3A, %dma_wait3A_56] : memref<2500x2x128xi32, #tpu.memory_space<hbm>> -> memref<1x2x128xi32, #tpu.memory_space<hbm>>
      %dma_wait3A_58 = tpu.memref_squeeze %dma_wait3A_57 : memref<1x2x128xi32, #tpu.memory_space<hbm>> -> memref<2x128xi32, #tpu.memory_space<hbm>>
      %dma_wait3A_59 = arith.constant 0 : i32
      %dma_wait3A_60 = arith.constant 0 : i32
      %dma_wait3A_61 = tpu.memref_slice %arg2[%add3A, %dma_wait3A_59, %dma_wait3A_60] : memref<2500x2x128xi32, #tpu.memory_space<hbm>> -> memref<1x2x128xi32, #tpu.memory_space<hbm>>
      %dma_wait3A_62 = tpu.memref_squeeze %dma_wait3A_61 : memref<1x2x128xi32, #tpu.memory_space<hbm>> -> memref<2x128xi32, #tpu.memory_space<hbm>>
      tpu.wait_dma2 semaphore(%run_scoped3A : memref<!tpu.dma_semaphore, #tpu.memory_space<semaphore_mem>>) src(%dma_wait3A_62 : memref<2x128xi32, #tpu.memory_space<hbm>>) dst(%arg6 : memref<2x128xi32, #tpu.memory_space<vmem>>)
      tpu.yield
    }) : () -> ()
    %dma_start3A = arith.constant 0 : i32
    %dma_start3A_13 = arith.constant 0 : i32
    %dma_start3A_14 = tpu.memref_slice %arg6[%dma_start3A, %dma_start3A_13] : memref<2x128xi32, #tpu.memory_space<vmem>> -> memref<1x128xi32, #tpu.memory_space<vmem>>
    %dma_start3A_15 = tpu.memref_squeeze %dma_start3A_14 : memref<1x128xi32, #tpu.memory_space<vmem>> -> memref<128xi32, #tpu.memory_space<vmem>>
    %dma_start3A_16 = arith.constant 0 : i32
    %dma_start3A_17 = arith.constant 0 : i32
    %dma_start3A_18 = tpu.memref_slice %arg3[%dma_start3A_16, %dma_start3A_17] : memref<10240x128xf32, #tpu.memory_space<hbm>> -> memref<10240x128xf32, #tpu.memory_space<hbm>>
    tpu.enqueue_indirect_dma source(%dma_start3A_18 : memref<10240x128xf32, #tpu.memory_space<hbm>>) target(%arg8 : memref<128x128xf32, #tpu.memory_space<vmem>>) offsets(%dma_start3A_15 : memref<128xi32, #tpu.memory_space<vmem>>) semaphore(%arg11 : memref<!tpu.dma_semaphore, #tpu.memory_space<semaphore_mem>>)
    %scan3A = arith.constant 0 : i32
    %scan3A_19 = arith.constant 0 : i32
    %scan3A_20 = arith.constant 40 : i32
    %scan3A_21 = arith.addi %scan3A_19, %scan3A_20 : i32
    %scan3A_22 = arith.constant 1 : i32
    scf.for %scan3A_48 = %scan3A_19 to %scan3A_21 step %scan3A_22  : i32 {
      %mul3A_49 = arith.constant 2 : i32
      %mul3A_50 = arith.muli %mul3A_49, %scan3A_48 : i32
      %add3A_51 = arith.constant 0 : i32
      %add3A_52 = arith.addi %mul3A_50, %add3A_51 : i32
      %add3A_53 = arith.constant 1 : i32
      %add3A_54 = arith.addi %add3A_52, %add3A_53 : i32
      %mul3A_55 = arith.constant 32 : i32
      %mul3A_56 = arith.muli %mul3A_55, %add3A_54 : i32
      %add3A_57 = arith.addi %add3A, %mul3A_56 : i32
      %lt3A = arith.constant 2500 : i32
      %lt3A_58 = arith.cmpi slt, %add3A_57, %lt3A : i32
      %convert_element_type3A = arith.extui %lt3A_58 : i1 to i32
      %cond3A = arith.constant 0 : i32
      %cond3A_59 = arith.cmpi ne, %convert_element_type3A, %cond3A : i32
      scf.if %cond3A_59 {
        "tpu.region"() ({
          %run_scoped3A = tpu.sem_alloc : memref<!tpu.dma_semaphore, #tpu.memory_space<semaphore_mem>>
          %dma_start3A_97 = arith.constant 0 : i32
          %dma_start3A_98 = arith.constant 0 : i32
          %dma_start3A_99 = tpu.memref_slice %arg2[%add3A_57, %dma_start3A_97, %dma_start3A_98] : memref<2500x2x128xi32, #tpu.memory_space<hbm>> -> memref<1x2x128xi32, #tpu.memory_space<hbm>>
          %dma_start3A_100 = tpu.memref_squeeze %dma_start3A_99 : memref<1x2x128xi32, #tpu.memory_space<hbm>> -> memref<2x128xi32, #tpu.memory_space<hbm>>
          %dma_start3A_101 = arith.constant 0 : i32
          %dma_start3A_102 = arith.constant 0 : i32
          %dma_start3A_103 = tpu.memref_slice %arg2[%add3A_57, %dma_start3A_101, %dma_start3A_102] : memref<2500x2x128xi32, #tpu.memory_space<hbm>> -> memref<1x2x128xi32, #tpu.memory_space<hbm>>
          %dma_start3A_104 = tpu.memref_squeeze %dma_start3A_103 : memref<1x2x128xi32, #tpu.memory_space<hbm>> -> memref<2x128xi32, #tpu.memory_space<hbm>>
          tpu.enqueue_dma source(%dma_start3A_104 : memref<2x128xi32, #tpu.memory_space<hbm>>) target(%arg7 : memref<2x128xi32, #tpu.memory_space<vmem>>) target_semaphore(%run_scoped3A : memref<!tpu.dma_semaphore, #tpu.memory_space<semaphore_mem>>)
          %dma_wait3A = arith.constant 0 : i32
          %dma_wait3A_105 = arith.constant 0 : i32
          %dma_wait3A_106 = tpu.memref_slice %arg2[%add3A_57, %dma_wait3A, %dma_wait3A_105] : memref<2500x2x128xi32, #tpu.memory_space<hbm>> -> memref<1x2x128xi32, #tpu.memory_space<hbm>>
          %dma_wait3A_107 = tpu.memref_squeeze %dma_wait3A_106 : memref<1x2x128xi32, #tpu.memory_space<hbm>> -> memref<2x128xi32, #tpu.memory_space<hbm>>
          %dma_wait3A_108 = arith.constant 0 : i32
          %dma_wait3A_109 = arith.constant 0 : i32
          %dma_wait3A_110 = tpu.memref_slice %arg2[%add3A_57, %dma_wait3A_108, %dma_wait3A_109] : memref<2500x2x128xi32, #tpu.memory_space<hbm>> -> memref<1x2x128xi32, #tpu.memory_space<hbm>>
          %dma_wait3A_111 = tpu.memref_squeeze %dma_wait3A_110 : memref<1x2x128xi32, #tpu.memory_space<hbm>> -> memref<2x128xi32, #tpu.memory_space<hbm>>
          tpu.wait_dma2 semaphore(%run_scoped3A : memref<!tpu.dma_semaphore, #tpu.memory_space<semaphore_mem>>) src(%dma_wait3A_111 : memref<2x128xi32, #tpu.memory_space<hbm>>) dst(%arg7 : memref<2x128xi32, #tpu.memory_space<vmem>>)
          tpu.yield
        }) : () -> ()
        %dma_start3A_90 = arith.constant 0 : i32
        %dma_start3A_91 = arith.constant 0 : i32
        %dma_start3A_92 = tpu.memref_slice %arg7[%dma_start3A_90, %dma_start3A_91] : memref<2x128xi32, #tpu.memory_space<vmem>> -> memref<1x128xi32, #tpu.memory_space<vmem>>
        %dma_start3A_93 = tpu.memref_squeeze %dma_start3A_92 : memref<1x128xi32, #tpu.memory_space<vmem>> -> memref<128xi32, #tpu.memory_space<vmem>>
        %dma_start3A_94 = arith.constant 0 : i32
        %dma_start3A_95 = arith.constant 0 : i32
        %dma_start3A_96 = tpu.memref_slice %arg3[%dma_start3A_94, %dma_start3A_95] : memref<10240x128xf32, #tpu.memory_space<hbm>> -> memref<10240x128xf32, #tpu.memory_space<hbm>>
        tpu.enqueue_indirect_dma source(%dma_start3A_96 : memref<10240x128xf32, #tpu.memory_space<hbm>>) target(%arg9 : memref<128x128xf32, #tpu.memory_space<vmem>>) offsets(%dma_start3A_93 : memref<128xi32, #tpu.memory_space<vmem>>) semaphore(%arg12 : memref<!tpu.dma_semaphore, #tpu.memory_space<semaphore_mem>>)
      } else {
      }
      %mul3A_60 = arith.constant 32 : i32
      %mul3A_61 = arith.muli %mul3A_60, %add3A_52 : i32
      %add3A_62 = arith.addi %add3A, %mul3A_61 : i32
      %lt3A_63 = arith.constant 2500 : i32
      %lt3A_64 = arith.cmpi slt, %add3A_62, %lt3A_63 : i32
      %convert_element_type3A_65 = arith.extui %lt3A_64 : i1 to i32
      %cond3A_66 = arith.constant 0 : i32
      %cond3A_67 = arith.cmpi ne, %convert_element_type3A_65, %cond3A_66 : i32
      scf.if %cond3A_67 {
        %dma_wait3A = arith.constant 0 : i32
        %dma_wait3A_90 = arith.constant 0 : i32
        %dma_wait3A_91 = tpu.memref_slice %arg6[%dma_wait3A, %dma_wait3A_90] : memref<2x128xi32, #tpu.memory_space<vmem>> -> memref<1x128xi32, #tpu.memory_space<vmem>>
        %dma_wait3A_92 = tpu.memref_squeeze %dma_wait3A_91 : memref<1x128xi32, #tpu.memory_space<vmem>> -> memref<128xi32, #tpu.memory_space<vmem>>
        %dma_wait3A_93 = arith.constant 0 : i32
        %dma_wait3A_94 = arith.constant 0 : i32
        %dma_wait3A_95 = tpu.memref_slice %arg3[%dma_wait3A_93, %dma_wait3A_94] : memref<10240x128xf32, #tpu.memory_space<hbm>> -> memref<10240x128xf32, #tpu.memory_space<hbm>>
        tpu.wait_indirect_dma semaphore(%arg11 : memref<!tpu.dma_semaphore, #tpu.memory_space<semaphore_mem>>) src(%dma_wait3A_95 : memref<10240x128xf32, #tpu.memory_space<hbm>>) dst(%arg8 : memref<128x128xf32, #tpu.memory_space<vmem>>)
        %run_scoped3A = arith.constant 1 : i32
        "tpu.region"() ({
          %run_scoped3A_96 = tpu.sem_alloc : memref<!tpu.dma_semaphore, #tpu.memory_space<semaphore_mem>>
          %dma_start3A_97 = arith.constant 0 : i32
          %dma_start3A_98 = tpu.memref_slice %arg6[%run_scoped3A, %dma_start3A_97] : memref<2x128xi32, #tpu.memory_space<vmem>> -> memref<1x128xi32, #tpu.memory_space<vmem>>
          %dma_start3A_99 = tpu.memref_squeeze %dma_start3A_98 : memref<1x128xi32, #tpu.memory_space<vmem>> -> memref<128xi32, #tpu.memory_space<vmem>>
          %dma_start3A_100 = arith.constant 0 : i32
          %dma_start3A_101 = arith.constant 0 : i32
          %dma_start3A_102 = tpu.memref_slice %arg10[%dma_start3A_100, %dma_start3A_101] : memref<10240x128xf32, #tpu.memory_space<vmem_shared>> -> memref<10240x128xf32, #tpu.memory_space<vmem_shared>>
          tpu.enqueue_indirect_dma source(%arg8 : memref<128x128xf32, #tpu.memory_space<vmem>>) target(%dma_start3A_102 : memref<10240x128xf32, #tpu.memory_space<vmem_shared>>) offsets(%dma_start3A_99 : memref<128xi32, #tpu.memory_space<vmem>>) semaphore(%run_scoped3A_96 : memref<!tpu.dma_semaphore, #tpu.memory_space<semaphore_mem>>) {add = true}
          %dma_wait3A_103 = arith.constant 0 : i32
          %dma_wait3A_104 = tpu.memref_slice %arg6[%run_scoped3A, %dma_wait3A_103] : memref<2x128xi32, #tpu.memory_space<vmem>> -> memref<1x128xi32, #tpu.memory_space<vmem>>
          %dma_wait3A_105 = tpu.memref_squeeze %dma_wait3A_104 : memref<1x128xi32, #tpu.memory_space<vmem>> -> memref<128xi32, #tpu.memory_space<vmem>>
          %dma_wait3A_106 = arith.constant 0 : i32
          %dma_wait3A_107 = arith.constant 0 : i32
          %dma_wait3A_108 = tpu.memref_slice %arg10[%dma_wait3A_106, %dma_wait3A_107] : memref<10240x128xf32, #tpu.memory_space<vmem_shared>> -> memref<10240x128xf32, #tpu.memory_space<vmem_shared>>
          tpu.wait_indirect_dma semaphore(%run_scoped3A_96 : memref<!tpu.dma_semaphore, #tpu.memory_space<semaphore_mem>>) src(%arg8 : memref<128x128xf32, #tpu.memory_space<vmem>>) dst(%dma_wait3A_108 : memref<10240x128xf32, #tpu.memory_space<vmem_shared>>)
          tpu.yield
        }) : () -> ()
      } else {
      }
      %mul3A_68 = arith.constant 2 : i32
      %mul3A_69 = arith.muli %mul3A_68, %scan3A_48 : i32
      %add3A_70 = arith.constant 1 : i32
      %add3A_71 = arith.addi %mul3A_69, %add3A_70 : i32
      %add3A_72 = arith.constant 1 : i32
      %add3A_73 = arith.addi %add3A_71, %add3A_72 : i32
      %mul3A_74 = arith.constant 32 : i32
      %mul3A_75 = arith.muli %mul3A_74, %add3A_73 : i32
      %add3A_76 = arith.addi %add3A, %mul3A_75 : i32
      %lt3A_77 = arith.constant 2500 : i32
      %lt3A_78 = arith.cmpi slt, %add3A_76, %lt3A_77 : i32
      %convert_element_type3A_79 = arith.extui %lt3A_78 : i1 to i32
      %cond3A_80 = arith.constant 0 : i32
      %cond3A_81 = arith.cmpi ne, %convert_element_type3A_79, %cond3A_80 : i32
      scf.if %cond3A_81 {
        "tpu.region"() ({
          %run_scoped3A = tpu.sem_alloc : memref<!tpu.dma_semaphore, #tpu.memory_space<semaphore_mem>>
          %dma_start3A_97 = arith.constant 0 : i32
          %dma_start3A_98 = arith.constant 0 : i32
          %dma_start3A_99 = tpu.memref_slice %arg2[%add3A_76, %dma_start3A_97, %dma_start3A_98] : memref<2500x2x128xi32, #tpu.memory_space<hbm>> -> memref<1x2x128xi32, #tpu.memory_space<hbm>>
          %dma_start3A_100 = tpu.memref_squeeze %dma_start3A_99 : memref<1x2x128xi32, #tpu.memory_space<hbm>> -> memref<2x128xi32, #tpu.memory_space<hbm>>
          %dma_start3A_101 = arith.constant 0 : i32
          %dma_start3A_102 = arith.constant 0 : i32
          %dma_start3A_103 = tpu.memref_slice %arg2[%add3A_76, %dma_start3A_101, %dma_start3A_102] : memref<2500x2x128xi32, #tpu.memory_space<hbm>> -> memref<1x2x128xi32, #tpu.memory_space<hbm>>
          %dma_start3A_104 = tpu.memref_squeeze %dma_start3A_103 : memref<1x2x128xi32, #tpu.memory_space<hbm>> -> memref<2x128xi32, #tpu.memory_space<hbm>>
          tpu.enqueue_dma source(%dma_start3A_104 : memref<2x128xi32, #tpu.memory_space<hbm>>) target(%arg6 : memref<2x128xi32, #tpu.memory_space<vmem>>) target_semaphore(%run_scoped3A : memref<!tpu.dma_semaphore, #tpu.memory_space<semaphore_mem>>)
          %dma_wait3A = arith.constant 0 : i32
          %dma_wait3A_105 = arith.constant 0 : i32
          %dma_wait3A_106 = tpu.memref_slice %arg2[%add3A_76, %dma_wait3A, %dma_wait3A_105] : memref<2500x2x128xi32, #tpu.memory_space<hbm>> -> memref<1x2x128xi32, #tpu.memory_space<hbm>>
          %dma_wait3A_107 = tpu.memref_squeeze %dma_wait3A_106 : memref<1x2x128xi32, #tpu.memory_space<hbm>> -> memref<2x128xi32, #tpu.memory_space<hbm>>
          %dma_wait3A_108 = arith.constant 0 : i32
          %dma_wait3A_109 = arith.constant 0 : i32
          %dma_wait3A_110 = tpu.memref_slice %arg2[%add3A_76, %dma_wait3A_108, %dma_wait3A_109] : memref<2500x2x128xi32, #tpu.memory_space<hbm>> -> memref<1x2x128xi32, #tpu.memory_space<hbm>>
          %dma_wait3A_111 = tpu.memref_squeeze %dma_wait3A_110 : memref<1x2x128xi32, #tpu.memory_space<hbm>> -> memref<2x128xi32, #tpu.memory_space<hbm>>
          tpu.wait_dma2 semaphore(%run_scoped3A : memref<!tpu.dma_semaphore, #tpu.memory_space<semaphore_mem>>) src(%dma_wait3A_111 : memref<2x128xi32, #tpu.memory_space<hbm>>) dst(%arg6 : memref<2x128xi32, #tpu.memory_space<vmem>>)
          tpu.yield
        }) : () -> ()
        %dma_start3A_90 = arith.constant 0 : i32
        %dma_start3A_91 = arith.constant 0 : i32
        %dma_start3A_92 = tpu.memref_slice %arg6[%dma_start3A_90, %dma_start3A_91] : memref<2x128xi32, #tpu.memory_space<vmem>> -> memref<1x128xi32, #tpu.memory_space<vmem>>
        %dma_start3A_93 = tpu.memref_squeeze %dma_start3A_92 : memref<1x128xi32, #tpu.memory_space<vmem>> -> memref<128xi32, #tpu.memory_space<vmem>>
        %dma_start3A_94 = arith.constant 0 : i32
        %dma_start3A_95 = arith.constant 0 : i32
        %dma_start3A_96 = tpu.memref_slice %arg3[%dma_start3A_94, %dma_start3A_95] : memref<10240x128xf32, #tpu.memory_space<hbm>> -> memref<10240x128xf32, #tpu.memory_space<hbm>>
        tpu.enqueue_indirect_dma source(%dma_start3A_96 : memref<10240x128xf32, #tpu.memory_space<hbm>>) target(%arg8 : memref<128x128xf32, #tpu.memory_space<vmem>>) offsets(%dma_start3A_93 : memref<128xi32, #tpu.memory_space<vmem>>) semaphore(%arg11 : memref<!tpu.dma_semaphore, #tpu.memory_space<semaphore_mem>>)
      } else {
      }
      %mul3A_82 = arith.constant 32 : i32
      %mul3A_83 = arith.muli %mul3A_82, %add3A_71 : i32
      %add3A_84 = arith.addi %add3A, %mul3A_83 : i32
      %lt3A_85 = arith.constant 2500 : i32
      %lt3A_86 = arith.cmpi slt, %add3A_84, %lt3A_85 : i32
      %convert_element_type3A_87 = arith.extui %lt3A_86 : i1 to i32
      %cond3A_88 = arith.constant 0 : i32
      %cond3A_89 = arith.cmpi ne, %convert_element_type3A_87, %cond3A_88 : i32
      scf.if %cond3A_89 {
        %dma_wait3A = arith.constant 0 : i32
        %dma_wait3A_90 = arith.constant 0 : i32
        %dma_wait3A_91 = tpu.memref_slice %arg7[%dma_wait3A, %dma_wait3A_90] : memref<2x128xi32, #tpu.memory_space<vmem>> -> memref<1x128xi32, #tpu.memory_space<vmem>>
        %dma_wait3A_92 = tpu.memref_squeeze %dma_wait3A_91 : memref<1x128xi32, #tpu.memory_space<vmem>> -> memref<128xi32, #tpu.memory_space<vmem>>
        %dma_wait3A_93 = arith.constant 0 : i32
        %dma_wait3A_94 = arith.constant 0 : i32
        %dma_wait3A_95 = tpu.memref_slice %arg3[%dma_wait3A_93, %dma_wait3A_94] : memref<10240x128xf32, #tpu.memory_space<hbm>> -> memref<10240x128xf32, #tpu.memory_space<hbm>>
        tpu.wait_indirect_dma semaphore(%arg12 : memref<!tpu.dma_semaphore, #tpu.memory_space<semaphore_mem>>) src(%dma_wait3A_95 : memref<10240x128xf32, #tpu.memory_space<hbm>>) dst(%arg9 : memref<128x128xf32, #tpu.memory_space<vmem>>)
        %run_scoped3A = arith.constant 1 : i32
        "tpu.region"() ({
          %run_scoped3A_96 = tpu.sem_alloc : memref<!tpu.dma_semaphore, #tpu.memory_space<semaphore_mem>>
          %dma_start3A_97 = arith.constant 0 : i32
          %dma_start3A_98 = tpu.memref_slice %arg7[%run_scoped3A, %dma_start3A_97] : memref<2x128xi32, #tpu.memory_space<vmem>> -> memref<1x128xi32, #tpu.memory_space<vmem>>
          %dma_start3A_99 = tpu.memref_squeeze %dma_start3A_98 : memref<1x128xi32, #tpu.memory_space<vmem>> -> memref<128xi32, #tpu.memory_space<vmem>>
          %dma_start3A_100 = arith.constant 0 : i32
          %dma_start3A_101 = arith.constant 0 : i32
          %dma_start3A_102 = tpu.memref_slice %arg10[%dma_start3A_100, %dma_start3A_101] : memref<10240x128xf32, #tpu.memory_space<vmem_shared>> -> memref<10240x128xf32, #tpu.memory_space<vmem_shared>>
          tpu.enqueue_indirect_dma source(%arg9 : memref<128x128xf32, #tpu.memory_space<vmem>>) target(%dma_start3A_102 : memref<10240x128xf32, #tpu.memory_space<vmem_shared>>) offsets(%dma_start3A_99 : memref<128xi32, #tpu.memory_space<vmem>>) semaphore(%run_scoped3A_96 : memref<!tpu.dma_semaphore, #tpu.memory_space<semaphore_mem>>) {add = true}
          %dma_wait3A_103 = arith.constant 0 : i32
          %dma_wait3A_104 = tpu.memref_slice %arg7[%run_scoped3A, %dma_wait3A_103] : memref<2x128xi32, #tpu.memory_space<vmem>> -> memref<1x128xi32, #tpu.memory_space<vmem>>
          %dma_wait3A_105 = tpu.memref_squeeze %dma_wait3A_104 : memref<1x128xi32, #tpu.memory_space<vmem>> -> memref<128xi32, #tpu.memory_space<vmem>>
          %dma_wait3A_106 = arith.constant 0 : i32
          %dma_wait3A_107 = arith.constant 0 : i32
          %dma_wait3A_108 = tpu.memref_slice %arg10[%dma_wait3A_106, %dma_wait3A_107] : memref<10240x128xf32, #tpu.memory_space<vmem_shared>> -> memref<10240x128xf32, #tpu.memory_space<vmem_shared>>
          tpu.wait_indirect_dma semaphore(%run_scoped3A_96 : memref<!tpu.dma_semaphore, #tpu.memory_space<semaphore_mem>>) src(%arg9 : memref<128x128xf32, #tpu.memory_space<vmem>>) dst(%dma_wait3A_108 : memref<10240x128xf32, #tpu.memory_space<vmem_shared>>)
          tpu.yield
        }) : () -> ()
      } else {
      }
    }
    %scan3A_23 = arith.constant 40 : i32
    %barrier3A_24 = arith.constant 0 : index
    tpu.barrier barrier_id(%barrier3A_24)
    %mul3A_25 = arith.constant 10240 : i32
    %mul3A_26 = arith.muli %arg0, %mul3A_25 : i32
    %add3A_27 = arith.addi %mul3A_26, %mul3A_2 : i32
    %add3A_28 = arith.constant 0 : i32
    %add3A_29 = arith.addi %mul3A_2, %add3A_28 : i32
    "tpu.region"() ({
      %run_scoped3A = tpu.sem_alloc : memref<!tpu.dma_semaphore, #tpu.memory_space<semaphore_mem>>
      %dma_start3A_48 = arith.constant 0 : i32
      %dma_start3A_49 = tpu.memref_slice %arg10[%add3A_29, %dma_start3A_48] : memref<10240x128xf32, #tpu.memory_space<vmem_shared>> -> memref<128x128xf32, #tpu.memory_space<vmem_shared>>
      %dma_start3A_50 = arith.constant 0 : i32
      %dma_start3A_51 = tpu.memref_slice %arg10[%add3A_29, %dma_start3A_50] : memref<10240x128xf32, #tpu.memory_space<vmem_shared>> -> memref<128x128xf32, #tpu.memory_space<vmem_shared>>
      tpu.enqueue_dma source(%dma_start3A_51 : memref<128x128xf32, #tpu.memory_space<vmem_shared>>) target(%arg8 : memref<128x128xf32, #tpu.memory_space<vmem>>) target_semaphore(%run_scoped3A : memref<!tpu.dma_semaphore, #tpu.memory_space<semaphore_mem>>)
      %dma_wait3A = arith.constant 0 : i32
      %dma_wait3A_52 = tpu.memref_slice %arg10[%add3A_29, %dma_wait3A] : memref<10240x128xf32, #tpu.memory_space<vmem_shared>> -> memref<128x128xf32, #tpu.memory_space<vmem_shared>>
      %dma_wait3A_53 = arith.constant 0 : i32
      %dma_wait3A_54 = tpu.memref_slice %arg10[%add3A_29, %dma_wait3A_53] : memref<10240x128xf32, #tpu.memory_space<vmem_shared>> -> memref<128x128xf32, #tpu.memory_space<vmem_shared>>
      tpu.wait_dma2 semaphore(%run_scoped3A : memref<!tpu.dma_semaphore, #tpu.memory_space<semaphore_mem>>) src(%dma_wait3A_54 : memref<128x128xf32, #tpu.memory_space<vmem_shared>>) dst(%arg8 : memref<128x128xf32, #tpu.memory_space<vmem>>)
      tpu.yield
    }) : () -> ()
    %add3A_30 = arith.constant 0 : i32
    %add3A_31 = arith.addi %add3A_27, %add3A_30 : i32
    "tpu.region"() ({
      %run_scoped3A = tpu.sem_alloc : memref<!tpu.dma_semaphore, #tpu.memory_space<semaphore_mem>>
      %dma_start3A_48 = arith.constant 0 : i32
      %dma_start3A_49 = tpu.memref_slice %arg5[%add3A_31, %dma_start3A_48] : memref<20480x128xf32, #tpu.memory_space<hbm>> -> memref<128x128xf32, #tpu.memory_space<hbm>>
      %dma_start3A_50 = arith.constant 0 : i32
      %dma_start3A_51 = tpu.memref_slice %arg5[%add3A_31, %dma_start3A_50] : memref<20480x128xf32, #tpu.memory_space<hbm>> -> memref<128x128xf32, #tpu.memory_space<hbm>>
      tpu.enqueue_dma source(%arg8 : memref<128x128xf32, #tpu.memory_space<vmem>>) target(%dma_start3A_51 : memref<128x128xf32, #tpu.memory_space<hbm>>) target_semaphore(%run_scoped3A : memref<!tpu.dma_semaphore, #tpu.memory_space<semaphore_mem>>)
      %dma_wait3A = arith.constant 0 : i32
      %dma_wait3A_52 = tpu.memref_slice %arg5[%add3A_31, %dma_wait3A] : memref<20480x128xf32, #tpu.memory_space<hbm>> -> memref<128x128xf32, #tpu.memory_space<hbm>>
      %dma_wait3A_53 = arith.constant 0 : i32
      %dma_wait3A_54 = tpu.memref_slice %arg5[%add3A_31, %dma_wait3A_53] : memref<20480x128xf32, #tpu.memory_space<hbm>> -> memref<128x128xf32, #tpu.memory_space<hbm>>
      tpu.wait_dma2 semaphore(%run_scoped3A : memref<!tpu.dma_semaphore, #tpu.memory_space<semaphore_mem>>) src(%arg8 : memref<128x128xf32, #tpu.memory_space<vmem>>) dst(%dma_wait3A_54 : memref<128x128xf32, #tpu.memory_space<hbm>>)
      tpu.yield
    }) : () -> ()
    %add3A_32 = arith.constant 128 : i32
    %add3A_33 = arith.addi %mul3A_2, %add3A_32 : i32
    "tpu.region"() ({
      %run_scoped3A = tpu.sem_alloc : memref<!tpu.dma_semaphore, #tpu.memory_space<semaphore_mem>>
      %dma_start3A_48 = arith.constant 0 : i32
      %dma_start3A_49 = tpu.memref_slice %arg10[%add3A_33, %dma_start3A_48] : memref<10240x128xf32, #tpu.memory_space<vmem_shared>> -> memref<128x128xf32, #tpu.memory_space<vmem_shared>>
      %dma_start3A_50 = arith.constant 0 : i32
      %dma_start3A_51 = tpu.memref_slice %arg10[%add3A_33, %dma_start3A_50] : memref<10240x128xf32, #tpu.memory_space<vmem_shared>> -> memref<128x128xf32, #tpu.memory_space<vmem_shared>>
      tpu.enqueue_dma source(%dma_start3A_51 : memref<128x128xf32, #tpu.memory_space<vmem_shared>>) target(%arg8 : memref<128x128xf32, #tpu.memory_space<vmem>>) target_semaphore(%run_scoped3A : memref<!tpu.dma_semaphore, #tpu.memory_space<semaphore_mem>>)
      %dma_wait3A = arith.constant 0 : i32
      %dma_wait3A_52 = tpu.memref_slice %arg10[%add3A_33, %dma_wait3A] : memref<10240x128xf32, #tpu.memory_space<vmem_shared>> -> memref<128x128xf32, #tpu.memory_space<vmem_shared>>
      %dma_wait3A_53 = arith.constant 0 : i32
      %dma_wait3A_54 = tpu.memref_slice %arg10[%add3A_33, %dma_wait3A_53] : memref<10240x128xf32, #tpu.memory_space<vmem_shared>> -> memref<128x128xf32, #tpu.memory_space<vmem_shared>>
      tpu.wait_dma2 semaphore(%run_scoped3A : memref<!tpu.dma_semaphore, #tpu.memory_space<semaphore_mem>>) src(%dma_wait3A_54 : memref<128x128xf32, #tpu.memory_space<vmem_shared>>) dst(%arg8 : memref<128x128xf32, #tpu.memory_space<vmem>>)
      tpu.yield
    }) : () -> ()
    %add3A_34 = arith.constant 128 : i32
    %add3A_35 = arith.addi %add3A_27, %add3A_34 : i32
    "tpu.region"() ({
      %run_scoped3A = tpu.sem_alloc : memref<!tpu.dma_semaphore, #tpu.memory_space<semaphore_mem>>
      %dma_start3A_48 = arith.constant 0 : i32
      %dma_start3A_49 = tpu.memref_slice %arg5[%add3A_35, %dma_start3A_48] : memref<20480x128xf32, #tpu.memory_space<hbm>> -> memref<128x128xf32, #tpu.memory_space<hbm>>
      %dma_start3A_50 = arith.constant 0 : i32
      %dma_start3A_51 = tpu.memref_slice %arg5[%add3A_35, %dma_start3A_50] : memref<20480x128xf32, #tpu.memory_space<hbm>> -> memref<128x128xf32, #tpu.memory_space<hbm>>
      tpu.enqueue_dma source(%arg8 : memref<128x128xf32, #tpu.memory_space<vmem>>) target(%dma_start3A_51 : memref<128x128xf32, #tpu.memory_space<hbm>>) target_semaphore(%run_scoped3A : memref<!tpu.dma_semaphore, #tpu.memory_space<semaphore_mem>>)
      %dma_wait3A = arith.constant 0 : i32
      %dma_wait3A_52 = tpu.memref_slice %arg5[%add3A_35, %dma_wait3A] : memref<20480x128xf32, #tpu.memory_space<hbm>> -> memref<128x128xf32, #tpu.memory_space<hbm>>
      %dma_wait3A_53 = arith.constant 0 : i32
      %dma_wait3A_54 = tpu.memref_slice %arg5[%add3A_35, %dma_wait3A_53] : memref<20480x128xf32, #tpu.memory_space<hbm>> -> memref<128x128xf32, #tpu.memory_space<hbm>>
      tpu.wait_dma2 semaphore(%run_scoped3A : memref<!tpu.dma_semaphore, #tpu.memory_space<semaphore_mem>>) src(%arg8 : memref<128x128xf32, #tpu.memory_space<vmem>>) dst(%dma_wait3A_54 : memref<128x128xf32, #tpu.memory_space<hbm>>)
      tpu.yield
    }) : () -> ()
    %add3A_36 = arith.constant 256 : i32
    %add3A_37 = arith.addi %mul3A_2, %add3A_36 : i32
    "tpu.region"() ({
      %run_scoped3A = tpu.sem_alloc : memref<!tpu.dma_semaphore, #tpu.memory_space<semaphore_mem>>
      %dma_start3A_48 = arith.constant 0 : i32
      %dma_start3A_49 = tpu.memref_slice %arg10[%add3A_37, %dma_start3A_48] : memref<10240x128xf32, #tpu.memory_space<vmem_shared>> -> memref<128x128xf32, #tpu.memory_space<vmem_shared>>
      %dma_start3A_50 = arith.constant 0 : i32
      %dma_start3A_51 = tpu.memref_slice %arg10[%add3A_37, %dma_start3A_50] : memref<10240x128xf32, #tpu.memory_space<vmem_shared>> -> memref<128x128xf32, #tpu.memory_space<vmem_shared>>
      tpu.enqueue_dma source(%dma_start3A_51 : memref<128x128xf32, #tpu.memory_space<vmem_shared>>) target(%arg8 : memref<128x128xf32, #tpu.memory_space<vmem>>) target_semaphore(%run_scoped3A : memref<!tpu.dma_semaphore, #tpu.memory_space<semaphore_mem>>)
      %dma_wait3A = arith.constant 0 : i32
      %dma_wait3A_52 = tpu.memref_slice %arg10[%add3A_37, %dma_wait3A] : memref<10240x128xf32, #tpu.memory_space<vmem_shared>> -> memref<128x128xf32, #tpu.memory_space<vmem_shared>>
      %dma_wait3A_53 = arith.constant 0 : i32
      %dma_wait3A_54 = tpu.memref_slice %arg10[%add3A_37, %dma_wait3A_53] : memref<10240x128xf32, #tpu.memory_space<vmem_shared>> -> memref<128x128xf32, #tpu.memory_space<vmem_shared>>
      tpu.wait_dma2 semaphore(%run_scoped3A : memref<!tpu.dma_semaphore, #tpu.memory_space<semaphore_mem>>) src(%dma_wait3A_54 : memref<128x128xf32, #tpu.memory_space<vmem_shared>>) dst(%arg8 : memref<128x128xf32, #tpu.memory_space<vmem>>)
      tpu.yield
    }) : () -> ()
    %add3A_38 = arith.constant 256 : i32
    %add3A_39 = arith.addi %add3A_27, %add3A_38 : i32
    "tpu.region"() ({
      %run_scoped3A = tpu.sem_alloc : memref<!tpu.dma_semaphore, #tpu.memory_space<semaphore_mem>>
      %dma_start3A_48 = arith.constant 0 : i32
      %dma_start3A_49 = tpu.memref_slice %arg5[%add3A_39, %dma_start3A_48] : memref<20480x128xf32, #tpu.memory_space<hbm>> -> memref<128x128xf32, #tpu.memory_space<hbm>>
      %dma_start3A_50 = arith.constant 0 : i32
      %dma_start3A_51 = tpu.memref_slice %arg5[%add3A_39, %dma_start3A_50] : memref<20480x128xf32, #tpu.memory_space<hbm>> -> memref<128x128xf32, #tpu.memory_space<hbm>>
      tpu.enqueue_dma source(%arg8 : memref<128x128xf32, #tpu.memory_space<vmem>>) target(%dma_start3A_51 : memref<128x128xf32, #tpu.memory_space<hbm>>) target_semaphore(%run_scoped3A : memref<!tpu.dma_semaphore, #tpu.memory_space<semaphore_mem>>)
      %dma_wait3A = arith.constant 0 : i32
      %dma_wait3A_52 = tpu.memref_slice %arg5[%add3A_39, %dma_wait3A] : memref<20480x128xf32, #tpu.memory_space<hbm>> -> memref<128x128xf32, #tpu.memory_space<hbm>>
      %dma_wait3A_53 = arith.constant 0 : i32
      %dma_wait3A_54 = tpu.memref_slice %arg5[%add3A_39, %dma_wait3A_53] : memref<20480x128xf32, #tpu.memory_space<hbm>> -> memref<128x128xf32, #tpu.memory_space<hbm>>
      tpu.wait_dma2 semaphore(%run_scoped3A : memref<!tpu.dma_semaphore, #tpu.memory_space<semaphore_mem>>) src(%arg8 : memref<128x128xf32, #tpu.memory_space<vmem>>) dst(%dma_wait3A_54 : memref<128x128xf32, #tpu.memory_space<hbm>>)
      tpu.yield
    }) : () -> ()
    %add3A_40 = arith.constant 384 : i32
    %add3A_41 = arith.addi %mul3A_2, %add3A_40 : i32
    "tpu.region"() ({
      %run_scoped3A = tpu.sem_alloc : memref<!tpu.dma_semaphore, #tpu.memory_space<semaphore_mem>>
      %dma_start3A_48 = arith.constant 0 : i32
      %dma_start3A_49 = tpu.memref_slice %arg10[%add3A_41, %dma_start3A_48] : memref<10240x128xf32, #tpu.memory_space<vmem_shared>> -> memref<128x128xf32, #tpu.memory_space<vmem_shared>>
      %dma_start3A_50 = arith.constant 0 : i32
      %dma_start3A_51 = tpu.memref_slice %arg10[%add3A_41, %dma_start3A_50] : memref<10240x128xf32, #tpu.memory_space<vmem_shared>> -> memref<128x128xf32, #tpu.memory_space<vmem_shared>>
      tpu.enqueue_dma source(%dma_start3A_51 : memref<128x128xf32, #tpu.memory_space<vmem_shared>>) target(%arg8 : memref<128x128xf32, #tpu.memory_space<vmem>>) target_semaphore(%run_scoped3A : memref<!tpu.dma_semaphore, #tpu.memory_space<semaphore_mem>>)
      %dma_wait3A = arith.constant 0 : i32
      %dma_wait3A_52 = tpu.memref_slice %arg10[%add3A_41, %dma_wait3A] : memref<10240x128xf32, #tpu.memory_space<vmem_shared>> -> memref<128x128xf32, #tpu.memory_space<vmem_shared>>
      %dma_wait3A_53 = arith.constant 0 : i32
      %dma_wait3A_54 = tpu.memref_slice %arg10[%add3A_41, %dma_wait3A_53] : memref<10240x128xf32, #tpu.memory_space<vmem_shared>> -> memref<128x128xf32, #tpu.memory_space<vmem_shared>>
      tpu.wait_dma2 semaphore(%run_scoped3A : memref<!tpu.dma_semaphore, #tpu.memory_space<semaphore_mem>>) src(%dma_wait3A_54 : memref<128x128xf32, #tpu.memory_space<vmem_shared>>) dst(%arg8 : memref<128x128xf32, #tpu.memory_space<vmem>>)
      tpu.yield
    }) : () -> ()
    %add3A_42 = arith.constant 384 : i32
    %add3A_43 = arith.addi %add3A_27, %add3A_42 : i32
    "tpu.region"() ({
      %run_scoped3A = tpu.sem_alloc : memref<!tpu.dma_semaphore, #tpu.memory_space<semaphore_mem>>
      %dma_start3A_48 = arith.constant 0 : i32
      %dma_start3A_49 = tpu.memref_slice %arg5[%add3A_43, %dma_start3A_48] : memref<20480x128xf32, #tpu.memory_space<hbm>> -> memref<128x128xf32, #tpu.memory_space<hbm>>
      %dma_start3A_50 = arith.constant 0 : i32
      %dma_start3A_51 = tpu.memref_slice %arg5[%add3A_43, %dma_start3A_50] : memref<20480x128xf32, #tpu.memory_space<hbm>> -> memref<128x128xf32, #tpu.memory_space<hbm>>
      tpu.enqueue_dma source(%arg8 : memref<128x128xf32, #tpu.memory_space<vmem>>) target(%dma_start3A_51 : memref<128x128xf32, #tpu.memory_space<hbm>>) target_semaphore(%run_scoped3A : memref<!tpu.dma_semaphore, #tpu.memory_space<semaphore_mem>>)
      %dma_wait3A = arith.constant 0 : i32
      %dma_wait3A_52 = tpu.memref_slice %arg5[%add3A_43, %dma_wait3A] : memref<20480x128xf32, #tpu.memory_space<hbm>> -> memref<128x128xf32, #tpu.memory_space<hbm>>
      %dma_wait3A_53 = arith.constant 0 : i32
      %dma_wait3A_54 = tpu.memref_slice %arg5[%add3A_43, %dma_wait3A_53] : memref<20480x128xf32, #tpu.memory_space<hbm>> -> memref<128x128xf32, #tpu.memory_space<hbm>>
      tpu.wait_dma2 semaphore(%run_scoped3A : memref<!tpu.dma_semaphore, #tpu.memory_space<semaphore_mem>>) src(%arg8 : memref<128x128xf32, #tpu.memory_space<vmem>>) dst(%dma_wait3A_54 : memref<128x128xf32, #tpu.memory_space<hbm>>)
      tpu.yield
    }) : () -> ()
    %add3A_44 = arith.constant 512 : i32
    %add3A_45 = arith.addi %mul3A_2, %add3A_44 : i32
    "tpu.region"() ({
      %run_scoped3A = tpu.sem_alloc : memref<!tpu.dma_semaphore, #tpu.memory_space<semaphore_mem>>
      %dma_start3A_48 = arith.constant 0 : i32
      %dma_start3A_49 = tpu.memref_slice %arg10[%add3A_45, %dma_start3A_48] : memref<10240x128xf32, #tpu.memory_space<vmem_shared>> -> memref<128x128xf32, #tpu.memory_space<vmem_shared>>
      %dma_start3A_50 = arith.constant 0 : i32
      %dma_start3A_51 = tpu.memref_slice %arg10[%add3A_45, %dma_start3A_50] : memref<10240x128xf32, #tpu.memory_space<vmem_shared>> -> memref<128x128xf32, #tpu.memory_space<vmem_shared>>
      tpu.enqueue_dma source(%dma_start3A_51 : memref<128x128xf32, #tpu.memory_space<vmem_shared>>) target(%arg8 : memref<128x128xf32, #tpu.memory_space<vmem>>) target_semaphore(%run_scoped3A : memref<!tpu.dma_semaphore, #tpu.memory_space<semaphore_mem>>)
      %dma_wait3A = arith.constant 0 : i32
      %dma_wait3A_52 = tpu.memref_slice %arg10[%add3A_45, %dma_wait3A] : memref<10240x128xf32, #tpu.memory_space<vmem_shared>> -> memref<128x128xf32, #tpu.memory_space<vmem_shared>>
      %dma_wait3A_53 = arith.constant 0 : i32
      %dma_wait3A_54 = tpu.memref_slice %arg10[%add3A_45, %dma_wait3A_53] : memref<10240x128xf32, #tpu.memory_space<vmem_shared>> -> memref<128x128xf32, #tpu.memory_space<vmem_shared>>
      tpu.wait_dma2 semaphore(%run_scoped3A : memref<!tpu.dma_semaphore, #tpu.memory_space<semaphore_mem>>) src(%dma_wait3A_54 : memref<128x128xf32, #tpu.memory_space<vmem_shared>>) dst(%arg8 : memref<128x128xf32, #tpu.memory_space<vmem>>)
      tpu.yield
    }) : () -> ()
    %add3A_46 = arith.constant 512 : i32
    %add3A_47 = arith.addi %add3A_27, %add3A_46 : i32
    "tpu.region"() ({
      %run_scoped3A = tpu.sem_alloc : memref<!tpu.dma_semaphore, #tpu.memory_space<semaphore_mem>>
      %dma_start3A_48 = arith.constant 0 : i32
      %dma_start3A_49 = tpu.memref_slice %arg5[%add3A_47, %dma_start3A_48] : memref<20480x128xf32, #tpu.memory_space<hbm>> -> memref<128x128xf32, #tpu.memory_space<hbm>>
      %dma_start3A_50 = arith.constant 0 : i32
      %dma_start3A_51 = tpu.memref_slice %arg5[%add3A_47, %dma_start3A_50] : memref<20480x128xf32, #tpu.memory_space<hbm>> -> memref<128x128xf32, #tpu.memory_space<hbm>>
      tpu.enqueue_dma source(%arg8 : memref<128x128xf32, #tpu.memory_space<vmem>>) target(%dma_start3A_51 : memref<128x128xf32, #tpu.memory_space<hbm>>) target_semaphore(%run_scoped3A : memref<!tpu.dma_semaphore, #tpu.memory_space<semaphore_mem>>)
      %dma_wait3A = arith.constant 0 : i32
      %dma_wait3A_52 = tpu.memref_slice %arg5[%add3A_47, %dma_wait3A] : memref<20480x128xf32, #tpu.memory_space<hbm>> -> memref<128x128xf32, #tpu.memory_space<hbm>>
      %dma_wait3A_53 = arith.constant 0 : i32
      %dma_wait3A_54 = tpu.memref_slice %arg5[%add3A_47, %dma_wait3A_53] : memref<20480x128xf32, #tpu.memory_space<hbm>> -> memref<128x128xf32, #tpu.memory_space<hbm>>
      tpu.wait_dma2 semaphore(%run_scoped3A : memref<!tpu.dma_semaphore, #tpu.memory_space<semaphore_mem>>) src(%arg8 : memref<128x128xf32, #tpu.memory_space<vmem>>) dst(%dma_wait3A_54 : memref<128x128xf32, #tpu.memory_space<hbm>>)
      tpu.yield
    }) : () -> ()
    return
  }
}

#map = affine_map<(d0, d1) -> (0, 0, 0)>
#map1 = affine_map<(d0, d1) -> (0, 0)>
module attributes {stable_mosaic.version = 14 : i64} {
  func.func @_prop_body(%arg0: i32, %arg1: i32, %arg2: memref<2500x2x128xi32, #tpu.memory_space<hbm>>, %arg3: memref<10240x128xf32, #tpu.memory_space<hbm>>, %arg4: memref<128x128xf32, #tpu.memory_space<hbm>>, %arg5: memref<20480x128xf32, #tpu.memory_space<hbm>>, %arg6: memref<2x128xi32, #tpu.memory_space<vmem>>, %arg7: memref<2x128xi32, #tpu.memory_space<vmem>>, %arg8: memref<128x128xf32, #tpu.memory_space<vmem>>, %arg9: memref<128x128xf32, #tpu.memory_space<vmem>>, %arg10: memref<10240x128xf32, #tpu.memory_space<vmem_shared>>, %arg11: memref<!tpu.dma_semaphore, #tpu.memory_space<semaphore_mem>>, %arg12: memref<!tpu.dma_semaphore, #tpu.memory_space<semaphore_mem>>) attributes {dimension_semantics = [#tpu.dimension_semantics<core_parallel>, #tpu.dimension_semantics<subcore_parallel>], iteration_bounds = array<i64: 2, 16>, scalar_prefetch = 0 : i64, scratch_operands = 7 : i64, tpu.core_type = #tpu.core_type<sc_vector_subcore>, window_params = [{transform_indices = #map}, {transform_indices = #map1}, {transform_indices = #map1}, {transform_indices = #map1}]} {
    %mul3A = arith.constant 16 : i32
    %mul3A_0 = arith.muli %arg0, %mul3A : i32
    %add3A = arith.addi %mul3A_0, %arg1 : i32
    %mul3A_1 = arith.constant 640 : i32
    %mul3A_2 = arith.muli %arg1, %mul3A_1 : i32
    "tpu.region"() ({
      %run_scoped3A = tpu.sem_alloc : memref<!tpu.dma_semaphore, #tpu.memory_space<semaphore_mem>>
      tpu.enqueue_dma source(%arg4 : memref<128x128xf32, #tpu.memory_space<hbm>>) target(%arg8 : memref<128x128xf32, #tpu.memory_space<vmem>>) target_semaphore(%run_scoped3A : memref<!tpu.dma_semaphore, #tpu.memory_space<semaphore_mem>>)
      tpu.wait_dma2 semaphore(%run_scoped3A : memref<!tpu.dma_semaphore, #tpu.memory_space<semaphore_mem>>) src(%arg4 : memref<128x128xf32, #tpu.memory_space<hbm>>) dst(%arg8 : memref<128x128xf32, #tpu.memory_space<vmem>>)
      tpu.yield
    }) : () -> ()
    %add3A_3 = arith.constant 0 : i32
    %add3A_4 = arith.addi %mul3A_2, %add3A_3 : i32
    "tpu.region"() ({
      %run_scoped3A = tpu.sem_alloc : memref<!tpu.dma_semaphore, #tpu.memory_space<semaphore_mem>>
      %dma_start3A_48 = arith.constant 0 : i32
      %dma_start3A_49 = tpu.memref_slice %arg10[%add3A_4, %dma_start3A_48] : memref<10240x128xf32, #tpu.memory_space<vmem_shared>> -> memref<128x128xf32, #tpu.memory_space<vmem_shared>>
      %dma_start3A_50 = arith.constant 0 : i32
      %dma_start3A_51 = tpu.memref_slice %arg10[%add3A_4, %dma_start3A_50] : memref<10240x128xf32, #tpu.memory_space<vmem_shared>> -> memref<128x128xf32, #tpu.memory_space<vmem_shared>>
      tpu.enqueue_dma source(%arg8 : memref<128x128xf32, #tpu.memory_space<vmem>>) target(%dma_start3A_51 : memref<128x128xf32, #tpu.memory_space<vmem_shared>>) target_semaphore(%run_scoped3A : memref<!tpu.dma_semaphore, #tpu.memory_space<semaphore_mem>>)
      %dma_wait3A = arith.constant 0 : i32
      %dma_wait3A_52 = tpu.memref_slice %arg10[%add3A_4, %dma_wait3A] : memref<10240x128xf32, #tpu.memory_space<vmem_shared>> -> memref<128x128xf32, #tpu.memory_space<vmem_shared>>
      %dma_wait3A_53 = arith.constant 0 : i32
      %dma_wait3A_54 = tpu.memref_slice %arg10[%add3A_4, %dma_wait3A_53] : memref<10240x128xf32, #tpu.memory_space<vmem_shared>> -> memref<128x128xf32, #tpu.memory_space<vmem_shared>>
      tpu.wait_dma2 semaphore(%run_scoped3A : memref<!tpu.dma_semaphore, #tpu.memory_space<semaphore_mem>>) src(%arg8 : memref<128x128xf32, #tpu.memory_space<vmem>>) dst(%dma_wait3A_54 : memref<128x128xf32, #tpu.memory_space<vmem_shared>>)
      tpu.yield
    }) : () -> ()
    %add3A_5 = arith.constant 128 : i32
    %add3A_6 = arith.addi %mul3A_2, %add3A_5 : i32
    "tpu.region"() ({
      %run_scoped3A = tpu.sem_alloc : memref<!tpu.dma_semaphore, #tpu.memory_space<semaphore_mem>>
      %dma_start3A_48 = arith.constant 0 : i32
      %dma_start3A_49 = tpu.memref_slice %arg10[%add3A_6, %dma_start3A_48] : memref<10240x128xf32, #tpu.memory_space<vmem_shared>> -> memref<128x128xf32, #tpu.memory_space<vmem_shared>>
      %dma_start3A_50 = arith.constant 0 : i32
      %dma_start3A_51 = tpu.memref_slice %arg10[%add3A_6, %dma_start3A_50] : memref<10240x128xf32, #tpu.memory_space<vmem_shared>> -> memref<128x128xf32, #tpu.memory_space<vmem_shared>>
      tpu.enqueue_dma source(%arg8 : memref<128x128xf32, #tpu.memory_space<vmem>>) target(%dma_start3A_51 : memref<128x128xf32, #tpu.memory_space<vmem_shared>>) target_semaphore(%run_scoped3A : memref<!tpu.dma_semaphore, #tpu.memory_space<semaphore_mem>>)
      %dma_wait3A = arith.constant 0 : i32
      %dma_wait3A_52 = tpu.memref_slice %arg10[%add3A_6, %dma_wait3A] : memref<10240x128xf32, #tpu.memory_space<vmem_shared>> -> memref<128x128xf32, #tpu.memory_space<vmem_shared>>
      %dma_wait3A_53 = arith.constant 0 : i32
      %dma_wait3A_54 = tpu.memref_slice %arg10[%add3A_6, %dma_wait3A_53] : memref<10240x128xf32, #tpu.memory_space<vmem_shared>> -> memref<128x128xf32, #tpu.memory_space<vmem_shared>>
      tpu.wait_dma2 semaphore(%run_scoped3A : memref<!tpu.dma_semaphore, #tpu.memory_space<semaphore_mem>>) src(%arg8 : memref<128x128xf32, #tpu.memory_space<vmem>>) dst(%dma_wait3A_54 : memref<128x128xf32, #tpu.memory_space<vmem_shared>>)
      tpu.yield
    }) : () -> ()
    %add3A_7 = arith.constant 256 : i32
    %add3A_8 = arith.addi %mul3A_2, %add3A_7 : i32
    "tpu.region"() ({
      %run_scoped3A = tpu.sem_alloc : memref<!tpu.dma_semaphore, #tpu.memory_space<semaphore_mem>>
      %dma_start3A_48 = arith.constant 0 : i32
      %dma_start3A_49 = tpu.memref_slice %arg10[%add3A_8, %dma_start3A_48] : memref<10240x128xf32, #tpu.memory_space<vmem_shared>> -> memref<128x128xf32, #tpu.memory_space<vmem_shared>>
      %dma_start3A_50 = arith.constant 0 : i32
      %dma_start3A_51 = tpu.memref_slice %arg10[%add3A_8, %dma_start3A_50] : memref<10240x128xf32, #tpu.memory_space<vmem_shared>> -> memref<128x128xf32, #tpu.memory_space<vmem_shared>>
      tpu.enqueue_dma source(%arg8 : memref<128x128xf32, #tpu.memory_space<vmem>>) target(%dma_start3A_51 : memref<128x128xf32, #tpu.memory_space<vmem_shared>>) target_semaphore(%run_scoped3A : memref<!tpu.dma_semaphore, #tpu.memory_space<semaphore_mem>>)
      %dma_wait3A = arith.constant 0 : i32
      %dma_wait3A_52 = tpu.memref_slice %arg10[%add3A_8, %dma_wait3A] : memref<10240x128xf32, #tpu.memory_space<vmem_shared>> -> memref<128x128xf32, #tpu.memory_space<vmem_shared>>
      %dma_wait3A_53 = arith.constant 0 : i32
      %dma_wait3A_54 = tpu.memref_slice %arg10[%add3A_8, %dma_wait3A_53] : memref<10240x128xf32, #tpu.memory_space<vmem_shared>> -> memref<128x128xf32, #tpu.memory_space<vmem_shared>>
      tpu.wait_dma2 semaphore(%run_scoped3A : memref<!tpu.dma_semaphore, #tpu.memory_space<semaphore_mem>>) src(%arg8 : memref<128x128xf32, #tpu.memory_space<vmem>>) dst(%dma_wait3A_54 : memref<128x128xf32, #tpu.memory_space<vmem_shared>>)
      tpu.yield
    }) : () -> ()
    %add3A_9 = arith.constant 384 : i32
    %add3A_10 = arith.addi %mul3A_2, %add3A_9 : i32
    "tpu.region"() ({
      %run_scoped3A = tpu.sem_alloc : memref<!tpu.dma_semaphore, #tpu.memory_space<semaphore_mem>>
      %dma_start3A_48 = arith.constant 0 : i32
      %dma_start3A_49 = tpu.memref_slice %arg10[%add3A_10, %dma_start3A_48] : memref<10240x128xf32, #tpu.memory_space<vmem_shared>> -> memref<128x128xf32, #tpu.memory_space<vmem_shared>>
      %dma_start3A_50 = arith.constant 0 : i32
      %dma_start3A_51 = tpu.memref_slice %arg10[%add3A_10, %dma_start3A_50] : memref<10240x128xf32, #tpu.memory_space<vmem_shared>> -> memref<128x128xf32, #tpu.memory_space<vmem_shared>>
      tpu.enqueue_dma source(%arg8 : memref<128x128xf32, #tpu.memory_space<vmem>>) target(%dma_start3A_51 : memref<128x128xf32, #tpu.memory_space<vmem_shared>>) target_semaphore(%run_scoped3A : memref<!tpu.dma_semaphore, #tpu.memory_space<semaphore_mem>>)
      %dma_wait3A = arith.constant 0 : i32
      %dma_wait3A_52 = tpu.memref_slice %arg10[%add3A_10, %dma_wait3A] : memref<10240x128xf32, #tpu.memory_space<vmem_shared>> -> memref<128x128xf32, #tpu.memory_space<vmem_shared>>
      %dma_wait3A_53 = arith.constant 0 : i32
      %dma_wait3A_54 = tpu.memref_slice %arg10[%add3A_10, %dma_wait3A_53] : memref<10240x128xf32, #tpu.memory_space<vmem_shared>> -> memref<128x128xf32, #tpu.memory_space<vmem_shared>>
      tpu.wait_dma2 semaphore(%run_scoped3A : memref<!tpu.dma_semaphore, #tpu.memory_space<semaphore_mem>>) src(%arg8 : memref<128x128xf32, #tpu.memory_space<vmem>>) dst(%dma_wait3A_54 : memref<128x128xf32, #tpu.memory_space<vmem_shared>>)
      tpu.yield
    }) : () -> ()
    %add3A_11 = arith.constant 512 : i32
    %add3A_12 = arith.addi %mul3A_2, %add3A_11 : i32
    "tpu.region"() ({
      %run_scoped3A = tpu.sem_alloc : memref<!tpu.dma_semaphore, #tpu.memory_space<semaphore_mem>>
      %dma_start3A_48 = arith.constant 0 : i32
      %dma_start3A_49 = tpu.memref_slice %arg10[%add3A_12, %dma_start3A_48] : memref<10240x128xf32, #tpu.memory_space<vmem_shared>> -> memref<128x128xf32, #tpu.memory_space<vmem_shared>>
      %dma_start3A_50 = arith.constant 0 : i32
      %dma_start3A_51 = tpu.memref_slice %arg10[%add3A_12, %dma_start3A_50] : memref<10240x128xf32, #tpu.memory_space<vmem_shared>> -> memref<128x128xf32, #tpu.memory_space<vmem_shared>>
      tpu.enqueue_dma source(%arg8 : memref<128x128xf32, #tpu.memory_space<vmem>>) target(%dma_start3A_51 : memref<128x128xf32, #tpu.memory_space<vmem_shared>>) target_semaphore(%run_scoped3A : memref<!tpu.dma_semaphore, #tpu.memory_space<semaphore_mem>>)
      %dma_wait3A = arith.constant 0 : i32
      %dma_wait3A_52 = tpu.memref_slice %arg10[%add3A_12, %dma_wait3A] : memref<10240x128xf32, #tpu.memory_space<vmem_shared>> -> memref<128x128xf32, #tpu.memory_space<vmem_shared>>
      %dma_wait3A_53 = arith.constant 0 : i32
      %dma_wait3A_54 = tpu.memref_slice %arg10[%add3A_12, %dma_wait3A_53] : memref<10240x128xf32, #tpu.memory_space<vmem_shared>> -> memref<128x128xf32, #tpu.memory_space<vmem_shared>>
      tpu.wait_dma2 semaphore(%run_scoped3A : memref<!tpu.dma_semaphore, #tpu.memory_space<semaphore_mem>>) src(%arg8 : memref<128x128xf32, #tpu.memory_space<vmem>>) dst(%dma_wait3A_54 : memref<128x128xf32, #tpu.memory_space<vmem_shared>>)
      tpu.yield
    }) : () -> ()
    %barrier3A = arith.constant 0 : index
    tpu.barrier barrier_id(%barrier3A)
    "tpu.region"() ({
      %run_scoped3A = tpu.sem_alloc : memref<!tpu.dma_semaphore, #tpu.memory_space<semaphore_mem>>
      %dma_start3A_48 = arith.constant 0 : i32
      %dma_start3A_49 = arith.constant 0 : i32
      %dma_start3A_50 = tpu.memref_slice %arg2[%add3A, %dma_start3A_48, %dma_start3A_49] : memref<2500x2x128xi32, #tpu.memory_space<hbm>> -> memref<1x2x128xi32, #tpu.memory_space<hbm>>
      %dma_start3A_51 = tpu.memref_squeeze %dma_start3A_50 : memref<1x2x128xi32, #tpu.memory_space<hbm>> -> memref<2x128xi32, #tpu.memory_space<hbm>>
      %dma_start3A_52 = arith.constant 0 : i32
      %dma_start3A_53 = arith.constant 0 : i32
      %dma_start3A_54 = tpu.memref_slice %arg2[%add3A, %dma_start3A_52, %dma_start3A_53] : memref<2500x2x128xi32, #tpu.memory_space<hbm>> -> memref<1x2x128xi32, #tpu.memory_space<hbm>>
      %dma_start3A_55 = tpu.memref_squeeze %dma_start3A_54 : memref<1x2x128xi32, #tpu.memory_space<hbm>> -> memref<2x128xi32, #tpu.memory_space<hbm>>
      tpu.enqueue_dma source(%dma_start3A_55 : memref<2x128xi32, #tpu.memory_space<hbm>>) target(%arg6 : memref<2x128xi32, #tpu.memory_space<vmem>>) target_semaphore(%run_scoped3A : memref<!tpu.dma_semaphore, #tpu.memory_space<semaphore_mem>>)
      %dma_wait3A = arith.constant 0 : i32
      %dma_wait3A_56 = arith.constant 0 : i32
      %dma_wait3A_57 = tpu.memref_slice %arg2[%add3A, %dma_wait3A, %dma_wait3A_56] : memref<2500x2x128xi32, #tpu.memory_space<hbm>> -> memref<1x2x128xi32, #tpu.memory_space<hbm>>
      %dma_wait3A_58 = tpu.memref_squeeze %dma_wait3A_57 : memref<1x2x128xi32, #tpu.memory_space<hbm>> -> memref<2x128xi32, #tpu.memory_space<hbm>>
      %dma_wait3A_59 = arith.constant 0 : i32
      %dma_wait3A_60 = arith.constant 0 : i32
      %dma_wait3A_61 = tpu.memref_slice %arg2[%add3A, %dma_wait3A_59, %dma_wait3A_60] : memref<2500x2x128xi32, #tpu.memory_space<hbm>> -> memref<1x2x128xi32, #tpu.memory_space<hbm>>
      %dma_wait3A_62 = tpu.memref_squeeze %dma_wait3A_61 : memref<1x2x128xi32, #tpu.memory_space<hbm>> -> memref<2x128xi32, #tpu.memory_space<hbm>>
      tpu.wait_dma2 semaphore(%run_scoped3A : memref<!tpu.dma_semaphore, #tpu.memory_space<semaphore_mem>>) src(%dma_wait3A_62 : memref<2x128xi32, #tpu.memory_space<hbm>>) dst(%arg6 : memref<2x128xi32, #tpu.memory_space<vmem>>)
      tpu.yield
    }) : () -> ()
    %dma_start3A = arith.constant 0 : i32
    %dma_start3A_13 = arith.constant 0 : i32
    %dma_start3A_14 = tpu.memref_slice %arg6[%dma_start3A, %dma_start3A_13] : memref<2x128xi32, #tpu.memory_space<vmem>> -> memref<1x128xi32, #tpu.memory_space<vmem>>
    %dma_start3A_15 = tpu.memref_squeeze %dma_start3A_14 : memref<1x128xi32, #tpu.memory_space<vmem>> -> memref<128xi32, #tpu.memory_space<vmem>>
    %dma_start3A_16 = arith.constant 0 : i32
    %dma_start3A_17 = arith.constant 0 : i32
    %dma_start3A_18 = tpu.memref_slice %arg3[%dma_start3A_16, %dma_start3A_17] : memref<10240x128xf32, #tpu.memory_space<hbm>> -> memref<10240x128xf32, #tpu.memory_space<hbm>>
    tpu.enqueue_indirect_dma source(%dma_start3A_18 : memref<10240x128xf32, #tpu.memory_space<hbm>>) target(%arg8 : memref<128x128xf32, #tpu.memory_space<vmem>>) offsets(%dma_start3A_15 : memref<128xi32, #tpu.memory_space<vmem>>) semaphore(%arg11 : memref<!tpu.dma_semaphore, #tpu.memory_space<semaphore_mem>>)
    %scan3A = arith.constant 0 : i32
    %scan3A_19 = arith.constant 0 : i32
    %scan3A_20 = arith.constant 40 : i32
    %scan3A_21 = arith.addi %scan3A_19, %scan3A_20 : i32
    %scan3A_22 = arith.constant 1 : i32
    scf.for %scan3A_48 = %scan3A_19 to %scan3A_21 step %scan3A_22  : i32 {
      %mul3A_49 = arith.constant 2 : i32
      %mul3A_50 = arith.muli %mul3A_49, %scan3A_48 : i32
      %add3A_51 = arith.constant 0 : i32
      %add3A_52 = arith.addi %mul3A_50, %add3A_51 : i32
      %add3A_53 = arith.constant 1 : i32
      %add3A_54 = arith.addi %add3A_52, %add3A_53 : i32
      %mul3A_55 = arith.constant 32 : i32
      %mul3A_56 = arith.muli %mul3A_55, %add3A_54 : i32
      %add3A_57 = arith.addi %add3A, %mul3A_56 : i32
      %lt3A = arith.constant 2500 : i32
      %lt3A_58 = arith.cmpi slt, %add3A_57, %lt3A : i32
      %convert_element_type3A = arith.extui %lt3A_58 : i1 to i32
      %cond3A = arith.constant 0 : i32
      %cond3A_59 = arith.cmpi ne, %convert_element_type3A, %cond3A : i32
      scf.if %cond3A_59 {
        "tpu.region"() ({
          %run_scoped3A = tpu.sem_alloc : memref<!tpu.dma_semaphore, #tpu.memory_space<semaphore_mem>>
          %dma_start3A_97 = arith.constant 0 : i32
          %dma_start3A_98 = arith.constant 0 : i32
          %dma_start3A_99 = tpu.memref_slice %arg2[%add3A_57, %dma_start3A_97, %dma_start3A_98] : memref<2500x2x128xi32, #tpu.memory_space<hbm>> -> memref<1x2x128xi32, #tpu.memory_space<hbm>>
          %dma_start3A_100 = tpu.memref_squeeze %dma_start3A_99 : memref<1x2x128xi32, #tpu.memory_space<hbm>> -> memref<2x128xi32, #tpu.memory_space<hbm>>
          %dma_start3A_101 = arith.constant 0 : i32
          %dma_start3A_102 = arith.constant 0 : i32
          %dma_start3A_103 = tpu.memref_slice %arg2[%add3A_57, %dma_start3A_101, %dma_start3A_102] : memref<2500x2x128xi32, #tpu.memory_space<hbm>> -> memref<1x2x128xi32, #tpu.memory_space<hbm>>
          %dma_start3A_104 = tpu.memref_squeeze %dma_start3A_103 : memref<1x2x128xi32, #tpu.memory_space<hbm>> -> memref<2x128xi32, #tpu.memory_space<hbm>>
          tpu.enqueue_dma source(%dma_start3A_104 : memref<2x128xi32, #tpu.memory_space<hbm>>) target(%arg7 : memref<2x128xi32, #tpu.memory_space<vmem>>) target_semaphore(%run_scoped3A : memref<!tpu.dma_semaphore, #tpu.memory_space<semaphore_mem>>)
          %dma_wait3A = arith.constant 0 : i32
          %dma_wait3A_105 = arith.constant 0 : i32
          %dma_wait3A_106 = tpu.memref_slice %arg2[%add3A_57, %dma_wait3A, %dma_wait3A_105] : memref<2500x2x128xi32, #tpu.memory_space<hbm>> -> memref<1x2x128xi32, #tpu.memory_space<hbm>>
          %dma_wait3A_107 = tpu.memref_squeeze %dma_wait3A_106 : memref<1x2x128xi32, #tpu.memory_space<hbm>> -> memref<2x128xi32, #tpu.memory_space<hbm>>
          %dma_wait3A_108 = arith.constant 0 : i32
          %dma_wait3A_109 = arith.constant 0 : i32
          %dma_wait3A_110 = tpu.memref_slice %arg2[%add3A_57, %dma_wait3A_108, %dma_wait3A_109] : memref<2500x2x128xi32, #tpu.memory_space<hbm>> -> memref<1x2x128xi32, #tpu.memory_space<hbm>>
          %dma_wait3A_111 = tpu.memref_squeeze %dma_wait3A_110 : memref<1x2x128xi32, #tpu.memory_space<hbm>> -> memref<2x128xi32, #tpu.memory_space<hbm>>
          tpu.wait_dma2 semaphore(%run_scoped3A : memref<!tpu.dma_semaphore, #tpu.memory_space<semaphore_mem>>) src(%dma_wait3A_111 : memref<2x128xi32, #tpu.memory_space<hbm>>) dst(%arg7 : memref<2x128xi32, #tpu.memory_space<vmem>>)
          tpu.yield
        }) : () -> ()
        %dma_start3A_90 = arith.constant 0 : i32
        %dma_start3A_91 = arith.constant 0 : i32
        %dma_start3A_92 = tpu.memref_slice %arg7[%dma_start3A_90, %dma_start3A_91] : memref<2x128xi32, #tpu.memory_space<vmem>> -> memref<1x128xi32, #tpu.memory_space<vmem>>
        %dma_start3A_93 = tpu.memref_squeeze %dma_start3A_92 : memref<1x128xi32, #tpu.memory_space<vmem>> -> memref<128xi32, #tpu.memory_space<vmem>>
        %dma_start3A_94 = arith.constant 0 : i32
        %dma_start3A_95 = arith.constant 0 : i32
        %dma_start3A_96 = tpu.memref_slice %arg3[%dma_start3A_94, %dma_start3A_95] : memref<10240x128xf32, #tpu.memory_space<hbm>> -> memref<10240x128xf32, #tpu.memory_space<hbm>>
        tpu.enqueue_indirect_dma source(%dma_start3A_96 : memref<10240x128xf32, #tpu.memory_space<hbm>>) target(%arg9 : memref<128x128xf32, #tpu.memory_space<vmem>>) offsets(%dma_start3A_93 : memref<128xi32, #tpu.memory_space<vmem>>) semaphore(%arg12 : memref<!tpu.dma_semaphore, #tpu.memory_space<semaphore_mem>>)
      } else {
      }
      %mul3A_60 = arith.constant 32 : i32
      %mul3A_61 = arith.muli %mul3A_60, %add3A_52 : i32
      %add3A_62 = arith.addi %add3A, %mul3A_61 : i32
      %lt3A_63 = arith.constant 2500 : i32
      %lt3A_64 = arith.cmpi slt, %add3A_62, %lt3A_63 : i32
      %convert_element_type3A_65 = arith.extui %lt3A_64 : i1 to i32
      %cond3A_66 = arith.constant 0 : i32
      %cond3A_67 = arith.cmpi ne, %convert_element_type3A_65, %cond3A_66 : i32
      scf.if %cond3A_67 {
        %dma_wait3A = arith.constant 0 : i32
        %dma_wait3A_90 = arith.constant 0 : i32
        %dma_wait3A_91 = tpu.memref_slice %arg6[%dma_wait3A, %dma_wait3A_90] : memref<2x128xi32, #tpu.memory_space<vmem>> -> memref<1x128xi32, #tpu.memory_space<vmem>>
        %dma_wait3A_92 = tpu.memref_squeeze %dma_wait3A_91 : memref<1x128xi32, #tpu.memory_space<vmem>> -> memref<128xi32, #tpu.memory_space<vmem>>
        %dma_wait3A_93 = arith.constant 0 : i32
        %dma_wait3A_94 = arith.constant 0 : i32
        %dma_wait3A_95 = tpu.memref_slice %arg3[%dma_wait3A_93, %dma_wait3A_94] : memref<10240x128xf32, #tpu.memory_space<hbm>> -> memref<10240x128xf32, #tpu.memory_space<hbm>>
        tpu.wait_indirect_dma semaphore(%arg11 : memref<!tpu.dma_semaphore, #tpu.memory_space<semaphore_mem>>) src(%dma_wait3A_95 : memref<10240x128xf32, #tpu.memory_space<hbm>>) dst(%arg8 : memref<128x128xf32, #tpu.memory_space<vmem>>)
        %run_scoped3A = arith.constant 1 : i32
        "tpu.region"() ({
          %run_scoped3A_96 = tpu.sem_alloc : memref<!tpu.dma_semaphore, #tpu.memory_space<semaphore_mem>>
          %dma_start3A_97 = arith.constant 0 : i32
          %dma_start3A_98 = tpu.memref_slice %arg6[%run_scoped3A, %dma_start3A_97] : memref<2x128xi32, #tpu.memory_space<vmem>> -> memref<1x128xi32, #tpu.memory_space<vmem>>
          %dma_start3A_99 = tpu.memref_squeeze %dma_start3A_98 : memref<1x128xi32, #tpu.memory_space<vmem>> -> memref<128xi32, #tpu.memory_space<vmem>>
          %dma_start3A_100 = arith.constant 0 : i32
          %dma_start3A_101 = arith.constant 0 : i32
          %dma_start3A_102 = tpu.memref_slice %arg10[%dma_start3A_100, %dma_start3A_101] : memref<10240x128xf32, #tpu.memory_space<vmem_shared>> -> memref<10240x128xf32, #tpu.memory_space<vmem_shared>>
          tpu.enqueue_indirect_dma source(%arg8 : memref<128x128xf32, #tpu.memory_space<vmem>>) target(%dma_start3A_102 : memref<10240x128xf32, #tpu.memory_space<vmem_shared>>) offsets(%dma_start3A_99 : memref<128xi32, #tpu.memory_space<vmem>>) semaphore(%run_scoped3A_96 : memref<!tpu.dma_semaphore, #tpu.memory_space<semaphore_mem>>) {add = true}
          %dma_wait3A_103 = arith.constant 0 : i32
          %dma_wait3A_104 = tpu.memref_slice %arg6[%run_scoped3A, %dma_wait3A_103] : memref<2x128xi32, #tpu.memory_space<vmem>> -> memref<1x128xi32, #tpu.memory_space<vmem>>
          %dma_wait3A_105 = tpu.memref_squeeze %dma_wait3A_104 : memref<1x128xi32, #tpu.memory_space<vmem>> -> memref<128xi32, #tpu.memory_space<vmem>>
          %dma_wait3A_106 = arith.constant 0 : i32
          %dma_wait3A_107 = arith.constant 0 : i32
          %dma_wait3A_108 = tpu.memref_slice %arg10[%dma_wait3A_106, %dma_wait3A_107] : memref<10240x128xf32, #tpu.memory_space<vmem_shared>> -> memref<10240x128xf32, #tpu.memory_space<vmem_shared>>
          tpu.wait_indirect_dma semaphore(%run_scoped3A_96 : memref<!tpu.dma_semaphore, #tpu.memory_space<semaphore_mem>>) src(%arg8 : memref<128x128xf32, #tpu.memory_space<vmem>>) dst(%dma_wait3A_108 : memref<10240x128xf32, #tpu.memory_space<vmem_shared>>)
          tpu.yield
        }) : () -> ()
      } else {
      }
      %mul3A_68 = arith.constant 2 : i32
      %mul3A_69 = arith.muli %mul3A_68, %scan3A_48 : i32
      %add3A_70 = arith.constant 1 : i32
      %add3A_71 = arith.addi %mul3A_69, %add3A_70 : i32
      %add3A_72 = arith.constant 1 : i32
      %add3A_73 = arith.addi %add3A_71, %add3A_72 : i32
      %mul3A_74 = arith.constant 32 : i32
      %mul3A_75 = arith.muli %mul3A_74, %add3A_73 : i32
      %add3A_76 = arith.addi %add3A, %mul3A_75 : i32
      %lt3A_77 = arith.constant 2500 : i32
      %lt3A_78 = arith.cmpi slt, %add3A_76, %lt3A_77 : i32
      %convert_element_type3A_79 = arith.extui %lt3A_78 : i1 to i32
      %cond3A_80 = arith.constant 0 : i32
      %cond3A_81 = arith.cmpi ne, %convert_element_type3A_79, %cond3A_80 : i32
      scf.if %cond3A_81 {
        "tpu.region"() ({
          %run_scoped3A = tpu.sem_alloc : memref<!tpu.dma_semaphore, #tpu.memory_space<semaphore_mem>>
          %dma_start3A_97 = arith.constant 0 : i32
          %dma_start3A_98 = arith.constant 0 : i32
          %dma_start3A_99 = tpu.memref_slice %arg2[%add3A_76, %dma_start3A_97, %dma_start3A_98] : memref<2500x2x128xi32, #tpu.memory_space<hbm>> -> memref<1x2x128xi32, #tpu.memory_space<hbm>>
          %dma_start3A_100 = tpu.memref_squeeze %dma_start3A_99 : memref<1x2x128xi32, #tpu.memory_space<hbm>> -> memref<2x128xi32, #tpu.memory_space<hbm>>
          %dma_start3A_101 = arith.constant 0 : i32
          %dma_start3A_102 = arith.constant 0 : i32
          %dma_start3A_103 = tpu.memref_slice %arg2[%add3A_76, %dma_start3A_101, %dma_start3A_102] : memref<2500x2x128xi32, #tpu.memory_space<hbm>> -> memref<1x2x128xi32, #tpu.memory_space<hbm>>
          %dma_start3A_104 = tpu.memref_squeeze %dma_start3A_103 : memref<1x2x128xi32, #tpu.memory_space<hbm>> -> memref<2x128xi32, #tpu.memory_space<hbm>>
          tpu.enqueue_dma source(%dma_start3A_104 : memref<2x128xi32, #tpu.memory_space<hbm>>) target(%arg6 : memref<2x128xi32, #tpu.memory_space<vmem>>) target_semaphore(%run_scoped3A : memref<!tpu.dma_semaphore, #tpu.memory_space<semaphore_mem>>)
          %dma_wait3A = arith.constant 0 : i32
          %dma_wait3A_105 = arith.constant 0 : i32
          %dma_wait3A_106 = tpu.memref_slice %arg2[%add3A_76, %dma_wait3A, %dma_wait3A_105] : memref<2500x2x128xi32, #tpu.memory_space<hbm>> -> memref<1x2x128xi32, #tpu.memory_space<hbm>>
          %dma_wait3A_107 = tpu.memref_squeeze %dma_wait3A_106 : memref<1x2x128xi32, #tpu.memory_space<hbm>> -> memref<2x128xi32, #tpu.memory_space<hbm>>
          %dma_wait3A_108 = arith.constant 0 : i32
          %dma_wait3A_109 = arith.constant 0 : i32
          %dma_wait3A_110 = tpu.memref_slice %arg2[%add3A_76, %dma_wait3A_108, %dma_wait3A_109] : memref<2500x2x128xi32, #tpu.memory_space<hbm>> -> memref<1x2x128xi32, #tpu.memory_space<hbm>>
          %dma_wait3A_111 = tpu.memref_squeeze %dma_wait3A_110 : memref<1x2x128xi32, #tpu.memory_space<hbm>> -> memref<2x128xi32, #tpu.memory_space<hbm>>
          tpu.wait_dma2 semaphore(%run_scoped3A : memref<!tpu.dma_semaphore, #tpu.memory_space<semaphore_mem>>) src(%dma_wait3A_111 : memref<2x128xi32, #tpu.memory_space<hbm>>) dst(%arg6 : memref<2x128xi32, #tpu.memory_space<vmem>>)
          tpu.yield
        }) : () -> ()
        %dma_start3A_90 = arith.constant 0 : i32
        %dma_start3A_91 = arith.constant 0 : i32
        %dma_start3A_92 = tpu.memref_slice %arg6[%dma_start3A_90, %dma_start3A_91] : memref<2x128xi32, #tpu.memory_space<vmem>> -> memref<1x128xi32, #tpu.memory_space<vmem>>
        %dma_start3A_93 = tpu.memref_squeeze %dma_start3A_92 : memref<1x128xi32, #tpu.memory_space<vmem>> -> memref<128xi32, #tpu.memory_space<vmem>>
        %dma_start3A_94 = arith.constant 0 : i32
        %dma_start3A_95 = arith.constant 0 : i32
        %dma_start3A_96 = tpu.memref_slice %arg3[%dma_start3A_94, %dma_start3A_95] : memref<10240x128xf32, #tpu.memory_space<hbm>> -> memref<10240x128xf32, #tpu.memory_space<hbm>>
        tpu.enqueue_indirect_dma source(%dma_start3A_96 : memref<10240x128xf32, #tpu.memory_space<hbm>>) target(%arg8 : memref<128x128xf32, #tpu.memory_space<vmem>>) offsets(%dma_start3A_93 : memref<128xi32, #tpu.memory_space<vmem>>) semaphore(%arg11 : memref<!tpu.dma_semaphore, #tpu.memory_space<semaphore_mem>>)
      } else {
      }
      %mul3A_82 = arith.constant 32 : i32
      %mul3A_83 = arith.muli %mul3A_82, %add3A_71 : i32
      %add3A_84 = arith.addi %add3A, %mul3A_83 : i32
      %lt3A_85 = arith.constant 2500 : i32
      %lt3A_86 = arith.cmpi slt, %add3A_84, %lt3A_85 : i32
      %convert_element_type3A_87 = arith.extui %lt3A_86 : i1 to i32
      %cond3A_88 = arith.constant 0 : i32
      %cond3A_89 = arith.cmpi ne, %convert_element_type3A_87, %cond3A_88 : i32
      scf.if %cond3A_89 {
        %dma_wait3A = arith.constant 0 : i32
        %dma_wait3A_90 = arith.constant 0 : i32
        %dma_wait3A_91 = tpu.memref_slice %arg7[%dma_wait3A, %dma_wait3A_90] : memref<2x128xi32, #tpu.memory_space<vmem>> -> memref<1x128xi32, #tpu.memory_space<vmem>>
        %dma_wait3A_92 = tpu.memref_squeeze %dma_wait3A_91 : memref<1x128xi32, #tpu.memory_space<vmem>> -> memref<128xi32, #tpu.memory_space<vmem>>
        %dma_wait3A_93 = arith.constant 0 : i32
        %dma_wait3A_94 = arith.constant 0 : i32
        %dma_wait3A_95 = tpu.memref_slice %arg3[%dma_wait3A_93, %dma_wait3A_94] : memref<10240x128xf32, #tpu.memory_space<hbm>> -> memref<10240x128xf32, #tpu.memory_space<hbm>>
        tpu.wait_indirect_dma semaphore(%arg12 : memref<!tpu.dma_semaphore, #tpu.memory_space<semaphore_mem>>) src(%dma_wait3A_95 : memref<10240x128xf32, #tpu.memory_space<hbm>>) dst(%arg9 : memref<128x128xf32, #tpu.memory_space<vmem>>)
        %run_scoped3A = arith.constant 1 : i32
        "tpu.region"() ({
          %run_scoped3A_96 = tpu.sem_alloc : memref<!tpu.dma_semaphore, #tpu.memory_space<semaphore_mem>>
          %dma_start3A_97 = arith.constant 0 : i32
          %dma_start3A_98 = tpu.memref_slice %arg7[%run_scoped3A, %dma_start3A_97] : memref<2x128xi32, #tpu.memory_space<vmem>> -> memref<1x128xi32, #tpu.memory_space<vmem>>
          %dma_start3A_99 = tpu.memref_squeeze %dma_start3A_98 : memref<1x128xi32, #tpu.memory_space<vmem>> -> memref<128xi32, #tpu.memory_space<vmem>>
          %dma_start3A_100 = arith.constant 0 : i32
          %dma_start3A_101 = arith.constant 0 : i32
          %dma_start3A_102 = tpu.memref_slice %arg10[%dma_start3A_100, %dma_start3A_101] : memref<10240x128xf32, #tpu.memory_space<vmem_shared>> -> memref<10240x128xf32, #tpu.memory_space<vmem_shared>>
          tpu.enqueue_indirect_dma source(%arg9 : memref<128x128xf32, #tpu.memory_space<vmem>>) target(%dma_start3A_102 : memref<10240x128xf32, #tpu.memory_space<vmem_shared>>) offsets(%dma_start3A_99 : memref<128xi32, #tpu.memory_space<vmem>>) semaphore(%run_scoped3A_96 : memref<!tpu.dma_semaphore, #tpu.memory_space<semaphore_mem>>) {add = true}
          %dma_wait3A_103 = arith.constant 0 : i32
          %dma_wait3A_104 = tpu.memref_slice %arg7[%run_scoped3A, %dma_wait3A_103] : memref<2x128xi32, #tpu.memory_space<vmem>> -> memref<1x128xi32, #tpu.memory_space<vmem>>
          %dma_wait3A_105 = tpu.memref_squeeze %dma_wait3A_104 : memref<1x128xi32, #tpu.memory_space<vmem>> -> memref<128xi32, #tpu.memory_space<vmem>>
          %dma_wait3A_106 = arith.constant 0 : i32
          %dma_wait3A_107 = arith.constant 0 : i32
          %dma_wait3A_108 = tpu.memref_slice %arg10[%dma_wait3A_106, %dma_wait3A_107] : memref<10240x128xf32, #tpu.memory_space<vmem_shared>> -> memref<10240x128xf32, #tpu.memory_space<vmem_shared>>
          tpu.wait_indirect_dma semaphore(%run_scoped3A_96 : memref<!tpu.dma_semaphore, #tpu.memory_space<semaphore_mem>>) src(%arg9 : memref<128x128xf32, #tpu.memory_space<vmem>>) dst(%dma_wait3A_108 : memref<10240x128xf32, #tpu.memory_space<vmem_shared>>)
          tpu.yield
        }) : () -> ()
      } else {
      }
    }
    %scan3A_23 = arith.constant 40 : i32
    %barrier3A_24 = arith.constant 0 : index
    tpu.barrier barrier_id(%barrier3A_24)
    %mul3A_25 = arith.constant 10240 : i32
    %mul3A_26 = arith.muli %arg0, %mul3A_25 : i32
    %add3A_27 = arith.addi %mul3A_26, %mul3A_2 : i32
    %add3A_28 = arith.constant 0 : i32
    %add3A_29 = arith.addi %mul3A_2, %add3A_28 : i32
    "tpu.region"() ({
      %run_scoped3A = tpu.sem_alloc : memref<!tpu.dma_semaphore, #tpu.memory_space<semaphore_mem>>
      %dma_start3A_48 = arith.constant 0 : i32
      %dma_start3A_49 = tpu.memref_slice %arg10[%add3A_29, %dma_start3A_48] : memref<10240x128xf32, #tpu.memory_space<vmem_shared>> -> memref<128x128xf32, #tpu.memory_space<vmem_shared>>
      %dma_start3A_50 = arith.constant 0 : i32
      %dma_start3A_51 = tpu.memref_slice %arg10[%add3A_29, %dma_start3A_50] : memref<10240x128xf32, #tpu.memory_space<vmem_shared>> -> memref<128x128xf32, #tpu.memory_space<vmem_shared>>
      tpu.enqueue_dma source(%dma_start3A_51 : memref<128x128xf32, #tpu.memory_space<vmem_shared>>) target(%arg8 : memref<128x128xf32, #tpu.memory_space<vmem>>) target_semaphore(%run_scoped3A : memref<!tpu.dma_semaphore, #tpu.memory_space<semaphore_mem>>)
      %dma_wait3A = arith.constant 0 : i32
      %dma_wait3A_52 = tpu.memref_slice %arg10[%add3A_29, %dma_wait3A] : memref<10240x128xf32, #tpu.memory_space<vmem_shared>> -> memref<128x128xf32, #tpu.memory_space<vmem_shared>>
      %dma_wait3A_53 = arith.constant 0 : i32
      %dma_wait3A_54 = tpu.memref_slice %arg10[%add3A_29, %dma_wait3A_53] : memref<10240x128xf32, #tpu.memory_space<vmem_shared>> -> memref<128x128xf32, #tpu.memory_space<vmem_shared>>
      tpu.wait_dma2 semaphore(%run_scoped3A : memref<!tpu.dma_semaphore, #tpu.memory_space<semaphore_mem>>) src(%dma_wait3A_54 : memref<128x128xf32, #tpu.memory_space<vmem_shared>>) dst(%arg8 : memref<128x128xf32, #tpu.memory_space<vmem>>)
      tpu.yield
    }) : () -> ()
    %add3A_30 = arith.constant 0 : i32
    %add3A_31 = arith.addi %add3A_27, %add3A_30 : i32
    "tpu.region"() ({
      %run_scoped3A = tpu.sem_alloc : memref<!tpu.dma_semaphore, #tpu.memory_space<semaphore_mem>>
      %dma_start3A_48 = arith.constant 0 : i32
      %dma_start3A_49 = tpu.memref_slice %arg5[%add3A_31, %dma_start3A_48] : memref<20480x128xf32, #tpu.memory_space<hbm>> -> memref<128x128xf32, #tpu.memory_space<hbm>>
      %dma_start3A_50 = arith.constant 0 : i32
      %dma_start3A_51 = tpu.memref_slice %arg5[%add3A_31, %dma_start3A_50] : memref<20480x128xf32, #tpu.memory_space<hbm>> -> memref<128x128xf32, #tpu.memory_space<hbm>>
      tpu.enqueue_dma source(%arg8 : memref<128x128xf32, #tpu.memory_space<vmem>>) target(%dma_start3A_51 : memref<128x128xf32, #tpu.memory_space<hbm>>) target_semaphore(%run_scoped3A : memref<!tpu.dma_semaphore, #tpu.memory_space<semaphore_mem>>)
      %dma_wait3A = arith.constant 0 : i32
      %dma_wait3A_52 = tpu.memref_slice %arg5[%add3A_31, %dma_wait3A] : memref<20480x128xf32, #tpu.memory_space<hbm>> -> memref<128x128xf32, #tpu.memory_space<hbm>>
      %dma_wait3A_53 = arith.constant 0 : i32
      %dma_wait3A_54 = tpu.memref_slice %arg5[%add3A_31, %dma_wait3A_53] : memref<20480x128xf32, #tpu.memory_space<hbm>> -> memref<128x128xf32, #tpu.memory_space<hbm>>
      tpu.wait_dma2 semaphore(%run_scoped3A : memref<!tpu.dma_semaphore, #tpu.memory_space<semaphore_mem>>) src(%arg8 : memref<128x128xf32, #tpu.memory_space<vmem>>) dst(%dma_wait3A_54 : memref<128x128xf32, #tpu.memory_space<hbm>>)
      tpu.yield
    }) : () -> ()
    %add3A_32 = arith.constant 128 : i32
    %add3A_33 = arith.addi %mul3A_2, %add3A_32 : i32
    "tpu.region"() ({
      %run_scoped3A = tpu.sem_alloc : memref<!tpu.dma_semaphore, #tpu.memory_space<semaphore_mem>>
      %dma_start3A_48 = arith.constant 0 : i32
      %dma_start3A_49 = tpu.memref_slice %arg10[%add3A_33, %dma_start3A_48] : memref<10240x128xf32, #tpu.memory_space<vmem_shared>> -> memref<128x128xf32, #tpu.memory_space<vmem_shared>>
      %dma_start3A_50 = arith.constant 0 : i32
      %dma_start3A_51 = tpu.memref_slice %arg10[%add3A_33, %dma_start3A_50] : memref<10240x128xf32, #tpu.memory_space<vmem_shared>> -> memref<128x128xf32, #tpu.memory_space<vmem_shared>>
      tpu.enqueue_dma source(%dma_start3A_51 : memref<128x128xf32, #tpu.memory_space<vmem_shared>>) target(%arg8 : memref<128x128xf32, #tpu.memory_space<vmem>>) target_semaphore(%run_scoped3A : memref<!tpu.dma_semaphore, #tpu.memory_space<semaphore_mem>>)
      %dma_wait3A = arith.constant 0 : i32
      %dma_wait3A_52 = tpu.memref_slice %arg10[%add3A_33, %dma_wait3A] : memref<10240x128xf32, #tpu.memory_space<vmem_shared>> -> memref<128x128xf32, #tpu.memory_space<vmem_shared>>
      %dma_wait3A_53 = arith.constant 0 : i32
      %dma_wait3A_54 = tpu.memref_slice %arg10[%add3A_33, %dma_wait3A_53] : memref<10240x128xf32, #tpu.memory_space<vmem_shared>> -> memref<128x128xf32, #tpu.memory_space<vmem_shared>>
      tpu.wait_dma2 semaphore(%run_scoped3A : memref<!tpu.dma_semaphore, #tpu.memory_space<semaphore_mem>>) src(%dma_wait3A_54 : memref<128x128xf32, #tpu.memory_space<vmem_shared>>) dst(%arg8 : memref<128x128xf32, #tpu.memory_space<vmem>>)
      tpu.yield
    }) : () -> ()
    %add3A_34 = arith.constant 128 : i32
    %add3A_35 = arith.addi %add3A_27, %add3A_34 : i32
    "tpu.region"() ({
      %run_scoped3A = tpu.sem_alloc : memref<!tpu.dma_semaphore, #tpu.memory_space<semaphore_mem>>
      %dma_start3A_48 = arith.constant 0 : i32
      %dma_start3A_49 = tpu.memref_slice %arg5[%add3A_35, %dma_start3A_48] : memref<20480x128xf32, #tpu.memory_space<hbm>> -> memref<128x128xf32, #tpu.memory_space<hbm>>
      %dma_start3A_50 = arith.constant 0 : i32
      %dma_start3A_51 = tpu.memref_slice %arg5[%add3A_35, %dma_start3A_50] : memref<20480x128xf32, #tpu.memory_space<hbm>> -> memref<128x128xf32, #tpu.memory_space<hbm>>
      tpu.enqueue_dma source(%arg8 : memref<128x128xf32, #tpu.memory_space<vmem>>) target(%dma_start3A_51 : memref<128x128xf32, #tpu.memory_space<hbm>>) target_semaphore(%run_scoped3A : memref<!tpu.dma_semaphore, #tpu.memory_space<semaphore_mem>>)
      %dma_wait3A = arith.constant 0 : i32
      %dma_wait3A_52 = tpu.memref_slice %arg5[%add3A_35, %dma_wait3A] : memref<20480x128xf32, #tpu.memory_space<hbm>> -> memref<128x128xf32, #tpu.memory_space<hbm>>
      %dma_wait3A_53 = arith.constant 0 : i32
      %dma_wait3A_54 = tpu.memref_slice %arg5[%add3A_35, %dma_wait3A_53] : memref<20480x128xf32, #tpu.memory_space<hbm>> -> memref<128x128xf32, #tpu.memory_space<hbm>>
      tpu.wait_dma2 semaphore(%run_scoped3A : memref<!tpu.dma_semaphore, #tpu.memory_space<semaphore_mem>>) src(%arg8 : memref<128x128xf32, #tpu.memory_space<vmem>>) dst(%dma_wait3A_54 : memref<128x128xf32, #tpu.memory_space<hbm>>)
      tpu.yield
    }) : () -> ()
    %add3A_36 = arith.constant 256 : i32
    %add3A_37 = arith.addi %mul3A_2, %add3A_36 : i32
    "tpu.region"() ({
      %run_scoped3A = tpu.sem_alloc : memref<!tpu.dma_semaphore, #tpu.memory_space<semaphore_mem>>
      %dma_start3A_48 = arith.constant 0 : i32
      %dma_start3A_49 = tpu.memref_slice %arg10[%add3A_37, %dma_start3A_48] : memref<10240x128xf32, #tpu.memory_space<vmem_shared>> -> memref<128x128xf32, #tpu.memory_space<vmem_shared>>
      %dma_start3A_50 = arith.constant 0 : i32
      %dma_start3A_51 = tpu.memref_slice %arg10[%add3A_37, %dma_start3A_50] : memref<10240x128xf32, #tpu.memory_space<vmem_shared>> -> memref<128x128xf32, #tpu.memory_space<vmem_shared>>
      tpu.enqueue_dma source(%dma_start3A_51 : memref<128x128xf32, #tpu.memory_space<vmem_shared>>) target(%arg8 : memref<128x128xf32, #tpu.memory_space<vmem>>) target_semaphore(%run_scoped3A : memref<!tpu.dma_semaphore, #tpu.memory_space<semaphore_mem>>)
      %dma_wait3A = arith.constant 0 : i32
      %dma_wait3A_52 = tpu.memref_slice %arg10[%add3A_37, %dma_wait3A] : memref<10240x128xf32, #tpu.memory_space<vmem_shared>> -> memref<128x128xf32, #tpu.memory_space<vmem_shared>>
      %dma_wait3A_53 = arith.constant 0 : i32
      %dma_wait3A_54 = tpu.memref_slice %arg10[%add3A_37, %dma_wait3A_53] : memref<10240x128xf32, #tpu.memory_space<vmem_shared>> -> memref<128x128xf32, #tpu.memory_space<vmem_shared>>
      tpu.wait_dma2 semaphore(%run_scoped3A : memref<!tpu.dma_semaphore, #tpu.memory_space<semaphore_mem>>) src(%dma_wait3A_54 : memref<128x128xf32, #tpu.memory_space<vmem_shared>>) dst(%arg8 : memref<128x128xf32, #tpu.memory_space<vmem>>)
      tpu.yield
    }) : () -> ()
    %add3A_38 = arith.constant 256 : i32
    %add3A_39 = arith.addi %add3A_27, %add3A_38 : i32
    "tpu.region"() ({
      %run_scoped3A = tpu.sem_alloc : memref<!tpu.dma_semaphore, #tpu.memory_space<semaphore_mem>>
      %dma_start3A_48 = arith.constant 0 : i32
      %dma_start3A_49 = tpu.memref_slice %arg5[%add3A_39, %dma_start3A_48] : memref<20480x128xf32, #tpu.memory_space<hbm>> -> memref<128x128xf32, #tpu.memory_space<hbm>>
      %dma_start3A_50 = arith.constant 0 : i32
      %dma_start3A_51 = tpu.memref_slice %arg5[%add3A_39, %dma_start3A_50] : memref<20480x128xf32, #tpu.memory_space<hbm>> -> memref<128x128xf32, #tpu.memory_space<hbm>>
      tpu.enqueue_dma source(%arg8 : memref<128x128xf32, #tpu.memory_space<vmem>>) target(%dma_start3A_51 : memref<128x128xf32, #tpu.memory_space<hbm>>) target_semaphore(%run_scoped3A : memref<!tpu.dma_semaphore, #tpu.memory_space<semaphore_mem>>)
      %dma_wait3A = arith.constant 0 : i32
      %dma_wait3A_52 = tpu.memref_slice %arg5[%add3A_39, %dma_wait3A] : memref<20480x128xf32, #tpu.memory_space<hbm>> -> memref<128x128xf32, #tpu.memory_space<hbm>>
      %dma_wait3A_53 = arith.constant 0 : i32
      %dma_wait3A_54 = tpu.memref_slice %arg5[%add3A_39, %dma_wait3A_53] : memref<20480x128xf32, #tpu.memory_space<hbm>> -> memref<128x128xf32, #tpu.memory_space<hbm>>
      tpu.wait_dma2 semaphore(%run_scoped3A : memref<!tpu.dma_semaphore, #tpu.memory_space<semaphore_mem>>) src(%arg8 : memref<128x128xf32, #tpu.memory_space<vmem>>) dst(%dma_wait3A_54 : memref<128x128xf32, #tpu.memory_space<hbm>>)
      tpu.yield
    }) : () -> ()
    %add3A_40 = arith.constant 384 : i32
    %add3A_41 = arith.addi %mul3A_2, %add3A_40 : i32
    "tpu.region"() ({
      %run_scoped3A = tpu.sem_alloc : memref<!tpu.dma_semaphore, #tpu.memory_space<semaphore_mem>>
      %dma_start3A_48 = arith.constant 0 : i32
      %dma_start3A_49 = tpu.memref_slice %arg10[%add3A_41, %dma_start3A_48] : memref<10240x128xf32, #tpu.memory_space<vmem_shared>> -> memref<128x128xf32, #tpu.memory_space<vmem_shared>>
      %dma_start3A_50 = arith.constant 0 : i32
      %dma_start3A_51 = tpu.memref_slice %arg10[%add3A_41, %dma_start3A_50] : memref<10240x128xf32, #tpu.memory_space<vmem_shared>> -> memref<128x128xf32, #tpu.memory_space<vmem_shared>>
      tpu.enqueue_dma source(%dma_start3A_51 : memref<128x128xf32, #tpu.memory_space<vmem_shared>>) target(%arg8 : memref<128x128xf32, #tpu.memory_space<vmem>>) target_semaphore(%run_scoped3A : memref<!tpu.dma_semaphore, #tpu.memory_space<semaphore_mem>>)
      %dma_wait3A = arith.constant 0 : i32
      %dma_wait3A_52 = tpu.memref_slice %arg10[%add3A_41, %dma_wait3A] : memref<10240x128xf32, #tpu.memory_space<vmem_shared>> -> memref<128x128xf32, #tpu.memory_space<vmem_shared>>
      %dma_wait3A_53 = arith.constant 0 : i32
      %dma_wait3A_54 = tpu.memref_slice %arg10[%add3A_41, %dma_wait3A_53] : memref<10240x128xf32, #tpu.memory_space<vmem_shared>> -> memref<128x128xf32, #tpu.memory_space<vmem_shared>>
      tpu.wait_dma2 semaphore(%run_scoped3A : memref<!tpu.dma_semaphore, #tpu.memory_space<semaphore_mem>>) src(%dma_wait3A_54 : memref<128x128xf32, #tpu.memory_space<vmem_shared>>) dst(%arg8 : memref<128x128xf32, #tpu.memory_space<vmem>>)
      tpu.yield
    }) : () -> ()
    %add3A_42 = arith.constant 384 : i32
    %add3A_43 = arith.addi %add3A_27, %add3A_42 : i32
    "tpu.region"() ({
      %run_scoped3A = tpu.sem_alloc : memref<!tpu.dma_semaphore, #tpu.memory_space<semaphore_mem>>
      %dma_start3A_48 = arith.constant 0 : i32
      %dma_start3A_49 = tpu.memref_slice %arg5[%add3A_43, %dma_start3A_48] : memref<20480x128xf32, #tpu.memory_space<hbm>> -> memref<128x128xf32, #tpu.memory_space<hbm>>
      %dma_start3A_50 = arith.constant 0 : i32
      %dma_start3A_51 = tpu.memref_slice %arg5[%add3A_43, %dma_start3A_50] : memref<20480x128xf32, #tpu.memory_space<hbm>> -> memref<128x128xf32, #tpu.memory_space<hbm>>
      tpu.enqueue_dma source(%arg8 : memref<128x128xf32, #tpu.memory_space<vmem>>) target(%dma_start3A_51 : memref<128x128xf32, #tpu.memory_space<hbm>>) target_semaphore(%run_scoped3A : memref<!tpu.dma_semaphore, #tpu.memory_space<semaphore_mem>>)
      %dma_wait3A = arith.constant 0 : i32
      %dma_wait3A_52 = tpu.memref_slice %arg5[%add3A_43, %dma_wait3A] : memref<20480x128xf32, #tpu.memory_space<hbm>> -> memref<128x128xf32, #tpu.memory_space<hbm>>
      %dma_wait3A_53 = arith.constant 0 : i32
      %dma_wait3A_54 = tpu.memref_slice %arg5[%add3A_43, %dma_wait3A_53] : memref<20480x128xf32, #tpu.memory_space<hbm>> -> memref<128x128xf32, #tpu.memory_space<hbm>>
      tpu.wait_dma2 semaphore(%run_scoped3A : memref<!tpu.dma_semaphore, #tpu.memory_space<semaphore_mem>>) src(%arg8 : memref<128x128xf32, #tpu.memory_space<vmem>>) dst(%dma_wait3A_54 : memref<128x128xf32, #tpu.memory_space<hbm>>)
      tpu.yield
    }) : () -> ()
    %add3A_44 = arith.constant 512 : i32
    %add3A_45 = arith.addi %mul3A_2, %add3A_44 : i32
    "tpu.region"() ({
      %run_scoped3A = tpu.sem_alloc : memref<!tpu.dma_semaphore, #tpu.memory_space<semaphore_mem>>
      %dma_start3A_48 = arith.constant 0 : i32
      %dma_start3A_49 = tpu.memref_slice %arg10[%add3A_45, %dma_start3A_48] : memref<10240x128xf32, #tpu.memory_space<vmem_shared>> -> memref<128x128xf32, #tpu.memory_space<vmem_shared>>
      %dma_start3A_50 = arith.constant 0 : i32
      %dma_start3A_51 = tpu.memref_slice %arg10[%add3A_45, %dma_start3A_50] : memref<10240x128xf32, #tpu.memory_space<vmem_shared>> -> memref<128x128xf32, #tpu.memory_space<vmem_shared>>
      tpu.enqueue_dma source(%dma_start3A_51 : memref<128x128xf32, #tpu.memory_space<vmem_shared>>) target(%arg8 : memref<128x128xf32, #tpu.memory_space<vmem>>) target_semaphore(%run_scoped3A : memref<!tpu.dma_semaphore, #tpu.memory_space<semaphore_mem>>)
      %dma_wait3A = arith.constant 0 : i32
      %dma_wait3A_52 = tpu.memref_slice %arg10[%add3A_45, %dma_wait3A] : memref<10240x128xf32, #tpu.memory_space<vmem_shared>> -> memref<128x128xf32, #tpu.memory_space<vmem_shared>>
      %dma_wait3A_53 = arith.constant 0 : i32
      %dma_wait3A_54 = tpu.memref_slice %arg10[%add3A_45, %dma_wait3A_53] : memref<10240x128xf32, #tpu.memory_space<vmem_shared>> -> memref<128x128xf32, #tpu.memory_space<vmem_shared>>
      tpu.wait_dma2 semaphore(%run_scoped3A : memref<!tpu.dma_semaphore, #tpu.memory_space<semaphore_mem>>) src(%dma_wait3A_54 : memref<128x128xf32, #tpu.memory_space<vmem_shared>>) dst(%arg8 : memref<128x128xf32, #tpu.memory_space<vmem>>)
      tpu.yield
    }) : () -> ()
    %add3A_46 = arith.constant 512 : i32
    %add3A_47 = arith.addi %add3A_27, %add3A_46 : i32
    "tpu.region"() ({
      %run_scoped3A = tpu.sem_alloc : memref<!tpu.dma_semaphore, #tpu.memory_space<semaphore_mem>>
      %dma_start3A_48 = arith.constant 0 : i32
      %dma_start3A_49 = tpu.memref_slice %arg5[%add3A_47, %dma_start3A_48] : memref<20480x128xf32, #tpu.memory_space<hbm>> -> memref<128x128xf32, #tpu.memory_space<hbm>>
      %dma_start3A_50 = arith.constant 0 : i32
      %dma_start3A_51 = tpu.memref_slice %arg5[%add3A_47, %dma_start3A_50] : memref<20480x128xf32, #tpu.memory_space<hbm>> -> memref<128x128xf32, #tpu.memory_space<hbm>>
      tpu.enqueue_dma source(%arg8 : memref<128x128xf32, #tpu.memory_space<vmem>>) target(%dma_start3A_51 : memref<128x128xf32, #tpu.memory_space<hbm>>) target_semaphore(%run_scoped3A : memref<!tpu.dma_semaphore, #tpu.memory_space<semaphore_mem>>)
      %dma_wait3A = arith.constant 0 : i32
      %dma_wait3A_52 = tpu.memref_slice %arg5[%add3A_47, %dma_wait3A] : memref<20480x128xf32, #tpu.memory_space<hbm>> -> memref<128x128xf32, #tpu.memory_space<hbm>>
      %dma_wait3A_53 = arith.constant 0 : i32
      %dma_wait3A_54 = tpu.memref_slice %arg5[%add3A_47, %dma_wait3A_53] : memref<20480x128xf32, #tpu.memory_space<hbm>> -> memref<128x128xf32, #tpu.memory_space<hbm>>
      tpu.wait_dma2 semaphore(%run_scoped3A : memref<!tpu.dma_semaphore, #tpu.memory_space<semaphore_mem>>) src(%arg8 : memref<128x128xf32, #tpu.memory_space<vmem>>) dst(%dma_wait3A_54 : memref<128x128xf32, #tpu.memory_space<hbm>>)
      tpu.yield
    }) : () -> ()
    return
  }
}

module attributes {stable_mosaic.version = 14 : i64} {
  func.func @_b_body(%arg0: i32, %arg1: memref<2048x128xf32, #tpu.memory_space<vmem>>, %arg2: memref<128x128xf32, #tpu.memory_space<vmem>>, %arg3: memref<2048x128xf32, #tpu.memory_space<vmem>>, %arg4: memref<2048x128xf32, #tpu.memory_space<vmem>>, %arg5: memref<2048x128xf32, #tpu.memory_space<vmem>>) attributes {dimension_semantics = [#tpu.dimension_semantics<arbitrary>], iteration_bounds = array<i64: 5>, scalar_prefetch = 0 : i64, scratch_operands = 0 : i64, tpu.core_type = #tpu.core_type<tc>, window_params = [{transform_indices = @transform_0, window_bounds = array<i64: 2048, 128>}, {pipeline_mode = #tpu.pipeline_mode<synchronous>, transform_indices = @transform_1, window_bounds = array<i64: 128, 128>}, {transform_indices = @transform_2, window_bounds = array<i64: 2048, 128>}, {transform_indices = @transform_3, window_bounds = array<i64: 2048, 128>}, {transform_indices = @transform_4, window_bounds = array<i64: 2048, 128>}]} {
    %get3A = arith.constant 0 : index
    %get3A_0 = arith.constant 0 : index
    %get3A_1 = vector.load %arg1[%get3A, %get3A_0] : memref<2048x128xf32, #tpu.memory_space<vmem>>, vector<2048x128xf32>
    %get3A_2 = arith.constant 0 : index
    %get3A_3 = arith.constant 0 : index
    %get3A_4 = vector.load %arg2[%get3A_2, %get3A_3] : memref<128x128xf32, #tpu.memory_space<vmem>>, vector<128x128xf32>
    %dot_general3A = arith.constant dense<0.000000e+00> : vector<2048x128xf32>
    %dot_general3A_5 = tpu.matmul %get3A_1, %get3A_4, %dot_general3A {dimension_numbers = #tpu.dot_dimension_numbers<[1], [0], [0], [1], [0, 0, 1, 1], [], []>, transpose_lhs_hint = false} : vector<2048x128xf32>, vector<128x128xf32>, vector<2048x128xf32> -> vector<2048x128xf32>
    %get3A_6 = arith.constant 0 : index
    %get3A_7 = arith.constant 0 : index
    %get3A_8 = vector.load %arg3[%get3A_6, %get3A_7] : memref<2048x128xf32, #tpu.memory_space<vmem>>, vector<2048x128xf32>
    %get3A_9 = arith.constant 0 : index
    %get3A_10 = arith.constant 0 : index
    %get3A_11 = vector.load %arg4[%get3A_9, %get3A_10] : memref<2048x128xf32, #tpu.memory_space<vmem>>, vector<2048x128xf32>
    %slice3A = vector.extract_strided_slice %get3A_8 {offsets = [0, 0], sizes = [2048, 1], strides = [1, 1]} : vector<2048x128xf32> to vector<2048x1xf32>
    %slice3A_12 = vector.extract_strided_slice %get3A_11 {offsets = [0, 0], sizes = [2048, 1], strides = [1, 1]} : vector<2048x128xf32> to vector<2048x1xf32>
    %add3A = arith.addf %slice3A, %slice3A_12 : vector<2048x1xf32>
    %add3A_13 = arith.constant 1.000000e+00 : f32
    %add3A_14 = vector.broadcast %add3A_13 : f32 to vector<2048x1xf32>
    %add3A_15 = arith.addf %add3A, %add3A_14 : vector<2048x1xf32>
    %rsqrt3A = math.rsqrt %add3A_15 : vector<2048x1xf32>
    %mul3A = vector.broadcast %rsqrt3A : vector<2048x1xf32> to vector<2048x128xf32>
    %mul3A_16 = arith.mulf %dot_general3A_5, %mul3A : vector<2048x128xf32>
    %swap3A = arith.constant 0 : index
    %swap3A_17 = arith.constant 0 : index
    %swap3A_18 = vector.load %arg5[%swap3A, %swap3A_17] : memref<2048x128xf32, #tpu.memory_space<vmem>>, vector<2048x128xf32>
    tpu.vector_store %arg5[%swap3A, %swap3A_17], %mul3A_16 {strides = array<i32>} : memref<2048x128xf32, #tpu.memory_space<vmem>>, vector<2048x128xf32>,
    return
  }
  func.func @transform_0(%arg0: i32) -> (i32, i32) {
    %c0_i32 = arith.constant 0 : i32
    %c0_i32_0 = arith.constant 0 : i32
    return %arg0, %c0_i32 : i32, i32
  }
  func.func @transform_1(%arg0: i32) -> (i32, i32) {
    %c0_i32 = arith.constant 0 : i32
    %c0_i32_0 = arith.constant 0 : i32
    %c0_i32_1 = arith.constant 0 : i32
    return %c0_i32, %c0_i32_0 : i32, i32
  }
  func.func @transform_2(%arg0: i32) -> (i32, i32) {
    %c0_i32 = arith.constant 0 : i32
    %c0_i32_0 = arith.constant 0 : i32
    return %arg0, %c0_i32 : i32, i32
  }
  func.func @transform_3(%arg0: i32) -> (i32, i32) {
    %add3A = arith.constant 5 : i32
    %add3A_0 = arith.addi %arg0, %add3A : i32
    %c0_i32 = arith.constant 0 : i32
    %c0_i32_1 = arith.constant 0 : i32
    return %add3A_0, %c0_i32 : i32, i32
  }
  func.func @transform_4(%arg0: i32) -> (i32, i32) {
    %c0_i32 = arith.constant 0 : i32
    %c0_i32_0 = arith.constant 0 : i32
    return %arg0, %c0_i32 : i32, i32
  }
}

module attributes {stable_mosaic.version = 14 : i64} {
  func.func @_d_body(%arg0: i32, %arg1: memref<2048x128xf32, #tpu.memory_space<vmem>>, %arg2: memref<2048x128xf32, #tpu.memory_space<vmem>>, %arg3: memref<2048x128xf32, #tpu.memory_space<vmem>>, %arg4: memref<2048x128xf32, #tpu.memory_space<vmem>>, %arg5: memref<2048x128xf32, #tpu.memory_space<vmem>>, %arg6: memref<128x128xf32, #tpu.memory_space<vmem>>, %arg7: memref<1x128xf32, #tpu.memory_space<vmem>>, %arg8: memref<2048x128xf32, #tpu.memory_space<vmem>>, %arg9: memref<2048x128xf32, #tpu.memory_space<vmem>>) attributes {dimension_semantics = [#tpu.dimension_semantics<arbitrary>], iteration_bounds = array<i64: 5>, scalar_prefetch = 0 : i64, scratch_operands = 0 : i64, tpu.core_type = #tpu.core_type<tc>, window_params = [{transform_indices = @transform_0, window_bounds = array<i64: 2048, 128>}, {transform_indices = @transform_1, window_bounds = array<i64: 2048, 128>}, {transform_indices = @transform_2, window_bounds = array<i64: 2048, 128>}, {transform_indices = @transform_3, window_bounds = array<i64: 2048, 128>}, {transform_indices = @transform_4, window_bounds = array<i64: 2048, 128>}, {pipeline_mode = #tpu.pipeline_mode<synchronous>, transform_indices = @transform_5, window_bounds = array<i64: 128, 128>}, {pipeline_mode = #tpu.pipeline_mode<synchronous>, transform_indices = @transform_6, window_bounds = array<i64: 1, 128>}, {transform_indices = @transform_7, window_bounds = array<i64: 2048, 128>}, {transform_indices = @transform_8, window_bounds = array<i64: 2048, 128>}]} {
    %get3A = arith.constant 0 : index
    %get3A_0 = arith.constant 0 : index
    %get3A_1 = vector.load %arg4[%get3A, %get3A_0] : memref<2048x128xf32, #tpu.memory_space<vmem>>, vector<2048x128xf32>
    %get3A_2 = arith.constant 0 : index
    %get3A_3 = arith.constant 0 : index
    %get3A_4 = vector.load %arg5[%get3A_2, %get3A_3] : memref<2048x128xf32, #tpu.memory_space<vmem>>, vector<2048x128xf32>
    %slice3A = vector.extract_strided_slice %get3A_1 {offsets = [0, 0], sizes = [2048, 1], strides = [1, 1]} : vector<2048x128xf32> to vector<2048x1xf32>
    %slice3A_5 = vector.extract_strided_slice %get3A_4 {offsets = [0, 0], sizes = [2048, 1], strides = [1, 1]} : vector<2048x128xf32> to vector<2048x1xf32>
    %add3A = arith.addf %slice3A, %slice3A_5 : vector<2048x1xf32>
    %add3A_6 = arith.constant 1.000000e+00 : f32
    %add3A_7 = vector.broadcast %add3A_6 : f32 to vector<2048x1xf32>
    %add3A_8 = arith.addf %add3A, %add3A_7 : vector<2048x1xf32>
    %rsqrt3A = math.rsqrt %add3A_8 : vector<2048x1xf32>
    %get3A_9 = arith.constant 0 : index
    %get3A_10 = arith.constant 0 : index
    %get3A_11 = vector.load %arg1[%get3A_9, %get3A_10] : memref<2048x128xf32, #tpu.memory_space<vmem>>, vector<2048x128xf32>
    %get3A_12 = arith.constant 0 : index
    %get3A_13 = arith.constant 0 : index
    %get3A_14 = vector.load %arg2[%get3A_12, %get3A_13] : memref<2048x128xf32, #tpu.memory_space<vmem>>, vector<2048x128xf32>
    %add3A_15 = arith.addf %get3A_11, %get3A_14 : vector<2048x128xf32>
    %get3A_16 = arith.constant 0 : index
    %get3A_17 = arith.constant 0 : index
    %get3A_18 = vector.load %arg3[%get3A_16, %get3A_17] : memref<2048x128xf32, #tpu.memory_space<vmem>>, vector<2048x128xf32>
    %add3A_19 = arith.addf %add3A_15, %get3A_18 : vector<2048x128xf32>
    %mul3A = vector.broadcast %rsqrt3A : vector<2048x1xf32> to vector<2048x128xf32>
    %mul3A_20 = arith.mulf %add3A_19, %mul3A : vector<2048x128xf32>
    %get3A_21 = arith.constant 0 : index
    %get3A_22 = arith.constant 0 : index
    %get3A_23 = vector.load %arg7[%get3A_21, %get3A_22] : memref<1x128xf32, #tpu.memory_space<vmem>>, vector<1x128xf32>
    %add3A_24 = vector.broadcast %get3A_23 : vector<1x128xf32> to vector<2048x128xf32>
    %add3A_25 = arith.addf %mul3A_20, %add3A_24 : vector<2048x128xf32>
    %max3A = arith.constant 0.000000e+00 : f32
    %max3A_26 = vector.broadcast %max3A : f32 to vector<2048x128xf32>
    %max3A_27 = arith.maximumf %add3A_25, %max3A_26 : vector<2048x128xf32>
    %swap3A = arith.constant 0 : index
    %swap3A_28 = arith.constant 0 : index
    %swap3A_29 = vector.load %arg8[%swap3A, %swap3A_28] : memref<2048x128xf32, #tpu.memory_space<vmem>>, vector<2048x128xf32>
    tpu.vector_store %arg8[%swap3A, %swap3A_28], %max3A_27 {strides = array<i32>} : memref<2048x128xf32, #tpu.memory_space<vmem>>, vector<2048x128xf32>,
    %get3A_30 = arith.constant 0 : index
    %get3A_31 = arith.constant 0 : index
    %get3A_32 = vector.load %arg6[%get3A_30, %get3A_31] : memref<128x128xf32, #tpu.memory_space<vmem>>, vector<128x128xf32>
    %dot_general3A = arith.constant dense<0.000000e+00> : vector<2048x128xf32>
    %dot_general3A_33 = tpu.matmul %max3A_27, %get3A_32, %dot_general3A {dimension_numbers = #tpu.dot_dimension_numbers<[1], [0], [0], [1], [0, 0, 1, 1], [], []>, transpose_lhs_hint = false} : vector<2048x128xf32>, vector<128x128xf32>, vector<2048x128xf32> -> vector<2048x128xf32>
    %mul3A_34 = vector.broadcast %rsqrt3A : vector<2048x1xf32> to vector<2048x128xf32>
    %mul3A_35 = arith.mulf %dot_general3A_33, %mul3A_34 : vector<2048x128xf32>
    %swap3A_36 = arith.constant 0 : index
    %swap3A_37 = arith.constant 0 : index
    %swap3A_38 = vector.load %arg9[%swap3A_36, %swap3A_37] : memref<2048x128xf32, #tpu.memory_space<vmem>>, vector<2048x128xf32>
    tpu.vector_store %arg9[%swap3A_36, %swap3A_37], %mul3A_35 {strides = array<i32>} : memref<2048x128xf32, #tpu.memory_space<vmem>>, vector<2048x128xf32>,
    return
  }
  func.func @transform_0(%arg0: i32) -> (i32, i32) {
    %c0_i32 = arith.constant 0 : i32
    %c0_i32_0 = arith.constant 0 : i32
    return %arg0, %c0_i32 : i32, i32
  }
  func.func @transform_1(%arg0: i32) -> (i32, i32) {
    %add3A = arith.constant 5 : i32
    %add3A_0 = arith.addi %arg0, %add3A : i32
    %c0_i32 = arith.constant 0 : i32
    %c0_i32_1 = arith.constant 0 : i32
    return %add3A_0, %c0_i32 : i32, i32
  }
  func.func @transform_2(%arg0: i32) -> (i32, i32) {
    %c0_i32 = arith.constant 0 : i32
    %c0_i32_0 = arith.constant 0 : i32
    return %arg0, %c0_i32 : i32, i32
  }
  func.func @transform_3(%arg0: i32) -> (i32, i32) {
    %c0_i32 = arith.constant 0 : i32
    %c0_i32_0 = arith.constant 0 : i32
    return %arg0, %c0_i32 : i32, i32
  }
  func.func @transform_4(%arg0: i32) -> (i32, i32) {
    %add3A = arith.constant 5 : i32
    %add3A_0 = arith.addi %arg0, %add3A : i32
    %c0_i32 = arith.constant 0 : i32
    %c0_i32_1 = arith.constant 0 : i32
    return %add3A_0, %c0_i32 : i32, i32
  }
  func.func @transform_5(%arg0: i32) -> (i32, i32) {
    %c0_i32 = arith.constant 0 : i32
    %c0_i32_0 = arith.constant 0 : i32
    %c0_i32_1 = arith.constant 0 : i32
    return %c0_i32, %c0_i32_0 : i32, i32
  }
  func.func @transform_6(%arg0: i32) -> (i32, i32) {
    %c0_i32 = arith.constant 0 : i32
    %c0_i32_0 = arith.constant 0 : i32
    %c0_i32_1 = arith.constant 0 : i32
    return %c0_i32, %c0_i32_0 : i32, i32
  }
  func.func @transform_7(%arg0: i32) -> (i32, i32) {
    %c0_i32 = arith.constant 0 : i32
    %c0_i32_0 = arith.constant 0 : i32
    return %arg0, %c0_i32 : i32, i32
  }
  func.func @transform_8(%arg0: i32) -> (i32, i32) {
    %c0_i32 = arith.constant 0 : i32
    %c0_i32_0 = arith.constant 0 : i32
    return %arg0, %c0_i32 : i32, i32
  }
}

module attributes {stable_mosaic.version = 14 : i64} {
  func.func @_f_body(%arg0: i32, %arg1: memref<2048x128xf32, #tpu.memory_space<vmem>>, %arg2: memref<2048x128xf32, #tpu.memory_space<vmem>>, %arg3: memref<2048x128xf32, #tpu.memory_space<vmem>>, %arg4: memref<2048x128xf32, #tpu.memory_space<vmem>>, %arg5: memref<2048x128xf32, #tpu.memory_space<vmem>>, %arg6: memref<2048x128xf32, #tpu.memory_space<vmem>>, %arg7: memref<1x128xf32, #tpu.memory_space<vmem>>, %arg8: memref<128x512xf32, #tpu.memory_space<vmem>>, %arg9: memref<128x512xf32, #tpu.memory_space<vmem>>, %arg10: memref<1x512xf32, #tpu.memory_space<vmem>>, %arg11: memref<128x512xf32, #tpu.memory_space<vmem>>, %arg12: memref<128x512xf32, #tpu.memory_space<vmem>>, %arg13: memref<1x512xf32, #tpu.memory_space<vmem>>, %arg14: memref<1x128xf32, #tpu.memory_space<vmem>>, %arg15: memref<1x128xf32, #tpu.memory_space<vmem>>, %arg16: memref<2048x128xf32, #tpu.memory_space<vmem>>) attributes {dimension_semantics = [#tpu.dimension_semantics<arbitrary>], iteration_bounds = array<i64: 5>, scalar_prefetch = 0 : i64, scratch_operands = 0 : i64, tpu.core_type = #tpu.core_type<tc>, window_params = [{transform_indices = @transform_0, window_bounds = array<i64: 2048, 128>}, {transform_indices = @transform_1, window_bounds = array<i64: 2048, 128>}, {transform_indices = @transform_2, window_bounds = array<i64: 2048, 128>}, {transform_indices = @transform_3, window_bounds = array<i64: 2048, 128>}, {transform_indices = @transform_4, window_bounds = array<i64: 2048, 128>}, {transform_indices = @transform_5, window_bounds = array<i64: 2048, 128>}, {pipeline_mode = #tpu.pipeline_mode<synchronous>, transform_indices = @transform_6, window_bounds = array<i64: 1, 128>}, {pipeline_mode = #tpu.pipeline_mode<synchronous>, transform_indices = @transform_7, window_bounds = array<i64: 128, 512>}, {pipeline_mode = #tpu.pipeline_mode<synchronous>, transform_indices = @transform_8, window_bounds = array<i64: 128, 512>}, {pipeline_mode = #tpu.pipeline_mode<synchronous>, transform_indices = @transform_9, window_bounds = array<i64: 1, 512>}, {pipeline_mode = #tpu.pipeline_mode<synchronous>, transform_indices = @transform_10, window_bounds = array<i64: 128, 512>}, {pipeline_mode = #tpu.pipeline_mode<synchronous>, transform_indices = @transform_11, window_bounds = array<i64: 128, 512>}, {pipeline_mode = #tpu.pipeline_mode<synchronous>, transform_indices = @transform_12, window_bounds = array<i64: 1, 512>}, {pipeline_mode = #tpu.pipeline_mode<synchronous>, transform_indices = @transform_13, window_bounds = array<i64: 1, 128>}, {pipeline_mode = #tpu.pipeline_mode<synchronous>, transform_indices = @transform_14, window_bounds = array<i64: 1, 128>}, {transform_indices = @transform_15, window_bounds = array<i64: 2048, 128>}]} {
    %get3A = arith.constant 0 : index
    %get3A_0 = arith.constant 0 : index
    %get3A_1 = vector.load %arg5[%get3A, %get3A_0] : memref<2048x128xf32, #tpu.memory_space<vmem>>, vector<2048x128xf32>
    %get3A_2 = arith.constant 0 : index
    %get3A_3 = arith.constant 0 : index
    %get3A_4 = vector.load %arg6[%get3A_2, %get3A_3] : memref<2048x128xf32, #tpu.memory_space<vmem>>, vector<2048x128xf32>
    %slice3A = vector.extract_strided_slice %get3A_1 {offsets = [0, 0], sizes = [2048, 1], strides = [1, 1]} : vector<2048x128xf32> to vector<2048x1xf32>
    %slice3A_5 = vector.extract_strided_slice %get3A_4 {offsets = [0, 0], sizes = [2048, 1], strides = [1, 1]} : vector<2048x128xf32> to vector<2048x1xf32>
    %add3A = arith.addf %slice3A, %slice3A_5 : vector<2048x1xf32>
    %add3A_6 = arith.constant 1.000000e+00 : f32
    %add3A_7 = vector.broadcast %add3A_6 : f32 to vector<2048x1xf32>
    %add3A_8 = arith.addf %add3A, %add3A_7 : vector<2048x1xf32>
    %rsqrt3A = math.rsqrt %add3A_8 : vector<2048x1xf32>
    %get3A_9 = arith.constant 0 : index
    %get3A_10 = arith.constant 0 : index
    %get3A_11 = vector.load %arg4[%get3A_9, %get3A_10] : memref<2048x128xf32, #tpu.memory_space<vmem>>, vector<2048x128xf32>
    %get3A_12 = arith.constant 0 : index
    %get3A_13 = arith.constant 0 : index
    %get3A_14 = vector.load %arg1[%get3A_12, %get3A_13] : memref<2048x128xf32, #tpu.memory_space<vmem>>, vector<2048x128xf32>
    %get3A_15 = arith.constant 0 : index
    %get3A_16 = arith.constant 0 : index
    %get3A_17 = vector.load %arg2[%get3A_15, %get3A_16] : memref<2048x128xf32, #tpu.memory_space<vmem>>, vector<2048x128xf32>
    %add3A_18 = arith.addf %get3A_14, %get3A_17 : vector<2048x128xf32>
    %get3A_19 = arith.constant 0 : index
    %get3A_20 = arith.constant 0 : index
    %get3A_21 = vector.load %arg3[%get3A_19, %get3A_20] : memref<2048x128xf32, #tpu.memory_space<vmem>>, vector<2048x128xf32>
    %add3A_22 = arith.addf %add3A_18, %get3A_21 : vector<2048x128xf32>
    %mul3A = vector.broadcast %rsqrt3A : vector<2048x1xf32> to vector<2048x128xf32>
    %mul3A_23 = arith.mulf %add3A_22, %mul3A : vector<2048x128xf32>
    %get3A_24 = arith.constant 0 : index
    %get3A_25 = arith.constant 0 : index
    %get3A_26 = vector.load %arg7[%get3A_24, %get3A_25] : memref<1x128xf32, #tpu.memory_space<vmem>>, vector<1x128xf32>
    %add3A_27 = vector.broadcast %get3A_26 : vector<1x128xf32> to vector<2048x128xf32>
    %add3A_28 = arith.addf %mul3A_23, %add3A_27 : vector<2048x128xf32>
    %max3A = arith.constant 0.000000e+00 : f32
    %max3A_29 = vector.broadcast %max3A : f32 to vector<2048x128xf32>
    %max3A_30 = arith.maximumf %add3A_28, %max3A_29 : vector<2048x128xf32>
    %get3A_31 = arith.constant 0 : index
    %get3A_32 = arith.constant 0 : index
    %get3A_33 = vector.load %arg8[%get3A_31, %get3A_32] : memref<128x512xf32, #tpu.memory_space<vmem>>, vector<128x512xf32>
    %dot_general3A = arith.constant dense<0.000000e+00> : vector<2048x512xf32>
    %dot_general3A_34 = tpu.matmul %get3A_11, %get3A_33, %dot_general3A {dimension_numbers = #tpu.dot_dimension_numbers<[1], [0], [0], [1], [0, 0, 1, 1], [], []>, transpose_lhs_hint = false} : vector<2048x128xf32>, vector<128x512xf32>, vector<2048x512xf32> -> vector<2048x512xf32>
    %get3A_35 = arith.constant 0 : index
    %get3A_36 = arith.constant 0 : index
    %get3A_37 = vector.load %arg10[%get3A_35, %get3A_36] : memref<1x512xf32, #tpu.memory_space<vmem>>, vector<1x512xf32>
    %add3A_38 = vector.broadcast %get3A_37 : vector<1x512xf32> to vector<2048x512xf32>
    %add3A_39 = arith.addf %dot_general3A_34, %add3A_38 : vector<2048x512xf32>
    %slice3A_40 = vector.extract_strided_slice %add3A_39 {offsets = [0, 0], sizes = [2048, 128], strides = [1, 1]} : vector<2048x512xf32> to vector<2048x128xf32>
    %logistic3A = arith.negf %slice3A_40 : vector<2048x128xf32>
    %logistic3A_41 = math.exp %logistic3A : vector<2048x128xf32>
    %logistic3A_42 = arith.constant 1.000000e+00 : f32
    %logistic3A_43 = vector.broadcast %logistic3A_42 : f32 to vector<2048x128xf32>
    %logistic3A_44 = arith.addf %logistic3A_43, %logistic3A_41 : vector<2048x128xf32>
    %logistic3A_45 = arith.divf %logistic3A_43, %logistic3A_44 : vector<2048x128xf32>
    %slice3A_46 = vector.extract_strided_slice %add3A_39 {offsets = [0, 256], sizes = [2048, 128], strides = [1, 1]} : vector<2048x512xf32> to vector<2048x128xf32>
    %tanh3A = math.tanh %slice3A_46 : vector<2048x128xf32>
    %mul3A_47 = arith.mulf %logistic3A_45, %tanh3A : vector<2048x128xf32>
    %slice3A_48 = vector.extract_strided_slice %add3A_39 {offsets = [0, 384], sizes = [2048, 128], strides = [1, 1]} : vector<2048x512xf32> to vector<2048x128xf32>
    %logistic3A_49 = arith.negf %slice3A_48 : vector<2048x128xf32>
    %logistic3A_50 = math.exp %logistic3A_49 : vector<2048x128xf32>
    %logistic3A_51 = arith.constant 1.000000e+00 : f32
    %logistic3A_52 = vector.broadcast %logistic3A_51 : f32 to vector<2048x128xf32>
    %logistic3A_53 = arith.addf %logistic3A_52, %logistic3A_50 : vector<2048x128xf32>
    %logistic3A_54 = arith.divf %logistic3A_52, %logistic3A_53 : vector<2048x128xf32>
    %tanh3A_55 = math.tanh %mul3A_47 : vector<2048x128xf32>
    %mul3A_56 = arith.mulf %logistic3A_54, %tanh3A_55 : vector<2048x128xf32>
    %get3A_57 = arith.constant 0 : index
    %get3A_58 = arith.constant 0 : index
    %get3A_59 = vector.load %arg8[%get3A_57, %get3A_58] : memref<128x512xf32, #tpu.memory_space<vmem>>, vector<128x512xf32>
    %dot_general3A_60 = arith.constant dense<0.000000e+00> : vector<2048x512xf32>
    %dot_general3A_61 = tpu.matmul %max3A_30, %get3A_59, %dot_general3A_60 {dimension_numbers = #tpu.dot_dimension_numbers<[1], [0], [0], [1], [0, 0, 1, 1], [], []>, transpose_lhs_hint = false} : vector<2048x128xf32>, vector<128x512xf32>, vector<2048x512xf32> -> vector<2048x512xf32>
    %get3A_62 = arith.constant 0 : index
    %get3A_63 = arith.constant 0 : index
    %get3A_64 = vector.load %arg9[%get3A_62, %get3A_63] : memref<128x512xf32, #tpu.memory_space<vmem>>, vector<128x512xf32>
    %dot_general3A_65 = arith.constant dense<0.000000e+00> : vector<2048x512xf32>
    %dot_general3A_66 = tpu.matmul %mul3A_56, %get3A_64, %dot_general3A_65 {dimension_numbers = #tpu.dot_dimension_numbers<[1], [0], [0], [1], [0, 0, 1, 1], [], []>, transpose_lhs_hint = false} : vector<2048x128xf32>, vector<128x512xf32>, vector<2048x512xf32> -> vector<2048x512xf32>
    %add3A_67 = arith.addf %dot_general3A_61, %dot_general3A_66 : vector<2048x512xf32>
    %get3A_68 = arith.constant 0 : index
    %get3A_69 = arith.constant 0 : index
    %get3A_70 = vector.load %arg10[%get3A_68, %get3A_69] : memref<1x512xf32, #tpu.memory_space<vmem>>, vector<1x512xf32>
    %add3A_71 = vector.broadcast %get3A_70 : vector<1x512xf32> to vector<2048x512xf32>
    %add3A_72 = arith.addf %add3A_67, %add3A_71 : vector<2048x512xf32>
    %slice3A_73 = vector.extract_strided_slice %add3A_72 {offsets = [0, 128], sizes = [2048, 128], strides = [1, 1]} : vector<2048x512xf32> to vector<2048x128xf32>
    %logistic3A_74 = arith.negf %slice3A_73 : vector<2048x128xf32>
    %logistic3A_75 = math.exp %logistic3A_74 : vector<2048x128xf32>
    %logistic3A_76 = arith.constant 1.000000e+00 : f32
    %logistic3A_77 = vector.broadcast %logistic3A_76 : f32 to vector<2048x128xf32>
    %logistic3A_78 = arith.addf %logistic3A_77, %logistic3A_75 : vector<2048x128xf32>
    %logistic3A_79 = arith.divf %logistic3A_77, %logistic3A_78 : vector<2048x128xf32>
    %mul3A_80 = arith.mulf %logistic3A_79, %mul3A_47 : vector<2048x128xf32>
    %slice3A_81 = vector.extract_strided_slice %add3A_72 {offsets = [0, 0], sizes = [2048, 128], strides = [1, 1]} : vector<2048x512xf32> to vector<2048x128xf32>
    %logistic3A_82 = arith.negf %slice3A_81 : vector<2048x128xf32>
    %logistic3A_83 = math.exp %logistic3A_82 : vector<2048x128xf32>
    %logistic3A_84 = arith.constant 1.000000e+00 : f32
    %logistic3A_85 = vector.broadcast %logistic3A_84 : f32 to vector<2048x128xf32>
    %logistic3A_86 = arith.addf %logistic3A_85, %logistic3A_83 : vector<2048x128xf32>
    %logistic3A_87 = arith.divf %logistic3A_85, %logistic3A_86 : vector<2048x128xf32>
    %slice3A_88 = vector.extract_strided_slice %add3A_72 {offsets = [0, 256], sizes = [2048, 128], strides = [1, 1]} : vector<2048x512xf32> to vector<2048x128xf32>
    %tanh3A_89 = math.tanh %slice3A_88 : vector<2048x128xf32>
    %mul3A_90 = arith.mulf %logistic3A_87, %tanh3A_89 : vector<2048x128xf32>
    %add3A_91 = arith.addf %mul3A_80, %mul3A_90 : vector<2048x128xf32>
    %slice3A_92 = vector.extract_strided_slice %add3A_72 {offsets = [0, 384], sizes = [2048, 128], strides = [1, 1]} : vector<2048x512xf32> to vector<2048x128xf32>
    %logistic3A_93 = arith.negf %slice3A_92 : vector<2048x128xf32>
    %logistic3A_94 = math.exp %logistic3A_93 : vector<2048x128xf32>
    %logistic3A_95 = arith.constant 1.000000e+00 : f32
    %logistic3A_96 = vector.broadcast %logistic3A_95 : f32 to vector<2048x128xf32>
    %logistic3A_97 = arith.addf %logistic3A_96, %logistic3A_94 : vector<2048x128xf32>
    %logistic3A_98 = arith.divf %logistic3A_96, %logistic3A_97 : vector<2048x128xf32>
    %tanh3A_99 = math.tanh %add3A_91 : vector<2048x128xf32>
    %mul3A_100 = arith.mulf %logistic3A_98, %tanh3A_99 : vector<2048x128xf32>
    %get3A_101 = arith.constant 0 : index
    %get3A_102 = arith.constant 0 : index
    %get3A_103 = vector.load %arg11[%get3A_101, %get3A_102] : memref<128x512xf32, #tpu.memory_space<vmem>>, vector<128x512xf32>
    %dot_general3A_104 = arith.constant dense<0.000000e+00> : vector<2048x512xf32>
    %dot_general3A_105 = tpu.matmul %max3A_30, %get3A_103, %dot_general3A_104 {dimension_numbers = #tpu.dot_dimension_numbers<[1], [0], [0], [1], [0, 0, 1, 1], [], []>, transpose_lhs_hint = false} : vector<2048x128xf32>, vector<128x512xf32>, vector<2048x512xf32> -> vector<2048x512xf32>
    %get3A_106 = arith.constant 0 : index
    %get3A_107 = arith.constant 0 : index
    %get3A_108 = vector.load %arg13[%get3A_106, %get3A_107] : memref<1x512xf32, #tpu.memory_space<vmem>>, vector<1x512xf32>
    %add3A_109 = vector.broadcast %get3A_108 : vector<1x512xf32> to vector<2048x512xf32>
    %add3A_110 = arith.addf %dot_general3A_105, %add3A_109 : vector<2048x512xf32>
    %slice3A_111 = vector.extract_strided_slice %add3A_110 {offsets = [0, 0], sizes = [2048, 128], strides = [1, 1]} : vector<2048x512xf32> to vector<2048x128xf32>
    %logistic3A_112 = arith.negf %slice3A_111 : vector<2048x128xf32>
    %logistic3A_113 = math.exp %logistic3A_112 : vector<2048x128xf32>
    %logistic3A_114 = arith.constant 1.000000e+00 : f32
    %logistic3A_115 = vector.broadcast %logistic3A_114 : f32 to vector<2048x128xf32>
    %logistic3A_116 = arith.addf %logistic3A_115, %logistic3A_113 : vector<2048x128xf32>
    %logistic3A_117 = arith.divf %logistic3A_115, %logistic3A_116 : vector<2048x128xf32>
    %slice3A_118 = vector.extract_strided_slice %add3A_110 {offsets = [0, 256], sizes = [2048, 128], strides = [1, 1]} : vector<2048x512xf32> to vector<2048x128xf32>
    %tanh3A_119 = math.tanh %slice3A_118 : vector<2048x128xf32>
    %mul3A_120 = arith.mulf %logistic3A_117, %tanh3A_119 : vector<2048x128xf32>
    %slice3A_121 = vector.extract_strided_slice %add3A_110 {offsets = [0, 384], sizes = [2048, 128], strides = [1, 1]} : vector<2048x512xf32> to vector<2048x128xf32>
    %logistic3A_122 = arith.negf %slice3A_121 : vector<2048x128xf32>
    %logistic3A_123 = math.exp %logistic3A_122 : vector<2048x128xf32>
    %logistic3A_124 = arith.constant 1.000000e+00 : f32
    %logistic3A_125 = vector.broadcast %logistic3A_124 : f32 to vector<2048x128xf32>
    %logistic3A_126 = arith.addf %logistic3A_125, %logistic3A_123 : vector<2048x128xf32>
    %logistic3A_127 = arith.divf %logistic3A_125, %logistic3A_126 : vector<2048x128xf32>
    %tanh3A_128 = math.tanh %mul3A_120 : vector<2048x128xf32>
    %mul3A_129 = arith.mulf %logistic3A_127, %tanh3A_128 : vector<2048x128xf32>
    %get3A_130 = arith.constant 0 : index
    %get3A_131 = arith.constant 0 : index
    %get3A_132 = vector.load %arg11[%get3A_130, %get3A_131] : memref<128x512xf32, #tpu.memory_space<vmem>>, vector<128x512xf32>
    %dot_general3A_133 = arith.constant dense<0.000000e+00> : vector<2048x512xf32>
    %dot_general3A_134 = tpu.matmul %get3A_11, %get3A_132, %dot_general3A_133 {dimension_numbers = #tpu.dot_dimension_numbers<[1], [0], [0], [1], [0, 0, 1, 1], [], []>, transpose_lhs_hint = false} : vector<2048x128xf32>, vector<128x512xf32>, vector<2048x512xf32> -> vector<2048x512xf32>
    %get3A_135 = arith.constant 0 : index
    %get3A_136 = arith.constant 0 : index
    %get3A_137 = vector.load %arg12[%get3A_135, %get3A_136] : memref<128x512xf32, #tpu.memory_space<vmem>>, vector<128x512xf32>
    %dot_general3A_138 = arith.constant dense<0.000000e+00> : vector<2048x512xf32>
    %dot_general3A_139 = tpu.matmul %mul3A_129, %get3A_137, %dot_general3A_138 {dimension_numbers = #tpu.dot_dimension_numbers<[1], [0], [0], [1], [0, 0, 1, 1], [], []>, transpose_lhs_hint = false} : vector<2048x128xf32>, vector<128x512xf32>, vector<2048x512xf32> -> vector<2048x512xf32>
    %add3A_140 = arith.addf %dot_general3A_134, %dot_general3A_139 : vector<2048x512xf32>
    %get3A_141 = arith.constant 0 : index
    %get3A_142 = arith.constant 0 : index
    %get3A_143 = vector.load %arg13[%get3A_141, %get3A_142] : memref<1x512xf32, #tpu.memory_space<vmem>>, vector<1x512xf32>
    %add3A_144 = vector.broadcast %get3A_143 : vector<1x512xf32> to vector<2048x512xf32>
    %add3A_145 = arith.addf %add3A_140, %add3A_144 : vector<2048x512xf32>
    %slice3A_146 = vector.extract_strided_slice %add3A_145 {offsets = [0, 128], sizes = [2048, 128], strides = [1, 1]} : vector<2048x512xf32> to vector<2048x128xf32>
    %logistic3A_147 = arith.negf %slice3A_146 : vector<2048x128xf32>
    %logistic3A_148 = math.exp %logistic3A_147 : vector<2048x128xf32>
    %logistic3A_149 = arith.constant 1.000000e+00 : f32
    %logistic3A_150 = vector.broadcast %logistic3A_149 : f32 to vector<2048x128xf32>
    %logistic3A_151 = arith.addf %logistic3A_150, %logistic3A_148 : vector<2048x128xf32>
    %logistic3A_152 = arith.divf %logistic3A_150, %logistic3A_151 : vector<2048x128xf32>
    %mul3A_153 = arith.mulf %logistic3A_152, %mul3A_120 : vector<2048x128xf32>
    %slice3A_154 = vector.extract_strided_slice %add3A_145 {offsets = [0, 0], sizes = [2048, 128], strides = [1, 1]} : vector<2048x512xf32> to vector<2048x128xf32>
    %logistic3A_155 = arith.negf %slice3A_154 : vector<2048x128xf32>
    %logistic3A_156 = math.exp %logistic3A_155 : vector<2048x128xf32>
    %logistic3A_157 = arith.constant 1.000000e+00 : f32
    %logistic3A_158 = vector.broadcast %logistic3A_157 : f32 to vector<2048x128xf32>
    %logistic3A_159 = arith.addf %logistic3A_158, %logistic3A_156 : vector<2048x128xf32>
    %logistic3A_160 = arith.divf %logistic3A_158, %logistic3A_159 : vector<2048x128xf32>
    %slice3A_161 = vector.extract_strided_slice %add3A_145 {offsets = [0, 256], sizes = [2048, 128], strides = [1, 1]} : vector<2048x512xf32> to vector<2048x128xf32>
    %tanh3A_162 = math.tanh %slice3A_161 : vector<2048x128xf32>
    %mul3A_163 = arith.mulf %logistic3A_160, %tanh3A_162 : vector<2048x128xf32>
    %add3A_164 = arith.addf %mul3A_153, %mul3A_163 : vector<2048x128xf32>
    %slice3A_165 = vector.extract_strided_slice %add3A_145 {offsets = [0, 384], sizes = [2048, 128], strides = [1, 1]} : vector<2048x512xf32> to vector<2048x128xf32>
    %logistic3A_166 = arith.negf %slice3A_165 : vector<2048x128xf32>
    %logistic3A_167 = math.exp %logistic3A_166 : vector<2048x128xf32>
    %logistic3A_168 = arith.constant 1.000000e+00 : f32
    %logistic3A_169 = vector.broadcast %logistic3A_168 : f32 to vector<2048x128xf32>
    %logistic3A_170 = arith.addf %logistic3A_169, %logistic3A_167 : vector<2048x128xf32>
    %logistic3A_171 = arith.divf %logistic3A_169, %logistic3A_170 : vector<2048x128xf32>
    %tanh3A_172 = math.tanh %add3A_164 : vector<2048x128xf32>
    %mul3A_173 = arith.mulf %logistic3A_171, %tanh3A_172 : vector<2048x128xf32>
    %get3A_174 = arith.constant 0 : index
    %get3A_175 = arith.constant 0 : index
    %get3A_176 = vector.load %arg14[%get3A_174, %get3A_175] : memref<1x128xf32, #tpu.memory_space<vmem>>, vector<1x128xf32>
    %mul3A_177 = vector.broadcast %get3A_176 : vector<1x128xf32> to vector<2048x128xf32>
    %mul3A_178 = arith.mulf %mul3A_56, %mul3A_177 : vector<2048x128xf32>
    %reduce_sum3A = arith.constant dense<0.000000e+00> : vector<2048xf32>
    %reduce_sum3A_179 = vector.multi_reduction <add>, %mul3A_178, %reduce_sum3A [1] : vector<2048x128xf32> to vector<2048xf32>
    %broadcast_in_dim3A = vector.shape_cast %reduce_sum3A_179 : vector<2048xf32> to vector<2048x1xf32>
    %get3A_180 = arith.constant 0 : index
    %get3A_181 = arith.constant 0 : index
    %get3A_182 = vector.load %arg15[%get3A_180, %get3A_181] : memref<1x128xf32, #tpu.memory_space<vmem>>, vector<1x128xf32>
    %mul3A_183 = vector.broadcast %get3A_182 : vector<1x128xf32> to vector<2048x128xf32>
    %mul3A_184 = arith.mulf %mul3A_173, %mul3A_183 : vector<2048x128xf32>
    %reduce_sum3A_185 = arith.constant dense<0.000000e+00> : vector<2048xf32>
    %reduce_sum3A_186 = vector.multi_reduction <add>, %mul3A_184, %reduce_sum3A_185 [1] : vector<2048x128xf32> to vector<2048xf32>
    %broadcast_in_dim3A_187 = vector.shape_cast %reduce_sum3A_186 : vector<2048xf32> to vector<2048x1xf32>
    %add3A_188 = arith.addf %broadcast_in_dim3A, %broadcast_in_dim3A_187 : vector<2048x1xf32>
    %get3A_189 = arith.constant 0 : index
    %get3A_190 = arith.constant 0 : index
    %get3A_191 = vector.load %arg14[%get3A_189, %get3A_190] : memref<1x128xf32, #tpu.memory_space<vmem>>, vector<1x128xf32>
    %mul3A_192 = vector.broadcast %get3A_191 : vector<1x128xf32> to vector<2048x128xf32>
    %mul3A_193 = arith.mulf %mul3A_100, %mul3A_192 : vector<2048x128xf32>
    %reduce_sum3A_194 = arith.constant dense<0.000000e+00> : vector<2048xf32>
    %reduce_sum3A_195 = vector.multi_reduction <add>, %mul3A_193, %reduce_sum3A_194 [1] : vector<2048x128xf32> to vector<2048xf32>
    %broadcast_in_dim3A_196 = vector.shape_cast %reduce_sum3A_195 : vector<2048xf32> to vector<2048x1xf32>
    %get3A_197 = arith.constant 0 : index
    %get3A_198 = arith.constant 0 : index
    %get3A_199 = vector.load %arg15[%get3A_197, %get3A_198] : memref<1x128xf32, #tpu.memory_space<vmem>>, vector<1x128xf32>
    %mul3A_200 = vector.broadcast %get3A_199 : vector<1x128xf32> to vector<2048x128xf32>
    %mul3A_201 = arith.mulf %mul3A_129, %mul3A_200 : vector<2048x128xf32>
    %reduce_sum3A_202 = arith.constant dense<0.000000e+00> : vector<2048xf32>
    %reduce_sum3A_203 = vector.multi_reduction <add>, %mul3A_201, %reduce_sum3A_202 [1] : vector<2048x128xf32> to vector<2048xf32>
    %broadcast_in_dim3A_204 = vector.shape_cast %reduce_sum3A_203 : vector<2048xf32> to vector<2048x1xf32>
    %add3A_205 = arith.addf %broadcast_in_dim3A_196, %broadcast_in_dim3A_204 : vector<2048x1xf32>
    %max3A_206 = arith.maximumf %add3A_188, %add3A_205 : vector<2048x1xf32>
    %sub3A = arith.subf %add3A_188, %max3A_206 : vector<2048x1xf32>
    %exp3A = math.exp %sub3A : vector<2048x1xf32>
    %sub3A_207 = arith.subf %add3A_205, %max3A_206 : vector<2048x1xf32>
    %exp3A_208 = math.exp %sub3A_207 : vector<2048x1xf32>
    %add3A_209 = arith.addf %exp3A, %exp3A_208 : vector<2048x1xf32>
    %div3A = arith.constant 1.000000e+00 : f32
    %div3A_210 = vector.broadcast %div3A : f32 to vector<2048x1xf32>
    %div3A_211 = arith.divf %div3A_210, %add3A_209 : vector<2048x1xf32>
    %mul3A_212 = arith.mulf %exp3A, %div3A_211 : vector<2048x1xf32>
    %mul3A_213 = vector.broadcast %mul3A_212 : vector<2048x1xf32> to vector<2048x128xf32>
    %mul3A_214 = arith.mulf %mul3A_213, %get3A_11 : vector<2048x128xf32>
    %mul3A_215 = arith.mulf %exp3A_208, %div3A_211 : vector<2048x1xf32>
    %mul3A_216 = vector.broadcast %mul3A_215 : vector<2048x1xf32> to vector<2048x128xf32>
    %mul3A_217 = arith.mulf %mul3A_216, %max3A_30 : vector<2048x128xf32>
    %add3A_218 = arith.addf %mul3A_214, %mul3A_217 : vector<2048x128xf32>
    %mul3A_219 = vector.broadcast %rsqrt3A : vector<2048x1xf32> to vector<2048x128xf32>
    %mul3A_220 = arith.mulf %add3A_218, %mul3A_219 : vector<2048x128xf32>
    %swap3A = arith.constant 0 : index
    %swap3A_221 = arith.constant 0 : index
    %swap3A_222 = vector.load %arg16[%swap3A, %swap3A_221] : memref<2048x128xf32, #tpu.memory_space<vmem>>, vector<2048x128xf32>
    tpu.vector_store %arg16[%swap3A, %swap3A_221], %mul3A_220 {strides = array<i32>} : memref<2048x128xf32, #tpu.memory_space<vmem>>, vector<2048x128xf32>,
    return
  }
  func.func @transform_0(%arg0: i32) -> (i32, i32) {
    %c0_i32 = arith.constant 0 : i32
    %c0_i32_0 = arith.constant 0 : i32
    return %arg0, %c0_i32 : i32, i32
  }
  func.func @transform_1(%arg0: i32) -> (i32, i32) {
    %add3A = arith.constant 5 : i32
    %add3A_0 = arith.addi %arg0, %add3A : i32
    %c0_i32 = arith.constant 0 : i32
    %c0_i32_1 = arith.constant 0 : i32
    return %add3A_0, %c0_i32 : i32, i32
  }
  func.func @transform_2(%arg0: i32) -> (i32, i32) {
    %c0_i32 = arith.constant 0 : i32
    %c0_i32_0 = arith.constant 0 : i32
    return %arg0, %c0_i32 : i32, i32
  }
  func.func @transform_3(%arg0: i32) -> (i32, i32) {
    %c0_i32 = arith.constant 0 : i32
    %c0_i32_0 = arith.constant 0 : i32
    return %arg0, %c0_i32 : i32, i32
  }
  func.func @transform_4(%arg0: i32) -> (i32, i32) {
    %c0_i32 = arith.constant 0 : i32
    %c0_i32_0 = arith.constant 0 : i32
    return %arg0, %c0_i32 : i32, i32
  }
  func.func @transform_5(%arg0: i32) -> (i32, i32) {
    %add3A = arith.constant 5 : i32
    %add3A_0 = arith.addi %arg0, %add3A : i32
    %c0_i32 = arith.constant 0 : i32
    %c0_i32_1 = arith.constant 0 : i32
    return %add3A_0, %c0_i32 : i32, i32
  }
  func.func @transform_6(%arg0: i32) -> (i32, i32) {
    %c0_i32 = arith.constant 0 : i32
    %c0_i32_0 = arith.constant 0 : i32
    %c0_i32_1 = arith.constant 0 : i32
    return %c0_i32, %c0_i32_0 : i32, i32
  }
  func.func @transform_7(%arg0: i32) -> (i32, i32) {
    %c0_i32 = arith.constant 0 : i32
    %c0_i32_0 = arith.constant 0 : i32
    %c0_i32_1 = arith.constant 0 : i32
    return %c0_i32, %c0_i32_0 : i32, i32
  }
  func.func @transform_8(%arg0: i32) -> (i32, i32) {
    %c0_i32 = arith.constant 0 : i32
    %c0_i32_0 = arith.constant 0 : i32
    %c0_i32_1 = arith.constant 0 : i32
    return %c0_i32, %c0_i32_0 : i32, i32
  }
  func.func @transform_9(%arg0: i32) -> (i32, i32) {
    %c0_i32 = arith.constant 0 : i32
    %c0_i32_0 = arith.constant 0 : i32
    %c0_i32_1 = arith.constant 0 : i32
    return %c0_i32, %c0_i32_0 : i32, i32
  }
  func.func @transform_10(%arg0: i32) -> (i32, i32) {
    %c0_i32 = arith.constant 0 : i32
    %c0_i32_0 = arith.constant 0 : i32
    %c0_i32_1 = arith.constant 0 : i32
    return %c0_i32, %c0_i32_0 : i32, i32
  }
  func.func @transform_11(%arg0: i32) -> (i32, i32) {
    %c0_i32 = arith.constant 0 : i32
    %c0_i32_0 = arith.constant 0 : i32
    %c0_i32_1 = arith.constant 0 : i32
    return %c0_i32, %c0_i32_0 : i32, i32
  }
  func.func @transform_12(%arg0: i32) -> (i32, i32) {
    %c0_i32 = arith.constant 0 : i32
    %c0_i32_0 = arith.constant 0 : i32
    %c0_i32_1 = arith.constant 0 : i32
    return %c0_i32, %c0_i32_0 : i32, i32
  }
  func.func @transform_13(%arg0: i32) -> (i32, i32) {
    %c0_i32 = arith.constant 0 : i32
    %c0_i32_0 = arith.constant 0 : i32
    %c0_i32_1 = arith.constant 0 : i32
    return %c0_i32, %c0_i32_0 : i32, i32
  }
  func.func @transform_14(%arg0: i32) -> (i32, i32) {
    %c0_i32 = arith.constant 0 : i32
    %c0_i32_0 = arith.constant 0 : i32
    %c0_i32_1 = arith.constant 0 : i32
    return %c0_i32, %c0_i32_0 : i32, i32
  }
  func.func @transform_15(%arg0: i32) -> (i32, i32) {
    %c0_i32 = arith.constant 0 : i32
    %c0_i32_0 = arith.constant 0 : i32
    return %arg0, %c0_i32 : i32, i32
  }
}

module attributes {stable_mosaic.version = 14 : i64} {
  func.func @_h_body(%arg0: i32, %arg1: memref<2048x128xf32, #tpu.memory_space<vmem>>, %arg2: memref<2048x128xf32, #tpu.memory_space<vmem>>, %arg3: memref<2048x128xf32, #tpu.memory_space<vmem>>, %arg4: memref<2048x128xf32, #tpu.memory_space<vmem>>, %arg5: memref<2048x128xf32, #tpu.memory_space<vmem>>, %arg6: memref<128x40xf32, #tpu.memory_space<vmem>>, %arg7: memref<1x40xf32, #tpu.memory_space<vmem>>, %arg8: memref<2048x40xf32, #tpu.memory_space<vmem>>) attributes {dimension_semantics = [#tpu.dimension_semantics<arbitrary>], iteration_bounds = array<i64: 5>, scalar_prefetch = 0 : i64, scratch_operands = 0 : i64, tpu.core_type = #tpu.core_type<tc>, window_params = [{transform_indices = @transform_0, window_bounds = array<i64: 2048, 128>}, {transform_indices = @transform_1, window_bounds = array<i64: 2048, 128>}, {transform_indices = @transform_2, window_bounds = array<i64: 2048, 128>}, {transform_indices = @transform_3, window_bounds = array<i64: 2048, 128>}, {transform_indices = @transform_4, window_bounds = array<i64: 2048, 128>}, {pipeline_mode = #tpu.pipeline_mode<synchronous>, transform_indices = @transform_5, window_bounds = array<i64: 128, 40>}, {pipeline_mode = #tpu.pipeline_mode<synchronous>, transform_indices = @transform_6, window_bounds = array<i64: 1, 40>}, {transform_indices = @transform_7, window_bounds = array<i64: 2048, 40>}]} {
    %get3A = arith.constant 0 : index
    %get3A_0 = arith.constant 0 : index
    %get3A_1 = vector.load %arg4[%get3A, %get3A_0] : memref<2048x128xf32, #tpu.memory_space<vmem>>, vector<2048x128xf32>
    %get3A_2 = arith.constant 0 : index
    %get3A_3 = arith.constant 0 : index
    %get3A_4 = vector.load %arg5[%get3A_2, %get3A_3] : memref<2048x128xf32, #tpu.memory_space<vmem>>, vector<2048x128xf32>
    %slice3A = vector.extract_strided_slice %get3A_1 {offsets = [0, 0], sizes = [2048, 1], strides = [1, 1]} : vector<2048x128xf32> to vector<2048x1xf32>
    %slice3A_5 = vector.extract_strided_slice %get3A_4 {offsets = [0, 0], sizes = [2048, 1], strides = [1, 1]} : vector<2048x128xf32> to vector<2048x1xf32>
    %add3A = arith.addf %slice3A, %slice3A_5 : vector<2048x1xf32>
    %add3A_6 = arith.constant 1.000000e+00 : f32
    %add3A_7 = vector.broadcast %add3A_6 : f32 to vector<2048x1xf32>
    %add3A_8 = arith.addf %add3A, %add3A_7 : vector<2048x1xf32>
    %rsqrt3A = math.rsqrt %add3A_8 : vector<2048x1xf32>
    %get3A_9 = arith.constant 0 : index
    %get3A_10 = arith.constant 0 : index
    %get3A_11 = vector.load %arg1[%get3A_9, %get3A_10] : memref<2048x128xf32, #tpu.memory_space<vmem>>, vector<2048x128xf32>
    %get3A_12 = arith.constant 0 : index
    %get3A_13 = arith.constant 0 : index
    %get3A_14 = vector.load %arg2[%get3A_12, %get3A_13] : memref<2048x128xf32, #tpu.memory_space<vmem>>, vector<2048x128xf32>
    %add3A_15 = arith.addf %get3A_11, %get3A_14 : vector<2048x128xf32>
    %get3A_16 = arith.constant 0 : index
    %get3A_17 = arith.constant 0 : index
    %get3A_18 = vector.load %arg3[%get3A_16, %get3A_17] : memref<2048x128xf32, #tpu.memory_space<vmem>>, vector<2048x128xf32>
    %add3A_19 = arith.addf %add3A_15, %get3A_18 : vector<2048x128xf32>
    %mul3A = vector.broadcast %rsqrt3A : vector<2048x1xf32> to vector<2048x128xf32>
    %mul3A_20 = arith.mulf %add3A_19, %mul3A : vector<2048x128xf32>
    %get3A_21 = arith.constant 0 : index
    %get3A_22 = arith.constant 0 : index
    %get3A_23 = vector.load %arg6[%get3A_21, %get3A_22] : memref<128x40xf32, #tpu.memory_space<vmem>>, vector<128x40xf32>
    %dot_general3A = arith.constant dense<0.000000e+00> : vector<2048x40xf32>
    %dot_general3A_24 = tpu.matmul %mul3A_20, %get3A_23, %dot_general3A {dimension_numbers = #tpu.dot_dimension_numbers<[1], [0], [0], [1], [0, 0, 1, 1], [], []>, transpose_lhs_hint = false} : vector<2048x128xf32>, vector<128x40xf32>, vector<2048x40xf32> -> vector<2048x40xf32>
    %get3A_25 = arith.constant 0 : index
    %get3A_26 = arith.constant 0 : index
    %get3A_27 = vector.load %arg7[%get3A_25, %get3A_26] : memref<1x40xf32, #tpu.memory_space<vmem>>, vector<1x40xf32>
    %add3A_28 = vector.broadcast %get3A_27 : vector<1x40xf32> to vector<2048x40xf32>
    %add3A_29 = arith.addf %dot_general3A_24, %add3A_28 : vector<2048x40xf32>
    %reduce_max3A = arith.constant dense<0xFF800000> : vector<2048xf32>
    %reduce_max3A_30 = vector.multi_reduction <maximumf>, %add3A_29, %reduce_max3A [1] : vector<2048x40xf32> to vector<2048xf32>
    %broadcast_in_dim3A = vector.shape_cast %reduce_max3A_30 : vector<2048xf32> to vector<2048x1xf32>
    %sub3A = vector.broadcast %broadcast_in_dim3A : vector<2048x1xf32> to vector<2048x40xf32>
    %sub3A_31 = arith.subf %add3A_29, %sub3A : vector<2048x40xf32>
    %exp3A = math.exp %sub3A_31 : vector<2048x40xf32>
    %sub3A_32 = vector.broadcast %broadcast_in_dim3A : vector<2048x1xf32> to vector<2048x40xf32>
    %sub3A_33 = arith.subf %add3A_29, %sub3A_32 : vector<2048x40xf32>
    %reduce_sum3A = arith.constant dense<0.000000e+00> : vector<2048xf32>
    %reduce_sum3A_34 = vector.multi_reduction <add>, %exp3A, %reduce_sum3A [1] : vector<2048x40xf32> to vector<2048xf32>
    %broadcast_in_dim3A_35 = vector.shape_cast %reduce_sum3A_34 : vector<2048xf32> to vector<2048x1xf32>
    %log3A = math.log %broadcast_in_dim3A_35 : vector<2048x1xf32>
    %sub3A_36 = vector.broadcast %log3A : vector<2048x1xf32> to vector<2048x40xf32>
    %sub3A_37 = arith.subf %sub3A_33, %sub3A_36 : vector<2048x40xf32>
    %swap3A = arith.constant 0 : index
    %swap3A_38 = arith.constant 0 : index
    %swap3A_39 = vector.load %arg8[%swap3A, %swap3A_38] : memref<2048x40xf32, #tpu.memory_space<vmem>>, vector<2048x40xf32>
    tpu.vector_store %arg8[%swap3A, %swap3A_38], %sub3A_37 {strides = array<i32>} : memref<2048x40xf32, #tpu.memory_space<vmem>>, vector<2048x40xf32>,
    return
  }
  func.func @transform_0(%arg0: i32) -> (i32, i32) {
    %c0_i32 = arith.constant 0 : i32
    %c0_i32_0 = arith.constant 0 : i32
    return %arg0, %c0_i32 : i32, i32
  }
  func.func @transform_1(%arg0: i32) -> (i32, i32) {
    %add3A = arith.constant 5 : i32
    %add3A_0 = arith.addi %arg0, %add3A : i32
    %c0_i32 = arith.constant 0 : i32
    %c0_i32_1 = arith.constant 0 : i32
    return %add3A_0, %c0_i32 : i32, i32
  }
  func.func @transform_2(%arg0: i32) -> (i32, i32) {
    %c0_i32 = arith.constant 0 : i32
    %c0_i32_0 = arith.constant 0 : i32
    return %arg0, %c0_i32 : i32, i32
  }
  func.func @transform_3(%arg0: i32) -> (i32, i32) {
    %c0_i32 = arith.constant 0 : i32
    %c0_i32_0 = arith.constant 0 : i32
    return %arg0, %c0_i32 : i32, i32
  }
  func.func @transform_4(%arg0: i32) -> (i32, i32) {
    %add3A = arith.constant 5 : i32
    %add3A_0 = arith.addi %arg0, %add3A : i32
    %c0_i32 = arith.constant 0 : i32
    %c0_i32_1 = arith.constant 0 : i32
    return %add3A_0, %c0_i32 : i32, i32
  }
  func.func @transform_5(%arg0: i32) -> (i32, i32) {
    %c0_i32 = arith.constant 0 : i32
    %c0_i32_0 = arith.constant 0 : i32
    %c0_i32_1 = arith.constant 0 : i32
    return %c0_i32, %c0_i32_0 : i32, i32
  }
  func.func @transform_6(%arg0: i32) -> (i32, i32) {
    %c0_i32 = arith.constant 0 : i32
    %c0_i32_0 = arith.constant 0 : i32
    %c0_i32_1 = arith.constant 0 : i32
    return %c0_i32, %c0_i32_0 : i32, i32
  }
  func.func @transform_7(%arg0: i32) -> (i32, i32) {
    %c0_i32 = arith.constant 0 : i32
    %c0_i32_0 = arith.constant 0 : i32
    return %arg0, %c0_i32 : i32, i32
  }
}

</mosaic_0001>

<sc_bundles>
// kernel: kernel.10.cloned.1.call-start
scs
__scs_entry_jumppad:
0x0: {  	(pc) =	sbr.rel $0x88, $3  }
0x1: {  	(tag) =	ssettag $0x0;
	lr =	simm.s32 $0x1  }
0x2: {  	[smem:$0x3F90] =	sst lr;
	_ =	strace $0xD0000000  }
0x3: {  	_ = 	snop  }
0x4: {  	_ = 	snop  }
0x5: {  	_ = 	snop  }
0x6: {  	_ = 	snop  }
0x7: {  	_ = 	snop  }
__scs_overlays_trampoline_lowered:
0x8: {  	[smem:$0x3F9F] =	sst s0  }
0x9: {  	[smem:$0x3FA0] =	sst s1  }
0xa: {  	[smem:$0x3FA1] =	sst s2  }
0xb: {  	[smem:$0x3FA2] =	sst s3  }
0xc: {  	[smem:$0x3FA3] =	sst s4  }
0xd: {  	[smem:$0x3FA4] =	sst s5  }
0xe: {  	[smem:$0x3FA5] =	sst s6  }
0xf: {  	[smem:$0x3FA6] =	sst s7  }
0x10: {  	[smem:$0x3FA7] =	sst s8  }
0x11: {  	[smem:$0x3FA8] =	sst s9;
	s0 =	simm.s32 @!p0 $0x0  }
0x12: {  	s1 =	sld [smem:$0x3F8E];
	s0 =	simm.s32 @p0 $0x1  }
0x13: {  	[smem:$0x3FA9] =	sst s0;
	s0 =	simm.s32 @!p1 $0x0  }
0x14: {  	s2 =	sld [smem:$0x3F8D];
	s0 =	simm.s32 @p1 $0x1  }
0x15: {  	[smem:$0x3FAA] =	sst s0;
	s0 =	simm.s32 @!p2 $0x0  }
0x16: {  	s3 =	sld [smem:$0x3FDB];
	s0 =	simm.s32 @p2 $0x1  }
0x17: {  	s4 =	simm.s32 $0x1BF5;
	[smem:$0x3FAC] =	sst s0  }
0x18: {  	s0 =	sld [smem:$0x3F8F];
	_ =	swait.ge [sflag:s4], $0x0  }
0x19: {  	s7 =	sld [smem:$0x3F90]  }
0x1a: {  	s8 =	sadd.s32 $0xFFFFE003, lr  }
0x1b: {  	s9 =	sadd.s32 $0xFFFFFEF7, lr;
	s5 =	simm.s32 $0xFFFFFFFF;
	p2 =	slt.u32 s8, $0xFFFFF086  }
0x1c: {  	p1 =	slt.u32 s9, $0xF7A;
	s5 =	simm.s32 @!p2 $0x0  }
0x1d: {  	s5 =	simm.s32 @p1 $0x1;
	p0 =	seq.s32 s7, s2  }
0x1e: {  	s7 =	smul.u32 @!p0 $0xF7A, s2;
	p2 =	seq.s32 @!p0 s5, $0x0  }
0x1f: {  	s9 =	smul.u32 $0xF7A, s1;
	s8 =	simm.s32 @!p0 $0x1BF5;
	p2 =	por !p2, p0  }
0x20: {  	[sflag:s8] =	ssyncset.s32 @!p0 $0xFFFFF086;
	s6 =	sadd.s32 @!p0 s3, s7;
	s7 =	simm.s32 @!p0 $0x108  }
0x21: {  	s3 =	sadd.s32 s3, s9;
	s6 =	sadd.s32 @!p0 $0x88, s6;
	s7 =	simm.s32 @p2 $0x1082  }
0x22: {  	[simem:s7], [sflag:s8] =	dma.local @!p0 [hbm:s6], $0xF7A  }
0x23: {  	s9 =	sor.u32 $0xD0000000, s2;
	s6 =	simm.s32 $0x108;
	_ =	swait.ge @!p0 [sflag:s8], $0x0  }
0x24: {  	s3 =	sadd.s32 $0x88, s3;
	s6 =	simm.s32 @!p1 $0x1082;
	[sflag:s4] =	ssyncset.s32 $0xFFFFF086  }
0x25: {  	[simem:s6], [sflag:s4] =	dma.local [hbm:s3], $0xF7A  }
0x26: {  	[smem:$0x3F90] =	sst s1;
	(tag) =	ssettag s2;
	_ =	strace s9  }
0x27: {  	s1 =	sld [smem:$0x3FA0]  }
0x28: {  	s2 =	sld [smem:$0x3FA1]  }
0x29: {  	s4 =	sld [smem:$0x3FA3]  }
0x2a: {  	p0 =	seq.s32 s5, $0x0;
	s5 =	sld [smem:$0x3FA4]  }
0x2b: {  	s6 =	sld [smem:$0x3FA5]  }
0x2c: {  	s7 =	sld [smem:$0x3FA6]  }
0x2d: {  	s3 =	simm.s32 $0x108;
	s8 =	sld [smem:$0x3FA7]  }
0x2e: {  	s3 =	simm.s32 @!p0 $0x1082;
	s9 =	sld [smem:$0x3FA8]  }
0x2f: {  	lr =	sadd.s32 s0, s3;
	s0 =	sld [smem:$0x3F9F]  }
0x30: {  	s3 =	sld [smem:$0x3FA2]  }
0x31: {  	[smem:$0x3FAB] =	sst s10  }
0x32: {  	s10 =	sld [smem:$0x3FA9];
	_ =	sdelay $0x3  }
0x33: {  	p0 =	seq.s32 s10, $0x1;
	s10 =	sld [smem:$0x3FAB];
	_ =	sdelay $0x3  }
0x34: {  	[smem:$0x3FAB] =	sst s10  }
0x35: {  	s10 =	sld [smem:$0x3FAA];
	_ =	sdelay $0x3  }
0x36: {  	p1 =	seq.s32 s10, $0x1;
	s10 =	sld [smem:$0x3FAB];
	_ =	sdelay $0x3  }
0x37: {  	[smem:$0x3FAB] =	sst s10  }
0x38: {  	s10 =	sld [smem:$0x3FAC]  }
0x39: {  	_ = 	snop;
	(pc) =	sbr.ind lr, $3  }
0x3a: {  	_ = 	snop  }
0x3b: {  	_ = 	snop  }
0x3c: {  	p2 =	seq.s32 s10, $0x1;
	s10 =	sld [smem:$0x3FAB]  }
0x3d: {  	_ =	shalt  }
0x3e: {  	_ =	shalt  }
0x3f: {  	_ =	shalt  }
0x40: {  	_ =	shalt  }
0x41: {  	_ =	shalt  }
0x42: {  	_ =	shalt  }
0x43: {  	_ =	shalt  }
0x44: {  	_ =	shalt  }
0x45: {  	_ =	shalt  }
0x46: {  	_ =	shalt  }
0x47: {  	_ =	shalt  }
0x48: {  	_ =	shalt  }
0x49: {  	_ =	shalt  }
0x4a: {  	_ =	shalt  }
0x4b: {  	_ =	shalt  }
0x4c: {  	_ =	shalt  }
0x4d: {  	_ =	shalt  }
0x4e: {  	_ =	shalt  }
0x4f: {  	_ =	shalt  }
0x50: {  	_ =	shalt  }
0x51: {  	_ =	shalt  }
0x52: {  	_ =	shalt  }
0x53: {  	_ =	shalt  }
0x54: {  	_ =	shalt  }
0x55: {  	_ =	shalt  }
0x56: {  	_ =	shalt  }
0x57: {  	_ =	shalt  }
0x58: {  	_ =	shalt  }
0x59: {  	_ =	shalt  }
0x5a: {  	_ =	shalt  }
0x5b: {  	_ =	shalt  }
0x5c: {  	_ =	shalt  }
0x5d: {  	_ =	shalt  }
0x5e: {  	_ =	shalt  }
0x5f: {  	_ =	shalt  }
0x60: {  	_ =	shalt  }
0x61: {  	_ =	shalt  }
0x62: {  	_ =	shalt  }
0x63: {  	_ =	shalt  }
0x64: {  	_ =	shalt  }
0x65: {  	_ =	shalt  }
0x66: {  	_ =	shalt  }
0x67: {  	_ =	shalt  }
0x68: {  	_ =	shalt  }
0x69: {  	_ =	shalt  }
0x6a: {  	_ =	shalt  }
0x6b: {  	_ =	shalt  }
0x6c: {  	_ =	shalt  }
0x6d: {  	_ =	shalt  }
0x6e: {  	_ =	shalt  }
0x6f: {  	_ =	shalt  }
0x70: {  	_ =	shalt  }
0x71: {  	_ =	shalt  }
0x72: {  	_ =	shalt  }
0x73: {  	_ =	shalt  }
0x74: {  	_ =	shalt  }
0x75: {  	_ =	shalt  }
0x76: {  	_ =	shalt  }
0x77: {  	_ =	shalt  }
0x78: {  	_ =	shalt  }
0x79: {  	_ =	shalt  }
0x7a: {  	_ =	shalt  }
0x7b: {  	_ =	shalt  }
0x7c: {  	_ =	shalt  }
0x7d: {  	_ =	shalt  }
0x7e: {  	_ =	shalt  }
0x7f: {  	_ =	shalt  }
0x80: {  	_ =	shalt  }
0x81: {  	_ =	shalt  }
0x82: {  	_ =	shalt  }
0x83: {  	_ =	shalt  }
0x84: {  	_ =	shalt  }
0x85: {  	_ =	shalt  }
0x86: {  	_ =	shalt  }
0x87: {  	_ =	shalt  }
.Lfunc_end0:
.L_simem_size_0:
called_computation_lowered:
.L_overlay_start_0:
0x88: {  	s2 =	sld [smem:$0x3FD9]  }
0x89: {  	s3 =	sld [smem:$0x3FFE];
	_ =	sdelay $0x1  }
0x8a: {  	s1 =	srdreg.scid  }
0x8b: {  	s0 =	sand.u32 $0x1, s1  }
0x8c: {  	s17 =	sshll.u32 s0, $0xA;
	s2 =	sadd.s32 s3, s2  }
0x8d: {  	s2 =	sadd.s32 s2, s17  }
0x8e: {  	[smem:$0x3FB7] =	sst s2  }
0x8f: {  	_ = 	snop  }
0x90: {  	s2 =	sld [smem:$0x3FD0];
	(tm) =	ssettm $0x1  }
0x91: {  	s18 =	sld [smem:$0x3FFB];
	_ =	sdelay $0x3  }
0x92: {  	_ =	strace s18  }
0x93: {  	s3 =	sld [smem:$0x3FFC];
	_ =	sdelay $0x3  }
0x94: {  	_ =	strace s3  }
0x95: {  	s3 =	sld [smem:$0x3FFD];
	_ =	sdelay $0x3  }
0x96: {  	_ =	strace s3  }
0x97: {  	_ =	strace $0x8FFFFFFF  }
0x98: {  	s19 =	sld [smem:$0x3FDB];
	_ =	sdelay $0x1  }
0x99: {  	s4 =	simm.s32 $_scs_section_size  }
0x9a: {  	s5 =	simm.s32 $_size__tile_overlayer_lowered;
	s6 =	simm.s32 $_tile_overlayer_lowered  }
0x9b: {  	s22 =	simm.s32 $0x1BFF;
	s21 =	sshll.u32 s6, $0x1;
	s3 =	sadd.s32 s4, s19  }
0x9c: {  	s7 =	simm.s32 $0x0;
	s20 =	sshll.u32 s5, $0x1;
	s5 =	sadd.s32 s21, s3  }
0x9d: {  	[timem:s7], [sflag:s22] =	dma.local [hbm:s5], s20  }
0x9e: {  	_ =	swait.ge [sflag:s22], s20  }
0x9f: {  	s4 =	ssub.s32 $0x0, s20;
	[sflag:s22] =	ssyncset.done $0x0  }
0xa0: {  	[sflag:s22] =	ssyncadd.s32 s4;
	_ =	sdelay $0x1  }
0xa1: {  	s23 =	simm.s32 $0x1B8B  }
0xa2: {  	_ =	swait.ge [sflag:s23], $0x1  }
0xa3: {  	[sflag:s23] =	ssyncset.done $0x0  }
0xa4: {  	s25 =	simm.s32 $0x1B8E;
	s24 =	sld [smem:$0x3FFE];
	[sflag:s23] =	ssyncadd.s32 $0xFFFFFFFF  }
0xa5: {  	s26 =	simm.s32 $execute0_lowered;
	[smem:$0x3FD2] =	sst s25  }
0xa6: {  	s5 =	sshll.u32 s26, $0x1;
	_ =	strace $0x80000046;
	[dreg:$0x1] =	wrdreg $0xFFFFFFFF  }
0xa7: {  	s28 =	simm.s32 $_size_execute0_lowered;
	s3 =	sadd.s32 s3, s5;
	[dreg:$0x0] =	wrdreg $0x0  }
0xa8: {  	s5 =	sshll.u32 s28, $0x1;
	[dreg:$0x2] =	wrdreg s3  }
0xa9: {  	[dreg:$0x3] =	wrdreg s5  }
0xaa: {  	[dreg:$0x4] =	wrdreg $0xC0  }
0xab: {  	_ =	task [dreg:s7], $0x5FFFF  }
0xac: {  	[dreg:$0x1] =	wrdreg $0xFFFFFFFF  }
0xad: {  	[dreg:$0x0] =	wrdreg $0x60  }
0xae: {  	[dreg:$0x2] =	wrdreg s2  }
0xaf: {  	[dreg:$0x3] =	wrdreg s24  }
0xb0: {  	[dreg:$0x4] =	wrdreg $0xA8000  }
0xb1: {  	[dreg:$0x5] =	wrdreg $0x9  }
0xb2: {  	_ =	task.clear_ibuf [dreg:s7], $0x6FFFF;
	_ =	strace $0x90000046  }
0xb3: {  	s29 =	simm.s32 $0x9;
	_ =	strace $0x80000048  }
0xb4: {  	_ =	swait.ge [sflag:s29], $0x1  }
0xb5: {  	[sflag:s29] =	ssyncadd.s32 $0xFFFFFFFF  }
0xb6: {  	_ =	strace $0x90000048  }
0xb7: {  	_ =	sfence  }
0xb8: {  	s30 =	sld [smem:$0x0];
	_ =	sdelay $0x2  }
0xb9: {  	s31 =	sshll.u32 s1, $0xD;
	s1 =	sshrl.u32 s1, $0x2  }
0xba: {  	s3 =	sand.u32 $0x4000, s31;
	s1 =	sadd.s32 s1, s30  }
0xbb: {  	s0 =	sor.u32 s3, s0;
	s1 =	sshll.u32 s1, $0x11  }
0xbc: {  	s0 =	sor.u32 s1, s0  }
0xbd: {  	s0 =	sadd.s32 $0x8F2B, s0  }
0xbe: {  	[sflag:s0] =	ssyncadd.remote.s32 $0x1  }
0xbf: {  	_ =	sfence.sel $0xFFFF  }
0xc0: {  	[dreg:$0x0] =	wrdreg $0xFFFFFFFF;
	(pc) =	sbr.abs _section_cstart, $3  }
0xc1: {  	[dreg:$0x1] =	wrdreg $0xFFFFFFFF  }
0xc2: {  	_ =	task.clear_ibuf [dreg:s7], $0x2FFFF;
	_ =	strace $0x9FFFFFFF  }
0xc3: {  	(tm) =	ssettm $0x7FFFFFFF  }
tec
execute0_lowered:
.L_overlay_start_1:
0x0: {  	(tag) =	ssettag $0x1  }
0x1: {  	s11 =	rddreg [dreg:$0x0]  }
0x2: {  	s6 =	rddreg [dreg:$0x1]  }
0x3: {  	s1 =	srdreg.scid;
	s0 =	stileid.u32  }
0x4: {  	s2 =	rddreg [dreg:$0x2];
	s3 =	simm.s32 $0x0;
	s18 =	simm.s32 $0x6800  }
0x5: {  	s19 =	simm.s32 $0x2;
	s20 =	simm.s32 $0x2800;
	s21 =	simm.s32 $0x80  }
0x6: {  	s22 =	simm.s32 $0x1;
	s23 =	simm.s32 $0x0;
	s4 =	smul.u32 $0x280, s0  }
0x7: {  	s7 =	sand.u32 $0x1, s1;
	[smem:$0x7FF] =	sst s3;
	s9 =	smul.u32 $0x50000, s0  }
0x8: {  	s1 =	rddreg [dreg:$0x3];
	s5 =	smul.u32 $0x2800, s7;
	_ =	strace $0x80000047  }
0x9: {  	s29 =	sshll.u32 s7, $0x4;
	s7 =	ssub.s32 $0x2, s7;
	s30 =	sshrl.u32 s9, $0x2  }
0xa: {  	s31 =	sor.u32 s0, s29;
	s10 =	sshrl.u32 s7, $0x1;
	s5 =	sadd.s32 s4, s5  }
0xb: {  	s4 =	sadd.s32 $0x5400, s6;
	s12 =	smul.u32 $0x500, s31;
	s17 =	ssub.s32 s7, s10  }
0xc: {  	s8 =	sshll.u32 s5, $0x4;
	s5 =	sadd.s32 $0x4C00, s6;
	s17 =	smax.u32 s17, $0x1  }
0xd: {  	s16 =	sadd.s32 s8, s6;
	s6 =	sadd.s32 s30, s2;
	s11 =	sadd.s32 s11, s12  }
0xe: {  	s7 =	sadd.s32 $0x4000, s6;
	s8 =	sadd.s32 $0x8000, s6;
	s9 =	sadd.s32 $0xC000, s6  }
0xf: {  	s10 =	sadd.s32 $0x10000, s6;
	s12 =	sadd.s32 $0x5C00, s16;
	s13 =	sadd.s32 $0x6400, s16  }
0x10: {  	s14 =	sadd.s32 $0x6C00, s16;
	s15 =	sadd.s32 $0x7400, s16;
	s16 =	sadd.s32 $0x7C00, s16  }
.LBB2_1:
0x11: {  	[tilespmem:s18], [sflag:$0x2] =	stream.linear.gather [hbm4b:s5+s3], $0x4000, $0x38;
	[tilespmem:$0x1E800] =	vst v63  }
0x12: {  	_ =	swait.ge [sflag:s19], $0x4000  }
0x13: {  	[sflag:s19] =	ssyncset.done $0x0  }
0x14: {  	[sflag:s19] =	ssyncadd.s32 $0xFFFFC000  }
0x15: {  	[spmem:s6] =	stream.linear.scatter [tilespmem:s18], [sflag:$0x2], $0x4000, $0x38;
	[tilespmem:$0x1E800] =	vst v63  }
0x16: {  	_ =	swait.ge [sflag:s19], $0x4000  }
0x17: {  	[sflag:s19] =	ssyncset.done $0x0  }
0x18: {  	[sflag:s19] =	ssyncadd.s32 $0xFFFFC000  }
0x19: {  	[spmem:s7] =	stream.linear.scatter [tilespmem:s18], [sflag:$0x2], $0x4000, $0x38;
	[tilespmem:$0x1E800] =	vst v63  }
0x1a: {  	_ =	swait.ge [sflag:s19], $0x4000  }
0x1b: {  	[sflag:s19] =	ssyncset.done $0x0  }
0x1c: {  	[sflag:s19] =	ssyncadd.s32 $0xFFFFC000  }
0x1d: {  	[spmem:s8] =	stream.linear.scatter [tilespmem:s18], [sflag:$0x2], $0x4000, $0x38;
	[tilespmem:$0x1E800] =	vst v63  }
0x1e: {  	_ =	swait.ge [sflag:s19], $0x4000  }
0x1f: {  	[sflag:s19] =	ssyncset.done $0x0  }
0x20: {  	[sflag:s19] =	ssyncadd.s32 $0xFFFFC000  }
0x21: {  	[spmem:s9] =	stream.linear.scatter [tilespmem:s18], [sflag:$0x2], $0x4000, $0x38;
	[tilespmem:$0x1E800] =	vst v63  }
0x22: {  	_ =	swait.ge [sflag:s19], $0x4000  }
0x23: {  	[sflag:s19] =	ssyncset.done $0x0  }
0x24: {  	[sflag:s19] =	ssyncadd.s32 $0xFFFFC000  }
0x25: {  	[spmem:s10] =	stream.linear.scatter [tilespmem:s18], [sflag:$0x2], $0x4000, $0x38;
	[tilespmem:$0x1E800] =	vst v63  }
0x26: {  	_ =	swait.ge [sflag:s19], $0x4000  }
0x27: {  	[sflag:s19] =	ssyncset.done $0x0  }
0x28: {  	[sflag:s19] =	ssyncadd.s32 $0xFFFFC000  }
0x29: {  	[tilespmem:s20], [sflag:$0x2] =	stream.linear.gather [hbm4b:s4+s3], $0x4000, $0x38;
	[tilespmem:$0x1E800] =	vst v63  }
0x2a: {  	_ =	swait.ge [sflag:s19], $0x4000  }
0x2b: {  	[sflag:s19] =	ssyncset.done $0x0  }
0x2c: {  	[sflag:s19] =	ssyncadd.s32 $0xFFFFC000  }
0x2d: {  	[tilespmem:s3], [sflag:$0x2] =	stream.linear.gather [hbm4b:s11+s3], $0x2800, $0x38;
	[tilespmem:$0x1E800] =	vst v63  }
0x2e: {  	_ =	swait.ge [sflag:s19], $0x2800  }
0x2f: {  	[sflag:s19] =	ssyncset.done $0x0  }
0x30: {  	p0 =	por $0x1, $0x1;
	[sflag:s19] =	ssyncadd.s32 $0xFFFFD800  }
0x31: {  	s26 =	simm.s32 @!p0 $0x1;
	[bflag:$0x0] =	sbarrier.arrive $0xFFFF  }
0x32: {  	[spmem:s2] =	stream.indirect.scatter.add.f32 [tilespmem:s20], [sflag:$0x1], $0x80, s3, s21, $0xb8;
	[tilespmem:$0x1E800] =	vst v63  }
0x33: {  	_ =	swait.ge @!p0 [sflag:s26], $0x4000  }
0x34: {  	s24 =	simm.s32 $0x1;
	s25 =	simm.s32 $0x0;
	[sflag:s26] =	ssyncset.done @!p0 $0x0  }
.LBB2_2:
0x35: {  	[sflag:s26] =	ssyncadd.s32 @!p0 $0xFFFFC000  }
0x36: {  	s25 =	sadd.s32 $0x80, s25;
	s26 =	smov.u32 s24;
	s24 =	sadd.s32 $0x1, s24  }
0x37: {  	p1 =	sne.s32 s24, $0x50  }
0x38: {  	[spmem:s2] =	stream.indirect.scatter.add.f32 [tilespmem:s20], [sflag:$0x1], $0x80, s25, s21, $0xb8;
	[tilespmem:$0x1E800] =	vst v63  }
.Ltmp0:
0x39: {  	_ = 	snop;
	(pc) =	sbr.rel @p1 .LBB2_2-.Ltmp0, $4  }
0x3a: {  	p0 =	slt.u32 s26, $0x8  }
0x3b: {  	s26 =	simm.s32 @!p0 $0x1  }
0x3c: {  	_ =	swait.ge @!p0 [sflag:s26], $0x4000  }
0x3d: {  	[sflag:s26] =	ssyncset.done @!p0 $0x0  }
0x3e: {  	[sflag:s26] =	ssyncadd.s32 @!p0 $0xFFFFC000  }
0x3f: {  	_ =	swait.ge [sflag:s22], $0x4000  }
0x40: {  	[sflag:s22] =	ssyncset.done $0x0  }
0x41: {  	[sflag:s22] =	ssyncadd.s32 $0xFFFFC000  }
0x42: {  	_ =	swait.ge [sflag:s22], $0x4000  }
0x43: {  	[sflag:s22] =	ssyncset.done $0x0  }
0x44: {  	[sflag:s22] =	ssyncadd.s32 $0xFFFFC000  }
0x45: {  	_ =	swait.ge [sflag:s22], $0x4000  }
0x46: {  	[sflag:s22] =	ssyncset.done $0x0  }
0x47: {  	[sflag:s22] =	ssyncadd.s32 $0xFFFFC000  }
0x48: {  	_ =	swait.ge [sflag:s22], $0x4000  }
0x49: {  	[sflag:s22] =	ssyncset.done $0x0  }
0x4a: {  	[sflag:s22] =	ssyncadd.s32 $0xFFFFC000  }
0x4b: {  	_ =	swait.ge [sflag:s22], $0x4000  }
0x4c: {  	[sflag:s22] =	ssyncset.done $0x0  }
0x4d: {  	[sflag:s22] =	ssyncadd.s32 $0xFFFFC000  }
0x4e: {  	_ =	swait.ge [sflag:s22], $0x4000  }
0x4f: {  	[sflag:s22] =	ssyncset.done $0x0  }
0x50: {  	[sflag:s22] =	ssyncadd.s32 $0xFFFFC000  }
0x51: {  	_ =	swait.ge [sflag:s22], $0x4000  }
0x52: {  	[sflag:s22] =	ssyncset.done $0x0  }
0x53: {  	[sflag:s22] =	ssyncadd.s32 $0xFFFFC000  }
0x54: {  	_ =	swait.ge [sflag:s22], $0x4000  }
0x55: {  	[sflag:s22] =	ssyncset.done $0x0  }
0x56: {  	[sflag:s22] =	ssyncadd.s32 $0xFFFFC000  }
0x57: {  	[bflag:$0x0] =	sbarrier.arrive $0xFFFF  }
0x58: {  	[tilespmem:s18], [sflag:$0x2] =	stream.linear.gather [spmem:s6], $0x4000, $0x38;
	[tilespmem:$0x1E800] =	vst v63  }
0x59: {  	_ =	swait.ge [sflag:s19], $0x4000  }
0x5a: {  	[sflag:s19] =	ssyncset.done $0x0  }
0x5b: {  	[sflag:s19] =	ssyncadd.s32 $0xFFFFC000  }
0x5c: {  	[hbm4b:s12+s3] =	stream.linear.scatter [tilespmem:s18], [sflag:$0x2], $0x4000, $0x38;
	[tilespmem:$0x1E800] =	vst v63  }
0x5d: {  	_ =	swait.ge [sflag:s19], $0x4000  }
0x5e: {  	[sflag:s19] =	ssyncset.done $0x0  }
0x5f: {  	[sflag:s19] =	ssyncadd.s32 $0xFFFFC000  }
0x60: {  	[tilespmem:s18], [sflag:$0x2] =	stream.linear.gather [spmem:s7], $0x4000, $0x38;
	[tilespmem:$0x1E800] =	vst v63  }
0x61: {  	_ =	swait.ge [sflag:s19], $0x4000  }
0x62: {  	[sflag:s19] =	ssyncset.done $0x0  }
0x63: {  	[sflag:s19] =	ssyncadd.s32 $0xFFFFC000  }
0x64: {  	[hbm4b:s13+s3] =	stream.linear.scatter [tilespmem:s18], [sflag:$0x2], $0x4000, $0x38;
	[tilespmem:$0x1E800] =	vst v63  }
0x65: {  	_ =	swait.ge [sflag:s19], $0x4000  }
0x66: {  	[sflag:s19] =	ssyncset.done $0x0  }
0x67: {  	[sflag:s19] =	ssyncadd.s32 $0xFFFFC000  }
0x68: {  	[tilespmem:s18], [sflag:$0x2] =	stream.linear.gather [spmem:s8], $0x4000, $0x38;
	[tilespmem:$0x1E800] =	vst v63  }
0x69: {  	_ =	swait.ge [sflag:s19], $0x4000  }
0x6a: {  	[sflag:s19] =	ssyncset.done $0x0  }
0x6b: {  	[sflag:s19] =	ssyncadd.s32 $0xFFFFC000  }
0x6c: {  	[hbm4b:s14+s3] =	stream.linear.scatter [tilespmem:s18], [sflag:$0x2], $0x4000, $0x38;
	[tilespmem:$0x1E800] =	vst v63  }
0x6d: {  	_ =	swait.ge [sflag:s19], $0x4000  }
0x6e: {  	[sflag:s19] =	ssyncset.done $0x0  }
0x6f: {  	[sflag:s19] =	ssyncadd.s32 $0xFFFFC000  }
0x70: {  	[tilespmem:s18], [sflag:$0x2] =	stream.linear.gather [spmem:s9], $0x4000, $0x38;
	[tilespmem:$0x1E800] =	vst v63  }
0x71: {  	_ =	swait.ge [sflag:s19], $0x4000  }
0x72: {  	[sflag:s19] =	ssyncset.done $0x0  }
0x73: {  	[sflag:s19] =	ssyncadd.s32 $0xFFFFC000  }
0x74: {  	[hbm4b:s15+s3] =	stream.linear.scatter [tilespmem:s18], [sflag:$0x2], $0x4000, $0x38;
	[tilespmem:$0x1E800] =	vst v63  }
0x75: {  	_ =	swait.ge [sflag:s19], $0x4000  }
0x76: {  	[sflag:s19] =	ssyncset.done $0x0  }
0x77: {  	[sflag:s19] =	ssyncadd.s32 $0xFFFFC000  }
0x78: {  	[tilespmem:s18], [sflag:$0x2] =	stream.linear.gather [spmem:s10], $0x4000, $0x38;
	[tilespmem:$0x1E800] =	vst v63  }
0x79: {  	s23 =	sadd.s32 $0x1, s23;
	_ =	swait.ge [sflag:s19], $0x4000  }
0x7a: {  	p0 =	sne.s32 s23, s17;
	[sflag:s19] =	ssyncset.done $0x0  }
.Ltmp1:
0x7b: {  	[sflag:s19] =	ssyncadd.s32 $0xFFFFC000;
	(pc) =	sbr.rel @p0 .LBB2_1-.Ltmp1, $4  }
0x7c: {  	[hbm4b:s16+s3] =	stream.linear.scatter [tilespmem:s18], [sflag:$0x2], $0x4000, $0x38;
	[tilespmem:$0x1E800] =	vst v63  }
0x7d: {  	_ =	swait.ge [sflag:s19], $0x4000  }
0x7e: {  	[sflag:s19] =	ssyncset.done $0x0  }
0x7f: {  	[sflag:s19] =	ssyncadd.s32 $0xFFFFC000  }
0x80: {  	_ =	sfence.sel $0x180000  }
0x81: {  	[bflag:$0x0] =	sbarrier.arrive $0xFFFF  }
0x82: {  	p0 =	sne.s32 s0, $0x0;
	_ =	strace $0x90000047  }
0x83: {  	s0 =	sadd.s32 @!p0 $0x100000, s1;
	[bflag:$0x2] =	sbarrier.arrive $0xFFFF  }
0x84: {  	[sflag:s0] =	ssyncadd.tile.s32 @!p0 $0x1;
	_ =	shalt  }
.Lfunc_end2:
_tile_overlayer_lowered:
.L_overlay_start_2:
0x85: {  	(tag) =	ssettag $0x2  }
0x86: {  	s0 =	rddreg [dreg:$0x0];
	s2 =	stileid.u32  }
0x87: {  	s1 =	rddreg [dreg:$0x1];
	p0 =	sne.s32 s2, $0x0  }
0x88: {  	s3 =	rddreg [dreg:$0x2];
	[bflag:$0x3] =	sbarrier.arrive $0xFFFF;
	s2 =	simm.s32 @!p0 $0x1C02  }
0x89: {  	[timem:s3], [sflag:s2] =	dma.local @!p0 [hbm:s0], s1  }
0x8a: {  	s0 =	simm.s32 @!p0 $0x2  }
0x8b: {  	_ =	swait.ge @!p0 [sflag:s0], s1  }
0x8c: {  	s1 =	ssub.s32 @!p0 $0x0, s1;
	[sflag:s0] =	ssyncset.done @!p0 $0x0  }
0x8d: {  	[sflag:s0] =	ssyncadd.s32 @!p0 s1  }
0x8e: {  	[bflag:$0x3] =	sbarrier.arrive $0xFFFF  }
0x8f: {  	_ =	shalt  }

// kernel: kernel.13.cloned.1.call-start
scs
__scs_entry_jumppad:
0x0: {  	(pc) =	sbr.rel $0x88, $3  }
0x1: {  	(tag) =	ssettag $0x0;
	lr =	simm.s32 $0x1  }
0x2: {  	[smem:$0x3F90] =	sst lr;
	_ =	strace $0xD0000000  }
0x3: {  	_ = 	snop  }
0x4: {  	_ = 	snop  }
0x5: {  	_ = 	snop  }
0x6: {  	_ = 	snop  }
0x7: {  	_ = 	snop  }
__scs_overlays_trampoline_lowered:
0x8: {  	[smem:$0x3F9F] =	sst s0  }
0x9: {  	[smem:$0x3FA0] =	sst s1  }
0xa: {  	[smem:$0x3FA1] =	sst s2  }
0xb: {  	[smem:$0x3FA2] =	sst s3  }
0xc: {  	[smem:$0x3FA3] =	sst s4  }
0xd: {  	[smem:$0x3FA4] =	sst s5  }
0xe: {  	[smem:$0x3FA5] =	sst s6  }
0xf: {  	[smem:$0x3FA6] =	sst s7  }
0x10: {  	[smem:$0x3FA7] =	sst s8  }
0x11: {  	[smem:$0x3FA8] =	sst s9;
	s0 =	simm.s32 @!p0 $0x0  }
0x12: {  	s1 =	sld [smem:$0x3F8E];
	s0 =	simm.s32 @p0 $0x1  }
0x13: {  	[smem:$0x3FA9] =	sst s0;
	s0 =	simm.s32 @!p1 $0x0  }
0x14: {  	s2 =	sld [smem:$0x3F8D];
	s0 =	simm.s32 @p1 $0x1  }
0x15: {  	[smem:$0x3FAA] =	sst s0;
	s0 =	simm.s32 @!p2 $0x0  }
0x16: {  	s3 =	sld [smem:$0x3FDB];
	s0 =	simm.s32 @p2 $0x1  }
0x17: {  	s4 =	simm.s32 $0x1BF5;
	[smem:$0x3FAC] =	sst s0  }
0x18: {  	s0 =	sld [smem:$0x3F8F];
	_ =	swait.ge [sflag:s4], $0x0  }
0x19: {  	s7 =	sld [smem:$0x3F90]  }
0x1a: {  	s8 =	sadd.s32 $0xFFFFE003, lr  }
0x1b: {  	s9 =	sadd.s32 $0xFFFFFEF7, lr;
	s5 =	simm.s32 $0xFFFFFFFF;
	p2 =	slt.u32 s8, $0xFFFFF086  }
0x1c: {  	p1 =	slt.u32 s9, $0xF7A;
	s5 =	simm.s32 @!p2 $0x0  }
0x1d: {  	s5 =	simm.s32 @p1 $0x1;
	p0 =	seq.s32 s7, s2  }
0x1e: {  	s7 =	smul.u32 @!p0 $0xF7A, s2;
	p2 =	seq.s32 @!p0 s5, $0x0  }
0x1f: {  	s9 =	smul.u32 $0xF7A, s1;
	s8 =	simm.s32 @!p0 $0x1BF5;
	p2 =	por !p2, p0  }
0x20: {  	[sflag:s8] =	ssyncset.s32 @!p0 $0xFFFFF086;
	s6 =	sadd.s32 @!p0 s3, s7;
	s7 =	simm.s32 @!p0 $0x108  }
0x21: {  	s3 =	sadd.s32 s3, s9;
	s6 =	sadd.s32 @!p0 $0x88, s6;
	s7 =	simm.s32 @p2 $0x1082  }
0x22: {  	[simem:s7], [sflag:s8] =	dma.local @!p0 [hbm:s6], $0xF7A  }
0x23: {  	s9 =	sor.u32 $0xD0000000, s2;
	s6 =	simm.s32 $0x108;
	_ =	swait.ge @!p0 [sflag:s8], $0x0  }
0x24: {  	s3 =	sadd.s32 $0x88, s3;
	s6 =	simm.s32 @!p1 $0x1082;
	[sflag:s4] =	ssyncset.s32 $0xFFFFF086  }
0x25: {  	[simem:s6], [sflag:s4] =	dma.local [hbm:s3], $0xF7A  }
0x26: {  	[smem:$0x3F90] =	sst s1;
	(tag) =	ssettag s2;
	_ =	strace s9  }
0x27: {  	s1 =	sld [smem:$0x3FA0]  }
0x28: {  	s2 =	sld [smem:$0x3FA1]  }
0x29: {  	s4 =	sld [smem:$0x3FA3]  }
0x2a: {  	p0 =	seq.s32 s5, $0x0;
	s5 =	sld [smem:$0x3FA4]  }
0x2b: {  	s6 =	sld [smem:$0x3FA5]  }
0x2c: {  	s7 =	sld [smem:$0x3FA6]  }
0x2d: {  	s3 =	simm.s32 $0x108;
	s8 =	sld [smem:$0x3FA7]  }
0x2e: {  	s3 =	simm.s32 @!p0 $0x1082;
	s9 =	sld [smem:$0x3FA8]  }
0x2f: {  	lr =	sadd.s32 s0, s3;
	s0 =	sld [smem:$0x3F9F]  }
0x30: {  	s3 =	sld [smem:$0x3FA2]  }
0x31: {  	[smem:$0x3FAB] =	sst s10  }
0x32: {  	s10 =	sld [smem:$0x3FA9];
	_ =	sdelay $0x3  }
0x33: {  	p0 =	seq.s32 s10, $0x1;
	s10 =	sld [smem:$0x3FAB];
	_ =	sdelay $0x3  }
0x34: {  	[smem:$0x3FAB] =	sst s10  }
0x35: {  	s10 =	sld [smem:$0x3FAA];
	_ =	sdelay $0x3  }
0x36: {  	p1 =	seq.s32 s10, $0x1;
	s10 =	sld [smem:$0x3FAB];
	_ =	sdelay $0x3  }
0x37: {  	[smem:$0x3FAB] =	sst s10  }
0x38: {  	s10 =	sld [smem:$0x3FAC]  }
0x39: {  	_ = 	snop;
	(pc) =	sbr.ind lr, $3  }
0x3a: {  	_ = 	snop  }
0x3b: {  	_ = 	snop  }
0x3c: {  	p2 =	seq.s32 s10, $0x1;
	s10 =	sld [smem:$0x3FAB]  }
0x3d: {  	_ =	shalt  }
0x3e: {  	_ =	shalt  }
0x3f: {  	_ =	shalt  }
0x40: {  	_ =	shalt  }
0x41: {  	_ =	shalt  }
0x42: {  	_ =	shalt  }
0x43: {  	_ =	shalt  }
0x44: {  	_ =	shalt  }
0x45: {  	_ =	shalt  }
0x46: {  	_ =	shalt  }
0x47: {  	_ =	shalt  }
0x48: {  	_ =	shalt  }
0x49: {  	_ =	shalt  }
0x4a: {  	_ =	shalt  }
0x4b: {  	_ =	shalt  }
0x4c: {  	_ =	shalt  }
0x4d: {  	_ =	shalt  }
0x4e: {  	_ =	shalt  }
0x4f: {  	_ =	shalt  }
0x50: {  	_ =	shalt  }
0x51: {  	_ =	shalt  }
0x52: {  	_ =	shalt  }
0x53: {  	_ =	shalt  }
0x54: {  	_ =	shalt  }
0x55: {  	_ =	shalt  }
0x56: {  	_ =	shalt  }
0x57: {  	_ =	shalt  }
0x58: {  	_ =	shalt  }
0x59: {  	_ =	shalt  }
0x5a: {  	_ =	shalt  }
0x5b: {  	_ =	shalt  }
0x5c: {  	_ =	shalt  }
0x5d: {  	_ =	shalt  }
0x5e: {  	_ =	shalt  }
0x5f: {  	_ =	shalt  }
0x60: {  	_ =	shalt  }
0x61: {  	_ =	shalt  }
0x62: {  	_ =	shalt  }
0x63: {  	_ =	shalt  }
0x64: {  	_ =	shalt  }
0x65: {  	_ =	shalt  }
0x66: {  	_ =	shalt  }
0x67: {  	_ =	shalt  }
0x68: {  	_ =	shalt  }
0x69: {  	_ =	shalt  }
0x6a: {  	_ =	shalt  }
0x6b: {  	_ =	shalt  }
0x6c: {  	_ =	shalt  }
0x6d: {  	_ =	shalt  }
0x6e: {  	_ =	shalt  }
0x6f: {  	_ =	shalt  }
0x70: {  	_ =	shalt  }
0x71: {  	_ =	shalt  }
0x72: {  	_ =	shalt  }
0x73: {  	_ =	shalt  }
0x74: {  	_ =	shalt  }
0x75: {  	_ =	shalt  }
0x76: {  	_ =	shalt  }
0x77: {  	_ =	shalt  }
0x78: {  	_ =	shalt  }
0x79: {  	_ =	shalt  }
0x7a: {  	_ =	shalt  }
0x7b: {  	_ =	shalt  }
0x7c: {  	_ =	shalt  }
0x7d: {  	_ =	shalt  }
0x7e: {  	_ =	shalt  }
0x7f: {  	_ =	shalt  }
0x80: {  	_ =	shalt  }
0x81: {  	_ =	shalt  }
0x82: {  	_ =	shalt  }
0x83: {  	_ =	shalt  }
0x84: {  	_ =	shalt  }
0x85: {  	_ =	shalt  }
0x86: {  	_ =	shalt  }
0x87: {  	_ =	shalt  }
.Lfunc_end0:
.L_simem_size_0:
called_computation.1_lowered:
.L_overlay_start_0:
0x88: {  	s2 =	sld [smem:$0x3FD9]  }
0x89: {  	s3 =	sld [smem:$0x3FFE];
	_ =	sdelay $0x1  }
0x8a: {  	s1 =	srdreg.scid  }
0x8b: {  	s0 =	sand.u32 $0x1, s1  }
0x8c: {  	s17 =	sshll.u32 s0, $0xA;
	s2 =	sadd.s32 s3, s2  }
0x8d: {  	s2 =	sadd.s32 s2, s17  }
0x8e: {  	[smem:$0x3FB7] =	sst s2  }
0x8f: {  	_ = 	snop  }
0x90: {  	s2 =	sld [smem:$0x3FC8];
	(tm) =	ssettm $0x1  }
0x91: {  	s18 =	sld [smem:$0x3FFB];
	_ =	sdelay $0x3  }
0x92: {  	_ =	strace s18  }
0x93: {  	s3 =	sld [smem:$0x3FFC];
	_ =	sdelay $0x3  }
0x94: {  	_ =	strace s3  }
0x95: {  	s3 =	sld [smem:$0x3FFD];
	_ =	sdelay $0x3  }
0x96: {  	_ =	strace s3  }
0x97: {  	_ =	strace $0x8FFFFFFF  }
0x98: {  	s19 =	sld [smem:$0x3FDB];
	_ =	sdelay $0x1  }
0x99: {  	s4 =	simm.s32 $_scs_section_size  }
0x9a: {  	s5 =	simm.s32 $_size__tile_overlayer_lowered;
	s6 =	simm.s32 $_tile_overlayer_lowered  }
0x9b: {  	s22 =	simm.s32 $0x1BFF;
	s21 =	sshll.u32 s6, $0x1;
	s3 =	sadd.s32 s4, s19  }
0x9c: {  	s7 =	simm.s32 $0x0;
	s20 =	sshll.u32 s5, $0x1;
	s5 =	sadd.s32 s21, s3  }
0x9d: {  	[timem:s7], [sflag:s22] =	dma.local [hbm:s5], s20  }
0x9e: {  	_ =	swait.ge [sflag:s22], s20  }
0x9f: {  	s4 =	ssub.s32 $0x0, s20;
	[sflag:s22] =	ssyncset.done $0x0  }
0xa0: {  	[sflag:s22] =	ssyncadd.s32 s4;
	_ =	sdelay $0x1  }
0xa1: {  	s23 =	simm.s32 $0x1B8B  }
0xa2: {  	_ =	swait.ge [sflag:s23], $0x1  }
0xa3: {  	[sflag:s23] =	ssyncset.done $0x0  }
0xa4: {  	s25 =	simm.s32 $0x1B8E;
	s24 =	sld [smem:$0x3FFE];
	[sflag:s23] =	ssyncadd.s32 $0xFFFFFFFF  }
0xa5: {  	s26 =	simm.s32 $execute0_lowered;
	[smem:$0x3FD2] =	sst s25  }
0xa6: {  	s5 =	sshll.u32 s26, $0x1;
	_ =	strace $0x80000049;
	[dreg:$0x1] =	wrdreg $0xFFFFFFFF  }
0xa7: {  	s28 =	simm.s32 $_size_execute0_lowered;
	s3 =	sadd.s32 s3, s5;
	[dreg:$0x0] =	wrdreg $0x0  }
0xa8: {  	s5 =	sshll.u32 s28, $0x1;
	[dreg:$0x2] =	wrdreg s3  }
0xa9: {  	[dreg:$0x3] =	wrdreg s5  }
0xaa: {  	[dreg:$0x4] =	wrdreg $0xC0  }
0xab: {  	_ =	task [dreg:s7], $0x5FFFF  }
0xac: {  	[dreg:$0x1] =	wrdreg $0xFFFFFFFF  }
0xad: {  	[dreg:$0x0] =	wrdreg $0x60  }
0xae: {  	[dreg:$0x2] =	wrdreg s2  }
0xaf: {  	[dreg:$0x3] =	wrdreg s24  }
0xb0: {  	[dreg:$0x4] =	wrdreg $0x82000  }
0xb1: {  	[dreg:$0x5] =	wrdreg $0x9  }
0xb2: {  	_ =	task.clear_ibuf [dreg:s7], $0x6FFFF;
	_ =	strace $0x90000049  }
0xb3: {  	s29 =	simm.s32 $0x9;
	_ =	strace $0x8000004B  }
0xb4: {  	_ =	swait.ge [sflag:s29], $0x1  }
0xb5: {  	[sflag:s29] =	ssyncadd.s32 $0xFFFFFFFF  }
0xb6: {  	_ =	strace $0x9000004B  }
0xb7: {  	_ =	sfence  }
0xb8: {  	s30 =	sld [smem:$0x0];
	_ =	sdelay $0x2  }
0xb9: {  	s31 =	sshll.u32 s1, $0xD;
	s1 =	sshrl.u32 s1, $0x2  }
0xba: {  	s3 =	sand.u32 $0x4000, s31;
	s1 =	sadd.s32 s1, s30  }
0xbb: {  	s0 =	sor.u32 s3, s0;
	s1 =	sshll.u32 s1, $0x11  }
0xbc: {  	s0 =	sor.u32 s1, s0  }
0xbd: {  	s0 =	sadd.s32 $0x8F2B, s0  }
0xbe: {  	[sflag:s0] =	ssyncadd.remote.s32 $0x1  }
0xbf: {  	_ =	sfence.sel $0xFFFF  }
0xc0: {  	[dreg:$0x0] =	wrdreg $0xFFFFFFFF;
	(pc) =	sbr.abs _section_cstart, $3  }
0xc1: {  	[dreg:$0x1] =	wrdreg $0xFFFFFFFF  }
0xc2: {  	_ =	task.clear_ibuf [dreg:s7], $0x2FFFF;
	_ =	strace $0x9FFFFFFF  }
0xc3: {  	(tm) =	ssettm $0x7FFFFFFF  }
tec
execute0_lowered:
.L_overlay_start_1:
0x0: {  	(tag) =	ssettag $0x1  }
0x1: {  	s1 =	rddreg [dreg:$0x0]  }
0x2: {  	s6 =	rddreg [dreg:$0x1]  }
0x3: {  	s3 =	srdreg.scid;
	s0 =	stileid.u32  }
0x4: {  	s2 =	rddreg [dreg:$0x2];
	s20 =	simm.s32 $0x200;
	s28 =	simm.s32 $0x2  }
0x5: {  	s29 =	simm.s32 $0x180;
	s30 =	simm.s32 $0x0;
	s4 =	smul.u32 $0x280, s0  }
0x6: {  	s16 =	sand.u32 $0x1, s3;
	s3 =	simm.s32 $0x0;
	s8 =	smul.u32 $0x50000, s0  }
0x7: {  	s21 =	sadd.s32 $0x4C00, s6;
	s31 =	sshll.u32 s0, $0x5;
	s5 =	smul.u32 $0x2800, s16  }
0x8: {  	[smem:$0x7FF] =	sst s3;
	s22 =	ssub.s32 $0x2, s16;
	s9 =	sshll.u32 s16, $0x4  }
0x9: {  	s19 =	sshll.u32 s16, $0x9;
	_ =	strace $0x8000004A;
	[dreg:$0x4] =	wrdreg s21  }
0xa: {  	s23 =	sshrl.u32 s8, $0x2;
	s24 =	sshrl.u32 s22, $0x1;
	s21 =	simm.s32 $0x3  }
0xb: {  	s7 =	sadd.s32 s4, s5;
	s4 =	sadd.s32 $0x55C00, s6;
	s18 =	ssub.s32 s22, s24  }
0xc: {  	s22 =	simm.s32 $0x80;
	s24 =	simm.s32 $0x4;
	s7 =	sshll.u32 s7, $0x4  }
0xd: {  	s18 =	smax.u32 s18, $0x1;
	s17 =	sadd.s32 s7, s6;
	s6 =	sadd.s32 s23, s2  }
0xe: {  	s7 =	sor.u32 s0, s9;
	s23 =	simm.s32 $0x100;
	s8 =	sadd.s32 $0x4000, s6  }
0xf: {  	s9 =	sadd.s32 $0x8000, s6;
	s10 =	sadd.s32 $0xC000, s6;
	s12 =	sshll.u32 s7, $0x5  }
0x10: {  	s11 =	sadd.s32 $0x10000, s6;
	s26 =	sadd.s32 $0x7DC00, s17;
	s14 =	sadd.s32 $0x7E400, s17  }
0x11: {  	s15 =	sadd.s32 $0x7EC00, s17;
	s16 =	sadd.s32 $0x7F400, s17;
	s17 =	sadd.s32 $0x7FC00, s17  }
0x12: {  	p0 =	sgt.u32 s7, $0x3;
	s25 =	sadd.s32 s1, s12;
	s1 =	sadd.s32 s19, s1  }
0x13: {  	[dreg:$0x6] =	wrdreg s26;
	s26 =	simm.s32 $0x1;
	s1 =	sadd.s32 s31, s1  }
0x14: {  	[dreg:$0x5] =	wrdreg s25;
	s25 =	simm.s32 $0x4200;
	s1 =	sadd.s32 $0x400, s1  }
.LBB2_1:
0x15: {  	s0 =	rddreg [dreg:$0x4]  }
0x16: {  	[tilespmem:s20], [sflag:$0x3] =	stream.linear.gather [hbm4b:s0+s3], $0x4000, $0x38;
	[tilespmem:$0x1C200] =	vst v63  }
0x17: {  	_ =	swait.ge [sflag:s21], $0x4000  }
0x18: {  	[sflag:s21] =	ssyncset.done $0x0  }
0x19: {  	[sflag:s21] =	ssyncadd.s32 $0xFFFFC000  }
0x1a: {  	[spmem:s6] =	stream.linear.scatter [tilespmem:s20], [sflag:$0x3], $0x4000, $0x38;
	[tilespmem:$0x1C200] =	vst v63  }
0x1b: {  	_ =	swait.ge [sflag:s21], $0x4000  }
0x1c: {  	[sflag:s21] =	ssyncset.done $0x0  }
0x1d: {  	[sflag:s21] =	ssyncadd.s32 $0xFFFFC000  }
0x1e: {  	[spmem:s8] =	stream.linear.scatter [tilespmem:s20], [sflag:$0x3], $0x4000, $0x38;
	[tilespmem:$0x1C200] =	vst v63  }
0x1f: {  	_ =	swait.ge [sflag:s21], $0x4000  }
0x20: {  	[sflag:s21] =	ssyncset.done $0x0  }
0x21: {  	[sflag:s21] =	ssyncadd.s32 $0xFFFFC000  }
0x22: {  	[spmem:s9] =	stream.linear.scatter [tilespmem:s20], [sflag:$0x3], $0x4000, $0x38;
	[tilespmem:$0x1C200] =	vst v63  }
0x23: {  	_ =	swait.ge [sflag:s21], $0x4000  }
0x24: {  	[sflag:s21] =	ssyncset.done $0x0  }
0x25: {  	[sflag:s21] =	ssyncadd.s32 $0xFFFFC000  }
0x26: {  	[spmem:s10] =	stream.linear.scatter [tilespmem:s20], [sflag:$0x3], $0x4000, $0x38;
	[tilespmem:$0x1C200] =	vst v63  }
0x27: {  	_ =	swait.ge [sflag:s21], $0x4000  }
0x28: {  	[sflag:s21] =	ssyncset.done $0x0  }
0x29: {  	[sflag:s21] =	ssyncadd.s32 $0xFFFFC000  }
0x2a: {  	[spmem:s11] =	stream.linear.scatter [tilespmem:s20], [sflag:$0x3], $0x4000, $0x38;
	[tilespmem:$0x1C200] =	vst v63  }
0x2b: {  	_ =	swait.ge [sflag:s21], $0x4000  }
0x2c: {  	[sflag:s21] =	ssyncset.done $0x0  }
0x2d: {  	[sflag:s21] =	ssyncadd.s32 $0xFFFFC000  }
0x2e: {  	[bflag:$0x0] =	sbarrier.arrive $0xFFFF  }
0x2f: {  	s19 =	rddreg [dreg:$0x5]  }
0x30: {  	[tilespmem:s3], [sflag:$0x3] =	stream.linear.gather [hbm4b:s19+s3], $0x100, $0x38;
	[tilespmem:$0x1C200] =	vst v63  }
0x31: {  	_ =	swait.ge [sflag:s21], $0x100  }
0x32: {  	[sflag:s21] =	ssyncset.done $0x0  }
0x33: {  	[sflag:s21] =	ssyncadd.s32 $0xFFFFFF00  }
0x34: {  	[tilespmem:s20], [sflag:$0x1] =	stream.indirect.gather [hbm4b:s4+s22], $0x80, s3, s22, $0xb8;
	[tilespmem:$0x1C200] =	vst v63  }
0x35: {  	_ = 	snop  }
0x36: {  	[tilespmem:s23], [sflag:$0x4] =	stream.linear.gather [hbm4b:s1+s3], $0x100, $0x38;
	[tilespmem:$0x1C200] =	vst v63  }
0x37: {  	_ =	swait.ge [sflag:s24], $0x100  }
0x38: {  	[sflag:s24] =	ssyncset.done $0x0  }
0x39: {  	[sflag:s24] =	ssyncadd.s32 $0xFFFFFF00  }
0x3a: {  	[tilespmem:s25], [sflag:$0x2] =	stream.indirect.gather [hbm4b:s4+s22], $0x80, s23, s22, $0xb8;
	[tilespmem:$0x1C200] =	vst v63  }
0x3b: {  	_ =	swait.ge [sflag:s26], $0x4000  }
0x3c: {  	[sflag:s26] =	ssyncset.done $0x0  }
0x3d: {  	s19 =	sadd.s32 $0x40, s7;
	[sflag:s26] =	ssyncadd.s32 $0xFFFFC000  }
0x3e: {  	[spmem:s2] =	stream.indirect.scatter.add.f32 [tilespmem:s20], [sflag:$0x4], $0x80, s22, s22, $0xb8;
	[tilespmem:$0x1C200] =	vst v63  }
0x3f: {  	p1 =	sgt.u32 s19, $0x9C3;
	_ =	swait.ge [sflag:s24], $0x4000  }
0x40: {  	s19 =	sadd.s32 @!p1 $0x400, s1;
	[sflag:s24] =	ssyncset.done $0x0  }
0x41: {  	s31 =	simm.s32 @!p1 $0x0;
	s0 =	simm.s32 @!p1 $0x4;
	[sflag:s24] =	ssyncadd.s32 $0xFFFFC000  }
0x42: {  	[tilespmem:s31], [sflag:$0x4] =	stream.linear.gather @!p1 [hbm4b:s19+s31], $0x100, $0x38;
	[tilespmem:$0x1C200] =	vst v63  }
0x43: {  	_ =	swait.ge @!p1 [sflag:s0], $0x100  }
0x44: {  	[sflag:s0] =	ssyncset.done @!p1 $0x0  }
0x45: {  	s5 =	simm.s32 @!p1 $0x200;
	s19 =	simm.s32 @!p1 $0x80;
	[sflag:s0] =	ssyncadd.s32 @!p1 $0xFFFFFF00  }
0x46: {  	[tilespmem:s5], [sflag:$0x1] =	stream.indirect.gather @!p1 [hbm4b:s4+s19], $0x80, s31, s19, $0xb8;
	[tilespmem:$0x1C200] =	vst v63  }
0x47: {  	_ =	swait.ge [sflag:s28], $0x4000  }
0x48: {  	[sflag:s28] =	ssyncset.done $0x0  }
0x49: {  	[sflag:s28] =	ssyncadd.s32 $0xFFFFC000  }
0x4a: {  	[spmem:s2] =	stream.indirect.scatter.add.f32 [tilespmem:s25], [sflag:$0x3], $0x80, s29, s22, $0xb8;
	[tilespmem:$0x1C200] =	vst v63  }
0x4b: {  	s31 =	simm.s32 $0x80;
	s19 =	smov.u32 s1;
	_ =	swait.ge [sflag:s21], $0x4000  }
.LBB2_2:
0x4c: {  	[sflag:s21] =	ssyncset.done $0x0  }
0x4d: {  	s19 =	sadd.s32 $0x800, s19;
	s0 =	smov.u32 s31;
	s31 =	sadd.s32 $0x40, s31  }
0x4e: {  	p1 =	sne.s32 s31, $0xA00;
	[sflag:s21] =	ssyncadd.s32 $0xFFFFC000  }
0x4f: {  	[tilespmem:s23], [sflag:$0x4] =	stream.linear.gather [hbm4b:s19+s3], $0x100, $0x38;
	[tilespmem:$0x1C200] =	vst v63  }
0x50: {  	_ =	swait.ge [sflag:s24], $0x100  }
0x51: {  	[sflag:s24] =	ssyncset.done $0x0  }
0x52: {  	[sflag:s24] =	ssyncadd.s32 $0xFFFFFF00  }
0x53: {  	[tilespmem:s25], [sflag:$0x2] =	stream.indirect.gather [hbm4b:s4+s22], $0x80, s23, s22, $0xb8;
	[tilespmem:$0x1C200] =	vst v63  }
0x54: {  	_ =	swait.ge [sflag:s26], $0x4000  }
0x55: {  	[sflag:s26] =	ssyncset.done $0x0  }
0x56: {  	s0 =	sadd.s32 s0, s7;
	[sflag:s26] =	ssyncadd.s32 $0xFFFFC000  }
0x57: {  	[spmem:s2] =	stream.indirect.scatter.add.f32 [tilespmem:s20], [sflag:$0x4], $0x80, s22, s22, $0xb8;
	[tilespmem:$0x1C200] =	vst v63  }
0x58: {  	p2 =	sgt.u32 s0, $0x9C3;
	_ =	swait.ge [sflag:s24], $0x4000  }
0x59: {  	s0 =	sadd.s32 @!p2 $0x400, s19;
	s5 =	simm.s32 @!p2 $0x0;
	[sflag:s24] =	ssyncset.done $0x0  }
0x5a: {  	s12 =	simm.s32 @!p2 $0x4;
	[sflag:s24] =	ssyncadd.s32 $0xFFFFC000  }
0x5b: {  	[tilespmem:s5], [sflag:$0x4] =	stream.linear.gather @!p2 [hbm4b:s0+s5], $0x100, $0x38;
	[tilespmem:$0x1C200] =	vst v63  }
0x5c: {  	_ =	swait.ge @!p2 [sflag:s12], $0x100  }
0x5d: {  	s13 =	simm.s32 @!p2 $0x200;
	s0 =	simm.s32 @!p2 $0x80;
	[sflag:s12] =	ssyncset.done @!p2 $0x0  }
0x5e: {  	[sflag:s12] =	ssyncadd.s32 @!p2 $0xFFFFFF00  }
0x5f: {  	[tilespmem:s13], [sflag:$0x1] =	stream.indirect.gather @!p2 [hbm4b:s4+s0], $0x80, s5, s0, $0xb8;
	[tilespmem:$0x1C200] =	vst v63  }
.Ltmp0:
0x60: {  	_ =	swait.ge [sflag:s28], $0x4000;
	(pc) =	sbr.rel @p1 .LBB2_2-.Ltmp0, $4  }
0x61: {  	[sflag:s28] =	ssyncset.done $0x0  }
0x62: {  	[sflag:s28] =	ssyncadd.s32 $0xFFFFC000  }
0x63: {  	[spmem:s2] =	stream.indirect.scatter.add.f32 [tilespmem:s25], [sflag:$0x3], $0x80, s29, s22, $0xb8;
	[tilespmem:$0x1C200] =	vst v63  }
0x64: {  	_ =	swait.ge [sflag:s21], $0x4000  }
0x65: {  	[sflag:s21] =	ssyncset.done $0x0  }
0x66: {  	s0 =	simm.s32 @!p0 $0x1;
	[sflag:s21] =	ssyncadd.s32 $0xFFFFC000  }
0x67: {  	_ =	swait.ge @!p0 [sflag:s0], $0x4000  }
0x68: {  	[sflag:s0] =	ssyncset.done @!p0 $0x0  }
0x69: {  	s5 =	simm.s32 @!p0 $0x200;
	[sflag:s0] =	ssyncadd.s32 @!p0 $0xFFFFC000;
	s0 =	simm.s32 @!p0 $0x80  }
0x6a: {  	[spmem:s2] =	stream.indirect.scatter.add.f32 @!p0 [tilespmem:s5], [sflag:$0x4], $0x80, s0, s0, $0xb8;
	[tilespmem:$0x1C200] =	vst v63  }
0x6b: {  	s0 =	simm.s32 @!p0 $0x4  }
0x6c: {  	_ =	swait.ge @!p0 [sflag:s0], $0x4000  }
0x6d: {  	[sflag:s0] =	ssyncset.done @!p0 $0x0  }
0x6e: {  	[sflag:s0] =	ssyncadd.s32 @!p0 $0xFFFFC000  }
0x6f: {  	[bflag:$0x0] =	sbarrier.arrive $0xFFFF  }
0x70: {  	[tilespmem:s20], [sflag:$0x3] =	stream.linear.gather [spmem:s6], $0x4000, $0x38;
	[tilespmem:$0x1C200] =	vst v63  }
0x71: {  	_ =	swait.ge [sflag:s21], $0x4000  }
0x72: {  	[sflag:s21] =	ssyncset.done $0x0  }
0x73: {  	s31 =	rddreg [dreg:$0x6];
	[sflag:s21] =	ssyncadd.s32 $0xFFFFC000  }
0x74: {  	[hbm4b:s31+s3] =	stream.linear.scatter [tilespmem:s20], [sflag:$0x3], $0x4000, $0x38;
	[tilespmem:$0x1C200] =	vst v63  }
0x75: {  	_ =	swait.ge [sflag:s21], $0x4000  }
0x76: {  	[sflag:s21] =	ssyncset.done $0x0  }
0x77: {  	[sflag:s21] =	ssyncadd.s32 $0xFFFFC000  }
0x78: {  	[tilespmem:s20], [sflag:$0x3] =	stream.linear.gather [spmem:s8], $0x4000, $0x38;
	[tilespmem:$0x1C200] =	vst v63  }
0x79: {  	_ =	swait.ge [sflag:s21], $0x4000  }
0x7a: {  	[sflag:s21] =	ssyncset.done $0x0  }
0x7b: {  	[sflag:s21] =	ssyncadd.s32 $0xFFFFC000  }
0x7c: {  	[hbm4b:s14+s3] =	stream.linear.scatter [tilespmem:s20], [sflag:$0x3], $0x4000, $0x38;
	[tilespmem:$0x1C200] =	vst v63  }
0x7d: {  	_ =	swait.ge [sflag:s21], $0x4000  }
0x7e: {  	[sflag:s21] =	ssyncset.done $0x0  }
0x7f: {  	[sflag:s21] =	ssyncadd.s32 $0xFFFFC000  }
0x80: {  	[tilespmem:s20], [sflag:$0x3] =	stream.linear.gather [spmem:s9], $0x4000, $0x38;
	[tilespmem:$0x1C200] =	vst v63  }
0x81: {  	_ =	swait.ge [sflag:s21], $0x4000  }
0x82: {  	[sflag:s21] =	ssyncset.done $0x0  }
0x83: {  	[sflag:s21] =	ssyncadd.s32 $0xFFFFC000  }
0x84: {  	[hbm4b:s15+s3] =	stream.linear.scatter [tilespmem:s20], [sflag:$0x3], $0x4000, $0x38;
	[tilespmem:$0x1C200] =	vst v63  }
0x85: {  	_ =	swait.ge [sflag:s21], $0x4000  }
0x86: {  	[sflag:s21] =	ssyncset.done $0x0  }
0x87: {  	[sflag:s21] =	ssyncadd.s32 $0xFFFFC000  }
0x88: {  	[tilespmem:s20], [sflag:$0x3] =	stream.linear.gather [spmem:s10], $0x4000, $0x38;
	[tilespmem:$0x1C200] =	vst v63  }
0x89: {  	_ =	swait.ge [sflag:s21], $0x4000  }
0x8a: {  	[sflag:s21] =	ssyncset.done $0x0  }
0x8b: {  	[sflag:s21] =	ssyncadd.s32 $0xFFFFC000  }
0x8c: {  	[hbm4b:s16+s3] =	stream.linear.scatter [tilespmem:s20], [sflag:$0x3], $0x4000, $0x38;
	[tilespmem:$0x1C200] =	vst v63  }
0x8d: {  	_ =	swait.ge [sflag:s21], $0x4000  }
0x8e: {  	[sflag:s21] =	ssyncset.done $0x0  }
0x8f: {  	[sflag:s21] =	ssyncadd.s32 $0xFFFFC000  }
0x90: {  	[tilespmem:s20], [sflag:$0x3] =	stream.linear.gather [spmem:s11], $0x4000, $0x38;
	[tilespmem:$0x1C200] =	vst v63  }
0x91: {  	s30 =	sadd.s32 $0x1, s30;
	_ =	swait.ge [sflag:s21], $0x4000  }
0x92: {  	p1 =	sne.s32 s30, s18;
	[sflag:s21] =	ssyncset.done $0x0  }
.Ltmp1:
0x93: {  	[sflag:s21] =	ssyncadd.s32 $0xFFFFC000;
	(pc) =	sbr.rel @p1 .LBB2_1-.Ltmp1, $4  }
0x94: {  	[hbm4b:s17+s3] =	stream.linear.scatter [tilespmem:s20], [sflag:$0x3], $0x4000, $0x38;
	[tilespmem:$0x1C200] =	vst v63  }
0x95: {  	_ =	swait.ge [sflag:s21], $0x4000  }
0x96: {  	[sflag:s21] =	ssyncset.done $0x0  }
0x97: {  	[sflag:s21] =	ssyncadd.s32 $0xFFFFC000  }
0x98: {  	_ =	sfence.sel $0x180000  }
0x99: {  	[bflag:$0x0] =	sbarrier.arrive $0xFFFF  }
0x9a: {  	_ =	strace $0x9000004A  }
0x9b: {  	s0 =	stileid.u32;
	[bflag:$0x2] =	sbarrier.arrive $0xFFFF  }
0x9c: {  	p0 =	sne.s32 s0, $0x0;
	s0 =	rddreg [dreg:$0x3]  }
0x9d: {  	s0 =	sadd.s32 @!p0 $0x100000, s0  }
0x9e: {  	[sflag:s0] =	ssyncadd.tile.s32 @!p0 $0x1;
	_ =	shalt  }
.Lfunc_end2:
_tile_overlayer_lowered:
.L_overlay_start_2:
0x9f: {  	(tag) =	ssettag $0x2  }
0xa0: {  	s0 =	rddreg [dreg:$0x0];
	s2 =	stileid.u32  }
0xa1: {  	s1 =	rddreg [dreg:$0x1];
	p0 =	sne.s32 s2, $0x0  }
0xa2: {  	s3 =	rddreg [dreg:$0x2];
	[bflag:$0x3] =	sbarrier.arrive $0xFFFF;
	s2 =	simm.s32 @!p0 $0x1C03  }
0xa3: {  	[timem:s3], [sflag:s2] =	dma.local @!p0 [hbm:s0], s1  }
0xa4: {  	s0 =	simm.s32 @!p0 $0x3  }
0xa5: {  	_ =	swait.ge @!p0 [sflag:s0], s1  }
0xa6: {  	s1 =	ssub.s32 @!p0 $0x0, s1;
	[sflag:s0] =	ssyncset.done @!p0 $0x0  }
0xa7: {  	[sflag:s0] =	ssyncadd.s32 @!p0 s1  }
0xa8: {  	[bflag:$0x3] =	sbarrier.arrive $0xFFFF  }
0xa9: {  	_ =	shalt  }

// kernel: kernel.16.cloned.1.call-start
scs
__scs_entry_jumppad:
0x0: {  	(pc) =	sbr.rel $0x88, $3  }
0x1: {  	(tag) =	ssettag $0x0;
	lr =	simm.s32 $0x1  }
0x2: {  	[smem:$0x3F90] =	sst lr;
	_ =	strace $0xD0000000  }
0x3: {  	_ = 	snop  }
0x4: {  	_ = 	snop  }
0x5: {  	_ = 	snop  }
0x6: {  	_ = 	snop  }
0x7: {  	_ = 	snop  }
__scs_overlays_trampoline_lowered:
0x8: {  	[smem:$0x3F9F] =	sst s0  }
0x9: {  	[smem:$0x3FA0] =	sst s1  }
0xa: {  	[smem:$0x3FA1] =	sst s2  }
0xb: {  	[smem:$0x3FA2] =	sst s3  }
0xc: {  	[smem:$0x3FA3] =	sst s4  }
0xd: {  	[smem:$0x3FA4] =	sst s5  }
0xe: {  	[smem:$0x3FA5] =	sst s6  }
0xf: {  	[smem:$0x3FA6] =	sst s7  }
0x10: {  	[smem:$0x3FA7] =	sst s8  }
0x11: {  	[smem:$0x3FA8] =	sst s9;
	s0 =	simm.s32 @!p0 $0x0  }
0x12: {  	s1 =	sld [smem:$0x3F8E];
	s0 =	simm.s32 @p0 $0x1  }
0x13: {  	[smem:$0x3FA9] =	sst s0;
	s0 =	simm.s32 @!p1 $0x0  }
0x14: {  	s2 =	sld [smem:$0x3F8D];
	s0 =	simm.s32 @p1 $0x1  }
0x15: {  	[smem:$0x3FAA] =	sst s0;
	s0 =	simm.s32 @!p2 $0x0  }
0x16: {  	s3 =	sld [smem:$0x3FDB];
	s0 =	simm.s32 @p2 $0x1  }
0x17: {  	s4 =	simm.s32 $0x1BF5;
	[smem:$0x3FAC] =	sst s0  }
0x18: {  	s0 =	sld [smem:$0x3F8F];
	_ =	swait.ge [sflag:s4], $0x0  }
0x19: {  	s7 =	sld [smem:$0x3F90]  }
0x1a: {  	s8 =	sadd.s32 $0xFFFFE003, lr  }
0x1b: {  	s9 =	sadd.s32 $0xFFFFFEF7, lr;
	s5 =	simm.s32 $0xFFFFFFFF;
	p2 =	slt.u32 s8, $0xFFFFF086  }
0x1c: {  	p1 =	slt.u32 s9, $0xF7A;
	s5 =	simm.s32 @!p2 $0x0  }
0x1d: {  	s5 =	simm.s32 @p1 $0x1;
	p0 =	seq.s32 s7, s2  }
0x1e: {  	s7 =	smul.u32 @!p0 $0xF7A, s2;
	p2 =	seq.s32 @!p0 s5, $0x0  }
0x1f: {  	s9 =	smul.u32 $0xF7A, s1;
	s8 =	simm.s32 @!p0 $0x1BF5;
	p2 =	por !p2, p0  }
0x20: {  	[sflag:s8] =	ssyncset.s32 @!p0 $0xFFFFF086;
	s6 =	sadd.s32 @!p0 s3, s7;
	s7 =	simm.s32 @!p0 $0x108  }
0x21: {  	s3 =	sadd.s32 s3, s9;
	s6 =	sadd.s32 @!p0 $0x88, s6;
	s7 =	simm.s32 @p2 $0x1082  }
0x22: {  	[simem:s7], [sflag:s8] =	dma.local @!p0 [hbm:s6], $0xF7A  }
0x23: {  	s9 =	sor.u32 $0xD0000000, s2;
	s6 =	simm.s32 $0x108;
	_ =	swait.ge @!p0 [sflag:s8], $0x0  }
0x24: {  	s3 =	sadd.s32 $0x88, s3;
	s6 =	simm.s32 @!p1 $0x1082;
	[sflag:s4] =	ssyncset.s32 $0xFFFFF086  }
0x25: {  	[simem:s6], [sflag:s4] =	dma.local [hbm:s3], $0xF7A  }
0x26: {  	[smem:$0x3F90] =	sst s1;
	(tag) =	ssettag s2;
	_ =	strace s9  }
0x27: {  	s1 =	sld [smem:$0x3FA0]  }
0x28: {  	s2 =	sld [smem:$0x3FA1]  }
0x29: {  	s4 =	sld [smem:$0x3FA3]  }
0x2a: {  	p0 =	seq.s32 s5, $0x0;
	s5 =	sld [smem:$0x3FA4]  }
0x2b: {  	s6 =	sld [smem:$0x3FA5]  }
0x2c: {  	s7 =	sld [smem:$0x3FA6]  }
0x2d: {  	s3 =	simm.s32 $0x108;
	s8 =	sld [smem:$0x3FA7]  }
0x2e: {  	s3 =	simm.s32 @!p0 $0x1082;
	s9 =	sld [smem:$0x3FA8]  }
0x2f: {  	lr =	sadd.s32 s0, s3;
	s0 =	sld [smem:$0x3F9F]  }
0x30: {  	s3 =	sld [smem:$0x3FA2]  }
0x31: {  	[smem:$0x3FAB] =	sst s10  }
0x32: {  	s10 =	sld [smem:$0x3FA9];
	_ =	sdelay $0x3  }
0x33: {  	p0 =	seq.s32 s10, $0x1;
	s10 =	sld [smem:$0x3FAB];
	_ =	sdelay $0x3  }
0x34: {  	[smem:$0x3FAB] =	sst s10  }
0x35: {  	s10 =	sld [smem:$0x3FAA];
	_ =	sdelay $0x3  }
0x36: {  	p1 =	seq.s32 s10, $0x1;
	s10 =	sld [smem:$0x3FAB];
	_ =	sdelay $0x3  }
0x37: {  	[smem:$0x3FAB] =	sst s10  }
0x38: {  	s10 =	sld [smem:$0x3FAC]  }
0x39: {  	_ = 	snop;
	(pc) =	sbr.ind lr, $3  }
0x3a: {  	_ = 	snop  }
0x3b: {  	_ = 	snop  }
0x3c: {  	p2 =	seq.s32 s10, $0x1;
	s10 =	sld [smem:$0x3FAB]  }
0x3d: {  	_ =	shalt  }
0x3e: {  	_ =	shalt  }
0x3f: {  	_ =	shalt  }
0x40: {  	_ =	shalt  }
0x41: {  	_ =	shalt  }
0x42: {  	_ =	shalt  }
0x43: {  	_ =	shalt  }
0x44: {  	_ =	shalt  }
0x45: {  	_ =	shalt  }
0x46: {  	_ =	shalt  }
0x47: {  	_ =	shalt  }
0x48: {  	_ =	shalt  }
0x49: {  	_ =	shalt  }
0x4a: {  	_ =	shalt  }
0x4b: {  	_ =	shalt  }
0x4c: {  	_ =	shalt  }
0x4d: {  	_ =	shalt  }
0x4e: {  	_ =	shalt  }
0x4f: {  	_ =	shalt  }
0x50: {  	_ =	shalt  }
0x51: {  	_ =	shalt  }
0x52: {  	_ =	shalt  }
0x53: {  	_ =	shalt  }
0x54: {  	_ =	shalt  }
0x55: {  	_ =	shalt  }
0x56: {  	_ =	shalt  }
0x57: {  	_ =	shalt  }
0x58: {  	_ =	shalt  }
0x59: {  	_ =	shalt  }
0x5a: {  	_ =	shalt  }
0x5b: {  	_ =	shalt  }
0x5c: {  	_ =	shalt  }
0x5d: {  	_ =	shalt  }
0x5e: {  	_ =	shalt  }
0x5f: {  	_ =	shalt  }
0x60: {  	_ =	shalt  }
0x61: {  	_ =	shalt  }
0x62: {  	_ =	shalt  }
0x63: {  	_ =	shalt  }
0x64: {  	_ =	shalt  }
0x65: {  	_ =	shalt  }
0x66: {  	_ =	shalt  }
0x67: {  	_ =	shalt  }
0x68: {  	_ =	shalt  }
0x69: {  	_ =	shalt  }
0x6a: {  	_ =	shalt  }
0x6b: {  	_ =	shalt  }
0x6c: {  	_ =	shalt  }
0x6d: {  	_ =	shalt  }
0x6e: {  	_ =	shalt  }
0x6f: {  	_ =	shalt  }
0x70: {  	_ =	shalt  }
0x71: {  	_ =	shalt  }
0x72: {  	_ =	shalt  }
0x73: {  	_ =	shalt  }
0x74: {  	_ =	shalt  }
0x75: {  	_ =	shalt  }
0x76: {  	_ =	shalt  }
0x77: {  	_ =	shalt  }
0x78: {  	_ =	shalt  }
0x79: {  	_ =	shalt  }
0x7a: {  	_ =	shalt  }
0x7b: {  	_ =	shalt  }
0x7c: {  	_ =	shalt  }
0x7d: {  	_ =	shalt  }
0x7e: {  	_ =	shalt  }
0x7f: {  	_ =	shalt  }
0x80: {  	_ =	shalt  }
0x81: {  	_ =	shalt  }
0x82: {  	_ =	shalt  }
0x83: {  	_ =	shalt  }
0x84: {  	_ =	shalt  }
0x85: {  	_ =	shalt  }
0x86: {  	_ =	shalt  }
0x87: {  	_ =	shalt  }
.Lfunc_end0:
.L_simem_size_0:
called_computation.2_lowered:
.L_overlay_start_0:
0x88: {  	s2 =	sld [smem:$0x3FD9]  }
0x89: {  	s3 =	sld [smem:$0x3FFE];
	_ =	sdelay $0x1  }
0x8a: {  	s1 =	srdreg.scid  }
0x8b: {  	s0 =	sand.u32 $0x1, s1  }
0x8c: {  	s17 =	sshll.u32 s0, $0xA;
	s2 =	sadd.s32 s3, s2  }
0x8d: {  	s2 =	sadd.s32 s2, s17  }
0x8e: {  	[smem:$0x3FB7] =	sst s2  }
0x8f: {  	_ = 	snop  }
0x90: {  	s2 =	sld [smem:$0x3FC8];
	(tm) =	ssettm $0x1  }
0x91: {  	s18 =	sld [smem:$0x3FFB];
	_ =	sdelay $0x3  }
0x92: {  	_ =	strace s18  }
0x93: {  	s3 =	sld [smem:$0x3FFC];
	_ =	sdelay $0x3  }
0x94: {  	_ =	strace s3  }
0x95: {  	s3 =	sld [smem:$0x3FFD];
	_ =	sdelay $0x3  }
0x96: {  	_ =	strace s3  }
0x97: {  	_ =	strace $0x8FFFFFFF  }
0x98: {  	s19 =	sld [smem:$0x3FDB];
	_ =	sdelay $0x1  }
0x99: {  	s4 =	simm.s32 $_scs_section_size  }
0x9a: {  	s5 =	simm.s32 $_size__tile_overlayer_lowered;
	s6 =	simm.s32 $_tile_overlayer_lowered  }
0x9b: {  	s22 =	simm.s32 $0x1BFF;
	s21 =	sshll.u32 s6, $0x1;
	s3 =	sadd.s32 s4, s19  }
0x9c: {  	s7 =	simm.s32 $0x0;
	s20 =	sshll.u32 s5, $0x1;
	s5 =	sadd.s32 s21, s3  }
0x9d: {  	[timem:s7], [sflag:s22] =	dma.local [hbm:s5], s20  }
0x9e: {  	_ =	swait.ge [sflag:s22], s20  }
0x9f: {  	s4 =	ssub.s32 $0x0, s20;
	[sflag:s22] =	ssyncset.done $0x0  }
0xa0: {  	[sflag:s22] =	ssyncadd.s32 s4;
	_ =	sdelay $0x1  }
0xa1: {  	s23 =	simm.s32 $0x1B8B  }
0xa2: {  	_ =	swait.ge [sflag:s23], $0x1  }
0xa3: {  	[sflag:s23] =	ssyncset.done $0x0  }
0xa4: {  	s25 =	simm.s32 $0x1B8E;
	s24 =	sld [smem:$0x3FFE];
	[sflag:s23] =	ssyncadd.s32 $0xFFFFFFFF  }
0xa5: {  	s26 =	simm.s32 $execute0_lowered;
	[smem:$0x3FD2] =	sst s25  }
0xa6: {  	s5 =	sshll.u32 s26, $0x1;
	_ =	strace $0x8000004C;
	[dreg:$0x1] =	wrdreg $0xFFFFFFFF  }
0xa7: {  	s28 =	simm.s32 $_size_execute0_lowered;
	s3 =	sadd.s32 s3, s5;
	[dreg:$0x0] =	wrdreg $0x0  }
0xa8: {  	s5 =	sshll.u32 s28, $0x1;
	[dreg:$0x2] =	wrdreg s3  }
0xa9: {  	[dreg:$0x3] =	wrdreg s5  }
0xaa: {  	[dreg:$0x4] =	wrdreg $0xC0  }
0xab: {  	_ =	task [dreg:s7], $0x5FFFF  }
0xac: {  	[dreg:$0x1] =	wrdreg $0xFFFFFFFF  }
0xad: {  	[dreg:$0x0] =	wrdreg $0x60  }
0xae: {  	[dreg:$0x2] =	wrdreg s2  }
0xaf: {  	[dreg:$0x3] =	wrdreg s24  }
0xb0: {  	[dreg:$0x4] =	wrdreg $0x82000  }
0xb1: {  	[dreg:$0x5] =	wrdreg $0x9  }
0xb2: {  	_ =	task.clear_ibuf [dreg:s7], $0x6FFFF;
	_ =	strace $0x9000004C  }
0xb3: {  	s29 =	simm.s32 $0x9;
	_ =	strace $0x8000004E  }
0xb4: {  	_ =	swait.ge [sflag:s29], $0x1  }
0xb5: {  	[sflag:s29] =	ssyncadd.s32 $0xFFFFFFFF  }
0xb6: {  	_ =	strace $0x9000004E  }
0xb7: {  	_ =	sfence  }
0xb8: {  	s30 =	sld [smem:$0x0];
	_ =	sdelay $0x2  }
0xb9: {  	s31 =	sshll.u32 s1, $0xD;
	s1 =	sshrl.u32 s1, $0x2  }
0xba: {  	s3 =	sand.u32 $0x4000, s31;
	s1 =	sadd.s32 s1, s30  }
0xbb: {  	s0 =	sor.u32 s3, s0;
	s1 =	sshll.u32 s1, $0x11  }
0xbc: {  	s0 =	sor.u32 s1, s0  }
0xbd: {  	s0 =	sadd.s32 $0x8F2B, s0  }
0xbe: {  	[sflag:s0] =	ssyncadd.remote.s32 $0x1  }
0xbf: {  	_ =	sfence.sel $0xFFFF  }
0xc0: {  	[dreg:$0x0] =	wrdreg $0xFFFFFFFF;
	(pc) =	sbr.abs _section_cstart, $3  }
0xc1: {  	[dreg:$0x1] =	wrdreg $0xFFFFFFFF  }
0xc2: {  	_ =	task.clear_ibuf [dreg:s7], $0x2FFFF;
	_ =	strace $0x9FFFFFFF  }
0xc3: {  	(tm) =	ssettm $0x7FFFFFFF  }
tec
execute0_lowered:
.L_overlay_start_1:
0x0: {  	(tag) =	ssettag $0x1  }
0x1: {  	s1 =	rddreg [dreg:$0x0]  }
0x2: {  	s6 =	rddreg [dreg:$0x1]  }
0x3: {  	s3 =	srdreg.scid;
	s0 =	stileid.u32  }
0x4: {  	s2 =	rddreg [dreg:$0x2];
	s20 =	simm.s32 $0x200;
	s28 =	simm.s32 $0x2  }
0x5: {  	s29 =	simm.s32 $0x180;
	s30 =	simm.s32 $0x0;
	s4 =	smul.u32 $0x280, s0  }
0x6: {  	s16 =	sand.u32 $0x1, s3;
	s3 =	simm.s32 $0x0;
	s8 =	smul.u32 $0x50000, s0  }
0x7: {  	s21 =	sadd.s32 $0x4C00, s6;
	s31 =	sshll.u32 s0, $0x5;
	s5 =	smul.u32 $0x2800, s16  }
0x8: {  	[smem:$0x7FF] =	sst s3;
	s22 =	ssub.s32 $0x2, s16;
	s9 =	sshll.u32 s16, $0x4  }
0x9: {  	s19 =	sshll.u32 s16, $0x9;
	_ =	strace $0x8000004D;
	[dreg:$0x4] =	wrdreg s21  }
0xa: {  	s23 =	sshrl.u32 s8, $0x2;
	s24 =	sshrl.u32 s22, $0x1;
	s21 =	simm.s32 $0x3  }
0xb: {  	s7 =	sadd.s32 s4, s5;
	s4 =	sadd.s32 $0x55C00, s6;
	s18 =	ssub.s32 s22, s24  }
0xc: {  	s22 =	simm.s32 $0x80;
	s24 =	simm.s32 $0x4;
	s7 =	sshll.u32 s7, $0x4  }
0xd: {  	s18 =	smax.u32 s18, $0x1;
	s17 =	sadd.s32 s7, s6;
	s6 =	sadd.s32 s23, s2  }
0xe: {  	s7 =	sor.u32 s0, s9;
	s23 =	simm.s32 $0x100;
	s8 =	sadd.s32 $0x4000, s6  }
0xf: {  	s9 =	sadd.s32 $0x8000, s6;
	s10 =	sadd.s32 $0xC000, s6;
	s12 =	sshll.u32 s7, $0x5  }
0x10: {  	s11 =	sadd.s32 $0x10000, s6;
	s26 =	sadd.s32 $0x7DC00, s17;
	s14 =	sadd.s32 $0x7E400, s17  }
0x11: {  	s15 =	sadd.s32 $0x7EC00, s17;
	s16 =	sadd.s32 $0x7F400, s17;
	s17 =	sadd.s32 $0x7FC00, s17  }
0x12: {  	p0 =	sgt.u32 s7, $0x3;
	s25 =	sadd.s32 s1, s12;
	s1 =	sadd.s32 s19, s1  }
0x13: {  	[dreg:$0x6] =	wrdreg s26;
	s26 =	simm.s32 $0x1;
	s1 =	sadd.s32 s31, s1  }
0x14: {  	[dreg:$0x5] =	wrdreg s25;
	s25 =	simm.s32 $0x4200;
	s1 =	sadd.s32 $0x400, s1  }
.LBB2_1:
0x15: {  	s0 =	rddreg [dreg:$0x4]  }
0x16: {  	[tilespmem:s20], [sflag:$0x3] =	stream.linear.gather [hbm4b:s0+s3], $0x4000, $0x38;
	[tilespmem:$0x1C200] =	vst v63  }
0x17: {  	_ =	swait.ge [sflag:s21], $0x4000  }
0x18: {  	[sflag:s21] =	ssyncset.done $0x0  }
0x19: {  	[sflag:s21] =	ssyncadd.s32 $0xFFFFC000  }
0x1a: {  	[spmem:s6] =	stream.linear.scatter [tilespmem:s20], [sflag:$0x3], $0x4000, $0x38;
	[tilespmem:$0x1C200] =	vst v63  }
0x1b: {  	_ =	swait.ge [sflag:s21], $0x4000  }
0x1c: {  	[sflag:s21] =	ssyncset.done $0x0  }
0x1d: {  	[sflag:s21] =	ssyncadd.s32 $0xFFFFC000  }
0x1e: {  	[spmem:s8] =	stream.linear.scatter [tilespmem:s20], [sflag:$0x3], $0x4000, $0x38;
	[tilespmem:$0x1C200] =	vst v63  }
0x1f: {  	_ =	swait.ge [sflag:s21], $0x4000  }
0x20: {  	[sflag:s21] =	ssyncset.done $0x0  }
0x21: {  	[sflag:s21] =	ssyncadd.s32 $0xFFFFC000  }
0x22: {  	[spmem:s9] =	stream.linear.scatter [tilespmem:s20], [sflag:$0x3], $0x4000, $0x38;
	[tilespmem:$0x1C200] =	vst v63  }
0x23: {  	_ =	swait.ge [sflag:s21], $0x4000  }
0x24: {  	[sflag:s21] =	ssyncset.done $0x0  }
0x25: {  	[sflag:s21] =	ssyncadd.s32 $0xFFFFC000  }
0x26: {  	[spmem:s10] =	stream.linear.scatter [tilespmem:s20], [sflag:$0x3], $0x4000, $0x38;
	[tilespmem:$0x1C200] =	vst v63  }
0x27: {  	_ =	swait.ge [sflag:s21], $0x4000  }
0x28: {  	[sflag:s21] =	ssyncset.done $0x0  }
0x29: {  	[sflag:s21] =	ssyncadd.s32 $0xFFFFC000  }
0x2a: {  	[spmem:s11] =	stream.linear.scatter [tilespmem:s20], [sflag:$0x3], $0x4000, $0x38;
	[tilespmem:$0x1C200] =	vst v63  }
0x2b: {  	_ =	swait.ge [sflag:s21], $0x4000  }
0x2c: {  	[sflag:s21] =	ssyncset.done $0x0  }
0x2d: {  	[sflag:s21] =	ssyncadd.s32 $0xFFFFC000  }
0x2e: {  	[bflag:$0x0] =	sbarrier.arrive $0xFFFF  }
0x2f: {  	s19 =	rddreg [dreg:$0x5]  }
0x30: {  	[tilespmem:s3], [sflag:$0x3] =	stream.linear.gather [hbm4b:s19+s3], $0x100, $0x38;
	[tilespmem:$0x1C200] =	vst v63  }
0x31: {  	_ =	swait.ge [sflag:s21], $0x100  }
0x32: {  	[sflag:s21] =	ssyncset.done $0x0  }
0x33: {  	[sflag:s21] =	ssyncadd.s32 $0xFFFFFF00  }
0x34: {  	[tilespmem:s20], [sflag:$0x1] =	stream.indirect.gather [hbm4b:s4+s22], $0x80, s3, s22, $0xb8;
	[tilespmem:$0x1C200] =	vst v63  }
0x35: {  	_ = 	snop  }
0x36: {  	[tilespmem:s23], [sflag:$0x4] =	stream.linear.gather [hbm4b:s1+s3], $0x100, $0x38;
	[tilespmem:$0x1C200] =	vst v63  }
0x37: {  	_ =	swait.ge [sflag:s24], $0x100  }
0x38: {  	[sflag:s24] =	ssyncset.done $0x0  }
0x39: {  	[sflag:s24] =	ssyncadd.s32 $0xFFFFFF00  }
0x3a: {  	[tilespmem:s25], [sflag:$0x2] =	stream.indirect.gather [hbm4b:s4+s22], $0x80, s23, s22, $0xb8;
	[tilespmem:$0x1C200] =	vst v63  }
0x3b: {  	_ =	swait.ge [sflag:s26], $0x4000  }
0x3c: {  	[sflag:s26] =	ssyncset.done $0x0  }
0x3d: {  	s19 =	sadd.s32 $0x40, s7;
	[sflag:s26] =	ssyncadd.s32 $0xFFFFC000  }
0x3e: {  	[spmem:s2] =	stream.indirect.scatter.add.f32 [tilespmem:s20], [sflag:$0x4], $0x80, s22, s22, $0xb8;
	[tilespmem:$0x1C200] =	vst v63  }
0x3f: {  	p1 =	sgt.u32 s19, $0x9C3;
	_ =	swait.ge [sflag:s24], $0x4000  }
0x40: {  	s19 =	sadd.s32 @!p1 $0x400, s1;
	[sflag:s24] =	ssyncset.done $0x0  }
0x41: {  	s31 =	simm.s32 @!p1 $0x0;
	s0 =	simm.s32 @!p1 $0x4;
	[sflag:s24] =	ssyncadd.s32 $0xFFFFC000  }
0x42: {  	[tilespmem:s31], [sflag:$0x4] =	stream.linear.gather @!p1 [hbm4b:s19+s31], $0x100, $0x38;
	[tilespmem:$0x1C200] =	vst v63  }
0x43: {  	_ =	swait.ge @!p1 [sflag:s0], $0x100  }
0x44: {  	[sflag:s0] =	ssyncset.done @!p1 $0x0  }
0x45: {  	s5 =	simm.s32 @!p1 $0x200;
	s19 =	simm.s32 @!p1 $0x80;
	[sflag:s0] =	ssyncadd.s32 @!p1 $0xFFFFFF00  }
0x46: {  	[tilespmem:s5], [sflag:$0x1] =	stream.indirect.gather @!p1 [hbm4b:s4+s19], $0x80, s31, s19, $0xb8;
	[tilespmem:$0x1C200] =	vst v63  }
0x47: {  	_ =	swait.ge [sflag:s28], $0x4000  }
0x48: {  	[sflag:s28] =	ssyncset.done $0x0  }
0x49: {  	[sflag:s28] =	ssyncadd.s32 $0xFFFFC000  }
0x4a: {  	[spmem:s2] =	stream.indirect.scatter.add.f32 [tilespmem:s25], [sflag:$0x3], $0x80, s29, s22, $0xb8;
	[tilespmem:$0x1C200] =	vst v63  }
0x4b: {  	s31 =	simm.s32 $0x80;
	s19 =	smov.u32 s1;
	_ =	swait.ge [sflag:s21], $0x4000  }
.LBB2_2:
0x4c: {  	[sflag:s21] =	ssyncset.done $0x0  }
0x4d: {  	s19 =	sadd.s32 $0x800, s19;
	s0 =	smov.u32 s31;
	s31 =	sadd.s32 $0x40, s31  }
0x4e: {  	p1 =	sne.s32 s31, $0xA00;
	[sflag:s21] =	ssyncadd.s32 $0xFFFFC000  }
0x4f: {  	[tilespmem:s23], [sflag:$0x4] =	stream.linear.gather [hbm4b:s19+s3], $0x100, $0x38;
	[tilespmem:$0x1C200] =	vst v63  }
0x50: {  	_ =	swait.ge [sflag:s24], $0x100  }
0x51: {  	[sflag:s24] =	ssyncset.done $0x0  }
0x52: {  	[sflag:s24] =	ssyncadd.s32 $0xFFFFFF00  }
0x53: {  	[tilespmem:s25], [sflag:$0x2] =	stream.indirect.gather [hbm4b:s4+s22], $0x80, s23, s22, $0xb8;
	[tilespmem:$0x1C200] =	vst v63  }
0x54: {  	_ =	swait.ge [sflag:s26], $0x4000  }
0x55: {  	[sflag:s26] =	ssyncset.done $0x0  }
0x56: {  	s0 =	sadd.s32 s0, s7;
	[sflag:s26] =	ssyncadd.s32 $0xFFFFC000  }
0x57: {  	[spmem:s2] =	stream.indirect.scatter.add.f32 [tilespmem:s20], [sflag:$0x4], $0x80, s22, s22, $0xb8;
	[tilespmem:$0x1C200] =	vst v63  }
0x58: {  	p2 =	sgt.u32 s0, $0x9C3;
	_ =	swait.ge [sflag:s24], $0x4000  }
0x59: {  	s0 =	sadd.s32 @!p2 $0x400, s19;
	s5 =	simm.s32 @!p2 $0x0;
	[sflag:s24] =	ssyncset.done $0x0  }
0x5a: {  	s12 =	simm.s32 @!p2 $0x4;
	[sflag:s24] =	ssyncadd.s32 $0xFFFFC000  }
0x5b: {  	[tilespmem:s5], [sflag:$0x4] =	stream.linear.gather @!p2 [hbm4b:s0+s5], $0x100, $0x38;
	[tilespmem:$0x1C200] =	vst v63  }
0x5c: {  	_ =	swait.ge @!p2 [sflag:s12], $0x100  }
0x5d: {  	s13 =	simm.s32 @!p2 $0x200;
	s0 =	simm.s32 @!p2 $0x80;
	[sflag:s12] =	ssyncset.done @!p2 $0x0  }
0x5e: {  	[sflag:s12] =	ssyncadd.s32 @!p2 $0xFFFFFF00  }
0x5f: {  	[tilespmem:s13], [sflag:$0x1] =	stream.indirect.gather @!p2 [hbm4b:s4+s0], $0x80, s5, s0, $0xb8;
	[tilespmem:$0x1C200] =	vst v63  }
.Ltmp0:
0x60: {  	_ =	swait.ge [sflag:s28], $0x4000;
	(pc) =	sbr.rel @p1 .LBB2_2-.Ltmp0, $4  }
0x61: {  	[sflag:s28] =	ssyncset.done $0x0  }
0x62: {  	[sflag:s28] =	ssyncadd.s32 $0xFFFFC000  }
0x63: {  	[spmem:s2] =	stream.indirect.scatter.add.f32 [tilespmem:s25], [sflag:$0x3], $0x80, s29, s22, $0xb8;
	[tilespmem:$0x1C200] =	vst v63  }
0x64: {  	_ =	swait.ge [sflag:s21], $0x4000  }
0x65: {  	[sflag:s21] =	ssyncset.done $0x0  }
0x66: {  	s0 =	simm.s32 @!p0 $0x1;
	[sflag:s21] =	ssyncadd.s32 $0xFFFFC000  }
0x67: {  	_ =	swait.ge @!p0 [sflag:s0], $0x4000  }
0x68: {  	[sflag:s0] =	ssyncset.done @!p0 $0x0  }
0x69: {  	s5 =	simm.s32 @!p0 $0x200;
	[sflag:s0] =	ssyncadd.s32 @!p0 $0xFFFFC000;
	s0 =	simm.s32 @!p0 $0x80  }
0x6a: {  	[spmem:s2] =	stream.indirect.scatter.add.f32 @!p0 [tilespmem:s5], [sflag:$0x4], $0x80, s0, s0, $0xb8;
	[tilespmem:$0x1C200] =	vst v63  }
0x6b: {  	s0 =	simm.s32 @!p0 $0x4  }
0x6c: {  	_ =	swait.ge @!p0 [sflag:s0], $0x4000  }
0x6d: {  	[sflag:s0] =	ssyncset.done @!p0 $0x0  }
0x6e: {  	[sflag:s0] =	ssyncadd.s32 @!p0 $0xFFFFC000  }
0x6f: {  	[bflag:$0x0] =	sbarrier.arrive $0xFFFF  }
0x70: {  	[tilespmem:s20], [sflag:$0x3] =	stream.linear.gather [spmem:s6], $0x4000, $0x38;
	[tilespmem:$0x1C200] =	vst v63  }
0x71: {  	_ =	swait.ge [sflag:s21], $0x4000  }
0x72: {  	[sflag:s21] =	ssyncset.done $0x0  }
0x73: {  	s31 =	rddreg [dreg:$0x6];
	[sflag:s21] =	ssyncadd.s32 $0xFFFFC000  }
0x74: {  	[hbm4b:s31+s3] =	stream.linear.scatter [tilespmem:s20], [sflag:$0x3], $0x4000, $0x38;
	[tilespmem:$0x1C200] =	vst v63  }
0x75: {  	_ =	swait.ge [sflag:s21], $0x4000  }
0x76: {  	[sflag:s21] =	ssyncset.done $0x0  }
0x77: {  	[sflag:s21] =	ssyncadd.s32 $0xFFFFC000  }
0x78: {  	[tilespmem:s20], [sflag:$0x3] =	stream.linear.gather [spmem:s8], $0x4000, $0x38;
	[tilespmem:$0x1C200] =	vst v63  }
0x79: {  	_ =	swait.ge [sflag:s21], $0x4000  }
0x7a: {  	[sflag:s21] =	ssyncset.done $0x0  }
0x7b: {  	[sflag:s21] =	ssyncadd.s32 $0xFFFFC000  }
0x7c: {  	[hbm4b:s14+s3] =	stream.linear.scatter [tilespmem:s20], [sflag:$0x3], $0x4000, $0x38;
	[tilespmem:$0x1C200] =	vst v63  }
0x7d: {  	_ =	swait.ge [sflag:s21], $0x4000  }
0x7e: {  	[sflag:s21] =	ssyncset.done $0x0  }
0x7f: {  	[sflag:s21] =	ssyncadd.s32 $0xFFFFC000  }
0x80: {  	[tilespmem:s20], [sflag:$0x3] =	stream.linear.gather [spmem:s9], $0x4000, $0x38;
	[tilespmem:$0x1C200] =	vst v63  }
0x81: {  	_ =	swait.ge [sflag:s21], $0x4000  }
0x82: {  	[sflag:s21] =	ssyncset.done $0x0  }
0x83: {  	[sflag:s21] =	ssyncadd.s32 $0xFFFFC000  }
0x84: {  	[hbm4b:s15+s3] =	stream.linear.scatter [tilespmem:s20], [sflag:$0x3], $0x4000, $0x38;
	[tilespmem:$0x1C200] =	vst v63  }
0x85: {  	_ =	swait.ge [sflag:s21], $0x4000  }
0x86: {  	[sflag:s21] =	ssyncset.done $0x0  }
0x87: {  	[sflag:s21] =	ssyncadd.s32 $0xFFFFC000  }
0x88: {  	[tilespmem:s20], [sflag:$0x3] =	stream.linear.gather [spmem:s10], $0x4000, $0x38;
	[tilespmem:$0x1C200] =	vst v63  }
0x89: {  	_ =	swait.ge [sflag:s21], $0x4000  }
0x8a: {  	[sflag:s21] =	ssyncset.done $0x0  }
0x8b: {  	[sflag:s21] =	ssyncadd.s32 $0xFFFFC000  }
0x8c: {  	[hbm4b:s16+s3] =	stream.linear.scatter [tilespmem:s20], [sflag:$0x3], $0x4000, $0x38;
	[tilespmem:$0x1C200] =	vst v63  }
0x8d: {  	_ =	swait.ge [sflag:s21], $0x4000  }
0x8e: {  	[sflag:s21] =	ssyncset.done $0x0  }
0x8f: {  	[sflag:s21] =	ssyncadd.s32 $0xFFFFC000  }
0x90: {  	[tilespmem:s20], [sflag:$0x3] =	stream.linear.gather [spmem:s11], $0x4000, $0x38;
	[tilespmem:$0x1C200] =	vst v63  }
0x91: {  	s30 =	sadd.s32 $0x1, s30;
	_ =	swait.ge [sflag:s21], $0x4000  }
0x92: {  	p1 =	sne.s32 s30, s18;
	[sflag:s21] =	ssyncset.done $0x0  }
.Ltmp1:
0x93: {  	[sflag:s21] =	ssyncadd.s32 $0xFFFFC000;
	(pc) =	sbr.rel @p1 .LBB2_1-.Ltmp1, $4  }
0x94: {  	[hbm4b:s17+s3] =	stream.linear.scatter [tilespmem:s20], [sflag:$0x3], $0x4000, $0x38;
	[tilespmem:$0x1C200] =	vst v63  }
0x95: {  	_ =	swait.ge [sflag:s21], $0x4000  }
0x96: {  	[sflag:s21] =	ssyncset.done $0x0  }
0x97: {  	[sflag:s21] =	ssyncadd.s32 $0xFFFFC000  }
0x98: {  	_ =	sfence.sel $0x180000  }
0x99: {  	[bflag:$0x0] =	sbarrier.arrive $0xFFFF  }
0x9a: {  	_ =	strace $0x9000004D  }
0x9b: {  	s0 =	stileid.u32;
	[bflag:$0x2] =	sbarrier.arrive $0xFFFF  }
0x9c: {  	p0 =	sne.s32 s0, $0x0;
	s0 =	rddreg [dreg:$0x3]  }
0x9d: {  	s0 =	sadd.s32 @!p0 $0x100000, s0  }
0x9e: {  	[sflag:s0] =	ssyncadd.tile.s32 @!p0 $0x1;
	_ =	shalt  }
.Lfunc_end2:
_tile_overlayer_lowered:
.L_overlay_start_2:
0x9f: {  	(tag) =	ssettag $0x2  }
0xa0: {  	s0 =	rddreg [dreg:$0x0];
	s2 =	stileid.u32  }
0xa1: {  	s1 =	rddreg [dreg:$0x1];
	p0 =	sne.s32 s2, $0x0  }
0xa2: {  	s3 =	rddreg [dreg:$0x2];
	[bflag:$0x3] =	sbarrier.arrive $0xFFFF;
	s2 =	simm.s32 @!p0 $0x1C03  }
0xa3: {  	[timem:s3], [sflag:s2] =	dma.local @!p0 [hbm:s0], s1  }
0xa4: {  	s0 =	simm.s32 @!p0 $0x3  }
0xa5: {  	_ =	swait.ge @!p0 [sflag:s0], s1  }
0xa6: {  	s1 =	ssub.s32 @!p0 $0x0, s1;
	[sflag:s0] =	ssyncset.done @!p0 $0x0  }
0xa7: {  	[sflag:s0] =	ssyncadd.s32 @!p0 s1  }
0xa8: {  	[bflag:$0x3] =	sbarrier.arrive $0xFFFF  }
0xa9: {  	_ =	shalt  }

// kernel: kernel.19.cloned.1.call-start
scs
__scs_entry_jumppad:
0x0: {  	(pc) =	sbr.rel $0x88, $3  }
0x1: {  	(tag) =	ssettag $0x0;
	lr =	simm.s32 $0x1  }
0x2: {  	[smem:$0x3F90] =	sst lr;
	_ =	strace $0xD0000000  }
0x3: {  	_ = 	snop  }
0x4: {  	_ = 	snop  }
0x5: {  	_ = 	snop  }
0x6: {  	_ = 	snop  }
0x7: {  	_ = 	snop  }
__scs_overlays_trampoline_lowered:
0x8: {  	[smem:$0x3F9F] =	sst s0  }
0x9: {  	[smem:$0x3FA0] =	sst s1  }
0xa: {  	[smem:$0x3FA1] =	sst s2  }
0xb: {  	[smem:$0x3FA2] =	sst s3  }
0xc: {  	[smem:$0x3FA3] =	sst s4  }
0xd: {  	[smem:$0x3FA4] =	sst s5  }
0xe: {  	[smem:$0x3FA5] =	sst s6  }
0xf: {  	[smem:$0x3FA6] =	sst s7  }
0x10: {  	[smem:$0x3FA7] =	sst s8  }
0x11: {  	[smem:$0x3FA8] =	sst s9;
	s0 =	simm.s32 @!p0 $0x0  }
0x12: {  	s1 =	sld [smem:$0x3F8E];
	s0 =	simm.s32 @p0 $0x1  }
0x13: {  	[smem:$0x3FA9] =	sst s0;
	s0 =	simm.s32 @!p1 $0x0  }
0x14: {  	s2 =	sld [smem:$0x3F8D];
	s0 =	simm.s32 @p1 $0x1  }
0x15: {  	[smem:$0x3FAA] =	sst s0;
	s0 =	simm.s32 @!p2 $0x0  }
0x16: {  	s3 =	sld [smem:$0x3FDB];
	s0 =	simm.s32 @p2 $0x1  }
0x17: {  	s4 =	simm.s32 $0x1BF5;
	[smem:$0x3FAC] =	sst s0  }
0x18: {  	s0 =	sld [smem:$0x3F8F];
	_ =	swait.ge [sflag:s4], $0x0  }
0x19: {  	s7 =	sld [smem:$0x3F90]  }
0x1a: {  	s8 =	sadd.s32 $0xFFFFE003, lr  }
0x1b: {  	s9 =	sadd.s32 $0xFFFFFEF7, lr;
	s5 =	simm.s32 $0xFFFFFFFF;
	p2 =	slt.u32 s8, $0xFFFFF086  }
0x1c: {  	p1 =	slt.u32 s9, $0xF7A;
	s5 =	simm.s32 @!p2 $0x0  }
0x1d: {  	s5 =	simm.s32 @p1 $0x1;
	p0 =	seq.s32 s7, s2  }
0x1e: {  	s7 =	smul.u32 @!p0 $0xF7A, s2;
	p2 =	seq.s32 @!p0 s5, $0x0  }
0x1f: {  	s9 =	smul.u32 $0xF7A, s1;
	s8 =	simm.s32 @!p0 $0x1BF5;
	p2 =	por !p2, p0  }
0x20: {  	[sflag:s8] =	ssyncset.s32 @!p0 $0xFFFFF086;
	s6 =	sadd.s32 @!p0 s3, s7;
	s7 =	simm.s32 @!p0 $0x108  }
0x21: {  	s3 =	sadd.s32 s3, s9;
	s6 =	sadd.s32 @!p0 $0x88, s6;
	s7 =	simm.s32 @p2 $0x1082  }
0x22: {  	[simem:s7], [sflag:s8] =	dma.local @!p0 [hbm:s6], $0xF7A  }
0x23: {  	s9 =	sor.u32 $0xD0000000, s2;
	s6 =	simm.s32 $0x108;
	_ =	swait.ge @!p0 [sflag:s8], $0x0  }
0x24: {  	s3 =	sadd.s32 $0x88, s3;
	s6 =	simm.s32 @!p1 $0x1082;
	[sflag:s4] =	ssyncset.s32 $0xFFFFF086  }
0x25: {  	[simem:s6], [sflag:s4] =	dma.local [hbm:s3], $0xF7A  }
0x26: {  	[smem:$0x3F90] =	sst s1;
	(tag) =	ssettag s2;
	_ =	strace s9  }
0x27: {  	s1 =	sld [smem:$0x3FA0]  }
0x28: {  	s2 =	sld [smem:$0x3FA1]  }
0x29: {  	s4 =	sld [smem:$0x3FA3]  }
0x2a: {  	p0 =	seq.s32 s5, $0x0;
	s5 =	sld [smem:$0x3FA4]  }
0x2b: {  	s6 =	sld [smem:$0x3FA5]  }
0x2c: {  	s7 =	sld [smem:$0x3FA6]  }
0x2d: {  	s3 =	simm.s32 $0x108;
	s8 =	sld [smem:$0x3FA7]  }
0x2e: {  	s3 =	simm.s32 @!p0 $0x1082;
	s9 =	sld [smem:$0x3FA8]  }
0x2f: {  	lr =	sadd.s32 s0, s3;
	s0 =	sld [smem:$0x3F9F]  }
0x30: {  	s3 =	sld [smem:$0x3FA2]  }
0x31: {  	[smem:$0x3FAB] =	sst s10  }
0x32: {  	s10 =	sld [smem:$0x3FA9];
	_ =	sdelay $0x3  }
0x33: {  	p0 =	seq.s32 s10, $0x1;
	s10 =	sld [smem:$0x3FAB];
	_ =	sdelay $0x3  }
0x34: {  	[smem:$0x3FAB] =	sst s10  }
0x35: {  	s10 =	sld [smem:$0x3FAA];
	_ =	sdelay $0x3  }
0x36: {  	p1 =	seq.s32 s10, $0x1;
	s10 =	sld [smem:$0x3FAB];
	_ =	sdelay $0x3  }
0x37: {  	[smem:$0x3FAB] =	sst s10  }
0x38: {  	s10 =	sld [smem:$0x3FAC]  }
0x39: {  	_ = 	snop;
	(pc) =	sbr.ind lr, $3  }
0x3a: {  	_ = 	snop  }
0x3b: {  	_ = 	snop  }
0x3c: {  	p2 =	seq.s32 s10, $0x1;
	s10 =	sld [smem:$0x3FAB]  }
0x3d: {  	_ =	shalt  }
0x3e: {  	_ =	shalt  }
0x3f: {  	_ =	shalt  }
0x40: {  	_ =	shalt  }
0x41: {  	_ =	shalt  }
0x42: {  	_ =	shalt  }
0x43: {  	_ =	shalt  }
0x44: {  	_ =	shalt  }
0x45: {  	_ =	shalt  }
0x46: {  	_ =	shalt  }
0x47: {  	_ =	shalt  }
0x48: {  	_ =	shalt  }
0x49: {  	_ =	shalt  }
0x4a: {  	_ =	shalt  }
0x4b: {  	_ =	shalt  }
0x4c: {  	_ =	shalt  }
0x4d: {  	_ =	shalt  }
0x4e: {  	_ =	shalt  }
0x4f: {  	_ =	shalt  }
0x50: {  	_ =	shalt  }
0x51: {  	_ =	shalt  }
0x52: {  	_ =	shalt  }
0x53: {  	_ =	shalt  }
0x54: {  	_ =	shalt  }
0x55: {  	_ =	shalt  }
0x56: {  	_ =	shalt  }
0x57: {  	_ =	shalt  }
0x58: {  	_ =	shalt  }
0x59: {  	_ =	shalt  }
0x5a: {  	_ =	shalt  }
0x5b: {  	_ =	shalt  }
0x5c: {  	_ =	shalt  }
0x5d: {  	_ =	shalt  }
0x5e: {  	_ =	shalt  }
0x5f: {  	_ =	shalt  }
0x60: {  	_ =	shalt  }
0x61: {  	_ =	shalt  }
0x62: {  	_ =	shalt  }
0x63: {  	_ =	shalt  }
0x64: {  	_ =	shalt  }
0x65: {  	_ =	shalt  }
0x66: {  	_ =	shalt  }
0x67: {  	_ =	shalt  }
0x68: {  	_ =	shalt  }
0x69: {  	_ =	shalt  }
0x6a: {  	_ =	shalt  }
0x6b: {  	_ =	shalt  }
0x6c: {  	_ =	shalt  }
0x6d: {  	_ =	shalt  }
0x6e: {  	_ =	shalt  }
0x6f: {  	_ =	shalt  }
0x70: {  	_ =	shalt  }
0x71: {  	_ =	shalt  }
0x72: {  	_ =	shalt  }
0x73: {  	_ =	shalt  }
0x74: {  	_ =	shalt  }
0x75: {  	_ =	shalt  }
0x76: {  	_ =	shalt  }
0x77: {  	_ =	shalt  }
0x78: {  	_ =	shalt  }
0x79: {  	_ =	shalt  }
0x7a: {  	_ =	shalt  }
0x7b: {  	_ =	shalt  }
0x7c: {  	_ =	shalt  }
0x7d: {  	_ =	shalt  }
0x7e: {  	_ =	shalt  }
0x7f: {  	_ =	shalt  }
0x80: {  	_ =	shalt  }
0x81: {  	_ =	shalt  }
0x82: {  	_ =	shalt  }
0x83: {  	_ =	shalt  }
0x84: {  	_ =	shalt  }
0x85: {  	_ =	shalt  }
0x86: {  	_ =	shalt  }
0x87: {  	_ =	shalt  }
.Lfunc_end0:
.L_simem_size_0:
called_computation.3_lowered:
.L_overlay_start_0:
0x88: {  	s2 =	sld [smem:$0x3FD9]  }
0x89: {  	s3 =	sld [smem:$0x3FFE];
	_ =	sdelay $0x1  }
0x8a: {  	s1 =	srdreg.scid  }
0x8b: {  	s0 =	sand.u32 $0x1, s1  }
0x8c: {  	s17 =	sshll.u32 s0, $0xA;
	s2 =	sadd.s32 s3, s2  }
0x8d: {  	s2 =	sadd.s32 s2, s17  }
0x8e: {  	[smem:$0x3FB7] =	sst s2  }
0x8f: {  	_ = 	snop  }
0x90: {  	s2 =	sld [smem:$0x3FC8];
	(tm) =	ssettm $0x1  }
0x91: {  	s18 =	sld [smem:$0x3FFB];
	_ =	sdelay $0x3  }
0x92: {  	_ =	strace s18  }
0x93: {  	s3 =	sld [smem:$0x3FFC];
	_ =	sdelay $0x3  }
0x94: {  	_ =	strace s3  }
0x95: {  	s3 =	sld [smem:$0x3FFD];
	_ =	sdelay $0x3  }
0x96: {  	_ =	strace s3  }
0x97: {  	_ =	strace $0x8FFFFFFF  }
0x98: {  	s19 =	sld [smem:$0x3FDB];
	_ =	sdelay $0x1  }
0x99: {  	s4 =	simm.s32 $_scs_section_size  }
0x9a: {  	s5 =	simm.s32 $_size__tile_overlayer_lowered;
	s6 =	simm.s32 $_tile_overlayer_lowered  }
0x9b: {  	s22 =	simm.s32 $0x1BFF;
	s21 =	sshll.u32 s6, $0x1;
	s3 =	sadd.s32 s4, s19  }
0x9c: {  	s7 =	simm.s32 $0x0;
	s20 =	sshll.u32 s5, $0x1;
	s5 =	sadd.s32 s21, s3  }
0x9d: {  	[timem:s7], [sflag:s22] =	dma.local [hbm:s5], s20  }
0x9e: {  	_ =	swait.ge [sflag:s22], s20  }
0x9f: {  	s4 =	ssub.s32 $0x0, s20;
	[sflag:s22] =	ssyncset.done $0x0  }
0xa0: {  	[sflag:s22] =	ssyncadd.s32 s4;
	_ =	sdelay $0x1  }
0xa1: {  	s23 =	simm.s32 $0x1B8B  }
0xa2: {  	_ =	swait.ge [sflag:s23], $0x1  }
0xa3: {  	[sflag:s23] =	ssyncset.done $0x0  }
0xa4: {  	s25 =	simm.s32 $0x1B8E;
	s24 =	sld [smem:$0x3FFE];
	[sflag:s23] =	ssyncadd.s32 $0xFFFFFFFF  }
0xa5: {  	s26 =	simm.s32 $execute0_lowered;
	[smem:$0x3FD2] =	sst s25  }
0xa6: {  	s5 =	sshll.u32 s26, $0x1;
	_ =	strace $0x8000004F;
	[dreg:$0x1] =	wrdreg $0xFFFFFFFF  }
0xa7: {  	s28 =	simm.s32 $_size_execute0_lowered;
	s3 =	sadd.s32 s3, s5;
	[dreg:$0x0] =	wrdreg $0x0  }
0xa8: {  	s5 =	sshll.u32 s28, $0x1;
	[dreg:$0x2] =	wrdreg s3  }
0xa9: {  	[dreg:$0x3] =	wrdreg s5  }
0xaa: {  	[dreg:$0x4] =	wrdreg $0xC0  }
0xab: {  	_ =	task [dreg:s7], $0x5FFFF  }
0xac: {  	[dreg:$0x1] =	wrdreg $0xFFFFFFFF  }
0xad: {  	[dreg:$0x0] =	wrdreg $0x60  }
0xae: {  	[dreg:$0x2] =	wrdreg s2  }
0xaf: {  	[dreg:$0x3] =	wrdreg s24  }
0xb0: {  	[dreg:$0x4] =	wrdreg $0x82000  }
0xb1: {  	[dreg:$0x5] =	wrdreg $0x9  }
0xb2: {  	_ =	task.clear_ibuf [dreg:s7], $0x6FFFF;
	_ =	strace $0x9000004F  }
0xb3: {  	s29 =	simm.s32 $0x9;
	_ =	strace $0x80000051  }
0xb4: {  	_ =	swait.ge [sflag:s29], $0x1  }
0xb5: {  	[sflag:s29] =	ssyncadd.s32 $0xFFFFFFFF  }
0xb6: {  	_ =	strace $0x90000051  }
0xb7: {  	_ =	sfence  }
0xb8: {  	s30 =	sld [smem:$0x0];
	_ =	sdelay $0x2  }
0xb9: {  	s31 =	sshll.u32 s1, $0xD;
	s1 =	sshrl.u32 s1, $0x2  }
0xba: {  	s3 =	sand.u32 $0x4000, s31;
	s1 =	sadd.s32 s1, s30  }
0xbb: {  	s0 =	sor.u32 s3, s0;
	s1 =	sshll.u32 s1, $0x11  }
0xbc: {  	s0 =	sor.u32 s1, s0  }
0xbd: {  	s0 =	sadd.s32 $0x8F2B, s0  }
0xbe: {  	[sflag:s0] =	ssyncadd.remote.s32 $0x1  }
0xbf: {  	_ =	sfence.sel $0xFFFF  }
0xc0: {  	[dreg:$0x0] =	wrdreg $0xFFFFFFFF;
	(pc) =	sbr.abs _section_cstart, $3  }
0xc1: {  	[dreg:$0x1] =	wrdreg $0xFFFFFFFF  }
0xc2: {  	_ =	task.clear_ibuf [dreg:s7], $0x2FFFF;
	_ =	strace $0x9FFFFFFF  }
0xc3: {  	(tm) =	ssettm $0x7FFFFFFF  }
tec
execute0_lowered:
.L_overlay_start_1:
0x0: {  	(tag) =	ssettag $0x1  }
0x1: {  	s1 =	rddreg [dreg:$0x0]  }
0x2: {  	s6 =	rddreg [dreg:$0x1]  }
0x3: {  	s3 =	srdreg.scid;
	s0 =	stileid.u32  }
0x4: {  	s2 =	rddreg [dreg:$0x2];
	s20 =	simm.s32 $0x200;
	s28 =	simm.s32 $0x2  }
0x5: {  	s29 =	simm.s32 $0x180;
	s30 =	simm.s32 $0x0;
	s4 =	smul.u32 $0x280, s0  }
0x6: {  	s16 =	sand.u32 $0x1, s3;
	s3 =	simm.s32 $0x0;
	s8 =	smul.u32 $0x50000, s0  }
0x7: {  	s21 =	sadd.s32 $0x4C00, s6;
	s31 =	sshll.u32 s0, $0x5;
	s5 =	smul.u32 $0x2800, s16  }
0x8: {  	[smem:$0x7FF] =	sst s3;
	s22 =	ssub.s32 $0x2, s16;
	s9 =	sshll.u32 s16, $0x4  }
0x9: {  	s19 =	sshll.u32 s16, $0x9;
	_ =	strace $0x80000050;
	[dreg:$0x4] =	wrdreg s21  }
0xa: {  	s23 =	sshrl.u32 s8, $0x2;
	s24 =	sshrl.u32 s22, $0x1;
	s21 =	simm.s32 $0x3  }
0xb: {  	s7 =	sadd.s32 s4, s5;
	s4 =	sadd.s32 $0x55C00, s6;
	s18 =	ssub.s32 s22, s24  }
0xc: {  	s22 =	simm.s32 $0x80;
	s24 =	simm.s32 $0x4;
	s7 =	sshll.u32 s7, $0x4  }
0xd: {  	s18 =	smax.u32 s18, $0x1;
	s17 =	sadd.s32 s7, s6;
	s6 =	sadd.s32 s23, s2  }
0xe: {  	s7 =	sor.u32 s0, s9;
	s23 =	simm.s32 $0x100;
	s8 =	sadd.s32 $0x4000, s6  }
0xf: {  	s9 =	sadd.s32 $0x8000, s6;
	s10 =	sadd.s32 $0xC000, s6;
	s12 =	sshll.u32 s7, $0x5  }
0x10: {  	s11 =	sadd.s32 $0x10000, s6;
	s26 =	sadd.s32 $0x7DC00, s17;
	s14 =	sadd.s32 $0x7E400, s17  }
0x11: {  	s15 =	sadd.s32 $0x7EC00, s17;
	s16 =	sadd.s32 $0x7F400, s17;
	s17 =	sadd.s32 $0x7FC00, s17  }
0x12: {  	p0 =	sgt.u32 s7, $0x3;
	s25 =	sadd.s32 s1, s12;
	s1 =	sadd.s32 s19, s1  }
0x13: {  	[dreg:$0x6] =	wrdreg s26;
	s26 =	simm.s32 $0x1;
	s1 =	sadd.s32 s31, s1  }
0x14: {  	[dreg:$0x5] =	wrdreg s25;
	s25 =	simm.s32 $0x4200;
	s1 =	sadd.s32 $0x400, s1  }
.LBB2_1:
0x15: {  	s0 =	rddreg [dreg:$0x4]  }
0x16: {  	[tilespmem:s20], [sflag:$0x3] =	stream.linear.gather [hbm4b:s0+s3], $0x4000, $0x38;
	[tilespmem:$0x1C200] =	vst v63  }
0x17: {  	_ =	swait.ge [sflag:s21], $0x4000  }
0x18: {  	[sflag:s21] =	ssyncset.done $0x0  }
0x19: {  	[sflag:s21] =	ssyncadd.s32 $0xFFFFC000  }
0x1a: {  	[spmem:s6] =	stream.linear.scatter [tilespmem:s20], [sflag:$0x3], $0x4000, $0x38;
	[tilespmem:$0x1C200] =	vst v63  }
0x1b: {  	_ =	swait.ge [sflag:s21], $0x4000  }
0x1c: {  	[sflag:s21] =	ssyncset.done $0x0  }
0x1d: {  	[sflag:s21] =	ssyncadd.s32 $0xFFFFC000  }
0x1e: {  	[spmem:s8] =	stream.linear.scatter [tilespmem:s20], [sflag:$0x3], $0x4000, $0x38;
	[tilespmem:$0x1C200] =	vst v63  }
0x1f: {  	_ =	swait.ge [sflag:s21], $0x4000  }
0x20: {  	[sflag:s21] =	ssyncset.done $0x0  }
0x21: {  	[sflag:s21] =	ssyncadd.s32 $0xFFFFC000  }
0x22: {  	[spmem:s9] =	stream.linear.scatter [tilespmem:s20], [sflag:$0x3], $0x4000, $0x38;
	[tilespmem:$0x1C200] =	vst v63  }
0x23: {  	_ =	swait.ge [sflag:s21], $0x4000  }
0x24: {  	[sflag:s21] =	ssyncset.done $0x0  }
0x25: {  	[sflag:s21] =	ssyncadd.s32 $0xFFFFC000  }
0x26: {  	[spmem:s10] =	stream.linear.scatter [tilespmem:s20], [sflag:$0x3], $0x4000, $0x38;
	[tilespmem:$0x1C200] =	vst v63  }
0x27: {  	_ =	swait.ge [sflag:s21], $0x4000  }
0x28: {  	[sflag:s21] =	ssyncset.done $0x0  }
0x29: {  	[sflag:s21] =	ssyncadd.s32 $0xFFFFC000  }
0x2a: {  	[spmem:s11] =	stream.linear.scatter [tilespmem:s20], [sflag:$0x3], $0x4000, $0x38;
	[tilespmem:$0x1C200] =	vst v63  }
0x2b: {  	_ =	swait.ge [sflag:s21], $0x4000  }
0x2c: {  	[sflag:s21] =	ssyncset.done $0x0  }
0x2d: {  	[sflag:s21] =	ssyncadd.s32 $0xFFFFC000  }
0x2e: {  	[bflag:$0x0] =	sbarrier.arrive $0xFFFF  }
0x2f: {  	s19 =	rddreg [dreg:$0x5]  }
0x30: {  	[tilespmem:s3], [sflag:$0x3] =	stream.linear.gather [hbm4b:s19+s3], $0x100, $0x38;
	[tilespmem:$0x1C200] =	vst v63  }
0x31: {  	_ =	swait.ge [sflag:s21], $0x100  }
0x32: {  	[sflag:s21] =	ssyncset.done $0x0  }
0x33: {  	[sflag:s21] =	ssyncadd.s32 $0xFFFFFF00  }
0x34: {  	[tilespmem:s20], [sflag:$0x1] =	stream.indirect.gather [hbm4b:s4+s22], $0x80, s3, s22, $0xb8;
	[tilespmem:$0x1C200] =	vst v63  }
0x35: {  	_ = 	snop  }
0x36: {  	[tilespmem:s23], [sflag:$0x4] =	stream.linear.gather [hbm4b:s1+s3], $0x100, $0x38;
	[tilespmem:$0x1C200] =	vst v63  }
0x37: {  	_ =	swait.ge [sflag:s24], $0x100  }
0x38: {  	[sflag:s24] =	ssyncset.done $0x0  }
0x39: {  	[sflag:s24] =	ssyncadd.s32 $0xFFFFFF00  }
0x3a: {  	[tilespmem:s25], [sflag:$0x2] =	stream.indirect.gather [hbm4b:s4+s22], $0x80, s23, s22, $0xb8;
	[tilespmem:$0x1C200] =	vst v63  }
0x3b: {  	_ =	swait.ge [sflag:s26], $0x4000  }
0x3c: {  	[sflag:s26] =	ssyncset.done $0x0  }
0x3d: {  	s19 =	sadd.s32 $0x40, s7;
	[sflag:s26] =	ssyncadd.s32 $0xFFFFC000  }
0x3e: {  	[spmem:s2] =	stream.indirect.scatter.add.f32 [tilespmem:s20], [sflag:$0x4], $0x80, s22, s22, $0xb8;
	[tilespmem:$0x1C200] =	vst v63  }
0x3f: {  	p1 =	sgt.u32 s19, $0x9C3;
	_ =	swait.ge [sflag:s24], $0x4000  }
0x40: {  	s19 =	sadd.s32 @!p1 $0x400, s1;
	[sflag:s24] =	ssyncset.done $0x0  }
0x41: {  	s31 =	simm.s32 @!p1 $0x0;
	s0 =	simm.s32 @!p1 $0x4;
	[sflag:s24] =	ssyncadd.s32 $0xFFFFC000  }
0x42: {  	[tilespmem:s31], [sflag:$0x4] =	stream.linear.gather @!p1 [hbm4b:s19+s31], $0x100, $0x38;
	[tilespmem:$0x1C200] =	vst v63  }
0x43: {  	_ =	swait.ge @!p1 [sflag:s0], $0x100  }
0x44: {  	[sflag:s0] =	ssyncset.done @!p1 $0x0  }
0x45: {  	s5 =	simm.s32 @!p1 $0x200;
	s19 =	simm.s32 @!p1 $0x80;
	[sflag:s0] =	ssyncadd.s32 @!p1 $0xFFFFFF00  }
0x46: {  	[tilespmem:s5], [sflag:$0x1] =	stream.indirect.gather @!p1 [hbm4b:s4+s19], $0x80, s31, s19, $0xb8;
	[tilespmem:$0x1C200] =	vst v63  }
0x47: {  	_ =	swait.ge [sflag:s28], $0x4000  }
0x48: {  	[sflag:s28] =	ssyncset.done $0x0  }
0x49: {  	[sflag:s28] =	ssyncadd.s32 $0xFFFFC000  }
0x4a: {  	[spmem:s2] =	stream.indirect.scatter.add.f32 [tilespmem:s25], [sflag:$0x3], $0x80, s29, s22, $0xb8;
	[tilespmem:$0x1C200] =	vst v63  }
0x4b: {  	s31 =	simm.s32 $0x80;
	s19 =	smov.u32 s1;
	_ =	swait.ge [sflag:s21], $0x4000  }
.LBB2_2:
0x4c: {  	[sflag:s21] =	ssyncset.done $0x0  }
0x4d: {  	s19 =	sadd.s32 $0x800, s19;
	s0 =	smov.u32 s31;
	s31 =	sadd.s32 $0x40, s31  }
0x4e: {  	p1 =	sne.s32 s31, $0xA00;
	[sflag:s21] =	ssyncadd.s32 $0xFFFFC000  }
0x4f: {  	[tilespmem:s23], [sflag:$0x4] =	stream.linear.gather [hbm4b:s19+s3], $0x100, $0x38;
	[tilespmem:$0x1C200] =	vst v63  }
0x50: {  	_ =	swait.ge [sflag:s24], $0x100  }
0x51: {  	[sflag:s24] =	ssyncset.done $0x0  }
0x52: {  	[sflag:s24] =	ssyncadd.s32 $0xFFFFFF00  }
0x53: {  	[tilespmem:s25], [sflag:$0x2] =	stream.indirect.gather [hbm4b:s4+s22], $0x80, s23, s22, $0xb8;
	[tilespmem:$0x1C200] =	vst v63  }
0x54: {  	_ =	swait.ge [sflag:s26], $0x4000  }
0x55: {  	[sflag:s26] =	ssyncset.done $0x0  }
0x56: {  	s0 =	sadd.s32 s0, s7;
	[sflag:s26] =	ssyncadd.s32 $0xFFFFC000  }
0x57: {  	[spmem:s2] =	stream.indirect.scatter.add.f32 [tilespmem:s20], [sflag:$0x4], $0x80, s22, s22, $0xb8;
	[tilespmem:$0x1C200] =	vst v63  }
0x58: {  	p2 =	sgt.u32 s0, $0x9C3;
	_ =	swait.ge [sflag:s24], $0x4000  }
0x59: {  	s0 =	sadd.s32 @!p2 $0x400, s19;
	s5 =	simm.s32 @!p2 $0x0;
	[sflag:s24] =	ssyncset.done $0x0  }
0x5a: {  	s12 =	simm.s32 @!p2 $0x4;
	[sflag:s24] =	ssyncadd.s32 $0xFFFFC000  }
0x5b: {  	[tilespmem:s5], [sflag:$0x4] =	stream.linear.gather @!p2 [hbm4b:s0+s5], $0x100, $0x38;
	[tilespmem:$0x1C200] =	vst v63  }
0x5c: {  	_ =	swait.ge @!p2 [sflag:s12], $0x100  }
0x5d: {  	s13 =	simm.s32 @!p2 $0x200;
	s0 =	simm.s32 @!p2 $0x80;
	[sflag:s12] =	ssyncset.done @!p2 $0x0  }
0x5e: {  	[sflag:s12] =	ssyncadd.s32 @!p2 $0xFFFFFF00  }
0x5f: {  	[tilespmem:s13], [sflag:$0x1] =	stream.indirect.gather @!p2 [hbm4b:s4+s0], $0x80, s5, s0, $0xb8;
	[tilespmem:$0x1C200] =	vst v63  }
.Ltmp0:
0x60: {  	_ =	swait.ge [sflag:s28], $0x4000;
	(pc) =	sbr.rel @p1 .LBB2_2-.Ltmp0, $4  }
0x61: {  	[sflag:s28] =	ssyncset.done $0x0  }
0x62: {  	[sflag:s28] =	ssyncadd.s32 $0xFFFFC000  }
0x63: {  	[spmem:s2] =	stream.indirect.scatter.add.f32 [tilespmem:s25], [sflag:$0x3], $0x80, s29, s22, $0xb8;
	[tilespmem:$0x1C200] =	vst v63  }
0x64: {  	_ =	swait.ge [sflag:s21], $0x4000  }
0x65: {  	[sflag:s21] =	ssyncset.done $0x0  }
0x66: {  	s0 =	simm.s32 @!p0 $0x1;
	[sflag:s21] =	ssyncadd.s32 $0xFFFFC000  }
0x67: {  	_ =	swait.ge @!p0 [sflag:s0], $0x4000  }
0x68: {  	[sflag:s0] =	ssyncset.done @!p0 $0x0  }
0x69: {  	s5 =	simm.s32 @!p0 $0x200;
	[sflag:s0] =	ssyncadd.s32 @!p0 $0xFFFFC000;
	s0 =	simm.s32 @!p0 $0x80  }
0x6a: {  	[spmem:s2] =	stream.indirect.scatter.add.f32 @!p0 [tilespmem:s5], [sflag:$0x4], $0x80, s0, s0, $0xb8;
	[tilespmem:$0x1C200] =	vst v63  }
0x6b: {  	s0 =	simm.s32 @!p0 $0x4  }
0x6c: {  	_ =	swait.ge @!p0 [sflag:s0], $0x4000  }
0x6d: {  	[sflag:s0] =	ssyncset.done @!p0 $0x0  }
0x6e: {  	[sflag:s0] =	ssyncadd.s32 @!p0 $0xFFFFC000  }
0x6f: {  	[bflag:$0x0] =	sbarrier.arrive $0xFFFF  }
0x70: {  	[tilespmem:s20], [sflag:$0x3] =	stream.linear.gather [spmem:s6], $0x4000, $0x38;
	[tilespmem:$0x1C200] =	vst v63  }
0x71: {  	_ =	swait.ge [sflag:s21], $0x4000  }
0x72: {  	[sflag:s21] =	ssyncset.done $0x0  }
0x73: {  	s31 =	rddreg [dreg:$0x6];
	[sflag:s21] =	ssyncadd.s32 $0xFFFFC000  }
0x74: {  	[hbm4b:s31+s3] =	stream.linear.scatter [tilespmem:s20], [sflag:$0x3], $0x4000, $0x38;
	[tilespmem:$0x1C200] =	vst v63  }
0x75: {  	_ =	swait.ge [sflag:s21], $0x4000  }
0x76: {  	[sflag:s21] =	ssyncset.done $0x0  }
0x77: {  	[sflag:s21] =	ssyncadd.s32 $0xFFFFC000  }
0x78: {  	[tilespmem:s20], [sflag:$0x3] =	stream.linear.gather [spmem:s8], $0x4000, $0x38;
	[tilespmem:$0x1C200] =	vst v63  }
0x79: {  	_ =	swait.ge [sflag:s21], $0x4000  }
0x7a: {  	[sflag:s21] =	ssyncset.done $0x0  }
0x7b: {  	[sflag:s21] =	ssyncadd.s32 $0xFFFFC000  }
0x7c: {  	[hbm4b:s14+s3] =	stream.linear.scatter [tilespmem:s20], [sflag:$0x3], $0x4000, $0x38;
	[tilespmem:$0x1C200] =	vst v63  }
0x7d: {  	_ =	swait.ge [sflag:s21], $0x4000  }
0x7e: {  	[sflag:s21] =	ssyncset.done $0x0  }
0x7f: {  	[sflag:s21] =	ssyncadd.s32 $0xFFFFC000  }
0x80: {  	[tilespmem:s20], [sflag:$0x3] =	stream.linear.gather [spmem:s9], $0x4000, $0x38;
	[tilespmem:$0x1C200] =	vst v63  }
0x81: {  	_ =	swait.ge [sflag:s21], $0x4000  }
0x82: {  	[sflag:s21] =	ssyncset.done $0x0  }
0x83: {  	[sflag:s21] =	ssyncadd.s32 $0xFFFFC000  }
0x84: {  	[hbm4b:s15+s3] =	stream.linear.scatter [tilespmem:s20], [sflag:$0x3], $0x4000, $0x38;
	[tilespmem:$0x1C200] =	vst v63  }
0x85: {  	_ =	swait.ge [sflag:s21], $0x4000  }
0x86: {  	[sflag:s21] =	ssyncset.done $0x0  }
0x87: {  	[sflag:s21] =	ssyncadd.s32 $0xFFFFC000  }
0x88: {  	[tilespmem:s20], [sflag:$0x3] =	stream.linear.gather [spmem:s10], $0x4000, $0x38;
	[tilespmem:$0x1C200] =	vst v63  }
0x89: {  	_ =	swait.ge [sflag:s21], $0x4000  }
0x8a: {  	[sflag:s21] =	ssyncset.done $0x0  }
0x8b: {  	[sflag:s21] =	ssyncadd.s32 $0xFFFFC000  }
0x8c: {  	[hbm4b:s16+s3] =	stream.linear.scatter [tilespmem:s20], [sflag:$0x3], $0x4000, $0x38;
	[tilespmem:$0x1C200] =	vst v63  }
0x8d: {  	_ =	swait.ge [sflag:s21], $0x4000  }
0x8e: {  	[sflag:s21] =	ssyncset.done $0x0  }
0x8f: {  	[sflag:s21] =	ssyncadd.s32 $0xFFFFC000  }
0x90: {  	[tilespmem:s20], [sflag:$0x3] =	stream.linear.gather [spmem:s11], $0x4000, $0x38;
	[tilespmem:$0x1C200] =	vst v63  }
0x91: {  	s30 =	sadd.s32 $0x1, s30;
	_ =	swait.ge [sflag:s21], $0x4000  }
0x92: {  	p1 =	sne.s32 s30, s18;
	[sflag:s21] =	ssyncset.done $0x0  }
.Ltmp1:
0x93: {  	[sflag:s21] =	ssyncadd.s32 $0xFFFFC000;
	(pc) =	sbr.rel @p1 .LBB2_1-.Ltmp1, $4  }
0x94: {  	[hbm4b:s17+s3] =	stream.linear.scatter [tilespmem:s20], [sflag:$0x3], $0x4000, $0x38;
	[tilespmem:$0x1C200] =	vst v63  }
0x95: {  	_ =	swait.ge [sflag:s21], $0x4000  }
0x96: {  	[sflag:s21] =	ssyncset.done $0x0  }
0x97: {  	[sflag:s21] =	ssyncadd.s32 $0xFFFFC000  }
0x98: {  	_ =	sfence.sel $0x180000  }
0x99: {  	[bflag:$0x0] =	sbarrier.arrive $0xFFFF  }
0x9a: {  	_ =	strace $0x90000050  }
0x9b: {  	s0 =	stileid.u32;
	[bflag:$0x2] =	sbarrier.arrive $0xFFFF  }
0x9c: {  	p0 =	sne.s32 s0, $0x0;
	s0 =	rddreg [dreg:$0x3]  }
0x9d: {  	s0 =	sadd.s32 @!p0 $0x100000, s0  }
0x9e: {  	[sflag:s0] =	ssyncadd.tile.s32 @!p0 $0x1;
	_ =	shalt  }
.Lfunc_end2:
_tile_overlayer_lowered:
.L_overlay_start_2:
0x9f: {  	(tag) =	ssettag $0x2  }
0xa0: {  	s0 =	rddreg [dreg:$0x0];
	s2 =	stileid.u32  }
0xa1: {  	s1 =	rddreg [dreg:$0x1];
	p0 =	sne.s32 s2, $0x0  }
0xa2: {  	s3 =	rddreg [dreg:$0x2];
	[bflag:$0x3] =	sbarrier.arrive $0xFFFF;
	s2 =	simm.s32 @!p0 $0x1C03  }
0xa3: {  	[timem:s3], [sflag:s2] =	dma.local @!p0 [hbm:s0], s1  }
0xa4: {  	s0 =	simm.s32 @!p0 $0x3  }
0xa5: {  	_ =	swait.ge @!p0 [sflag:s0], s1  }
0xa6: {  	s1 =	ssub.s32 @!p0 $0x0, s1;
	[sflag:s0] =	ssyncset.done @!p0 $0x0  }
0xa7: {  	[sflag:s0] =	ssyncadd.s32 @!p0 s1  }
0xa8: {  	[bflag:$0x3] =	sbarrier.arrive $0xFFFF  }
0xa9: {  	_ =	shalt  }

</sc_bundles>
